<compile_context>
chip_gen: v7x
topology: tpu7x:2x2x1
jax: 0.10.2.dev20260603
libtpu: 0.0.44.dev20260713+nightly
codegen_flags: <defaults>
</compile_context>

<pallas_src>
import functools

import jax
import jax.numpy as jnp
from jax import lax
from jax.experimental import pallas as pl
from jax.experimental.pallas import tpu as pltpu
from jax.experimental.pallas import tpu_sc as plsc

NUM_ROWS = 100001
E = 1024
B = 16384
L = 16

NC = 2
NS = 16
NW = NC * NS
RPW = B // NW
FPW = 2 * RPW
CH = 8
NBUF = 8
NCHUNK = FPW // CH
BR_PER_CH = CH // 2
G = 8
NJ = E // L
JU = 1


def _sc_body(idx_hbm, table_hbm, wmu_hbm, wls_hbm, weps_hbm, bp_hbm,
             out_hbm,
             idx_v, rows_v, w_v, t0_v, t1_v, t2_v, bp_v, red_v, out_v,
             *sems):
    wid = lax.axis_index("s") * NC + lax.axis_index("c")

    pltpu.sync_copy(idx_hbm.at[pl.ds(wid * FPW, FPW)], idx_v)

    pltpu.sync_copy(wmu_hbm, t0_v)
    pltpu.sync_copy(wls_hbm, t1_v)
    pltpu.sync_copy(weps_hbm, t2_v)

    def w_body(j, _):
        o = j * L
        for r in range(2):
            w_v[r, pl.ds(o, L)] = (
                t0_v[r, pl.ds(o, L)]
                + jnp.exp(t1_v[r, pl.ds(o, L)]) * t2_v[r, pl.ds(o, L)])
        return 0

    lax.fori_loop(0, 2 * E // L, w_body, 0)

    pltpu.sync_copy(bp_hbm, bp_v)
    b_vec = bp_v[0, :] + jnp.exp(bp_v[1, :]) * bp_v[2, :]

    lane = jax.lax.iota(jnp.int32, L)
    col_base = lane * L

    def gather(chunk_i, buf):
        return pltpu.make_async_copy(
            table_hbm.at[idx_v.at[pl.ds(chunk_i * CH, CH)]],
            rows_v.at[buf], sems[buf])

    for b in range(NBUF):
        gather(b, b).start()

    def compute_pair(chunk_i, bufbase):
        zero = jnp.zeros((L,), jnp.float32)
        accs = tuple(zero for _ in range(2 * G))

        @plsc.parallel_loop(0, NJ, unroll=JU, carry=accs)
        def j_loop(j, accs):
            o = j * L
            w0a = w_v[0, pl.ds(o, L)]
            w1a = w_v[1, pl.ds(o, L)]
            w0b = w_v[0, pl.ds(E + o, L)]
            w1b = w_v[1, pl.ds(E + o, L)]
            new = []
            for g in range(G):
                fr0 = 2 * g
                fr1 = 2 * g + 1
                r0 = rows_v[bufbase + fr0 // CH, fr0 % CH, pl.ds(o, L)]
                r1 = rows_v[bufbase + fr1 // CH, fr1 % CH, pl.ds(o, L)]
                new.append(accs[2 * g] + r0 * w0a + r1 * w0b)
                new.append(accs[2 * g + 1] + r0 * w1a + r1 * w1b)
            return tuple(new)

        accs = j_loop
        for k in range(2 * G):
            red_v[pl.ds(L * k, L)] = accs[k]
        tot = b_vec
        for l in range(L):
            tot = tot + plsc.load_gather(red_v, [col_base + l])
        out_v[pl.ds(CH * chunk_i, L)] = tot

    def c_body(c, _):
        for bufbase in range(0, NBUF, 2):
            chunk_i = NBUF * c + bufbase
            gather(chunk_i, bufbase).wait()
            gather(chunk_i + 1, bufbase + 1).wait()
            compute_pair(chunk_i, bufbase)
            gather(chunk_i + NBUF, bufbase).start()
            gather(chunk_i + 1 + NBUF, bufbase + 1).start()
        return 0

    lax.fori_loop(0, NCHUNK // NBUF - 1, c_body, 0)
    for bufbase in range(0, NBUF, 2):
        chunk_i = NCHUNK - NBUF + bufbase
        gather(chunk_i, bufbase).wait()
        gather(chunk_i + 1, bufbase + 1).wait()
        compute_pair(chunk_i, bufbase)

    pltpu.sync_copy(out_v, out_hbm.at[pl.ds(wid * 2 * RPW, 2 * RPW)])


@jax.jit
def _sc_call(idx2d, table, wmu, wls, weps, bpack):
    mesh = plsc.VectorSubcoreMesh(core_axis_name="c", subcore_axis_name="s")
    f = functools.partial(
        pl.kernel,
        mesh=mesh,
        compiler_params=pltpu.CompilerParams(
            needs_layout_passes=False,
            disable_bounds_checks=True,
            disable_semaphore_checks=True,
            skip_device_barrier=True,
        ),
        out_type=jax.ShapeDtypeStruct((2 * B,), jnp.float32),
        scratch_types=[
            pltpu.VMEM((FPW,), jnp.int32),
            pltpu.VMEM((NBUF, CH, E), jnp.float32),
            pltpu.VMEM((2, 2 * E), jnp.float32),
            pltpu.VMEM((2, 2 * E), jnp.float32),
            pltpu.VMEM((2, 2 * E), jnp.float32),
            pltpu.VMEM((2, 2 * E), jnp.float32),
            pltpu.VMEM((3, L), jnp.float32),
            pltpu.VMEM((2 * G * L,), jnp.float32),
            pltpu.VMEM((2 * RPW,), jnp.float32),
        ] + [pltpu.SemaphoreType.DMA] * NBUF,
    )(_sc_body)
    return f(idx2d, table, wmu, wls, weps, bpack)


def kernel(x, table, weight_mu, weight_log_sigma, bias_mu, bias_log_sigma,
           eps_w, eps_b):
    idx2d = x.astype(jnp.int32).reshape(2 * B)
    bpack = jnp.stack([
        jnp.tile(bias_mu, L // 2),
        jnp.tile(bias_log_sigma, L // 2),
        jnp.tile(eps_b, L // 2),
    ]).astype(jnp.float32)
    out = _sc_call(idx2d, table, weight_mu, weight_log_sigma, eps_w, bpack)
    return out.reshape(B, 2)

# --- scband reference (transcript-rebuilt; emitter-appended) ---
"""Pipeline reference for scband-bet-bot-39668317946413 (READ-ONLY COPY).

The authoritative reference and input builder live on the scoring server;
editing this copy changes nothing except your own understanding.
"""

import jax, jax.numpy as jnp
import numpy as np

NUM_CHARACTERS = 100000
E_DIM = 1024
BATCH = 16384

def setup_inputs(seed: int = 0) -> dict:
    key = jax.random.key(seed)
    k1, k2, k3, k4, k5, k6, k7, k8 = jax.random.split(key, 8)
    x = jax.random.randint(k1, (BATCH, 2), 0, NUM_CHARACTERS + 1, dtype=jnp.int64)
    table = jax.random.normal(k2, (NUM_CHARACTERS + 1, E_DIM), dtype=jnp.float32)
    # BayesLinear(in_features=2048, out_features=2, prior_mu=0, prior_sigma=0.1)
    weight_mu = jax.random.normal(k3, (2, E_DIM * 2), dtype=jnp.float32) * 0.02
    weight_log_sigma = jnp.full((2, E_DIM * 2), -5.0, dtype=jnp.float32) + 0.01 * jax.random.normal(k4, (2, E_DIM * 2), dtype=jnp.float32)
    bias_mu = jax.random.normal(k5, (2,), dtype=jnp.float32) * 0.02
    bias_log_sigma = jnp.full((2,), -5.0, dtype=jnp.float32) + 0.01 * jax.random.normal(k6, (2,), dtype=jnp.float32)
    eps_w = jax.random.normal(k7, (2, E_DIM * 2), dtype=jnp.float32)
    eps_b = jax.random.normal(k8, (2,), dtype=jnp.float32)
    return {"x": x, "table": table, "weight_mu": weight_mu, "weight_log_sigma": weight_log_sigma, "bias_mu": bias_mu, "bias_log_sigma": bias_log_sigma, "eps_w": eps_w, "eps_b": eps_b}

def reference(x, table, weight_mu, weight_log_sigma, bias_mu, bias_log_sigma, eps_w, eps_b):
    # Embedding lookup: [B, 2] -> [B, 2, E_DIM]
    emb = jnp.take(table, x, axis=0)
    # Flatten: [B, 2*E_DIM]
    flat = emb.reshape(emb.shape[0], -1)
    # BayesLinear reparameterization: weight = mu + exp(log_sigma) * eps
    w = weight_mu + jnp.exp(weight_log_sigma) * eps_w
    b = bias_mu + jnp.exp(bias_log_sigma) * eps_b
    return flat @ w.T + b

if __name__ == "__main__":
    import jax
    _d = setup_inputs()
    print(jax.jit(kernel)(*tuple(_d.values())))

</pallas_src>

<mosaic_0001>
#map = affine_map<(d0, d1) -> (0)>
#map1 = affine_map<(d0, d1) -> (0, 0)>
module attributes {stable_mosaic.version = 14 : i64} {
  func.func @_sc_body(%arg0: i32, %arg1: i32, %arg2: memref<32768xi32, #tpu.memory_space<hbm>>, %arg3: memref<100001x1024xf32, #tpu.memory_space<hbm>>, %arg4: memref<2x2048xf32, #tpu.memory_space<hbm>>, %arg5: memref<2x2048xf32, #tpu.memory_space<hbm>>, %arg6: memref<2x2048xf32, #tpu.memory_space<hbm>>, %arg7: memref<3x16xf32, #tpu.memory_space<hbm>>, %arg8: memref<32768xf32, #tpu.memory_space<hbm>>, %arg9: memref<1024xi32, #tpu.memory_space<vmem>>, %arg10: memref<8x8x1024xf32, #tpu.memory_space<vmem>>, %arg11: memref<2x2048xf32, #tpu.memory_space<vmem>>, %arg12: memref<2x2048xf32, #tpu.memory_space<vmem>>, %arg13: memref<2x2048xf32, #tpu.memory_space<vmem>>, %arg14: memref<2x2048xf32, #tpu.memory_space<vmem>>, %arg15: memref<3x16xf32, #tpu.memory_space<vmem>>, %arg16: memref<256xf32, #tpu.memory_space<vmem>>, %arg17: memref<1024xf32, #tpu.memory_space<vmem>>, %arg18: memref<!tpu.dma_semaphore, #tpu.memory_space<semaphore_mem>>, %arg19: memref<!tpu.dma_semaphore, #tpu.memory_space<semaphore_mem>>, %arg20: memref<!tpu.dma_semaphore, #tpu.memory_space<semaphore_mem>>, %arg21: memref<!tpu.dma_semaphore, #tpu.memory_space<semaphore_mem>>, %arg22: memref<!tpu.dma_semaphore, #tpu.memory_space<semaphore_mem>>, %arg23: memref<!tpu.dma_semaphore, #tpu.memory_space<semaphore_mem>>, %arg24: memref<!tpu.dma_semaphore, #tpu.memory_space<semaphore_mem>>, %arg25: memref<!tpu.dma_semaphore, #tpu.memory_space<semaphore_mem>>) attributes {dimension_semantics = [#tpu.dimension_semantics<core_parallel>, #tpu.dimension_semantics<subcore_parallel>], iteration_bounds = array<i64: 2, 16>, scalar_prefetch = 0 : i64, scratch_operands = 17 : i64, tpu.core_type = #tpu.core_type<sc_vector_subcore>, window_params = [{transform_indices = #map}, {transform_indices = #map1}, {transform_indices = #map1}, {transform_indices = #map1}, {transform_indices = #map1}, {transform_indices = #map1}, {transform_indices = #map}]} {
    %mul3A = arith.constant 2 : i32
    %mul3A_0 = arith.muli %arg1, %mul3A : i32
    %add3A = arith.addi %mul3A_0, %arg0 : i32
    %mul3A_1 = arith.constant 1024 : i32
    %mul3A_2 = arith.muli %add3A, %mul3A_1 : i32
    "tpu.region"() ({
      %run_scoped3A = tpu.sem_alloc : memref<!tpu.dma_semaphore, #tpu.memory_space<semaphore_mem>>
      %dma_start3A_670 = tpu.memref_slice %arg2[%mul3A_2] : memref<32768xi32, #tpu.memory_space<hbm>> -> memref<1024xi32, #tpu.memory_space<hbm>>
      %dma_start3A_671 = tpu.memref_slice %arg2[%mul3A_2] : memref<32768xi32, #tpu.memory_space<hbm>> -> memref<1024xi32, #tpu.memory_space<hbm>>
      tpu.enqueue_dma source(%dma_start3A_671 : memref<1024xi32, #tpu.memory_space<hbm>>) target(%arg9 : memref<1024xi32, #tpu.memory_space<vmem>>) target_semaphore(%run_scoped3A : memref<!tpu.dma_semaphore, #tpu.memory_space<semaphore_mem>>)
      %dma_wait3A_672 = tpu.memref_slice %arg2[%mul3A_2] : memref<32768xi32, #tpu.memory_space<hbm>> -> memref<1024xi32, #tpu.memory_space<hbm>>
      %dma_wait3A_673 = tpu.memref_slice %arg2[%mul3A_2] : memref<32768xi32, #tpu.memory_space<hbm>> -> memref<1024xi32, #tpu.memory_space<hbm>>
      tpu.wait_dma2 semaphore(%run_scoped3A : memref<!tpu.dma_semaphore, #tpu.memory_space<semaphore_mem>>) src(%dma_wait3A_673 : memref<1024xi32, #tpu.memory_space<hbm>>) dst(%arg9 : memref<1024xi32, #tpu.memory_space<vmem>>)
      tpu.yield
    }) : () -> ()
    "tpu.region"() ({
      %run_scoped3A = tpu.sem_alloc : memref<!tpu.dma_semaphore, #tpu.memory_space<semaphore_mem>>
      tpu.enqueue_dma source(%arg4 : memref<2x2048xf32, #tpu.memory_space<hbm>>) target(%arg12 : memref<2x2048xf32, #tpu.memory_space<vmem>>) target_semaphore(%run_scoped3A : memref<!tpu.dma_semaphore, #tpu.memory_space<semaphore_mem>>)
      tpu.wait_dma2 semaphore(%run_scoped3A : memref<!tpu.dma_semaphore, #tpu.memory_space<semaphore_mem>>) src(%arg4 : memref<2x2048xf32, #tpu.memory_space<hbm>>) dst(%arg12 : memref<2x2048xf32, #tpu.memory_space<vmem>>)
      tpu.yield
    }) : () -> ()
    "tpu.region"() ({
      %run_scoped3A = tpu.sem_alloc : memref<!tpu.dma_semaphore, #tpu.memory_space<semaphore_mem>>
      tpu.enqueue_dma source(%arg5 : memref<2x2048xf32, #tpu.memory_space<hbm>>) target(%arg13 : memref<2x2048xf32, #tpu.memory_space<vmem>>) target_semaphore(%run_scoped3A : memref<!tpu.dma_semaphore, #tpu.memory_space<semaphore_mem>>)
      tpu.wait_dma2 semaphore(%run_scoped3A : memref<!tpu.dma_semaphore, #tpu.memory_space<semaphore_mem>>) src(%arg5 : memref<2x2048xf32, #tpu.memory_space<hbm>>) dst(%arg13 : memref<2x2048xf32, #tpu.memory_space<vmem>>)
      tpu.yield
    }) : () -> ()
    "tpu.region"() ({
      %run_scoped3A = tpu.sem_alloc : memref<!tpu.dma_semaphore, #tpu.memory_space<semaphore_mem>>
      tpu.enqueue_dma source(%arg6 : memref<2x2048xf32, #tpu.memory_space<hbm>>) target(%arg14 : memref<2x2048xf32, #tpu.memory_space<vmem>>) target_semaphore(%run_scoped3A : memref<!tpu.dma_semaphore, #tpu.memory_space<semaphore_mem>>)
      tpu.wait_dma2 semaphore(%run_scoped3A : memref<!tpu.dma_semaphore, #tpu.memory_space<semaphore_mem>>) src(%arg6 : memref<2x2048xf32, #tpu.memory_space<hbm>>) dst(%arg14 : memref<2x2048xf32, #tpu.memory_space<vmem>>)
      tpu.yield
    }) : () -> ()
    %scan3A = arith.constant 0 : i32
    %scan3A_3 = arith.constant 0 : i32
    %scan3A_4 = arith.constant 128 : i32
    %scan3A_5 = arith.addi %scan3A_3, %scan3A_4 : i32
    %scan3A_6 = arith.constant 1 : i32
    %scan3A_7 = scf.for %scan3A_670 = %scan3A_3 to %scan3A_5 step %scan3A_6 iter_args(%scan3A_671 = %scan3A) -> (i32)  : i32 {
      %mul3A_672 = arith.constant 16 : i32
      %mul3A_673 = arith.muli %scan3A_670, %mul3A_672 : i32
      %get3A_674 = arith.constant 0 : i32
      %get3A_675 = arith.index_cast %get3A_674 : i32 to index
      %get3A_676 = arith.index_cast %mul3A_673 : i32 to index
      %get3A_677 = tpu.vector_load %arg12[%get3A_675, %get3A_676] {strides = array<i32>} : memref<2x2048xf32, #tpu.memory_space<vmem>>, vector<16xf32>,
      %get3A_678 = arith.constant 0 : i32
      %get3A_679 = arith.index_cast %get3A_678 : i32 to index
      %get3A_680 = arith.index_cast %mul3A_673 : i32 to index
      %get3A_681 = tpu.vector_load %arg13[%get3A_679, %get3A_680] {strides = array<i32>} : memref<2x2048xf32, #tpu.memory_space<vmem>>, vector<16xf32>,
      %exp3A_682 = math.exp %get3A_681 : vector<16xf32>
      %get3A_683 = arith.constant 0 : i32
      %get3A_684 = arith.index_cast %get3A_683 : i32 to index
      %get3A_685 = arith.index_cast %mul3A_673 : i32 to index
      %get3A_686 = tpu.vector_load %arg14[%get3A_684, %get3A_685] {strides = array<i32>} : memref<2x2048xf32, #tpu.memory_space<vmem>>, vector<16xf32>,
      %mul3A_687 = arith.mulf %exp3A_682, %get3A_686 : vector<16xf32>
      %add3A_688 = arith.addf %get3A_677, %mul3A_687 : vector<16xf32>
      %swap3A_689 = arith.constant 0 : i32
      %swap3A_690 = arith.index_cast %swap3A_689 : i32 to index
      %swap3A_691 = arith.index_cast %mul3A_673 : i32 to index
      %swap3A_692 = tpu.vector_load %arg11[%swap3A_690, %swap3A_691] {strides = array<i32>} : memref<2x2048xf32, #tpu.memory_space<vmem>>, vector<16xf32>,
      tpu.vector_store %arg11[%swap3A_690, %swap3A_691], %add3A_688 {strides = array<i32>} : memref<2x2048xf32, #tpu.memory_space<vmem>>, vector<16xf32>,
      %get3A_693 = arith.constant 1 : i32
      %get3A_694 = arith.index_cast %get3A_693 : i32 to index
      %get3A_695 = arith.index_cast %mul3A_673 : i32 to index
      %get3A_696 = tpu.vector_load %arg12[%get3A_694, %get3A_695] {strides = array<i32>} : memref<2x2048xf32, #tpu.memory_space<vmem>>, vector<16xf32>,
      %get3A_697 = arith.constant 1 : i32
      %get3A_698 = arith.index_cast %get3A_697 : i32 to index
      %get3A_699 = arith.index_cast %mul3A_673 : i32 to index
      %get3A_700 = tpu.vector_load %arg13[%get3A_698, %get3A_699] {strides = array<i32>} : memref<2x2048xf32, #tpu.memory_space<vmem>>, vector<16xf32>,
      %exp3A_701 = math.exp %get3A_700 : vector<16xf32>
      %get3A_702 = arith.constant 1 : i32
      %get3A_703 = arith.index_cast %get3A_702 : i32 to index
      %get3A_704 = arith.index_cast %mul3A_673 : i32 to index
      %get3A_705 = tpu.vector_load %arg14[%get3A_703, %get3A_704] {strides = array<i32>} : memref<2x2048xf32, #tpu.memory_space<vmem>>, vector<16xf32>,
      %mul3A_706 = arith.mulf %exp3A_701, %get3A_705 : vector<16xf32>
      %add3A_707 = arith.addf %get3A_696, %mul3A_706 : vector<16xf32>
      %swap3A_708 = arith.constant 1 : i32
      %swap3A_709 = arith.index_cast %swap3A_708 : i32 to index
      %swap3A_710 = arith.index_cast %mul3A_673 : i32 to index
      %swap3A_711 = tpu.vector_load %arg11[%swap3A_709, %swap3A_710] {strides = array<i32>} : memref<2x2048xf32, #tpu.memory_space<vmem>>, vector<16xf32>,
      tpu.vector_store %arg11[%swap3A_709, %swap3A_710], %add3A_707 {strides = array<i32>} : memref<2x2048xf32, #tpu.memory_space<vmem>>, vector<16xf32>,
      %scan3A_712 = arith.constant 0 : i32
      scf.yield %scan3A_712 : i32
    }
    %scan3A_8 = arith.constant 128 : i32
    "tpu.region"() ({
      %run_scoped3A = tpu.sem_alloc : memref<!tpu.dma_semaphore, #tpu.memory_space<semaphore_mem>>
      tpu.enqueue_dma source(%arg7 : memref<3x16xf32, #tpu.memory_space<hbm>>) target(%arg15 : memref<3x16xf32, #tpu.memory_space<vmem>>) target_semaphore(%run_scoped3A : memref<!tpu.dma_semaphore, #tpu.memory_space<semaphore_mem>>)
      tpu.wait_dma2 semaphore(%run_scoped3A : memref<!tpu.dma_semaphore, #tpu.memory_space<semaphore_mem>>) src(%arg7 : memref<3x16xf32, #tpu.memory_space<hbm>>) dst(%arg15 : memref<3x16xf32, #tpu.memory_space<vmem>>)
      tpu.yield
    }) : () -> ()
    %get3A = arith.constant 0 : i32
    %get3A_9 = arith.index_cast %get3A : i32 to index
    %get3A_10 = arith.constant 0 : index
    %get3A_11 = tpu.vector_load %arg15[%get3A_9, %get3A_10] {strides = array<i32>} : memref<3x16xf32, #tpu.memory_space<vmem>>, vector<16xf32>,
    %get3A_12 = arith.constant 1 : i32
    %get3A_13 = arith.index_cast %get3A_12 : i32 to index
    %get3A_14 = arith.constant 0 : index
    %get3A_15 = tpu.vector_load %arg15[%get3A_13, %get3A_14] {strides = array<i32>} : memref<3x16xf32, #tpu.memory_space<vmem>>, vector<16xf32>,
    %exp3A = math.exp %get3A_15 : vector<16xf32>
    %get3A_16 = arith.constant 2 : i32
    %get3A_17 = arith.index_cast %get3A_16 : i32 to index
    %get3A_18 = arith.constant 0 : index
    %get3A_19 = tpu.vector_load %arg15[%get3A_17, %get3A_18] {strides = array<i32>} : memref<3x16xf32, #tpu.memory_space<vmem>>, vector<16xf32>,
    %mul3A_20 = arith.mulf %exp3A, %get3A_19 : vector<16xf32>
    %add3A_21 = arith.addf %get3A_11, %mul3A_20 : vector<16xf32>
    %iota3A = tpu.iota {dimensions = array<i32: 0>} : vector<16xi32>
    %mul3A_22 = arith.constant 16 : i32
    %mul3A_23 = vector.broadcast %mul3A_22 : i32 to vector<16xi32>
    %mul3A_24 = arith.muli %iota3A, %mul3A_23 : vector<16xi32>
    %dma_start3A = arith.constant 0 : i32
    %dma_start3A_25 = arith.constant 0 : i32
    %dma_start3A_26 = arith.constant 0 : i32
    %dma_start3A_27 = tpu.memref_slice %arg10[%dma_start3A, %dma_start3A_25, %dma_start3A_26] : memref<8x8x1024xf32, #tpu.memory_space<vmem>> -> memref<1x8x1024xf32, #tpu.memory_space<vmem>>
    %dma_start3A_28 = tpu.memref_squeeze %dma_start3A_27 : memref<1x8x1024xf32, #tpu.memory_space<vmem>> -> memref<8x1024xf32, #tpu.memory_space<vmem>>
    %dma_start3A_29 = arith.constant 0 : i32
    %dma_start3A_30 = tpu.memref_slice %arg9[%dma_start3A_29] : memref<1024xi32, #tpu.memory_space<vmem>> -> memref<8xi32, #tpu.memory_space<vmem>>
    %dma_start3A_31 = arith.constant 0 : i32
    %dma_start3A_32 = arith.constant 0 : i32
    %dma_start3A_33 = tpu.memref_slice %arg3[%dma_start3A_31, %dma_start3A_32] : memref<100001x1024xf32, #tpu.memory_space<hbm>> -> memref<100001x1024xf32, #tpu.memory_space<hbm>>
    tpu.enqueue_indirect_dma source(%dma_start3A_33 : memref<100001x1024xf32, #tpu.memory_space<hbm>>) target(%dma_start3A_28 : memref<8x1024xf32, #tpu.memory_space<vmem>>) offsets(%dma_start3A_30 : memref<8xi32, #tpu.memory_space<vmem>>) semaphore(%arg18 : memref<!tpu.dma_semaphore, #tpu.memory_space<semaphore_mem>>)
    %dma_start3A_34 = arith.constant 1 : i32
    %dma_start3A_35 = arith.constant 0 : i32
    %dma_start3A_36 = arith.constant 0 : i32
    %dma_start3A_37 = tpu.memref_slice %arg10[%dma_start3A_34, %dma_start3A_35, %dma_start3A_36] : memref<8x8x1024xf32, #tpu.memory_space<vmem>> -> memref<1x8x1024xf32, #tpu.memory_space<vmem>>
    %dma_start3A_38 = tpu.memref_squeeze %dma_start3A_37 : memref<1x8x1024xf32, #tpu.memory_space<vmem>> -> memref<8x1024xf32, #tpu.memory_space<vmem>>
    %dma_start3A_39 = arith.constant 8 : i32
    %dma_start3A_40 = tpu.memref_slice %arg9[%dma_start3A_39] : memref<1024xi32, #tpu.memory_space<vmem>> -> memref<8xi32, #tpu.memory_space<vmem>>
    %dma_start3A_41 = arith.constant 0 : i32
    %dma_start3A_42 = arith.constant 0 : i32
    %dma_start3A_43 = tpu.memref_slice %arg3[%dma_start3A_41, %dma_start3A_42] : memref<100001x1024xf32, #tpu.memory_space<hbm>> -> memref<100001x1024xf32, #tpu.memory_space<hbm>>
    tpu.enqueue_indirect_dma source(%dma_start3A_43 : memref<100001x1024xf32, #tpu.memory_space<hbm>>) target(%dma_start3A_38 : memref<8x1024xf32, #tpu.memory_space<vmem>>) offsets(%dma_start3A_40 : memref<8xi32, #tpu.memory_space<vmem>>) semaphore(%arg19 : memref<!tpu.dma_semaphore, #tpu.memory_space<semaphore_mem>>)
    %dma_start3A_44 = arith.constant 2 : i32
    %dma_start3A_45 = arith.constant 0 : i32
    %dma_start3A_46 = arith.constant 0 : i32
    %dma_start3A_47 = tpu.memref_slice %arg10[%dma_start3A_44, %dma_start3A_45, %dma_start3A_46] : memref<8x8x1024xf32, #tpu.memory_space<vmem>> -> memref<1x8x1024xf32, #tpu.memory_space<vmem>>
    %dma_start3A_48 = tpu.memref_squeeze %dma_start3A_47 : memref<1x8x1024xf32, #tpu.memory_space<vmem>> -> memref<8x1024xf32, #tpu.memory_space<vmem>>
    %dma_start3A_49 = arith.constant 16 : i32
    %dma_start3A_50 = tpu.memref_slice %arg9[%dma_start3A_49] : memref<1024xi32, #tpu.memory_space<vmem>> -> memref<8xi32, #tpu.memory_space<vmem>>
    %dma_start3A_51 = arith.constant 0 : i32
    %dma_start3A_52 = arith.constant 0 : i32
    %dma_start3A_53 = tpu.memref_slice %arg3[%dma_start3A_51, %dma_start3A_52] : memref<100001x1024xf32, #tpu.memory_space<hbm>> -> memref<100001x1024xf32, #tpu.memory_space<hbm>>
    tpu.enqueue_indirect_dma source(%dma_start3A_53 : memref<100001x1024xf32, #tpu.memory_space<hbm>>) target(%dma_start3A_48 : memref<8x1024xf32, #tpu.memory_space<vmem>>) offsets(%dma_start3A_50 : memref<8xi32, #tpu.memory_space<vmem>>) semaphore(%arg20 : memref<!tpu.dma_semaphore, #tpu.memory_space<semaphore_mem>>)
    %dma_start3A_54 = arith.constant 3 : i32
    %dma_start3A_55 = arith.constant 0 : i32
    %dma_start3A_56 = arith.constant 0 : i32
    %dma_start3A_57 = tpu.memref_slice %arg10[%dma_start3A_54, %dma_start3A_55, %dma_start3A_56] : memref<8x8x1024xf32, #tpu.memory_space<vmem>> -> memref<1x8x1024xf32, #tpu.memory_space<vmem>>
    %dma_start3A_58 = tpu.memref_squeeze %dma_start3A_57 : memref<1x8x1024xf32, #tpu.memory_space<vmem>> -> memref<8x1024xf32, #tpu.memory_space<vmem>>
    %dma_start3A_59 = arith.constant 24 : i32
    %dma_start3A_60 = tpu.memref_slice %arg9[%dma_start3A_59] : memref<1024xi32, #tpu.memory_space<vmem>> -> memref<8xi32, #tpu.memory_space<vmem>>
    %dma_start3A_61 = arith.constant 0 : i32
    %dma_start3A_62 = arith.constant 0 : i32
    %dma_start3A_63 = tpu.memref_slice %arg3[%dma_start3A_61, %dma_start3A_62] : memref<100001x1024xf32, #tpu.memory_space<hbm>> -> memref<100001x1024xf32, #tpu.memory_space<hbm>>
    tpu.enqueue_indirect_dma source(%dma_start3A_63 : memref<100001x1024xf32, #tpu.memory_space<hbm>>) target(%dma_start3A_58 : memref<8x1024xf32, #tpu.memory_space<vmem>>) offsets(%dma_start3A_60 : memref<8xi32, #tpu.memory_space<vmem>>) semaphore(%arg21 : memref<!tpu.dma_semaphore, #tpu.memory_space<semaphore_mem>>)
    %dma_start3A_64 = arith.constant 4 : i32
    %dma_start3A_65 = arith.constant 0 : i32
    %dma_start3A_66 = arith.constant 0 : i32
    %dma_start3A_67 = tpu.memref_slice %arg10[%dma_start3A_64, %dma_start3A_65, %dma_start3A_66] : memref<8x8x1024xf32, #tpu.memory_space<vmem>> -> memref<1x8x1024xf32, #tpu.memory_space<vmem>>
    %dma_start3A_68 = tpu.memref_squeeze %dma_start3A_67 : memref<1x8x1024xf32, #tpu.memory_space<vmem>> -> memref<8x1024xf32, #tpu.memory_space<vmem>>
    %dma_start3A_69 = arith.constant 32 : i32
    %dma_start3A_70 = tpu.memref_slice %arg9[%dma_start3A_69] : memref<1024xi32, #tpu.memory_space<vmem>> -> memref<8xi32, #tpu.memory_space<vmem>>
    %dma_start3A_71 = arith.constant 0 : i32
    %dma_start3A_72 = arith.constant 0 : i32
    %dma_start3A_73 = tpu.memref_slice %arg3[%dma_start3A_71, %dma_start3A_72] : memref<100001x1024xf32, #tpu.memory_space<hbm>> -> memref<100001x1024xf32, #tpu.memory_space<hbm>>
    tpu.enqueue_indirect_dma source(%dma_start3A_73 : memref<100001x1024xf32, #tpu.memory_space<hbm>>) target(%dma_start3A_68 : memref<8x1024xf32, #tpu.memory_space<vmem>>) offsets(%dma_start3A_70 : memref<8xi32, #tpu.memory_space<vmem>>) semaphore(%arg22 : memref<!tpu.dma_semaphore, #tpu.memory_space<semaphore_mem>>)
    %dma_start3A_74 = arith.constant 5 : i32
    %dma_start3A_75 = arith.constant 0 : i32
    %dma_start3A_76 = arith.constant 0 : i32
    %dma_start3A_77 = tpu.memref_slice %arg10[%dma_start3A_74, %dma_start3A_75, %dma_start3A_76] : memref<8x8x1024xf32, #tpu.memory_space<vmem>> -> memref<1x8x1024xf32, #tpu.memory_space<vmem>>
    %dma_start3A_78 = tpu.memref_squeeze %dma_start3A_77 : memref<1x8x1024xf32, #tpu.memory_space<vmem>> -> memref<8x1024xf32, #tpu.memory_space<vmem>>
    %dma_start3A_79 = arith.constant 40 : i32
    %dma_start3A_80 = tpu.memref_slice %arg9[%dma_start3A_79] : memref<1024xi32, #tpu.memory_space<vmem>> -> memref<8xi32, #tpu.memory_space<vmem>>
    %dma_start3A_81 = arith.constant 0 : i32
    %dma_start3A_82 = arith.constant 0 : i32
    %dma_start3A_83 = tpu.memref_slice %arg3[%dma_start3A_81, %dma_start3A_82] : memref<100001x1024xf32, #tpu.memory_space<hbm>> -> memref<100001x1024xf32, #tpu.memory_space<hbm>>
    tpu.enqueue_indirect_dma source(%dma_start3A_83 : memref<100001x1024xf32, #tpu.memory_space<hbm>>) target(%dma_start3A_78 : memref<8x1024xf32, #tpu.memory_space<vmem>>) offsets(%dma_start3A_80 : memref<8xi32, #tpu.memory_space<vmem>>) semaphore(%arg23 : memref<!tpu.dma_semaphore, #tpu.memory_space<semaphore_mem>>)
    %dma_start3A_84 = arith.constant 6 : i32
    %dma_start3A_85 = arith.constant 0 : i32
    %dma_start3A_86 = arith.constant 0 : i32
    %dma_start3A_87 = tpu.memref_slice %arg10[%dma_start3A_84, %dma_start3A_85, %dma_start3A_86] : memref<8x8x1024xf32, #tpu.memory_space<vmem>> -> memref<1x8x1024xf32, #tpu.memory_space<vmem>>
    %dma_start3A_88 = tpu.memref_squeeze %dma_start3A_87 : memref<1x8x1024xf32, #tpu.memory_space<vmem>> -> memref<8x1024xf32, #tpu.memory_space<vmem>>
    %dma_start3A_89 = arith.constant 48 : i32
    %dma_start3A_90 = tpu.memref_slice %arg9[%dma_start3A_89] : memref<1024xi32, #tpu.memory_space<vmem>> -> memref<8xi32, #tpu.memory_space<vmem>>
    %dma_start3A_91 = arith.constant 0 : i32
    %dma_start3A_92 = arith.constant 0 : i32
    %dma_start3A_93 = tpu.memref_slice %arg3[%dma_start3A_91, %dma_start3A_92] : memref<100001x1024xf32, #tpu.memory_space<hbm>> -> memref<100001x1024xf32, #tpu.memory_space<hbm>>
    tpu.enqueue_indirect_dma source(%dma_start3A_93 : memref<100001x1024xf32, #tpu.memory_space<hbm>>) target(%dma_start3A_88 : memref<8x1024xf32, #tpu.memory_space<vmem>>) offsets(%dma_start3A_90 : memref<8xi32, #tpu.memory_space<vmem>>) semaphore(%arg24 : memref<!tpu.dma_semaphore, #tpu.memory_space<semaphore_mem>>)
    %dma_start3A_94 = arith.constant 7 : i32
    %dma_start3A_95 = arith.constant 0 : i32
    %dma_start3A_96 = arith.constant 0 : i32
    %dma_start3A_97 = tpu.memref_slice %arg10[%dma_start3A_94, %dma_start3A_95, %dma_start3A_96] : memref<8x8x1024xf32, #tpu.memory_space<vmem>> -> memref<1x8x1024xf32, #tpu.memory_space<vmem>>
    %dma_start3A_98 = tpu.memref_squeeze %dma_start3A_97 : memref<1x8x1024xf32, #tpu.memory_space<vmem>> -> memref<8x1024xf32, #tpu.memory_space<vmem>>
    %dma_start3A_99 = arith.constant 56 : i32
    %dma_start3A_100 = tpu.memref_slice %arg9[%dma_start3A_99] : memref<1024xi32, #tpu.memory_space<vmem>> -> memref<8xi32, #tpu.memory_space<vmem>>
    %dma_start3A_101 = arith.constant 0 : i32
    %dma_start3A_102 = arith.constant 0 : i32
    %dma_start3A_103 = tpu.memref_slice %arg3[%dma_start3A_101, %dma_start3A_102] : memref<100001x1024xf32, #tpu.memory_space<hbm>> -> memref<100001x1024xf32, #tpu.memory_space<hbm>>
    tpu.enqueue_indirect_dma source(%dma_start3A_103 : memref<100001x1024xf32, #tpu.memory_space<hbm>>) target(%dma_start3A_98 : memref<8x1024xf32, #tpu.memory_space<vmem>>) offsets(%dma_start3A_100 : memref<8xi32, #tpu.memory_space<vmem>>) semaphore(%arg25 : memref<!tpu.dma_semaphore, #tpu.memory_space<semaphore_mem>>)
    %scan3A_104 = arith.constant 0 : i32
    %scan3A_105 = arith.constant 0 : i32
    %scan3A_106 = arith.constant 15 : i32
    %scan3A_107 = arith.addi %scan3A_105, %scan3A_106 : i32
    %scan3A_108 = arith.constant 1 : i32
    %scan3A_109 = scf.for %scan3A_670 = %scan3A_105 to %scan3A_107 step %scan3A_108 iter_args(%scan3A_671 = %scan3A_104) -> (i32)  : i32 {
      %mul3A_672 = arith.constant 8 : i32
      %mul3A_673 = arith.muli %mul3A_672, %scan3A_670 : i32
      %add3A_674 = arith.constant 0 : i32
      %add3A_675 = arith.addi %mul3A_673, %add3A_674 : i32
      %mul3A_676 = arith.constant 8 : i32
      %mul3A_677 = arith.muli %add3A_675, %mul3A_676 : i32
      %dma_wait3A_678 = arith.constant 0 : i32
      %dma_wait3A_679 = arith.constant 0 : i32
      %dma_wait3A_680 = arith.constant 0 : i32
      %dma_wait3A_681 = tpu.memref_slice %arg10[%dma_wait3A_678, %dma_wait3A_679, %dma_wait3A_680] : memref<8x8x1024xf32, #tpu.memory_space<vmem>> -> memref<1x8x1024xf32, #tpu.memory_space<vmem>>
      %dma_wait3A_682 = tpu.memref_squeeze %dma_wait3A_681 : memref<1x8x1024xf32, #tpu.memory_space<vmem>> -> memref<8x1024xf32, #tpu.memory_space<vmem>>
      %dma_wait3A_683 = tpu.memref_slice %arg9[%mul3A_677] : memref<1024xi32, #tpu.memory_space<vmem>> -> memref<8xi32, #tpu.memory_space<vmem>>
      %dma_wait3A_684 = arith.constant 0 : i32
      %dma_wait3A_685 = arith.constant 0 : i32
      %dma_wait3A_686 = tpu.memref_slice %arg3[%dma_wait3A_684, %dma_wait3A_685] : memref<100001x1024xf32, #tpu.memory_space<hbm>> -> memref<100001x1024xf32, #tpu.memory_space<hbm>>
      tpu.wait_indirect_dma semaphore(%arg18 : memref<!tpu.dma_semaphore, #tpu.memory_space<semaphore_mem>>) src(%dma_wait3A_686 : memref<100001x1024xf32, #tpu.memory_space<hbm>>) dst(%dma_wait3A_682 : memref<8x1024xf32, #tpu.memory_space<vmem>>)
      %add3A_687 = arith.constant 1 : i32
      %add3A_688 = arith.addi %add3A_675, %add3A_687 : i32
      %mul3A_689 = arith.constant 8 : i32
      %mul3A_690 = arith.muli %add3A_688, %mul3A_689 : i32
      %dma_wait3A_691 = arith.constant 1 : i32
      %dma_wait3A_692 = arith.constant 0 : i32
      %dma_wait3A_693 = arith.constant 0 : i32
      %dma_wait3A_694 = tpu.memref_slice %arg10[%dma_wait3A_691, %dma_wait3A_692, %dma_wait3A_693] : memref<8x8x1024xf32, #tpu.memory_space<vmem>> -> memref<1x8x1024xf32, #tpu.memory_space<vmem>>
      %dma_wait3A_695 = tpu.memref_squeeze %dma_wait3A_694 : memref<1x8x1024xf32, #tpu.memory_space<vmem>> -> memref<8x1024xf32, #tpu.memory_space<vmem>>
      %dma_wait3A_696 = tpu.memref_slice %arg9[%mul3A_690] : memref<1024xi32, #tpu.memory_space<vmem>> -> memref<8xi32, #tpu.memory_space<vmem>>
      %dma_wait3A_697 = arith.constant 0 : i32
      %dma_wait3A_698 = arith.constant 0 : i32
      %dma_wait3A_699 = tpu.memref_slice %arg3[%dma_wait3A_697, %dma_wait3A_698] : memref<100001x1024xf32, #tpu.memory_space<hbm>> -> memref<100001x1024xf32, #tpu.memory_space<hbm>>
      tpu.wait_indirect_dma semaphore(%arg19 : memref<!tpu.dma_semaphore, #tpu.memory_space<semaphore_mem>>) src(%dma_wait3A_699 : memref<100001x1024xf32, #tpu.memory_space<hbm>>) dst(%dma_wait3A_695 : memref<8x1024xf32, #tpu.memory_space<vmem>>)
      %broadcast_in_dim3A_700 = arith.constant 0.000000e+00 : f32
      %broadcast_in_dim3A_701 = vector.broadcast %broadcast_in_dim3A_700 : f32 to vector<16xf32>
      %parallel_loop3A_702 = arith.constant 0 : i32
      %parallel_loop3A_703 = arith.constant 64 : i32
      %parallel_loop3A_704 = arith.constant 1 : i32
      %parallel_loop3A_705:16 = scf.for %parallel_loop3A_1385 = %parallel_loop3A_702 to %parallel_loop3A_703 step %parallel_loop3A_704 iter_args(%parallel_loop3A_1386 = %broadcast_in_dim3A_701, %parallel_loop3A_1387 = %broadcast_in_dim3A_701, %parallel_loop3A_1388 = %broadcast_in_dim3A_701, %parallel_loop3A_1389 = %broadcast_in_dim3A_701, %parallel_loop3A_1390 = %broadcast_in_dim3A_701, %parallel_loop3A_1391 = %broadcast_in_dim3A_701, %parallel_loop3A_1392 = %broadcast_in_dim3A_701, %parallel_loop3A_1393 = %broadcast_in_dim3A_701, %parallel_loop3A_1394 = %broadcast_in_dim3A_701, %parallel_loop3A_1395 = %broadcast_in_dim3A_701, %parallel_loop3A_1396 = %broadcast_in_dim3A_701, %parallel_loop3A_1397 = %broadcast_in_dim3A_701, %parallel_loop3A_1398 = %broadcast_in_dim3A_701, %parallel_loop3A_1399 = %broadcast_in_dim3A_701, %parallel_loop3A_1400 = %broadcast_in_dim3A_701, %parallel_loop3A_1401 = %broadcast_in_dim3A_701) -> (vector<16xf32>, vector<16xf32>, vector<16xf32>, vector<16xf32>, vector<16xf32>, vector<16xf32>, vector<16xf32>, vector<16xf32>, vector<16xf32>, vector<16xf32>, vector<16xf32>, vector<16xf32>, vector<16xf32>, vector<16xf32>, vector<16xf32>, vector<16xf32>)  : i32 {
        %parallel_loop3A_1402 = arith.constant 16 : i32
        %parallel_loop3A_1403 = arith.muli %parallel_loop3A_1385, %parallel_loop3A_1402 : i32
        %parallel_loop3A_1404 = arith.constant 0 : i32
        %parallel_loop3A_1405 = arith.index_cast %parallel_loop3A_1404 : i32 to index
        %parallel_loop3A_1406 = arith.index_cast %parallel_loop3A_1403 : i32 to index
        %parallel_loop3A_1407 = tpu.vector_load %arg11[%parallel_loop3A_1405, %parallel_loop3A_1406] {strides = array<i32>} : memref<2x2048xf32, #tpu.memory_space<vmem>>, vector<16xf32>,
        %parallel_loop3A_1408 = arith.constant 1 : i32
        %parallel_loop3A_1409 = arith.index_cast %parallel_loop3A_1408 : i32 to index
        %parallel_loop3A_1410 = arith.index_cast %parallel_loop3A_1403 : i32 to index
        %parallel_loop3A_1411 = tpu.vector_load %arg11[%parallel_loop3A_1409, %parallel_loop3A_1410] {strides = array<i32>} : memref<2x2048xf32, #tpu.memory_space<vmem>>, vector<16xf32>,
        %parallel_loop3A_1412 = arith.constant 1024 : i32
        %parallel_loop3A_1413 = arith.addi %parallel_loop3A_1412, %parallel_loop3A_1403 : i32
        %parallel_loop3A_1414 = arith.constant 0 : i32
        %parallel_loop3A_1415 = arith.index_cast %parallel_loop3A_1414 : i32 to index
        %parallel_loop3A_1416 = arith.index_cast %parallel_loop3A_1413 : i32 to index
        %parallel_loop3A_1417 = tpu.vector_load %arg11[%parallel_loop3A_1415, %parallel_loop3A_1416] {strides = array<i32>} : memref<2x2048xf32, #tpu.memory_space<vmem>>, vector<16xf32>,
        %parallel_loop3A_1418 = arith.constant 1024 : i32
        %parallel_loop3A_1419 = arith.addi %parallel_loop3A_1418, %parallel_loop3A_1403 : i32
        %parallel_loop3A_1420 = arith.constant 1 : i32
        %parallel_loop3A_1421 = arith.index_cast %parallel_loop3A_1420 : i32 to index
        %parallel_loop3A_1422 = arith.index_cast %parallel_loop3A_1419 : i32 to index
        %parallel_loop3A_1423 = tpu.vector_load %arg11[%parallel_loop3A_1421, %parallel_loop3A_1422] {strides = array<i32>} : memref<2x2048xf32, #tpu.memory_space<vmem>>, vector<16xf32>,
        %parallel_loop3A_1424 = arith.constant 0 : i32
        %parallel_loop3A_1425 = arith.constant 0 : i32
        %parallel_loop3A_1426 = arith.index_cast %parallel_loop3A_1424 : i32 to index
        %parallel_loop3A_1427 = arith.index_cast %parallel_loop3A_1425 : i32 to index
        %parallel_loop3A_1428 = arith.index_cast %parallel_loop3A_1403 : i32 to index
        %parallel_loop3A_1429 = tpu.vector_load %arg10[%parallel_loop3A_1426, %parallel_loop3A_1427, %parallel_loop3A_1428] {strides = array<i32>} : memref<8x8x1024xf32, #tpu.memory_space<vmem>>, vector<16xf32>,
        %parallel_loop3A_1430 = arith.constant 0 : i32
        %parallel_loop3A_1431 = arith.constant 1 : i32
        %parallel_loop3A_1432 = arith.index_cast %parallel_loop3A_1430 : i32 to index
        %parallel_loop3A_1433 = arith.index_cast %parallel_loop3A_1431 : i32 to index
        %parallel_loop3A_1434 = arith.index_cast %parallel_loop3A_1403 : i32 to index
        %parallel_loop3A_1435 = tpu.vector_load %arg10[%parallel_loop3A_1432, %parallel_loop3A_1433, %parallel_loop3A_1434] {strides = array<i32>} : memref<8x8x1024xf32, #tpu.memory_space<vmem>>, vector<16xf32>,
        %parallel_loop3A_1436 = arith.mulf %parallel_loop3A_1429, %parallel_loop3A_1407 : vector<16xf32>
        %parallel_loop3A_1437 = arith.addf %parallel_loop3A_1386, %parallel_loop3A_1436 : vector<16xf32>
        %parallel_loop3A_1438 = arith.mulf %parallel_loop3A_1435, %parallel_loop3A_1417 : vector<16xf32>
        %parallel_loop3A_1439 = arith.addf %parallel_loop3A_1437, %parallel_loop3A_1438 : vector<16xf32>
        %parallel_loop3A_1440 = arith.mulf %parallel_loop3A_1429, %parallel_loop3A_1411 : vector<16xf32>
        %parallel_loop3A_1441 = arith.addf %parallel_loop3A_1387, %parallel_loop3A_1440 : vector<16xf32>
        %parallel_loop3A_1442 = arith.mulf %parallel_loop3A_1435, %parallel_loop3A_1423 : vector<16xf32>
        %parallel_loop3A_1443 = arith.addf %parallel_loop3A_1441, %parallel_loop3A_1442 : vector<16xf32>
        %parallel_loop3A_1444 = arith.constant 0 : i32
        %parallel_loop3A_1445 = arith.constant 2 : i32
        %parallel_loop3A_1446 = arith.index_cast %parallel_loop3A_1444 : i32 to index
        %parallel_loop3A_1447 = arith.index_cast %parallel_loop3A_1445 : i32 to index
        %parallel_loop3A_1448 = arith.index_cast %parallel_loop3A_1403 : i32 to index
        %parallel_loop3A_1449 = tpu.vector_load %arg10[%parallel_loop3A_1446, %parallel_loop3A_1447, %parallel_loop3A_1448] {strides = array<i32>} : memref<8x8x1024xf32, #tpu.memory_space<vmem>>, vector<16xf32>,
        %parallel_loop3A_1450 = arith.constant 0 : i32
        %parallel_loop3A_1451 = arith.constant 3 : i32
        %parallel_loop3A_1452 = arith.index_cast %parallel_loop3A_1450 : i32 to index
        %parallel_loop3A_1453 = arith.index_cast %parallel_loop3A_1451 : i32 to index
        %parallel_loop3A_1454 = arith.index_cast %parallel_loop3A_1403 : i32 to index
        %parallel_loop3A_1455 = tpu.vector_load %arg10[%parallel_loop3A_1452, %parallel_loop3A_1453, %parallel_loop3A_1454] {strides = array<i32>} : memref<8x8x1024xf32, #tpu.memory_space<vmem>>, vector<16xf32>,
        %parallel_loop3A_1456 = arith.mulf %parallel_loop3A_1449, %parallel_loop3A_1407 : vector<16xf32>
        %parallel_loop3A_1457 = arith.addf %parallel_loop3A_1388, %parallel_loop3A_1456 : vector<16xf32>
        %parallel_loop3A_1458 = arith.mulf %parallel_loop3A_1455, %parallel_loop3A_1417 : vector<16xf32>
        %parallel_loop3A_1459 = arith.addf %parallel_loop3A_1457, %parallel_loop3A_1458 : vector<16xf32>
        %parallel_loop3A_1460 = arith.mulf %parallel_loop3A_1449, %parallel_loop3A_1411 : vector<16xf32>
        %parallel_loop3A_1461 = arith.addf %parallel_loop3A_1389, %parallel_loop3A_1460 : vector<16xf32>
        %parallel_loop3A_1462 = arith.mulf %parallel_loop3A_1455, %parallel_loop3A_1423 : vector<16xf32>
        %parallel_loop3A_1463 = arith.addf %parallel_loop3A_1461, %parallel_loop3A_1462 : vector<16xf32>
        %parallel_loop3A_1464 = arith.constant 0 : i32
        %parallel_loop3A_1465 = arith.constant 4 : i32
        %parallel_loop3A_1466 = arith.index_cast %parallel_loop3A_1464 : i32 to index
        %parallel_loop3A_1467 = arith.index_cast %parallel_loop3A_1465 : i32 to index
        %parallel_loop3A_1468 = arith.index_cast %parallel_loop3A_1403 : i32 to index
        %parallel_loop3A_1469 = tpu.vector_load %arg10[%parallel_loop3A_1466, %parallel_loop3A_1467, %parallel_loop3A_1468] {strides = array<i32>} : memref<8x8x1024xf32, #tpu.memory_space<vmem>>, vector<16xf32>,
        %parallel_loop3A_1470 = arith.constant 0 : i32
        %parallel_loop3A_1471 = arith.constant 5 : i32
        %parallel_loop3A_1472 = arith.index_cast %parallel_loop3A_1470 : i32 to index
        %parallel_loop3A_1473 = arith.index_cast %parallel_loop3A_1471 : i32 to index
        %parallel_loop3A_1474 = arith.index_cast %parallel_loop3A_1403 : i32 to index
        %parallel_loop3A_1475 = tpu.vector_load %arg10[%parallel_loop3A_1472, %parallel_loop3A_1473, %parallel_loop3A_1474] {strides = array<i32>} : memref<8x8x1024xf32, #tpu.memory_space<vmem>>, vector<16xf32>,
        %parallel_loop3A_1476 = arith.mulf %parallel_loop3A_1469, %parallel_loop3A_1407 : vector<16xf32>
        %parallel_loop3A_1477 = arith.addf %parallel_loop3A_1390, %parallel_loop3A_1476 : vector<16xf32>
        %parallel_loop3A_1478 = arith.mulf %parallel_loop3A_1475, %parallel_loop3A_1417 : vector<16xf32>
        %parallel_loop3A_1479 = arith.addf %parallel_loop3A_1477, %parallel_loop3A_1478 : vector<16xf32>
        %parallel_loop3A_1480 = arith.mulf %parallel_loop3A_1469, %parallel_loop3A_1411 : vector<16xf32>
        %parallel_loop3A_1481 = arith.addf %parallel_loop3A_1391, %parallel_loop3A_1480 : vector<16xf32>
        %parallel_loop3A_1482 = arith.mulf %parallel_loop3A_1475, %parallel_loop3A_1423 : vector<16xf32>
        %parallel_loop3A_1483 = arith.addf %parallel_loop3A_1481, %parallel_loop3A_1482 : vector<16xf32>
        %parallel_loop3A_1484 = arith.constant 0 : i32
        %parallel_loop3A_1485 = arith.constant 6 : i32
        %parallel_loop3A_1486 = arith.index_cast %parallel_loop3A_1484 : i32 to index
        %parallel_loop3A_1487 = arith.index_cast %parallel_loop3A_1485 : i32 to index
        %parallel_loop3A_1488 = arith.index_cast %parallel_loop3A_1403 : i32 to index
        %parallel_loop3A_1489 = tpu.vector_load %arg10[%parallel_loop3A_1486, %parallel_loop3A_1487, %parallel_loop3A_1488] {strides = array<i32>} : memref<8x8x1024xf32, #tpu.memory_space<vmem>>, vector<16xf32>,
        %parallel_loop3A_1490 = arith.constant 0 : i32
        %parallel_loop3A_1491 = arith.constant 7 : i32
        %parallel_loop3A_1492 = arith.index_cast %parallel_loop3A_1490 : i32 to index
        %parallel_loop3A_1493 = arith.index_cast %parallel_loop3A_1491 : i32 to index
        %parallel_loop3A_1494 = arith.index_cast %parallel_loop3A_1403 : i32 to index
        %parallel_loop3A_1495 = tpu.vector_load %arg10[%parallel_loop3A_1492, %parallel_loop3A_1493, %parallel_loop3A_1494] {strides = array<i32>} : memref<8x8x1024xf32, #tpu.memory_space<vmem>>, vector<16xf32>,
        %parallel_loop3A_1496 = arith.mulf %parallel_loop3A_1489, %parallel_loop3A_1407 : vector<16xf32>
        %parallel_loop3A_1497 = arith.addf %parallel_loop3A_1392, %parallel_loop3A_1496 : vector<16xf32>
        %parallel_loop3A_1498 = arith.mulf %parallel_loop3A_1495, %parallel_loop3A_1417 : vector<16xf32>
        %parallel_loop3A_1499 = arith.addf %parallel_loop3A_1497, %parallel_loop3A_1498 : vector<16xf32>
        %parallel_loop3A_1500 = arith.mulf %parallel_loop3A_1489, %parallel_loop3A_1411 : vector<16xf32>
        %parallel_loop3A_1501 = arith.addf %parallel_loop3A_1393, %parallel_loop3A_1500 : vector<16xf32>
        %parallel_loop3A_1502 = arith.mulf %parallel_loop3A_1495, %parallel_loop3A_1423 : vector<16xf32>
        %parallel_loop3A_1503 = arith.addf %parallel_loop3A_1501, %parallel_loop3A_1502 : vector<16xf32>
        %parallel_loop3A_1504 = arith.constant 1 : i32
        %parallel_loop3A_1505 = arith.constant 0 : i32
        %parallel_loop3A_1506 = arith.index_cast %parallel_loop3A_1504 : i32 to index
        %parallel_loop3A_1507 = arith.index_cast %parallel_loop3A_1505 : i32 to index
        %parallel_loop3A_1508 = arith.index_cast %parallel_loop3A_1403 : i32 to index
        %parallel_loop3A_1509 = tpu.vector_load %arg10[%parallel_loop3A_1506, %parallel_loop3A_1507, %parallel_loop3A_1508] {strides = array<i32>} : memref<8x8x1024xf32, #tpu.memory_space<vmem>>, vector<16xf32>,
        %parallel_loop3A_1510 = arith.constant 1 : i32
        %parallel_loop3A_1511 = arith.constant 1 : i32
        %parallel_loop3A_1512 = arith.index_cast %parallel_loop3A_1510 : i32 to index
        %parallel_loop3A_1513 = arith.index_cast %parallel_loop3A_1511 : i32 to index
        %parallel_loop3A_1514 = arith.index_cast %parallel_loop3A_1403 : i32 to index
        %parallel_loop3A_1515 = tpu.vector_load %arg10[%parallel_loop3A_1512, %parallel_loop3A_1513, %parallel_loop3A_1514] {strides = array<i32>} : memref<8x8x1024xf32, #tpu.memory_space<vmem>>, vector<16xf32>,
        %parallel_loop3A_1516 = arith.mulf %parallel_loop3A_1509, %parallel_loop3A_1407 : vector<16xf32>
        %parallel_loop3A_1517 = arith.addf %parallel_loop3A_1394, %parallel_loop3A_1516 : vector<16xf32>
        %parallel_loop3A_1518 = arith.mulf %parallel_loop3A_1515, %parallel_loop3A_1417 : vector<16xf32>
        %parallel_loop3A_1519 = arith.addf %parallel_loop3A_1517, %parallel_loop3A_1518 : vector<16xf32>
        %parallel_loop3A_1520 = arith.mulf %parallel_loop3A_1509, %parallel_loop3A_1411 : vector<16xf32>
        %parallel_loop3A_1521 = arith.addf %parallel_loop3A_1395, %parallel_loop3A_1520 : vector<16xf32>
        %parallel_loop3A_1522 = arith.mulf %parallel_loop3A_1515, %parallel_loop3A_1423 : vector<16xf32>
        %parallel_loop3A_1523 = arith.addf %parallel_loop3A_1521, %parallel_loop3A_1522 : vector<16xf32>
        %parallel_loop3A_1524 = arith.constant 1 : i32
        %parallel_loop3A_1525 = arith.constant 2 : i32
        %parallel_loop3A_1526 = arith.index_cast %parallel_loop3A_1524 : i32 to index
        %parallel_loop3A_1527 = arith.index_cast %parallel_loop3A_1525 : i32 to index
        %parallel_loop3A_1528 = arith.index_cast %parallel_loop3A_1403 : i32 to index
        %parallel_loop3A_1529 = tpu.vector_load %arg10[%parallel_loop3A_1526, %parallel_loop3A_1527, %parallel_loop3A_1528] {strides = array<i32>} : memref<8x8x1024xf32, #tpu.memory_space<vmem>>, vector<16xf32>,
        %parallel_loop3A_1530 = arith.constant 1 : i32
        %parallel_loop3A_1531 = arith.constant 3 : i32
        %parallel_loop3A_1532 = arith.index_cast %parallel_loop3A_1530 : i32 to index
        %parallel_loop3A_1533 = arith.index_cast %parallel_loop3A_1531 : i32 to index
        %parallel_loop3A_1534 = arith.index_cast %parallel_loop3A_1403 : i32 to index
        %parallel_loop3A_1535 = tpu.vector_load %arg10[%parallel_loop3A_1532, %parallel_loop3A_1533, %parallel_loop3A_1534] {strides = array<i32>} : memref<8x8x1024xf32, #tpu.memory_space<vmem>>, vector<16xf32>,
        %parallel_loop3A_1536 = arith.mulf %parallel_loop3A_1529, %parallel_loop3A_1407 : vector<16xf32>
        %parallel_loop3A_1537 = arith.addf %parallel_loop3A_1396, %parallel_loop3A_1536 : vector<16xf32>
        %parallel_loop3A_1538 = arith.mulf %parallel_loop3A_1535, %parallel_loop3A_1417 : vector<16xf32>
        %parallel_loop3A_1539 = arith.addf %parallel_loop3A_1537, %parallel_loop3A_1538 : vector<16xf32>
        %parallel_loop3A_1540 = arith.mulf %parallel_loop3A_1529, %parallel_loop3A_1411 : vector<16xf32>
        %parallel_loop3A_1541 = arith.addf %parallel_loop3A_1397, %parallel_loop3A_1540 : vector<16xf32>
        %parallel_loop3A_1542 = arith.mulf %parallel_loop3A_1535, %parallel_loop3A_1423 : vector<16xf32>
        %parallel_loop3A_1543 = arith.addf %parallel_loop3A_1541, %parallel_loop3A_1542 : vector<16xf32>
        %parallel_loop3A_1544 = arith.constant 1 : i32
        %parallel_loop3A_1545 = arith.constant 4 : i32
        %parallel_loop3A_1546 = arith.index_cast %parallel_loop3A_1544 : i32 to index
        %parallel_loop3A_1547 = arith.index_cast %parallel_loop3A_1545 : i32 to index
        %parallel_loop3A_1548 = arith.index_cast %parallel_loop3A_1403 : i32 to index
        %parallel_loop3A_1549 = tpu.vector_load %arg10[%parallel_loop3A_1546, %parallel_loop3A_1547, %parallel_loop3A_1548] {strides = array<i32>} : memref<8x8x1024xf32, #tpu.memory_space<vmem>>, vector<16xf32>,
        %parallel_loop3A_1550 = arith.constant 1 : i32
        %parallel_loop3A_1551 = arith.constant 5 : i32
        %parallel_loop3A_1552 = arith.index_cast %parallel_loop3A_1550 : i32 to index
        %parallel_loop3A_1553 = arith.index_cast %parallel_loop3A_1551 : i32 to index
        %parallel_loop3A_1554 = arith.index_cast %parallel_loop3A_1403 : i32 to index
        %parallel_loop3A_1555 = tpu.vector_load %arg10[%parallel_loop3A_1552, %parallel_loop3A_1553, %parallel_loop3A_1554] {strides = array<i32>} : memref<8x8x1024xf32, #tpu.memory_space<vmem>>, vector<16xf32>,
        %parallel_loop3A_1556 = arith.mulf %parallel_loop3A_1549, %parallel_loop3A_1407 : vector<16xf32>
        %parallel_loop3A_1557 = arith.addf %parallel_loop3A_1398, %parallel_loop3A_1556 : vector<16xf32>
        %parallel_loop3A_1558 = arith.mulf %parallel_loop3A_1555, %parallel_loop3A_1417 : vector<16xf32>
        %parallel_loop3A_1559 = arith.addf %parallel_loop3A_1557, %parallel_loop3A_1558 : vector<16xf32>
        %parallel_loop3A_1560 = arith.mulf %parallel_loop3A_1549, %parallel_loop3A_1411 : vector<16xf32>
        %parallel_loop3A_1561 = arith.addf %parallel_loop3A_1399, %parallel_loop3A_1560 : vector<16xf32>
        %parallel_loop3A_1562 = arith.mulf %parallel_loop3A_1555, %parallel_loop3A_1423 : vector<16xf32>
        %parallel_loop3A_1563 = arith.addf %parallel_loop3A_1561, %parallel_loop3A_1562 : vector<16xf32>
        %parallel_loop3A_1564 = arith.constant 1 : i32
        %parallel_loop3A_1565 = arith.constant 6 : i32
        %parallel_loop3A_1566 = arith.index_cast %parallel_loop3A_1564 : i32 to index
        %parallel_loop3A_1567 = arith.index_cast %parallel_loop3A_1565 : i32 to index
        %parallel_loop3A_1568 = arith.index_cast %parallel_loop3A_1403 : i32 to index
        %parallel_loop3A_1569 = tpu.vector_load %arg10[%parallel_loop3A_1566, %parallel_loop3A_1567, %parallel_loop3A_1568] {strides = array<i32>} : memref<8x8x1024xf32, #tpu.memory_space<vmem>>, vector<16xf32>,
        %parallel_loop3A_1570 = arith.constant 1 : i32
        %parallel_loop3A_1571 = arith.constant 7 : i32
        %parallel_loop3A_1572 = arith.index_cast %parallel_loop3A_1570 : i32 to index
        %parallel_loop3A_1573 = arith.index_cast %parallel_loop3A_1571 : i32 to index
        %parallel_loop3A_1574 = arith.index_cast %parallel_loop3A_1403 : i32 to index
        %parallel_loop3A_1575 = tpu.vector_load %arg10[%parallel_loop3A_1572, %parallel_loop3A_1573, %parallel_loop3A_1574] {strides = array<i32>} : memref<8x8x1024xf32, #tpu.memory_space<vmem>>, vector<16xf32>,
        %parallel_loop3A_1576 = arith.mulf %parallel_loop3A_1569, %parallel_loop3A_1407 : vector<16xf32>
        %parallel_loop3A_1577 = arith.addf %parallel_loop3A_1400, %parallel_loop3A_1576 : vector<16xf32>
        %parallel_loop3A_1578 = arith.mulf %parallel_loop3A_1575, %parallel_loop3A_1417 : vector<16xf32>
        %parallel_loop3A_1579 = arith.addf %parallel_loop3A_1577, %parallel_loop3A_1578 : vector<16xf32>
        %parallel_loop3A_1580 = arith.mulf %parallel_loop3A_1569, %parallel_loop3A_1411 : vector<16xf32>
        %parallel_loop3A_1581 = arith.addf %parallel_loop3A_1401, %parallel_loop3A_1580 : vector<16xf32>
        %parallel_loop3A_1582 = arith.mulf %parallel_loop3A_1575, %parallel_loop3A_1423 : vector<16xf32>
        %parallel_loop3A_1583 = arith.addf %parallel_loop3A_1581, %parallel_loop3A_1582 : vector<16xf32>
        scf.yield %parallel_loop3A_1439, %parallel_loop3A_1443, %parallel_loop3A_1459, %parallel_loop3A_1463, %parallel_loop3A_1479, %parallel_loop3A_1483, %parallel_loop3A_1499, %parallel_loop3A_1503, %parallel_loop3A_1519, %parallel_loop3A_1523, %parallel_loop3A_1539, %parallel_loop3A_1543, %parallel_loop3A_1559, %parallel_loop3A_1563, %parallel_loop3A_1579, %parallel_loop3A_1583 : vector<16xf32>, vector<16xf32>, vector<16xf32>, vector<16xf32>, vector<16xf32>, vector<16xf32>, vector<16xf32>, vector<16xf32>, vector<16xf32>, vector<16xf32>, vector<16xf32>, vector<16xf32>, vector<16xf32>, vector<16xf32>, vector<16xf32>, vector<16xf32>
      } {sc.loop_unroll_factor = 1 : i64, sc.parallel_access}
      %swap3A_706 = arith.constant 0 : index
      %swap3A_707 = tpu.vector_load %arg16[%swap3A_706] {strides = array<i32>} : memref<256xf32, #tpu.memory_space<vmem>>, vector<16xf32>,
      tpu.vector_store %arg16[%swap3A_706], %parallel_loop3A_705#0 {strides = array<i32>} : memref<256xf32, #tpu.memory_space<vmem>>, vector<16xf32>,
      %swap3A_708 = arith.constant 16 : index
      %swap3A_709 = tpu.vector_load %arg16[%swap3A_708] {strides = array<i32>} : memref<256xf32, #tpu.memory_space<vmem>>, vector<16xf32>,
      tpu.vector_store %arg16[%swap3A_708], %parallel_loop3A_705#1 {strides = array<i32>} : memref<256xf32, #tpu.memory_space<vmem>>, vector<16xf32>,
      %swap3A_710 = arith.constant 32 : index
      %swap3A_711 = tpu.vector_load %arg16[%swap3A_710] {strides = array<i32>} : memref<256xf32, #tpu.memory_space<vmem>>, vector<16xf32>,
      tpu.vector_store %arg16[%swap3A_710], %parallel_loop3A_705#2 {strides = array<i32>} : memref<256xf32, #tpu.memory_space<vmem>>, vector<16xf32>,
      %swap3A_712 = arith.constant 48 : index
      %swap3A_713 = tpu.vector_load %arg16[%swap3A_712] {strides = array<i32>} : memref<256xf32, #tpu.memory_space<vmem>>, vector<16xf32>,
      tpu.vector_store %arg16[%swap3A_712], %parallel_loop3A_705#3 {strides = array<i32>} : memref<256xf32, #tpu.memory_space<vmem>>, vector<16xf32>,
      %swap3A_714 = arith.constant 64 : index
      %swap3A_715 = tpu.vector_load %arg16[%swap3A_714] {strides = array<i32>} : memref<256xf32, #tpu.memory_space<vmem>>, vector<16xf32>,
      tpu.vector_store %arg16[%swap3A_714], %parallel_loop3A_705#4 {strides = array<i32>} : memref<256xf32, #tpu.memory_space<vmem>>, vector<16xf32>,
      %swap3A_716 = arith.constant 80 : index
      %swap3A_717 = tpu.vector_load %arg16[%swap3A_716] {strides = array<i32>} : memref<256xf32, #tpu.memory_space<vmem>>, vector<16xf32>,
      tpu.vector_store %arg16[%swap3A_716], %parallel_loop3A_705#5 {strides = array<i32>} : memref<256xf32, #tpu.memory_space<vmem>>, vector<16xf32>,
      %swap3A_718 = arith.constant 96 : index
      %swap3A_719 = tpu.vector_load %arg16[%swap3A_718] {strides = array<i32>} : memref<256xf32, #tpu.memory_space<vmem>>, vector<16xf32>,
      tpu.vector_store %arg16[%swap3A_718], %parallel_loop3A_705#6 {strides = array<i32>} : memref<256xf32, #tpu.memory_space<vmem>>, vector<16xf32>,
      %swap3A_720 = arith.constant 112 : index
      %swap3A_721 = tpu.vector_load %arg16[%swap3A_720] {strides = array<i32>} : memref<256xf32, #tpu.memory_space<vmem>>, vector<16xf32>,
      tpu.vector_store %arg16[%swap3A_720], %parallel_loop3A_705#7 {strides = array<i32>} : memref<256xf32, #tpu.memory_space<vmem>>, vector<16xf32>,
      %swap3A_722 = arith.constant 128 : index
      %swap3A_723 = tpu.vector_load %arg16[%swap3A_722] {strides = array<i32>} : memref<256xf32, #tpu.memory_space<vmem>>, vector<16xf32>,
      tpu.vector_store %arg16[%swap3A_722], %parallel_loop3A_705#8 {strides = array<i32>} : memref<256xf32, #tpu.memory_space<vmem>>, vector<16xf32>,
      %swap3A_724 = arith.constant 144 : index
      %swap3A_725 = tpu.vector_load %arg16[%swap3A_724] {strides = array<i32>} : memref<256xf32, #tpu.memory_space<vmem>>, vector<16xf32>,
      tpu.vector_store %arg16[%swap3A_724], %parallel_loop3A_705#9 {strides = array<i32>} : memref<256xf32, #tpu.memory_space<vmem>>, vector<16xf32>,
      %swap3A_726 = arith.constant 160 : index
      %swap3A_727 = tpu.vector_load %arg16[%swap3A_726] {strides = array<i32>} : memref<256xf32, #tpu.memory_space<vmem>>, vector<16xf32>,
      tpu.vector_store %arg16[%swap3A_726], %parallel_loop3A_705#10 {strides = array<i32>} : memref<256xf32, #tpu.memory_space<vmem>>, vector<16xf32>,
      %swap3A_728 = arith.constant 176 : index
      %swap3A_729 = tpu.vector_load %arg16[%swap3A_728] {strides = array<i32>} : memref<256xf32, #tpu.memory_space<vmem>>, vector<16xf32>,
      tpu.vector_store %arg16[%swap3A_728], %parallel_loop3A_705#11 {strides = array<i32>} : memref<256xf32, #tpu.memory_space<vmem>>, vector<16xf32>,
      %swap3A_730 = arith.constant 192 : index
      %swap3A_731 = tpu.vector_load %arg16[%swap3A_730] {strides = array<i32>} : memref<256xf32, #tpu.memory_space<vmem>>, vector<16xf32>,
      tpu.vector_store %arg16[%swap3A_730], %parallel_loop3A_705#12 {strides = array<i32>} : memref<256xf32, #tpu.memory_space<vmem>>, vector<16xf32>,
      %swap3A_732 = arith.constant 208 : index
      %swap3A_733 = tpu.vector_load %arg16[%swap3A_732] {strides = array<i32>} : memref<256xf32, #tpu.memory_space<vmem>>, vector<16xf32>,
      tpu.vector_store %arg16[%swap3A_732], %parallel_loop3A_705#13 {strides = array<i32>} : memref<256xf32, #tpu.memory_space<vmem>>, vector<16xf32>,
      %swap3A_734 = arith.constant 224 : index
      %swap3A_735 = tpu.vector_load %arg16[%swap3A_734] {strides = array<i32>} : memref<256xf32, #tpu.memory_space<vmem>>, vector<16xf32>,
      tpu.vector_store %arg16[%swap3A_734], %parallel_loop3A_705#14 {strides = array<i32>} : memref<256xf32, #tpu.memory_space<vmem>>, vector<16xf32>,
      %swap3A_736 = arith.constant 240 : index
      %swap3A_737 = tpu.vector_load %arg16[%swap3A_736] {strides = array<i32>} : memref<256xf32, #tpu.memory_space<vmem>>, vector<16xf32>,
      tpu.vector_store %arg16[%swap3A_736], %parallel_loop3A_705#15 {strides = array<i32>} : memref<256xf32, #tpu.memory_space<vmem>>, vector<16xf32>,
      %add3A_738 = arith.constant 0 : i32
      %add3A_739 = vector.broadcast %add3A_738 : i32 to vector<16xi32>
      %add3A_740 = arith.addi %mul3A_24, %add3A_739 : vector<16xi32>
      %gather3A_741 = tpu.vector_load_idx %arg16[%add3A_740] : memref<256xf32, #tpu.memory_space<vmem>>[vector<16xi32>], vector<16xf32>,
      %add3A_742 = arith.addf %add3A_21, %gather3A_741 : vector<16xf32>
      %add3A_743 = arith.constant 1 : i32
      %add3A_744 = vector.broadcast %add3A_743 : i32 to vector<16xi32>
      %add3A_745 = arith.addi %mul3A_24, %add3A_744 : vector<16xi32>
      %gather3A_746 = tpu.vector_load_idx %arg16[%add3A_745] : memref<256xf32, #tpu.memory_space<vmem>>[vector<16xi32>], vector<16xf32>,
      %add3A_747 = arith.addf %add3A_742, %gather3A_746 : vector<16xf32>
      %add3A_748 = arith.constant 2 : i32
      %add3A_749 = vector.broadcast %add3A_748 : i32 to vector<16xi32>
      %add3A_750 = arith.addi %mul3A_24, %add3A_749 : vector<16xi32>
      %gather3A_751 = tpu.vector_load_idx %arg16[%add3A_750] : memref<256xf32, #tpu.memory_space<vmem>>[vector<16xi32>], vector<16xf32>,
      %add3A_752 = arith.addf %add3A_747, %gather3A_751 : vector<16xf32>
      %add3A_753 = arith.constant 3 : i32
      %add3A_754 = vector.broadcast %add3A_753 : i32 to vector<16xi32>
      %add3A_755 = arith.addi %mul3A_24, %add3A_754 : vector<16xi32>
      %gather3A_756 = tpu.vector_load_idx %arg16[%add3A_755] : memref<256xf32, #tpu.memory_space<vmem>>[vector<16xi32>], vector<16xf32>,
      %add3A_757 = arith.addf %add3A_752, %gather3A_756 : vector<16xf32>
      %add3A_758 = arith.constant 4 : i32
      %add3A_759 = vector.broadcast %add3A_758 : i32 to vector<16xi32>
      %add3A_760 = arith.addi %mul3A_24, %add3A_759 : vector<16xi32>
      %gather3A_761 = tpu.vector_load_idx %arg16[%add3A_760] : memref<256xf32, #tpu.memory_space<vmem>>[vector<16xi32>], vector<16xf32>,
      %add3A_762 = arith.addf %add3A_757, %gather3A_761 : vector<16xf32>
      %add3A_763 = arith.constant 5 : i32
      %add3A_764 = vector.broadcast %add3A_763 : i32 to vector<16xi32>
      %add3A_765 = arith.addi %mul3A_24, %add3A_764 : vector<16xi32>
      %gather3A_766 = tpu.vector_load_idx %arg16[%add3A_765] : memref<256xf32, #tpu.memory_space<vmem>>[vector<16xi32>], vector<16xf32>,
      %add3A_767 = arith.addf %add3A_762, %gather3A_766 : vector<16xf32>
      %add3A_768 = arith.constant 6 : i32
      %add3A_769 = vector.broadcast %add3A_768 : i32 to vector<16xi32>
      %add3A_770 = arith.addi %mul3A_24, %add3A_769 : vector<16xi32>
      %gather3A_771 = tpu.vector_load_idx %arg16[%add3A_770] : memref<256xf32, #tpu.memory_space<vmem>>[vector<16xi32>], vector<16xf32>,
      %add3A_772 = arith.addf %add3A_767, %gather3A_771 : vector<16xf32>
      %add3A_773 = arith.constant 7 : i32
      %add3A_774 = vector.broadcast %add3A_773 : i32 to vector<16xi32>
      %add3A_775 = arith.addi %mul3A_24, %add3A_774 : vector<16xi32>
      %gather3A_776 = tpu.vector_load_idx %arg16[%add3A_775] : memref<256xf32, #tpu.memory_space<vmem>>[vector<16xi32>], vector<16xf32>,
      %add3A_777 = arith.addf %add3A_772, %gather3A_776 : vector<16xf32>
      %add3A_778 = arith.constant 8 : i32
      %add3A_779 = vector.broadcast %add3A_778 : i32 to vector<16xi32>
      %add3A_780 = arith.addi %mul3A_24, %add3A_779 : vector<16xi32>
      %gather3A_781 = tpu.vector_load_idx %arg16[%add3A_780] : memref<256xf32, #tpu.memory_space<vmem>>[vector<16xi32>], vector<16xf32>,
      %add3A_782 = arith.addf %add3A_777, %gather3A_781 : vector<16xf32>
      %add3A_783 = arith.constant 9 : i32
      %add3A_784 = vector.broadcast %add3A_783 : i32 to vector<16xi32>
      %add3A_785 = arith.addi %mul3A_24, %add3A_784 : vector<16xi32>
      %gather3A_786 = tpu.vector_load_idx %arg16[%add3A_785] : memref<256xf32, #tpu.memory_space<vmem>>[vector<16xi32>], vector<16xf32>,
      %add3A_787 = arith.addf %add3A_782, %gather3A_786 : vector<16xf32>
      %add3A_788 = arith.constant 10 : i32
      %add3A_789 = vector.broadcast %add3A_788 : i32 to vector<16xi32>
      %add3A_790 = arith.addi %mul3A_24, %add3A_789 : vector<16xi32>
      %gather3A_791 = tpu.vector_load_idx %arg16[%add3A_790] : memref<256xf32, #tpu.memory_space<vmem>>[vector<16xi32>], vector<16xf32>,
      %add3A_792 = arith.addf %add3A_787, %gather3A_791 : vector<16xf32>
      %add3A_793 = arith.constant 11 : i32
      %add3A_794 = vector.broadcast %add3A_793 : i32 to vector<16xi32>
      %add3A_795 = arith.addi %mul3A_24, %add3A_794 : vector<16xi32>
      %gather3A_796 = tpu.vector_load_idx %arg16[%add3A_795] : memref<256xf32, #tpu.memory_space<vmem>>[vector<16xi32>], vector<16xf32>,
      %add3A_797 = arith.addf %add3A_792, %gather3A_796 : vector<16xf32>
      %add3A_798 = arith.constant 12 : i32
      %add3A_799 = vector.broadcast %add3A_798 : i32 to vector<16xi32>
      %add3A_800 = arith.addi %mul3A_24, %add3A_799 : vector<16xi32>
      %gather3A_801 = tpu.vector_load_idx %arg16[%add3A_800] : memref<256xf32, #tpu.memory_space<vmem>>[vector<16xi32>], vector<16xf32>,
      %add3A_802 = arith.addf %add3A_797, %gather3A_801 : vector<16xf32>
      %add3A_803 = arith.constant 13 : i32
      %add3A_804 = vector.broadcast %add3A_803 : i32 to vector<16xi32>
      %add3A_805 = arith.addi %mul3A_24, %add3A_804 : vector<16xi32>
      %gather3A_806 = tpu.vector_load_idx %arg16[%add3A_805] : memref<256xf32, #tpu.memory_space<vmem>>[vector<16xi32>], vector<16xf32>,
      %add3A_807 = arith.addf %add3A_802, %gather3A_806 : vector<16xf32>
      %add3A_808 = arith.constant 14 : i32
      %add3A_809 = vector.broadcast %add3A_808 : i32 to vector<16xi32>
      %add3A_810 = arith.addi %mul3A_24, %add3A_809 : vector<16xi32>
      %gather3A_811 = tpu.vector_load_idx %arg16[%add3A_810] : memref<256xf32, #tpu.memory_space<vmem>>[vector<16xi32>], vector<16xf32>,
      %add3A_812 = arith.addf %add3A_807, %gather3A_811 : vector<16xf32>
      %add3A_813 = arith.constant 15 : i32
      %add3A_814 = vector.broadcast %add3A_813 : i32 to vector<16xi32>
      %add3A_815 = arith.addi %mul3A_24, %add3A_814 : vector<16xi32>
      %gather3A_816 = tpu.vector_load_idx %arg16[%add3A_815] : memref<256xf32, #tpu.memory_space<vmem>>[vector<16xi32>], vector<16xf32>,
      %add3A_817 = arith.addf %add3A_812, %gather3A_816 : vector<16xf32>
      %mul3A_818 = arith.constant 8 : i32
      %mul3A_819 = arith.muli %mul3A_818, %add3A_675 : i32
      %swap3A_820 = arith.index_cast %mul3A_819 : i32 to index
      %swap3A_821 = tpu.vector_load %arg17[%swap3A_820] {strides = array<i32>} : memref<1024xf32, #tpu.memory_space<vmem>>, vector<16xf32>,
      tpu.vector_store %arg17[%swap3A_820], %add3A_817 {strides = array<i32>} : memref<1024xf32, #tpu.memory_space<vmem>>, vector<16xf32>,
      %add3A_822 = arith.constant 8 : i32
      %add3A_823 = arith.addi %add3A_675, %add3A_822 : i32
      %mul3A_824 = arith.constant 8 : i32
      %mul3A_825 = arith.muli %add3A_823, %mul3A_824 : i32
      %dma_start3A_826 = arith.constant 0 : i32
      %dma_start3A_827 = arith.constant 0 : i32
      %dma_start3A_828 = arith.constant 0 : i32
      %dma_start3A_829 = tpu.memref_slice %arg10[%dma_start3A_826, %dma_start3A_827, %dma_start3A_828] : memref<8x8x1024xf32, #tpu.memory_space<vmem>> -> memref<1x8x1024xf32, #tpu.memory_space<vmem>>
      %dma_start3A_830 = tpu.memref_squeeze %dma_start3A_829 : memref<1x8x1024xf32, #tpu.memory_space<vmem>> -> memref<8x1024xf32, #tpu.memory_space<vmem>>
      %dma_start3A_831 = tpu.memref_slice %arg9[%mul3A_825] : memref<1024xi32, #tpu.memory_space<vmem>> -> memref<8xi32, #tpu.memory_space<vmem>>
      %dma_start3A_832 = arith.constant 0 : i32
      %dma_start3A_833 = arith.constant 0 : i32
      %dma_start3A_834 = tpu.memref_slice %arg3[%dma_start3A_832, %dma_start3A_833] : memref<100001x1024xf32, #tpu.memory_space<hbm>> -> memref<100001x1024xf32, #tpu.memory_space<hbm>>
      tpu.enqueue_indirect_dma source(%dma_start3A_834 : memref<100001x1024xf32, #tpu.memory_space<hbm>>) target(%dma_start3A_830 : memref<8x1024xf32, #tpu.memory_space<vmem>>) offsets(%dma_start3A_831 : memref<8xi32, #tpu.memory_space<vmem>>) semaphore(%arg18 : memref<!tpu.dma_semaphore, #tpu.memory_space<semaphore_mem>>)
      %add3A_835 = arith.constant 1 : i32
      %add3A_836 = arith.addi %add3A_675, %add3A_835 : i32
      %add3A_837 = arith.constant 8 : i32
      %add3A_838 = arith.addi %add3A_836, %add3A_837 : i32
      %mul3A_839 = arith.constant 8 : i32
      %mul3A_840 = arith.muli %add3A_838, %mul3A_839 : i32
      %dma_start3A_841 = arith.constant 1 : i32
      %dma_start3A_842 = arith.constant 0 : i32
      %dma_start3A_843 = arith.constant 0 : i32
      %dma_start3A_844 = tpu.memref_slice %arg10[%dma_start3A_841, %dma_start3A_842, %dma_start3A_843] : memref<8x8x1024xf32, #tpu.memory_space<vmem>> -> memref<1x8x1024xf32, #tpu.memory_space<vmem>>
      %dma_start3A_845 = tpu.memref_squeeze %dma_start3A_844 : memref<1x8x1024xf32, #tpu.memory_space<vmem>> -> memref<8x1024xf32, #tpu.memory_space<vmem>>
      %dma_start3A_846 = tpu.memref_slice %arg9[%mul3A_840] : memref<1024xi32, #tpu.memory_space<vmem>> -> memref<8xi32, #tpu.memory_space<vmem>>
      %dma_start3A_847 = arith.constant 0 : i32
      %dma_start3A_848 = arith.constant 0 : i32
      %dma_start3A_849 = tpu.memref_slice %arg3[%dma_start3A_847, %dma_start3A_848] : memref<100001x1024xf32, #tpu.memory_space<hbm>> -> memref<100001x1024xf32, #tpu.memory_space<hbm>>
      tpu.enqueue_indirect_dma source(%dma_start3A_849 : memref<100001x1024xf32, #tpu.memory_space<hbm>>) target(%dma_start3A_845 : memref<8x1024xf32, #tpu.memory_space<vmem>>) offsets(%dma_start3A_846 : memref<8xi32, #tpu.memory_space<vmem>>) semaphore(%arg19 : memref<!tpu.dma_semaphore, #tpu.memory_space<semaphore_mem>>)
      %mul3A_850 = arith.constant 8 : i32
      %mul3A_851 = arith.muli %mul3A_850, %scan3A_670 : i32
      %add3A_852 = arith.constant 2 : i32
      %add3A_853 = arith.addi %mul3A_851, %add3A_852 : i32
      %mul3A_854 = arith.constant 8 : i32
      %mul3A_855 = arith.muli %add3A_853, %mul3A_854 : i32
      %dma_wait3A_856 = arith.constant 2 : i32
      %dma_wait3A_857 = arith.constant 0 : i32
      %dma_wait3A_858 = arith.constant 0 : i32
      %dma_wait3A_859 = tpu.memref_slice %arg10[%dma_wait3A_856, %dma_wait3A_857, %dma_wait3A_858] : memref<8x8x1024xf32, #tpu.memory_space<vmem>> -> memref<1x8x1024xf32, #tpu.memory_space<vmem>>
      %dma_wait3A_860 = tpu.memref_squeeze %dma_wait3A_859 : memref<1x8x1024xf32, #tpu.memory_space<vmem>> -> memref<8x1024xf32, #tpu.memory_space<vmem>>
      %dma_wait3A_861 = tpu.memref_slice %arg9[%mul3A_855] : memref<1024xi32, #tpu.memory_space<vmem>> -> memref<8xi32, #tpu.memory_space<vmem>>
      %dma_wait3A_862 = arith.constant 0 : i32
      %dma_wait3A_863 = arith.constant 0 : i32
      %dma_wait3A_864 = tpu.memref_slice %arg3[%dma_wait3A_862, %dma_wait3A_863] : memref<100001x1024xf32, #tpu.memory_space<hbm>> -> memref<100001x1024xf32, #tpu.memory_space<hbm>>
      tpu.wait_indirect_dma semaphore(%arg20 : memref<!tpu.dma_semaphore, #tpu.memory_space<semaphore_mem>>) src(%dma_wait3A_864 : memref<100001x1024xf32, #tpu.memory_space<hbm>>) dst(%dma_wait3A_860 : memref<8x1024xf32, #tpu.memory_space<vmem>>)
      %add3A_865 = arith.constant 1 : i32
      %add3A_866 = arith.addi %add3A_853, %add3A_865 : i32
      %mul3A_867 = arith.constant 8 : i32
      %mul3A_868 = arith.muli %add3A_866, %mul3A_867 : i32
      %dma_wait3A_869 = arith.constant 3 : i32
      %dma_wait3A_870 = arith.constant 0 : i32
      %dma_wait3A_871 = arith.constant 0 : i32
      %dma_wait3A_872 = tpu.memref_slice %arg10[%dma_wait3A_869, %dma_wait3A_870, %dma_wait3A_871] : memref<8x8x1024xf32, #tpu.memory_space<vmem>> -> memref<1x8x1024xf32, #tpu.memory_space<vmem>>
      %dma_wait3A_873 = tpu.memref_squeeze %dma_wait3A_872 : memref<1x8x1024xf32, #tpu.memory_space<vmem>> -> memref<8x1024xf32, #tpu.memory_space<vmem>>
      %dma_wait3A_874 = tpu.memref_slice %arg9[%mul3A_868] : memref<1024xi32, #tpu.memory_space<vmem>> -> memref<8xi32, #tpu.memory_space<vmem>>
      %dma_wait3A_875 = arith.constant 0 : i32
      %dma_wait3A_876 = arith.constant 0 : i32
      %dma_wait3A_877 = tpu.memref_slice %arg3[%dma_wait3A_875, %dma_wait3A_876] : memref<100001x1024xf32, #tpu.memory_space<hbm>> -> memref<100001x1024xf32, #tpu.memory_space<hbm>>
      tpu.wait_indirect_dma semaphore(%arg21 : memref<!tpu.dma_semaphore, #tpu.memory_space<semaphore_mem>>) src(%dma_wait3A_877 : memref<100001x1024xf32, #tpu.memory_space<hbm>>) dst(%dma_wait3A_873 : memref<8x1024xf32, #tpu.memory_space<vmem>>)
      %broadcast_in_dim3A_878 = arith.constant 0.000000e+00 : f32
      %broadcast_in_dim3A_879 = vector.broadcast %broadcast_in_dim3A_878 : f32 to vector<16xf32>
      %parallel_loop3A_880 = arith.constant 0 : i32
      %parallel_loop3A_881 = arith.constant 64 : i32
      %parallel_loop3A_882 = arith.constant 1 : i32
      %parallel_loop3A_883:16 = scf.for %parallel_loop3A_1385 = %parallel_loop3A_880 to %parallel_loop3A_881 step %parallel_loop3A_882 iter_args(%parallel_loop3A_1386 = %broadcast_in_dim3A_879, %parallel_loop3A_1387 = %broadcast_in_dim3A_879, %parallel_loop3A_1388 = %broadcast_in_dim3A_879, %parallel_loop3A_1389 = %broadcast_in_dim3A_879, %parallel_loop3A_1390 = %broadcast_in_dim3A_879, %parallel_loop3A_1391 = %broadcast_in_dim3A_879, %parallel_loop3A_1392 = %broadcast_in_dim3A_879, %parallel_loop3A_1393 = %broadcast_in_dim3A_879, %parallel_loop3A_1394 = %broadcast_in_dim3A_879, %parallel_loop3A_1395 = %broadcast_in_dim3A_879, %parallel_loop3A_1396 = %broadcast_in_dim3A_879, %parallel_loop3A_1397 = %broadcast_in_dim3A_879, %parallel_loop3A_1398 = %broadcast_in_dim3A_879, %parallel_loop3A_1399 = %broadcast_in_dim3A_879, %parallel_loop3A_1400 = %broadcast_in_dim3A_879, %parallel_loop3A_1401 = %broadcast_in_dim3A_879) -> (vector<16xf32>, vector<16xf32>, vector<16xf32>, vector<16xf32>, vector<16xf32>, vector<16xf32>, vector<16xf32>, vector<16xf32>, vector<16xf32>, vector<16xf32>, vector<16xf32>, vector<16xf32>, vector<16xf32>, vector<16xf32>, vector<16xf32>, vector<16xf32>)  : i32 {
        %parallel_loop3A_1402 = arith.constant 16 : i32
        %parallel_loop3A_1403 = arith.muli %parallel_loop3A_1385, %parallel_loop3A_1402 : i32
        %parallel_loop3A_1404 = arith.constant 0 : i32
        %parallel_loop3A_1405 = arith.index_cast %parallel_loop3A_1404 : i32 to index
        %parallel_loop3A_1406 = arith.index_cast %parallel_loop3A_1403 : i32 to index
        %parallel_loop3A_1407 = tpu.vector_load %arg11[%parallel_loop3A_1405, %parallel_loop3A_1406] {strides = array<i32>} : memref<2x2048xf32, #tpu.memory_space<vmem>>, vector<16xf32>,
        %parallel_loop3A_1408 = arith.constant 1 : i32
        %parallel_loop3A_1409 = arith.index_cast %parallel_loop3A_1408 : i32 to index
        %parallel_loop3A_1410 = arith.index_cast %parallel_loop3A_1403 : i32 to index
        %parallel_loop3A_1411 = tpu.vector_load %arg11[%parallel_loop3A_1409, %parallel_loop3A_1410] {strides = array<i32>} : memref<2x2048xf32, #tpu.memory_space<vmem>>, vector<16xf32>,
        %parallel_loop3A_1412 = arith.constant 1024 : i32
        %parallel_loop3A_1413 = arith.addi %parallel_loop3A_1412, %parallel_loop3A_1403 : i32
        %parallel_loop3A_1414 = arith.constant 0 : i32
        %parallel_loop3A_1415 = arith.index_cast %parallel_loop3A_1414 : i32 to index
        %parallel_loop3A_1416 = arith.index_cast %parallel_loop3A_1413 : i32 to index
        %parallel_loop3A_1417 = tpu.vector_load %arg11[%parallel_loop3A_1415, %parallel_loop3A_1416] {strides = array<i32>} : memref<2x2048xf32, #tpu.memory_space<vmem>>, vector<16xf32>,
        %parallel_loop3A_1418 = arith.constant 1024 : i32
        %parallel_loop3A_1419 = arith.addi %parallel_loop3A_1418, %parallel_loop3A_1403 : i32
        %parallel_loop3A_1420 = arith.constant 1 : i32
        %parallel_loop3A_1421 = arith.index_cast %parallel_loop3A_1420 : i32 to index
        %parallel_loop3A_1422 = arith.index_cast %parallel_loop3A_1419 : i32 to index
        %parallel_loop3A_1423 = tpu.vector_load %arg11[%parallel_loop3A_1421, %parallel_loop3A_1422] {strides = array<i32>} : memref<2x2048xf32, #tpu.memory_space<vmem>>, vector<16xf32>,
        %parallel_loop3A_1424 = arith.constant 2 : i32
        %parallel_loop3A_1425 = arith.constant 0 : i32
        %parallel_loop3A_1426 = arith.index_cast %parallel_loop3A_1424 : i32 to index
        %parallel_loop3A_1427 = arith.index_cast %parallel_loop3A_1425 : i32 to index
        %parallel_loop3A_1428 = arith.index_cast %parallel_loop3A_1403 : i32 to index
        %parallel_loop3A_1429 = tpu.vector_load %arg10[%parallel_loop3A_1426, %parallel_loop3A_1427, %parallel_loop3A_1428] {strides = array<i32>} : memref<8x8x1024xf32, #tpu.memory_space<vmem>>, vector<16xf32>,
        %parallel_loop3A_1430 = arith.constant 2 : i32
        %parallel_loop3A_1431 = arith.constant 1 : i32
        %parallel_loop3A_1432 = arith.index_cast %parallel_loop3A_1430 : i32 to index
        %parallel_loop3A_1433 = arith.index_cast %parallel_loop3A_1431 : i32 to index
        %parallel_loop3A_1434 = arith.index_cast %parallel_loop3A_1403 : i32 to index
        %parallel_loop3A_1435 = tpu.vector_load %arg10[%parallel_loop3A_1432, %parallel_loop3A_1433, %parallel_loop3A_1434] {strides = array<i32>} : memref<8x8x1024xf32, #tpu.memory_space<vmem>>, vector<16xf32>,
        %parallel_loop3A_1436 = arith.mulf %parallel_loop3A_1429, %parallel_loop3A_1407 : vector<16xf32>
        %parallel_loop3A_1437 = arith.addf %parallel_loop3A_1386, %parallel_loop3A_1436 : vector<16xf32>
        %parallel_loop3A_1438 = arith.mulf %parallel_loop3A_1435, %parallel_loop3A_1417 : vector<16xf32>
        %parallel_loop3A_1439 = arith.addf %parallel_loop3A_1437, %parallel_loop3A_1438 : vector<16xf32>
        %parallel_loop3A_1440 = arith.mulf %parallel_loop3A_1429, %parallel_loop3A_1411 : vector<16xf32>
        %parallel_loop3A_1441 = arith.addf %parallel_loop3A_1387, %parallel_loop3A_1440 : vector<16xf32>
        %parallel_loop3A_1442 = arith.mulf %parallel_loop3A_1435, %parallel_loop3A_1423 : vector<16xf32>
        %parallel_loop3A_1443 = arith.addf %parallel_loop3A_1441, %parallel_loop3A_1442 : vector<16xf32>
        %parallel_loop3A_1444 = arith.constant 2 : i32
        %parallel_loop3A_1445 = arith.constant 2 : i32
        %parallel_loop3A_1446 = arith.index_cast %parallel_loop3A_1444 : i32 to index
        %parallel_loop3A_1447 = arith.index_cast %parallel_loop3A_1445 : i32 to index
        %parallel_loop3A_1448 = arith.index_cast %parallel_loop3A_1403 : i32 to index
        %parallel_loop3A_1449 = tpu.vector_load %arg10[%parallel_loop3A_1446, %parallel_loop3A_1447, %parallel_loop3A_1448] {strides = array<i32>} : memref<8x8x1024xf32, #tpu.memory_space<vmem>>, vector<16xf32>,
        %parallel_loop3A_1450 = arith.constant 2 : i32
        %parallel_loop3A_1451 = arith.constant 3 : i32
        %parallel_loop3A_1452 = arith.index_cast %parallel_loop3A_1450 : i32 to index
        %parallel_loop3A_1453 = arith.index_cast %parallel_loop3A_1451 : i32 to index
        %parallel_loop3A_1454 = arith.index_cast %parallel_loop3A_1403 : i32 to index
        %parallel_loop3A_1455 = tpu.vector_load %arg10[%parallel_loop3A_1452, %parallel_loop3A_1453, %parallel_loop3A_1454] {strides = array<i32>} : memref<8x8x1024xf32, #tpu.memory_space<vmem>>, vector<16xf32>,
        %parallel_loop3A_1456 = arith.mulf %parallel_loop3A_1449, %parallel_loop3A_1407 : vector<16xf32>
        %parallel_loop3A_1457 = arith.addf %parallel_loop3A_1388, %parallel_loop3A_1456 : vector<16xf32>
        %parallel_loop3A_1458 = arith.mulf %parallel_loop3A_1455, %parallel_loop3A_1417 : vector<16xf32>
        %parallel_loop3A_1459 = arith.addf %parallel_loop3A_1457, %parallel_loop3A_1458 : vector<16xf32>
        %parallel_loop3A_1460 = arith.mulf %parallel_loop3A_1449, %parallel_loop3A_1411 : vector<16xf32>
        %parallel_loop3A_1461 = arith.addf %parallel_loop3A_1389, %parallel_loop3A_1460 : vector<16xf32>
        %parallel_loop3A_1462 = arith.mulf %parallel_loop3A_1455, %parallel_loop3A_1423 : vector<16xf32>
        %parallel_loop3A_1463 = arith.addf %parallel_loop3A_1461, %parallel_loop3A_1462 : vector<16xf32>
        %parallel_loop3A_1464 = arith.constant 2 : i32
        %parallel_loop3A_1465 = arith.constant 4 : i32
        %parallel_loop3A_1466 = arith.index_cast %parallel_loop3A_1464 : i32 to index
        %parallel_loop3A_1467 = arith.index_cast %parallel_loop3A_1465 : i32 to index
        %parallel_loop3A_1468 = arith.index_cast %parallel_loop3A_1403 : i32 to index
        %parallel_loop3A_1469 = tpu.vector_load %arg10[%parallel_loop3A_1466, %parallel_loop3A_1467, %parallel_loop3A_1468] {strides = array<i32>} : memref<8x8x1024xf32, #tpu.memory_space<vmem>>, vector<16xf32>,
        %parallel_loop3A_1470 = arith.constant 2 : i32
        %parallel_loop3A_1471 = arith.constant 5 : i32
        %parallel_loop3A_1472 = arith.index_cast %parallel_loop3A_1470 : i32 to index
        %parallel_loop3A_1473 = arith.index_cast %parallel_loop3A_1471 : i32 to index
        %parallel_loop3A_1474 = arith.index_cast %parallel_loop3A_1403 : i32 to index
        %parallel_loop3A_1475 = tpu.vector_load %arg10[%parallel_loop3A_1472, %parallel_loop3A_1473, %parallel_loop3A_1474] {strides = array<i32>} : memref<8x8x1024xf32, #tpu.memory_space<vmem>>, vector<16xf32>,
        %parallel_loop3A_1476 = arith.mulf %parallel_loop3A_1469, %parallel_loop3A_1407 : vector<16xf32>
        %parallel_loop3A_1477 = arith.addf %parallel_loop3A_1390, %parallel_loop3A_1476 : vector<16xf32>
        %parallel_loop3A_1478 = arith.mulf %parallel_loop3A_1475, %parallel_loop3A_1417 : vector<16xf32>
        %parallel_loop3A_1479 = arith.addf %parallel_loop3A_1477, %parallel_loop3A_1478 : vector<16xf32>
        %parallel_loop3A_1480 = arith.mulf %parallel_loop3A_1469, %parallel_loop3A_1411 : vector<16xf32>
        %parallel_loop3A_1481 = arith.addf %parallel_loop3A_1391, %parallel_loop3A_1480 : vector<16xf32>
        %parallel_loop3A_1482 = arith.mulf %parallel_loop3A_1475, %parallel_loop3A_1423 : vector<16xf32>
        %parallel_loop3A_1483 = arith.addf %parallel_loop3A_1481, %parallel_loop3A_1482 : vector<16xf32>
        %parallel_loop3A_1484 = arith.constant 2 : i32
        %parallel_loop3A_1485 = arith.constant 6 : i32
        %parallel_loop3A_1486 = arith.index_cast %parallel_loop3A_1484 : i32 to index
        %parallel_loop3A_1487 = arith.index_cast %parallel_loop3A_1485 : i32 to index
        %parallel_loop3A_1488 = arith.index_cast %parallel_loop3A_1403 : i32 to index
        %parallel_loop3A_1489 = tpu.vector_load %arg10[%parallel_loop3A_1486, %parallel_loop3A_1487, %parallel_loop3A_1488] {strides = array<i32>} : memref<8x8x1024xf32, #tpu.memory_space<vmem>>, vector<16xf32>,
        %parallel_loop3A_1490 = arith.constant 2 : i32
        %parallel_loop3A_1491 = arith.constant 7 : i32
        %parallel_loop3A_1492 = arith.index_cast %parallel_loop3A_1490 : i32 to index
        %parallel_loop3A_1493 = arith.index_cast %parallel_loop3A_1491 : i32 to index
        %parallel_loop3A_1494 = arith.index_cast %parallel_loop3A_1403 : i32 to index
        %parallel_loop3A_1495 = tpu.vector_load %arg10[%parallel_loop3A_1492, %parallel_loop3A_1493, %parallel_loop3A_1494] {strides = array<i32>} : memref<8x8x1024xf32, #tpu.memory_space<vmem>>, vector<16xf32>,
        %parallel_loop3A_1496 = arith.mulf %parallel_loop3A_1489, %parallel_loop3A_1407 : vector<16xf32>
        %parallel_loop3A_1497 = arith.addf %parallel_loop3A_1392, %parallel_loop3A_1496 : vector<16xf32>
        %parallel_loop3A_1498 = arith.mulf %parallel_loop3A_1495, %parallel_loop3A_1417 : vector<16xf32>
        %parallel_loop3A_1499 = arith.addf %parallel_loop3A_1497, %parallel_loop3A_1498 : vector<16xf32>
        %parallel_loop3A_1500 = arith.mulf %parallel_loop3A_1489, %parallel_loop3A_1411 : vector<16xf32>
        %parallel_loop3A_1501 = arith.addf %parallel_loop3A_1393, %parallel_loop3A_1500 : vector<16xf32>
        %parallel_loop3A_1502 = arith.mulf %parallel_loop3A_1495, %parallel_loop3A_1423 : vector<16xf32>
        %parallel_loop3A_1503 = arith.addf %parallel_loop3A_1501, %parallel_loop3A_1502 : vector<16xf32>
        %parallel_loop3A_1504 = arith.constant 3 : i32
        %parallel_loop3A_1505 = arith.constant 0 : i32
        %parallel_loop3A_1506 = arith.index_cast %parallel_loop3A_1504 : i32 to index
        %parallel_loop3A_1507 = arith.index_cast %parallel_loop3A_1505 : i32 to index
        %parallel_loop3A_1508 = arith.index_cast %parallel_loop3A_1403 : i32 to index
        %parallel_loop3A_1509 = tpu.vector_load %arg10[%parallel_loop3A_1506, %parallel_loop3A_1507, %parallel_loop3A_1508] {strides = array<i32>} : memref<8x8x1024xf32, #tpu.memory_space<vmem>>, vector<16xf32>,
        %parallel_loop3A_1510 = arith.constant 3 : i32
        %parallel_loop3A_1511 = arith.constant 1 : i32
        %parallel_loop3A_1512 = arith.index_cast %parallel_loop3A_1510 : i32 to index
        %parallel_loop3A_1513 = arith.index_cast %parallel_loop3A_1511 : i32 to index
        %parallel_loop3A_1514 = arith.index_cast %parallel_loop3A_1403 : i32 to index
        %parallel_loop3A_1515 = tpu.vector_load %arg10[%parallel_loop3A_1512, %parallel_loop3A_1513, %parallel_loop3A_1514] {strides = array<i32>} : memref<8x8x1024xf32, #tpu.memory_space<vmem>>, vector<16xf32>,
        %parallel_loop3A_1516 = arith.mulf %parallel_loop3A_1509, %parallel_loop3A_1407 : vector<16xf32>
        %parallel_loop3A_1517 = arith.addf %parallel_loop3A_1394, %parallel_loop3A_1516 : vector<16xf32>
        %parallel_loop3A_1518 = arith.mulf %parallel_loop3A_1515, %parallel_loop3A_1417 : vector<16xf32>
        %parallel_loop3A_1519 = arith.addf %parallel_loop3A_1517, %parallel_loop3A_1518 : vector<16xf32>
        %parallel_loop3A_1520 = arith.mulf %parallel_loop3A_1509, %parallel_loop3A_1411 : vector<16xf32>
        %parallel_loop3A_1521 = arith.addf %parallel_loop3A_1395, %parallel_loop3A_1520 : vector<16xf32>
        %parallel_loop3A_1522 = arith.mulf %parallel_loop3A_1515, %parallel_loop3A_1423 : vector<16xf32>
        %parallel_loop3A_1523 = arith.addf %parallel_loop3A_1521, %parallel_loop3A_1522 : vector<16xf32>
        %parallel_loop3A_1524 = arith.constant 3 : i32
        %parallel_loop3A_1525 = arith.constant 2 : i32
        %parallel_loop3A_1526 = arith.index_cast %parallel_loop3A_1524 : i32 to index
        %parallel_loop3A_1527 = arith.index_cast %parallel_loop3A_1525 : i32 to index
        %parallel_loop3A_1528 = arith.index_cast %parallel_loop3A_1403 : i32 to index
        %parallel_loop3A_1529 = tpu.vector_load %arg10[%parallel_loop3A_1526, %parallel_loop3A_1527, %parallel_loop3A_1528] {strides = array<i32>} : memref<8x8x1024xf32, #tpu.memory_space<vmem>>, vector<16xf32>,
        %parallel_loop3A_1530 = arith.constant 3 : i32
        %parallel_loop3A_1531 = arith.constant 3 : i32
        %parallel_loop3A_1532 = arith.index_cast %parallel_loop3A_1530 : i32 to index
        %parallel_loop3A_1533 = arith.index_cast %parallel_loop3A_1531 : i32 to index
        %parallel_loop3A_1534 = arith.index_cast %parallel_loop3A_1403 : i32 to index
        %parallel_loop3A_1535 = tpu.vector_load %arg10[%parallel_loop3A_1532, %parallel_loop3A_1533, %parallel_loop3A_1534] {strides = array<i32>} : memref<8x8x1024xf32, #tpu.memory_space<vmem>>, vector<16xf32>,
        %parallel_loop3A_1536 = arith.mulf %parallel_loop3A_1529, %parallel_loop3A_1407 : vector<16xf32>
        %parallel_loop3A_1537 = arith.addf %parallel_loop3A_1396, %parallel_loop3A_1536 : vector<16xf32>
        %parallel_loop3A_1538 = arith.mulf %parallel_loop3A_1535, %parallel_loop3A_1417 : vector<16xf32>
        %parallel_loop3A_1539 = arith.addf %parallel_loop3A_1537, %parallel_loop3A_1538 : vector<16xf32>
        %parallel_loop3A_1540 = arith.mulf %parallel_loop3A_1529, %parallel_loop3A_1411 : vector<16xf32>
        %parallel_loop3A_1541 = arith.addf %parallel_loop3A_1397, %parallel_loop3A_1540 : vector<16xf32>
        %parallel_loop3A_1542 = arith.mulf %parallel_loop3A_1535, %parallel_loop3A_1423 : vector<16xf32>
        %parallel_loop3A_1543 = arith.addf %parallel_loop3A_1541, %parallel_loop3A_1542 : vector<16xf32>
        %parallel_loop3A_1544 = arith.constant 3 : i32
        %parallel_loop3A_1545 = arith.constant 4 : i32
        %parallel_loop3A_1546 = arith.index_cast %parallel_loop3A_1544 : i32 to index
        %parallel_loop3A_1547 = arith.index_cast %parallel_loop3A_1545 : i32 to index
        %parallel_loop3A_1548 = arith.index_cast %parallel_loop3A_1403 : i32 to index
        %parallel_loop3A_1549 = tpu.vector_load %arg10[%parallel_loop3A_1546, %parallel_loop3A_1547, %parallel_loop3A_1548] {strides = array<i32>} : memref<8x8x1024xf32, #tpu.memory_space<vmem>>, vector<16xf32>,
        %parallel_loop3A_1550 = arith.constant 3 : i32
        %parallel_loop3A_1551 = arith.constant 5 : i32
        %parallel_loop3A_1552 = arith.index_cast %parallel_loop3A_1550 : i32 to index
        %parallel_loop3A_1553 = arith.index_cast %parallel_loop3A_1551 : i32 to index
        %parallel_loop3A_1554 = arith.index_cast %parallel_loop3A_1403 : i32 to index
        %parallel_loop3A_1555 = tpu.vector_load %arg10[%parallel_loop3A_1552, %parallel_loop3A_1553, %parallel_loop3A_1554] {strides = array<i32>} : memref<8x8x1024xf32, #tpu.memory_space<vmem>>, vector<16xf32>,
        %parallel_loop3A_1556 = arith.mulf %parallel_loop3A_1549, %parallel_loop3A_1407 : vector<16xf32>
        %parallel_loop3A_1557 = arith.addf %parallel_loop3A_1398, %parallel_loop3A_1556 : vector<16xf32>
        %parallel_loop3A_1558 = arith.mulf %parallel_loop3A_1555, %parallel_loop3A_1417 : vector<16xf32>
        %parallel_loop3A_1559 = arith.addf %parallel_loop3A_1557, %parallel_loop3A_1558 : vector<16xf32>
        %parallel_loop3A_1560 = arith.mulf %parallel_loop3A_1549, %parallel_loop3A_1411 : vector<16xf32>
        %parallel_loop3A_1561 = arith.addf %parallel_loop3A_1399, %parallel_loop3A_1560 : vector<16xf32>
        %parallel_loop3A_1562 = arith.mulf %parallel_loop3A_1555, %parallel_loop3A_1423 : vector<16xf32>
        %parallel_loop3A_1563 = arith.addf %parallel_loop3A_1561, %parallel_loop3A_1562 : vector<16xf32>
        %parallel_loop3A_1564 = arith.constant 3 : i32
        %parallel_loop3A_1565 = arith.constant 6 : i32
        %parallel_loop3A_1566 = arith.index_cast %parallel_loop3A_1564 : i32 to index
        %parallel_loop3A_1567 = arith.index_cast %parallel_loop3A_1565 : i32 to index
        %parallel_loop3A_1568 = arith.index_cast %parallel_loop3A_1403 : i32 to index
        %parallel_loop3A_1569 = tpu.vector_load %arg10[%parallel_loop3A_1566, %parallel_loop3A_1567, %parallel_loop3A_1568] {strides = array<i32>} : memref<8x8x1024xf32, #tpu.memory_space<vmem>>, vector<16xf32>,
        %parallel_loop3A_1570 = arith.constant 3 : i32
        %parallel_loop3A_1571 = arith.constant 7 : i32
        %parallel_loop3A_1572 = arith.index_cast %parallel_loop3A_1570 : i32 to index
        %parallel_loop3A_1573 = arith.index_cast %parallel_loop3A_1571 : i32 to index
        %parallel_loop3A_1574 = arith.index_cast %parallel_loop3A_1403 : i32 to index
        %parallel_loop3A_1575 = tpu.vector_load %arg10[%parallel_loop3A_1572, %parallel_loop3A_1573, %parallel_loop3A_1574] {strides = array<i32>} : memref<8x8x1024xf32, #tpu.memory_space<vmem>>, vector<16xf32>,
        %parallel_loop3A_1576 = arith.mulf %parallel_loop3A_1569, %parallel_loop3A_1407 : vector<16xf32>
        %parallel_loop3A_1577 = arith.addf %parallel_loop3A_1400, %parallel_loop3A_1576 : vector<16xf32>
        %parallel_loop3A_1578 = arith.mulf %parallel_loop3A_1575, %parallel_loop3A_1417 : vector<16xf32>
        %parallel_loop3A_1579 = arith.addf %parallel_loop3A_1577, %parallel_loop3A_1578 : vector<16xf32>
        %parallel_loop3A_1580 = arith.mulf %parallel_loop3A_1569, %parallel_loop3A_1411 : vector<16xf32>
        %parallel_loop3A_1581 = arith.addf %parallel_loop3A_1401, %parallel_loop3A_1580 : vector<16xf32>
        %parallel_loop3A_1582 = arith.mulf %parallel_loop3A_1575, %parallel_loop3A_1423 : vector<16xf32>
        %parallel_loop3A_1583 = arith.addf %parallel_loop3A_1581, %parallel_loop3A_1582 : vector<16xf32>
        scf.yield %parallel_loop3A_1439, %parallel_loop3A_1443, %parallel_loop3A_1459, %parallel_loop3A_1463, %parallel_loop3A_1479, %parallel_loop3A_1483, %parallel_loop3A_1499, %parallel_loop3A_1503, %parallel_loop3A_1519, %parallel_loop3A_1523, %parallel_loop3A_1539, %parallel_loop3A_1543, %parallel_loop3A_1559, %parallel_loop3A_1563, %parallel_loop3A_1579, %parallel_loop3A_1583 : vector<16xf32>, vector<16xf32>, vector<16xf32>, vector<16xf32>, vector<16xf32>, vector<16xf32>, vector<16xf32>, vector<16xf32>, vector<16xf32>, vector<16xf32>, vector<16xf32>, vector<16xf32>, vector<16xf32>, vector<16xf32>, vector<16xf32>, vector<16xf32>
      } {sc.loop_unroll_factor = 1 : i64, sc.parallel_access}
      %swap3A_884 = arith.constant 0 : index
      %swap3A_885 = tpu.vector_load %arg16[%swap3A_884] {strides = array<i32>} : memref<256xf32, #tpu.memory_space<vmem>>, vector<16xf32>,
      tpu.vector_store %arg16[%swap3A_884], %parallel_loop3A_883#0 {strides = array<i32>} : memref<256xf32, #tpu.memory_space<vmem>>, vector<16xf32>,
      %swap3A_886 = arith.constant 16 : index
      %swap3A_887 = tpu.vector_load %arg16[%swap3A_886] {strides = array<i32>} : memref<256xf32, #tpu.memory_space<vmem>>, vector<16xf32>,
      tpu.vector_store %arg16[%swap3A_886], %parallel_loop3A_883#1 {strides = array<i32>} : memref<256xf32, #tpu.memory_space<vmem>>, vector<16xf32>,
      %swap3A_888 = arith.constant 32 : index
      %swap3A_889 = tpu.vector_load %arg16[%swap3A_888] {strides = array<i32>} : memref<256xf32, #tpu.memory_space<vmem>>, vector<16xf32>,
      tpu.vector_store %arg16[%swap3A_888], %parallel_loop3A_883#2 {strides = array<i32>} : memref<256xf32, #tpu.memory_space<vmem>>, vector<16xf32>,
      %swap3A_890 = arith.constant 48 : index
      %swap3A_891 = tpu.vector_load %arg16[%swap3A_890] {strides = array<i32>} : memref<256xf32, #tpu.memory_space<vmem>>, vector<16xf32>,
      tpu.vector_store %arg16[%swap3A_890], %parallel_loop3A_883#3 {strides = array<i32>} : memref<256xf32, #tpu.memory_space<vmem>>, vector<16xf32>,
      %swap3A_892 = arith.constant 64 : index
      %swap3A_893 = tpu.vector_load %arg16[%swap3A_892] {strides = array<i32>} : memref<256xf32, #tpu.memory_space<vmem>>, vector<16xf32>,
      tpu.vector_store %arg16[%swap3A_892], %parallel_loop3A_883#4 {strides = array<i32>} : memref<256xf32, #tpu.memory_space<vmem>>, vector<16xf32>,
      %swap3A_894 = arith.constant 80 : index
      %swap3A_895 = tpu.vector_load %arg16[%swap3A_894] {strides = array<i32>} : memref<256xf32, #tpu.memory_space<vmem>>, vector<16xf32>,
      tpu.vector_store %arg16[%swap3A_894], %parallel_loop3A_883#5 {strides = array<i32>} : memref<256xf32, #tpu.memory_space<vmem>>, vector<16xf32>,
      %swap3A_896 = arith.constant 96 : index
      %swap3A_897 = tpu.vector_load %arg16[%swap3A_896] {strides = array<i32>} : memref<256xf32, #tpu.memory_space<vmem>>, vector<16xf32>,
      tpu.vector_store %arg16[%swap3A_896], %parallel_loop3A_883#6 {strides = array<i32>} : memref<256xf32, #tpu.memory_space<vmem>>, vector<16xf32>,
      %swap3A_898 = arith.constant 112 : index
      %swap3A_899 = tpu.vector_load %arg16[%swap3A_898] {strides = array<i32>} : memref<256xf32, #tpu.memory_space<vmem>>, vector<16xf32>,
      tpu.vector_store %arg16[%swap3A_898], %parallel_loop3A_883#7 {strides = array<i32>} : memref<256xf32, #tpu.memory_space<vmem>>, vector<16xf32>,
      %swap3A_900 = arith.constant 128 : index
      %swap3A_901 = tpu.vector_load %arg16[%swap3A_900] {strides = array<i32>} : memref<256xf32, #tpu.memory_space<vmem>>, vector<16xf32>,
      tpu.vector_store %arg16[%swap3A_900], %parallel_loop3A_883#8 {strides = array<i32>} : memref<256xf32, #tpu.memory_space<vmem>>, vector<16xf32>,
      %swap3A_902 = arith.constant 144 : index
      %swap3A_903 = tpu.vector_load %arg16[%swap3A_902] {strides = array<i32>} : memref<256xf32, #tpu.memory_space<vmem>>, vector<16xf32>,
      tpu.vector_store %arg16[%swap3A_902], %parallel_loop3A_883#9 {strides = array<i32>} : memref<256xf32, #tpu.memory_space<vmem>>, vector<16xf32>,
      %swap3A_904 = arith.constant 160 : index
      %swap3A_905 = tpu.vector_load %arg16[%swap3A_904] {strides = array<i32>} : memref<256xf32, #tpu.memory_space<vmem>>, vector<16xf32>,
      tpu.vector_store %arg16[%swap3A_904], %parallel_loop3A_883#10 {strides = array<i32>} : memref<256xf32, #tpu.memory_space<vmem>>, vector<16xf32>,
      %swap3A_906 = arith.constant 176 : index
      %swap3A_907 = tpu.vector_load %arg16[%swap3A_906] {strides = array<i32>} : memref<256xf32, #tpu.memory_space<vmem>>, vector<16xf32>,
      tpu.vector_store %arg16[%swap3A_906], %parallel_loop3A_883#11 {strides = array<i32>} : memref<256xf32, #tpu.memory_space<vmem>>, vector<16xf32>,
      %swap3A_908 = arith.constant 192 : index
      %swap3A_909 = tpu.vector_load %arg16[%swap3A_908] {strides = array<i32>} : memref<256xf32, #tpu.memory_space<vmem>>, vector<16xf32>,
      tpu.vector_store %arg16[%swap3A_908], %parallel_loop3A_883#12 {strides = array<i32>} : memref<256xf32, #tpu.memory_space<vmem>>, vector<16xf32>,
      %swap3A_910 = arith.constant 208 : index
      %swap3A_911 = tpu.vector_load %arg16[%swap3A_910] {strides = array<i32>} : memref<256xf32, #tpu.memory_space<vmem>>, vector<16xf32>,
      tpu.vector_store %arg16[%swap3A_910], %parallel_loop3A_883#13 {strides = array<i32>} : memref<256xf32, #tpu.memory_space<vmem>>, vector<16xf32>,
      %swap3A_912 = arith.constant 224 : index
      %swap3A_913 = tpu.vector_load %arg16[%swap3A_912] {strides = array<i32>} : memref<256xf32, #tpu.memory_space<vmem>>, vector<16xf32>,
      tpu.vector_store %arg16[%swap3A_912], %parallel_loop3A_883#14 {strides = array<i32>} : memref<256xf32, #tpu.memory_space<vmem>>, vector<16xf32>,
      %swap3A_914 = arith.constant 240 : index
      %swap3A_915 = tpu.vector_load %arg16[%swap3A_914] {strides = array<i32>} : memref<256xf32, #tpu.memory_space<vmem>>, vector<16xf32>,
      tpu.vector_store %arg16[%swap3A_914], %parallel_loop3A_883#15 {strides = array<i32>} : memref<256xf32, #tpu.memory_space<vmem>>, vector<16xf32>,
      %add3A_916 = arith.constant 0 : i32
      %add3A_917 = vector.broadcast %add3A_916 : i32 to vector<16xi32>
      %add3A_918 = arith.addi %mul3A_24, %add3A_917 : vector<16xi32>
      %gather3A_919 = tpu.vector_load_idx %arg16[%add3A_918] : memref<256xf32, #tpu.memory_space<vmem>>[vector<16xi32>], vector<16xf32>,
      %add3A_920 = arith.addf %add3A_21, %gather3A_919 : vector<16xf32>
      %add3A_921 = arith.constant 1 : i32
      %add3A_922 = vector.broadcast %add3A_921 : i32 to vector<16xi32>
      %add3A_923 = arith.addi %mul3A_24, %add3A_922 : vector<16xi32>
      %gather3A_924 = tpu.vector_load_idx %arg16[%add3A_923] : memref<256xf32, #tpu.memory_space<vmem>>[vector<16xi32>], vector<16xf32>,
      %add3A_925 = arith.addf %add3A_920, %gather3A_924 : vector<16xf32>
      %add3A_926 = arith.constant 2 : i32
      %add3A_927 = vector.broadcast %add3A_926 : i32 to vector<16xi32>
      %add3A_928 = arith.addi %mul3A_24, %add3A_927 : vector<16xi32>
      %gather3A_929 = tpu.vector_load_idx %arg16[%add3A_928] : memref<256xf32, #tpu.memory_space<vmem>>[vector<16xi32>], vector<16xf32>,
      %add3A_930 = arith.addf %add3A_925, %gather3A_929 : vector<16xf32>
      %add3A_931 = arith.constant 3 : i32
      %add3A_932 = vector.broadcast %add3A_931 : i32 to vector<16xi32>
      %add3A_933 = arith.addi %mul3A_24, %add3A_932 : vector<16xi32>
      %gather3A_934 = tpu.vector_load_idx %arg16[%add3A_933] : memref<256xf32, #tpu.memory_space<vmem>>[vector<16xi32>], vector<16xf32>,
      %add3A_935 = arith.addf %add3A_930, %gather3A_934 : vector<16xf32>
      %add3A_936 = arith.constant 4 : i32
      %add3A_937 = vector.broadcast %add3A_936 : i32 to vector<16xi32>
      %add3A_938 = arith.addi %mul3A_24, %add3A_937 : vector<16xi32>
      %gather3A_939 = tpu.vector_load_idx %arg16[%add3A_938] : memref<256xf32, #tpu.memory_space<vmem>>[vector<16xi32>], vector<16xf32>,
      %add3A_940 = arith.addf %add3A_935, %gather3A_939 : vector<16xf32>
      %add3A_941 = arith.constant 5 : i32
      %add3A_942 = vector.broadcast %add3A_941 : i32 to vector<16xi32>
      %add3A_943 = arith.addi %mul3A_24, %add3A_942 : vector<16xi32>
      %gather3A_944 = tpu.vector_load_idx %arg16[%add3A_943] : memref<256xf32, #tpu.memory_space<vmem>>[vector<16xi32>], vector<16xf32>,
      %add3A_945 = arith.addf %add3A_940, %gather3A_944 : vector<16xf32>
      %add3A_946 = arith.constant 6 : i32
      %add3A_947 = vector.broadcast %add3A_946 : i32 to vector<16xi32>
      %add3A_948 = arith.addi %mul3A_24, %add3A_947 : vector<16xi32>
      %gather3A_949 = tpu.vector_load_idx %arg16[%add3A_948] : memref<256xf32, #tpu.memory_space<vmem>>[vector<16xi32>], vector<16xf32>,
      %add3A_950 = arith.addf %add3A_945, %gather3A_949 : vector<16xf32>
      %add3A_951 = arith.constant 7 : i32
      %add3A_952 = vector.broadcast %add3A_951 : i32 to vector<16xi32>
      %add3A_953 = arith.addi %mul3A_24, %add3A_952 : vector<16xi32>
      %gather3A_954 = tpu.vector_load_idx %arg16[%add3A_953] : memref<256xf32, #tpu.memory_space<vmem>>[vector<16xi32>], vector<16xf32>,
      %add3A_955 = arith.addf %add3A_950, %gather3A_954 : vector<16xf32>
      %add3A_956 = arith.constant 8 : i32
      %add3A_957 = vector.broadcast %add3A_956 : i32 to vector<16xi32>
      %add3A_958 = arith.addi %mul3A_24, %add3A_957 : vector<16xi32>
      %gather3A_959 = tpu.vector_load_idx %arg16[%add3A_958] : memref<256xf32, #tpu.memory_space<vmem>>[vector<16xi32>], vector<16xf32>,
      %add3A_960 = arith.addf %add3A_955, %gather3A_959 : vector<16xf32>
      %add3A_961 = arith.constant 9 : i32
      %add3A_962 = vector.broadcast %add3A_961 : i32 to vector<16xi32>
      %add3A_963 = arith.addi %mul3A_24, %add3A_962 : vector<16xi32>
      %gather3A_964 = tpu.vector_load_idx %arg16[%add3A_963] : memref<256xf32, #tpu.memory_space<vmem>>[vector<16xi32>], vector<16xf32>,
      %add3A_965 = arith.addf %add3A_960, %gather3A_964 : vector<16xf32>
      %add3A_966 = arith.constant 10 : i32
      %add3A_967 = vector.broadcast %add3A_966 : i32 to vector<16xi32>
      %add3A_968 = arith.addi %mul3A_24, %add3A_967 : vector<16xi32>
      %gather3A_969 = tpu.vector_load_idx %arg16[%add3A_968] : memref<256xf32, #tpu.memory_space<vmem>>[vector<16xi32>], vector<16xf32>,
      %add3A_970 = arith.addf %add3A_965, %gather3A_969 : vector<16xf32>
      %add3A_971 = arith.constant 11 : i32
      %add3A_972 = vector.broadcast %add3A_971 : i32 to vector<16xi32>
      %add3A_973 = arith.addi %mul3A_24, %add3A_972 : vector<16xi32>
      %gather3A_974 = tpu.vector_load_idx %arg16[%add3A_973] : memref<256xf32, #tpu.memory_space<vmem>>[vector<16xi32>], vector<16xf32>,
      %add3A_975 = arith.addf %add3A_970, %gather3A_974 : vector<16xf32>
      %add3A_976 = arith.constant 12 : i32
      %add3A_977 = vector.broadcast %add3A_976 : i32 to vector<16xi32>
      %add3A_978 = arith.addi %mul3A_24, %add3A_977 : vector<16xi32>
      %gather3A_979 = tpu.vector_load_idx %arg16[%add3A_978] : memref<256xf32, #tpu.memory_space<vmem>>[vector<16xi32>], vector<16xf32>,
      %add3A_980 = arith.addf %add3A_975, %gather3A_979 : vector<16xf32>
      %add3A_981 = arith.constant 13 : i32
      %add3A_982 = vector.broadcast %add3A_981 : i32 to vector<16xi32>
      %add3A_983 = arith.addi %mul3A_24, %add3A_982 : vector<16xi32>
      %gather3A_984 = tpu.vector_load_idx %arg16[%add3A_983] : memref<256xf32, #tpu.memory_space<vmem>>[vector<16xi32>], vector<16xf32>,
      %add3A_985 = arith.addf %add3A_980, %gather3A_984 : vector<16xf32>
      %add3A_986 = arith.constant 14 : i32
      %add3A_987 = vector.broadcast %add3A_986 : i32 to vector<16xi32>
      %add3A_988 = arith.addi %mul3A_24, %add3A_987 : vector<16xi32>
      %gather3A_989 = tpu.vector_load_idx %arg16[%add3A_988] : memref<256xf32, #tpu.memory_space<vmem>>[vector<16xi32>], vector<16xf32>,
      %add3A_990 = arith.addf %add3A_985, %gather3A_989 : vector<16xf32>
      %add3A_991 = arith.constant 15 : i32
      %add3A_992 = vector.broadcast %add3A_991 : i32 to vector<16xi32>
      %add3A_993 = arith.addi %mul3A_24, %add3A_992 : vector<16xi32>
      %gather3A_994 = tpu.vector_load_idx %arg16[%add3A_993] : memref<256xf32, #tpu.memory_space<vmem>>[vector<16xi32>], vector<16xf32>,
      %add3A_995 = arith.addf %add3A_990, %gather3A_994 : vector<16xf32>
      %mul3A_996 = arith.constant 8 : i32
      %mul3A_997 = arith.muli %mul3A_996, %add3A_853 : i32
      %swap3A_998 = arith.index_cast %mul3A_997 : i32 to index
      %swap3A_999 = tpu.vector_load %arg17[%swap3A_998] {strides = array<i32>} : memref<1024xf32, #tpu.memory_space<vmem>>, vector<16xf32>,
      tpu.vector_store %arg17[%swap3A_998], %add3A_995 {strides = array<i32>} : memref<1024xf32, #tpu.memory_space<vmem>>, vector<16xf32>,
      %add3A_1000 = arith.constant 8 : i32
      %add3A_1001 = arith.addi %add3A_853, %add3A_1000 : i32
      %mul3A_1002 = arith.constant 8 : i32
      %mul3A_1003 = arith.muli %add3A_1001, %mul3A_1002 : i32
      %dma_start3A_1004 = arith.constant 2 : i32
      %dma_start3A_1005 = arith.constant 0 : i32
      %dma_start3A_1006 = arith.constant 0 : i32
      %dma_start3A_1007 = tpu.memref_slice %arg10[%dma_start3A_1004, %dma_start3A_1005, %dma_start3A_1006] : memref<8x8x1024xf32, #tpu.memory_space<vmem>> -> memref<1x8x1024xf32, #tpu.memory_space<vmem>>
      %dma_start3A_1008 = tpu.memref_squeeze %dma_start3A_1007 : memref<1x8x1024xf32, #tpu.memory_space<vmem>> -> memref<8x1024xf32, #tpu.memory_space<vmem>>
      %dma_start3A_1009 = tpu.memref_slice %arg9[%mul3A_1003] : memref<1024xi32, #tpu.memory_space<vmem>> -> memref<8xi32, #tpu.memory_space<vmem>>
      %dma_start3A_1010 = arith.constant 0 : i32
      %dma_start3A_1011 = arith.constant 0 : i32
      %dma_start3A_1012 = tpu.memref_slice %arg3[%dma_start3A_1010, %dma_start3A_1011] : memref<100001x1024xf32, #tpu.memory_space<hbm>> -> memref<100001x1024xf32, #tpu.memory_space<hbm>>
      tpu.enqueue_indirect_dma source(%dma_start3A_1012 : memref<100001x1024xf32, #tpu.memory_space<hbm>>) target(%dma_start3A_1008 : memref<8x1024xf32, #tpu.memory_space<vmem>>) offsets(%dma_start3A_1009 : memref<8xi32, #tpu.memory_space<vmem>>) semaphore(%arg20 : memref<!tpu.dma_semaphore, #tpu.memory_space<semaphore_mem>>)
      %add3A_1013 = arith.constant 1 : i32
      %add3A_1014 = arith.addi %add3A_853, %add3A_1013 : i32
      %add3A_1015 = arith.constant 8 : i32
      %add3A_1016 = arith.addi %add3A_1014, %add3A_1015 : i32
      %mul3A_1017 = arith.constant 8 : i32
      %mul3A_1018 = arith.muli %add3A_1016, %mul3A_1017 : i32
      %dma_start3A_1019 = arith.constant 3 : i32
      %dma_start3A_1020 = arith.constant 0 : i32
      %dma_start3A_1021 = arith.constant 0 : i32
      %dma_start3A_1022 = tpu.memref_slice %arg10[%dma_start3A_1019, %dma_start3A_1020, %dma_start3A_1021] : memref<8x8x1024xf32, #tpu.memory_space<vmem>> -> memref<1x8x1024xf32, #tpu.memory_space<vmem>>
      %dma_start3A_1023 = tpu.memref_squeeze %dma_start3A_1022 : memref<1x8x1024xf32, #tpu.memory_space<vmem>> -> memref<8x1024xf32, #tpu.memory_space<vmem>>
      %dma_start3A_1024 = tpu.memref_slice %arg9[%mul3A_1018] : memref<1024xi32, #tpu.memory_space<vmem>> -> memref<8xi32, #tpu.memory_space<vmem>>
      %dma_start3A_1025 = arith.constant 0 : i32
      %dma_start3A_1026 = arith.constant 0 : i32
      %dma_start3A_1027 = tpu.memref_slice %arg3[%dma_start3A_1025, %dma_start3A_1026] : memref<100001x1024xf32, #tpu.memory_space<hbm>> -> memref<100001x1024xf32, #tpu.memory_space<hbm>>
      tpu.enqueue_indirect_dma source(%dma_start3A_1027 : memref<100001x1024xf32, #tpu.memory_space<hbm>>) target(%dma_start3A_1023 : memref<8x1024xf32, #tpu.memory_space<vmem>>) offsets(%dma_start3A_1024 : memref<8xi32, #tpu.memory_space<vmem>>) semaphore(%arg21 : memref<!tpu.dma_semaphore, #tpu.memory_space<semaphore_mem>>)
      %mul3A_1028 = arith.constant 8 : i32
      %mul3A_1029 = arith.muli %mul3A_1028, %scan3A_670 : i32
      %add3A_1030 = arith.constant 4 : i32
      %add3A_1031 = arith.addi %mul3A_1029, %add3A_1030 : i32
      %mul3A_1032 = arith.constant 8 : i32
      %mul3A_1033 = arith.muli %add3A_1031, %mul3A_1032 : i32
      %dma_wait3A_1034 = arith.constant 4 : i32
      %dma_wait3A_1035 = arith.constant 0 : i32
      %dma_wait3A_1036 = arith.constant 0 : i32
      %dma_wait3A_1037 = tpu.memref_slice %arg10[%dma_wait3A_1034, %dma_wait3A_1035, %dma_wait3A_1036] : memref<8x8x1024xf32, #tpu.memory_space<vmem>> -> memref<1x8x1024xf32, #tpu.memory_space<vmem>>
      %dma_wait3A_1038 = tpu.memref_squeeze %dma_wait3A_1037 : memref<1x8x1024xf32, #tpu.memory_space<vmem>> -> memref<8x1024xf32, #tpu.memory_space<vmem>>
      %dma_wait3A_1039 = tpu.memref_slice %arg9[%mul3A_1033] : memref<1024xi32, #tpu.memory_space<vmem>> -> memref<8xi32, #tpu.memory_space<vmem>>
      %dma_wait3A_1040 = arith.constant 0 : i32
      %dma_wait3A_1041 = arith.constant 0 : i32
      %dma_wait3A_1042 = tpu.memref_slice %arg3[%dma_wait3A_1040, %dma_wait3A_1041] : memref<100001x1024xf32, #tpu.memory_space<hbm>> -> memref<100001x1024xf32, #tpu.memory_space<hbm>>
      tpu.wait_indirect_dma semaphore(%arg22 : memref<!tpu.dma_semaphore, #tpu.memory_space<semaphore_mem>>) src(%dma_wait3A_1042 : memref<100001x1024xf32, #tpu.memory_space<hbm>>) dst(%dma_wait3A_1038 : memref<8x1024xf32, #tpu.memory_space<vmem>>)
      %add3A_1043 = arith.constant 1 : i32
      %add3A_1044 = arith.addi %add3A_1031, %add3A_1043 : i32
      %mul3A_1045 = arith.constant 8 : i32
      %mul3A_1046 = arith.muli %add3A_1044, %mul3A_1045 : i32
      %dma_wait3A_1047 = arith.constant 5 : i32
      %dma_wait3A_1048 = arith.constant 0 : i32
      %dma_wait3A_1049 = arith.constant 0 : i32
      %dma_wait3A_1050 = tpu.memref_slice %arg10[%dma_wait3A_1047, %dma_wait3A_1048, %dma_wait3A_1049] : memref<8x8x1024xf32, #tpu.memory_space<vmem>> -> memref<1x8x1024xf32, #tpu.memory_space<vmem>>
      %dma_wait3A_1051 = tpu.memref_squeeze %dma_wait3A_1050 : memref<1x8x1024xf32, #tpu.memory_space<vmem>> -> memref<8x1024xf32, #tpu.memory_space<vmem>>
      %dma_wait3A_1052 = tpu.memref_slice %arg9[%mul3A_1046] : memref<1024xi32, #tpu.memory_space<vmem>> -> memref<8xi32, #tpu.memory_space<vmem>>
      %dma_wait3A_1053 = arith.constant 0 : i32
      %dma_wait3A_1054 = arith.constant 0 : i32
      %dma_wait3A_1055 = tpu.memref_slice %arg3[%dma_wait3A_1053, %dma_wait3A_1054] : memref<100001x1024xf32, #tpu.memory_space<hbm>> -> memref<100001x1024xf32, #tpu.memory_space<hbm>>
      tpu.wait_indirect_dma semaphore(%arg23 : memref<!tpu.dma_semaphore, #tpu.memory_space<semaphore_mem>>) src(%dma_wait3A_1055 : memref<100001x1024xf32, #tpu.memory_space<hbm>>) dst(%dma_wait3A_1051 : memref<8x1024xf32, #tpu.memory_space<vmem>>)
      %broadcast_in_dim3A_1056 = arith.constant 0.000000e+00 : f32
      %broadcast_in_dim3A_1057 = vector.broadcast %broadcast_in_dim3A_1056 : f32 to vector<16xf32>
      %parallel_loop3A_1058 = arith.constant 0 : i32
      %parallel_loop3A_1059 = arith.constant 64 : i32
      %parallel_loop3A_1060 = arith.constant 1 : i32
      %parallel_loop3A_1061:16 = scf.for %parallel_loop3A_1385 = %parallel_loop3A_1058 to %parallel_loop3A_1059 step %parallel_loop3A_1060 iter_args(%parallel_loop3A_1386 = %broadcast_in_dim3A_1057, %parallel_loop3A_1387 = %broadcast_in_dim3A_1057, %parallel_loop3A_1388 = %broadcast_in_dim3A_1057, %parallel_loop3A_1389 = %broadcast_in_dim3A_1057, %parallel_loop3A_1390 = %broadcast_in_dim3A_1057, %parallel_loop3A_1391 = %broadcast_in_dim3A_1057, %parallel_loop3A_1392 = %broadcast_in_dim3A_1057, %parallel_loop3A_1393 = %broadcast_in_dim3A_1057, %parallel_loop3A_1394 = %broadcast_in_dim3A_1057, %parallel_loop3A_1395 = %broadcast_in_dim3A_1057, %parallel_loop3A_1396 = %broadcast_in_dim3A_1057, %parallel_loop3A_1397 = %broadcast_in_dim3A_1057, %parallel_loop3A_1398 = %broadcast_in_dim3A_1057, %parallel_loop3A_1399 = %broadcast_in_dim3A_1057, %parallel_loop3A_1400 = %broadcast_in_dim3A_1057, %parallel_loop3A_1401 = %broadcast_in_dim3A_1057) -> (vector<16xf32>, vector<16xf32>, vector<16xf32>, vector<16xf32>, vector<16xf32>, vector<16xf32>, vector<16xf32>, vector<16xf32>, vector<16xf32>, vector<16xf32>, vector<16xf32>, vector<16xf32>, vector<16xf32>, vector<16xf32>, vector<16xf32>, vector<16xf32>)  : i32 {
        %parallel_loop3A_1402 = arith.constant 16 : i32
        %parallel_loop3A_1403 = arith.muli %parallel_loop3A_1385, %parallel_loop3A_1402 : i32
        %parallel_loop3A_1404 = arith.constant 0 : i32
        %parallel_loop3A_1405 = arith.index_cast %parallel_loop3A_1404 : i32 to index
        %parallel_loop3A_1406 = arith.index_cast %parallel_loop3A_1403 : i32 to index
        %parallel_loop3A_1407 = tpu.vector_load %arg11[%parallel_loop3A_1405, %parallel_loop3A_1406] {strides = array<i32>} : memref<2x2048xf32, #tpu.memory_space<vmem>>, vector<16xf32>,
        %parallel_loop3A_1408 = arith.constant 1 : i32
        %parallel_loop3A_1409 = arith.index_cast %parallel_loop3A_1408 : i32 to index
        %parallel_loop3A_1410 = arith.index_cast %parallel_loop3A_1403 : i32 to index
        %parallel_loop3A_1411 = tpu.vector_load %arg11[%parallel_loop3A_1409, %parallel_loop3A_1410] {strides = array<i32>} : memref<2x2048xf32, #tpu.memory_space<vmem>>, vector<16xf32>,
        %parallel_loop3A_1412 = arith.constant 1024 : i32
        %parallel_loop3A_1413 = arith.addi %parallel_loop3A_1412, %parallel_loop3A_1403 : i32
        %parallel_loop3A_1414 = arith.constant 0 : i32
        %parallel_loop3A_1415 = arith.index_cast %parallel_loop3A_1414 : i32 to index
        %parallel_loop3A_1416 = arith.index_cast %parallel_loop3A_1413 : i32 to index
        %parallel_loop3A_1417 = tpu.vector_load %arg11[%parallel_loop3A_1415, %parallel_loop3A_1416] {strides = array<i32>} : memref<2x2048xf32, #tpu.memory_space<vmem>>, vector<16xf32>,
        %parallel_loop3A_1418 = arith.constant 1024 : i32
        %parallel_loop3A_1419 = arith.addi %parallel_loop3A_1418, %parallel_loop3A_1403 : i32
        %parallel_loop3A_1420 = arith.constant 1 : i32
        %parallel_loop3A_1421 = arith.index_cast %parallel_loop3A_1420 : i32 to index
        %parallel_loop3A_1422 = arith.index_cast %parallel_loop3A_1419 : i32 to index
        %parallel_loop3A_1423 = tpu.vector_load %arg11[%parallel_loop3A_1421, %parallel_loop3A_1422] {strides = array<i32>} : memref<2x2048xf32, #tpu.memory_space<vmem>>, vector<16xf32>,
        %parallel_loop3A_1424 = arith.constant 4 : i32
        %parallel_loop3A_1425 = arith.constant 0 : i32
        %parallel_loop3A_1426 = arith.index_cast %parallel_loop3A_1424 : i32 to index
        %parallel_loop3A_1427 = arith.index_cast %parallel_loop3A_1425 : i32 to index
        %parallel_loop3A_1428 = arith.index_cast %parallel_loop3A_1403 : i32 to index
        %parallel_loop3A_1429 = tpu.vector_load %arg10[%parallel_loop3A_1426, %parallel_loop3A_1427, %parallel_loop3A_1428] {strides = array<i32>} : memref<8x8x1024xf32, #tpu.memory_space<vmem>>, vector<16xf32>,
        %parallel_loop3A_1430 = arith.constant 4 : i32
        %parallel_loop3A_1431 = arith.constant 1 : i32
        %parallel_loop3A_1432 = arith.index_cast %parallel_loop3A_1430 : i32 to index
        %parallel_loop3A_1433 = arith.index_cast %parallel_loop3A_1431 : i32 to index
        %parallel_loop3A_1434 = arith.index_cast %parallel_loop3A_1403 : i32 to index
        %parallel_loop3A_1435 = tpu.vector_load %arg10[%parallel_loop3A_1432, %parallel_loop3A_1433, %parallel_loop3A_1434] {strides = array<i32>} : memref<8x8x1024xf32, #tpu.memory_space<vmem>>, vector<16xf32>,
        %parallel_loop3A_1436 = arith.mulf %parallel_loop3A_1429, %parallel_loop3A_1407 : vector<16xf32>
        %parallel_loop3A_1437 = arith.addf %parallel_loop3A_1386, %parallel_loop3A_1436 : vector<16xf32>
        %parallel_loop3A_1438 = arith.mulf %parallel_loop3A_1435, %parallel_loop3A_1417 : vector<16xf32>
        %parallel_loop3A_1439 = arith.addf %parallel_loop3A_1437, %parallel_loop3A_1438 : vector<16xf32>
        %parallel_loop3A_1440 = arith.mulf %parallel_loop3A_1429, %parallel_loop3A_1411 : vector<16xf32>
        %parallel_loop3A_1441 = arith.addf %parallel_loop3A_1387, %parallel_loop3A_1440 : vector<16xf32>
        %parallel_loop3A_1442 = arith.mulf %parallel_loop3A_1435, %parallel_loop3A_1423 : vector<16xf32>
        %parallel_loop3A_1443 = arith.addf %parallel_loop3A_1441, %parallel_loop3A_1442 : vector<16xf32>
        %parallel_loop3A_1444 = arith.constant 4 : i32
        %parallel_loop3A_1445 = arith.constant 2 : i32
        %parallel_loop3A_1446 = arith.index_cast %parallel_loop3A_1444 : i32 to index
        %parallel_loop3A_1447 = arith.index_cast %parallel_loop3A_1445 : i32 to index
        %parallel_loop3A_1448 = arith.index_cast %parallel_loop3A_1403 : i32 to index
        %parallel_loop3A_1449 = tpu.vector_load %arg10[%parallel_loop3A_1446, %parallel_loop3A_1447, %parallel_loop3A_1448] {strides = array<i32>} : memref<8x8x1024xf32, #tpu.memory_space<vmem>>, vector<16xf32>,
        %parallel_loop3A_1450 = arith.constant 4 : i32
        %parallel_loop3A_1451 = arith.constant 3 : i32
        %parallel_loop3A_1452 = arith.index_cast %parallel_loop3A_1450 : i32 to index
        %parallel_loop3A_1453 = arith.index_cast %parallel_loop3A_1451 : i32 to index
        %parallel_loop3A_1454 = arith.index_cast %parallel_loop3A_1403 : i32 to index
        %parallel_loop3A_1455 = tpu.vector_load %arg10[%parallel_loop3A_1452, %parallel_loop3A_1453, %parallel_loop3A_1454] {strides = array<i32>} : memref<8x8x1024xf32, #tpu.memory_space<vmem>>, vector<16xf32>,
        %parallel_loop3A_1456 = arith.mulf %parallel_loop3A_1449, %parallel_loop3A_1407 : vector<16xf32>
        %parallel_loop3A_1457 = arith.addf %parallel_loop3A_1388, %parallel_loop3A_1456 : vector<16xf32>
        %parallel_loop3A_1458 = arith.mulf %parallel_loop3A_1455, %parallel_loop3A_1417 : vector<16xf32>
        %parallel_loop3A_1459 = arith.addf %parallel_loop3A_1457, %parallel_loop3A_1458 : vector<16xf32>
        %parallel_loop3A_1460 = arith.mulf %parallel_loop3A_1449, %parallel_loop3A_1411 : vector<16xf32>
        %parallel_loop3A_1461 = arith.addf %parallel_loop3A_1389, %parallel_loop3A_1460 : vector<16xf32>
        %parallel_loop3A_1462 = arith.mulf %parallel_loop3A_1455, %parallel_loop3A_1423 : vector<16xf32>
        %parallel_loop3A_1463 = arith.addf %parallel_loop3A_1461, %parallel_loop3A_1462 : vector<16xf32>
        %parallel_loop3A_1464 = arith.constant 4 : i32
        %parallel_loop3A_1465 = arith.constant 4 : i32
        %parallel_loop3A_1466 = arith.index_cast %parallel_loop3A_1464 : i32 to index
        %parallel_loop3A_1467 = arith.index_cast %parallel_loop3A_1465 : i32 to index
        %parallel_loop3A_1468 = arith.index_cast %parallel_loop3A_1403 : i32 to index
        %parallel_loop3A_1469 = tpu.vector_load %arg10[%parallel_loop3A_1466, %parallel_loop3A_1467, %parallel_loop3A_1468] {strides = array<i32>} : memref<8x8x1024xf32, #tpu.memory_space<vmem>>, vector<16xf32>,
        %parallel_loop3A_1470 = arith.constant 4 : i32
        %parallel_loop3A_1471 = arith.constant 5 : i32
        %parallel_loop3A_1472 = arith.index_cast %parallel_loop3A_1470 : i32 to index
        %parallel_loop3A_1473 = arith.index_cast %parallel_loop3A_1471 : i32 to index
        %parallel_loop3A_1474 = arith.index_cast %parallel_loop3A_1403 : i32 to index
        %parallel_loop3A_1475 = tpu.vector_load %arg10[%parallel_loop3A_1472, %parallel_loop3A_1473, %parallel_loop3A_1474] {strides = array<i32>} : memref<8x8x1024xf32, #tpu.memory_space<vmem>>, vector<16xf32>,
        %parallel_loop3A_1476 = arith.mulf %parallel_loop3A_1469, %parallel_loop3A_1407 : vector<16xf32>
        %parallel_loop3A_1477 = arith.addf %parallel_loop3A_1390, %parallel_loop3A_1476 : vector<16xf32>
        %parallel_loop3A_1478 = arith.mulf %parallel_loop3A_1475, %parallel_loop3A_1417 : vector<16xf32>
        %parallel_loop3A_1479 = arith.addf %parallel_loop3A_1477, %parallel_loop3A_1478 : vector<16xf32>
        %parallel_loop3A_1480 = arith.mulf %parallel_loop3A_1469, %parallel_loop3A_1411 : vector<16xf32>
        %parallel_loop3A_1481 = arith.addf %parallel_loop3A_1391, %parallel_loop3A_1480 : vector<16xf32>
        %parallel_loop3A_1482 = arith.mulf %parallel_loop3A_1475, %parallel_loop3A_1423 : vector<16xf32>
        %parallel_loop3A_1483 = arith.addf %parallel_loop3A_1481, %parallel_loop3A_1482 : vector<16xf32>
        %parallel_loop3A_1484 = arith.constant 4 : i32
        %parallel_loop3A_1485 = arith.constant 6 : i32
        %parallel_loop3A_1486 = arith.index_cast %parallel_loop3A_1484 : i32 to index
        %parallel_loop3A_1487 = arith.index_cast %parallel_loop3A_1485 : i32 to index
        %parallel_loop3A_1488 = arith.index_cast %parallel_loop3A_1403 : i32 to index
        %parallel_loop3A_1489 = tpu.vector_load %arg10[%parallel_loop3A_1486, %parallel_loop3A_1487, %parallel_loop3A_1488] {strides = array<i32>} : memref<8x8x1024xf32, #tpu.memory_space<vmem>>, vector<16xf32>,
        %parallel_loop3A_1490 = arith.constant 4 : i32
        %parallel_loop3A_1491 = arith.constant 7 : i32
        %parallel_loop3A_1492 = arith.index_cast %parallel_loop3A_1490 : i32 to index
        %parallel_loop3A_1493 = arith.index_cast %parallel_loop3A_1491 : i32 to index
        %parallel_loop3A_1494 = arith.index_cast %parallel_loop3A_1403 : i32 to index
        %parallel_loop3A_1495 = tpu.vector_load %arg10[%parallel_loop3A_1492, %parallel_loop3A_1493, %parallel_loop3A_1494] {strides = array<i32>} : memref<8x8x1024xf32, #tpu.memory_space<vmem>>, vector<16xf32>,
        %parallel_loop3A_1496 = arith.mulf %parallel_loop3A_1489, %parallel_loop3A_1407 : vector<16xf32>
        %parallel_loop3A_1497 = arith.addf %parallel_loop3A_1392, %parallel_loop3A_1496 : vector<16xf32>
        %parallel_loop3A_1498 = arith.mulf %parallel_loop3A_1495, %parallel_loop3A_1417 : vector<16xf32>
        %parallel_loop3A_1499 = arith.addf %parallel_loop3A_1497, %parallel_loop3A_1498 : vector<16xf32>
        %parallel_loop3A_1500 = arith.mulf %parallel_loop3A_1489, %parallel_loop3A_1411 : vector<16xf32>
        %parallel_loop3A_1501 = arith.addf %parallel_loop3A_1393, %parallel_loop3A_1500 : vector<16xf32>
        %parallel_loop3A_1502 = arith.mulf %parallel_loop3A_1495, %parallel_loop3A_1423 : vector<16xf32>
        %parallel_loop3A_1503 = arith.addf %parallel_loop3A_1501, %parallel_loop3A_1502 : vector<16xf32>
        %parallel_loop3A_1504 = arith.constant 5 : i32
        %parallel_loop3A_1505 = arith.constant 0 : i32
        %parallel_loop3A_1506 = arith.index_cast %parallel_loop3A_1504 : i32 to index
        %parallel_loop3A_1507 = arith.index_cast %parallel_loop3A_1505 : i32 to index
        %parallel_loop3A_1508 = arith.index_cast %parallel_loop3A_1403 : i32 to index
        %parallel_loop3A_1509 = tpu.vector_load %arg10[%parallel_loop3A_1506, %parallel_loop3A_1507, %parallel_loop3A_1508] {strides = array<i32>} : memref<8x8x1024xf32, #tpu.memory_space<vmem>>, vector<16xf32>,
        %parallel_loop3A_1510 = arith.constant 5 : i32
        %parallel_loop3A_1511 = arith.constant 1 : i32
        %parallel_loop3A_1512 = arith.index_cast %parallel_loop3A_1510 : i32 to index
        %parallel_loop3A_1513 = arith.index_cast %parallel_loop3A_1511 : i32 to index
        %parallel_loop3A_1514 = arith.index_cast %parallel_loop3A_1403 : i32 to index
        %parallel_loop3A_1515 = tpu.vector_load %arg10[%parallel_loop3A_1512, %parallel_loop3A_1513, %parallel_loop3A_1514] {strides = array<i32>} : memref<8x8x1024xf32, #tpu.memory_space<vmem>>, vector<16xf32>,
        %parallel_loop3A_1516 = arith.mulf %parallel_loop3A_1509, %parallel_loop3A_1407 : vector<16xf32>
        %parallel_loop3A_1517 = arith.addf %parallel_loop3A_1394, %parallel_loop3A_1516 : vector<16xf32>
        %parallel_loop3A_1518 = arith.mulf %parallel_loop3A_1515, %parallel_loop3A_1417 : vector<16xf32>
        %parallel_loop3A_1519 = arith.addf %parallel_loop3A_1517, %parallel_loop3A_1518 : vector<16xf32>
        %parallel_loop3A_1520 = arith.mulf %parallel_loop3A_1509, %parallel_loop3A_1411 : vector<16xf32>
        %parallel_loop3A_1521 = arith.addf %parallel_loop3A_1395, %parallel_loop3A_1520 : vector<16xf32>
        %parallel_loop3A_1522 = arith.mulf %parallel_loop3A_1515, %parallel_loop3A_1423 : vector<16xf32>
        %parallel_loop3A_1523 = arith.addf %parallel_loop3A_1521, %parallel_loop3A_1522 : vector<16xf32>
        %parallel_loop3A_1524 = arith.constant 5 : i32
        %parallel_loop3A_1525 = arith.constant 2 : i32
        %parallel_loop3A_1526 = arith.index_cast %parallel_loop3A_1524 : i32 to index
        %parallel_loop3A_1527 = arith.index_cast %parallel_loop3A_1525 : i32 to index
        %parallel_loop3A_1528 = arith.index_cast %parallel_loop3A_1403 : i32 to index
        %parallel_loop3A_1529 = tpu.vector_load %arg10[%parallel_loop3A_1526, %parallel_loop3A_1527, %parallel_loop3A_1528] {strides = array<i32>} : memref<8x8x1024xf32, #tpu.memory_space<vmem>>, vector<16xf32>,
        %parallel_loop3A_1530 = arith.constant 5 : i32
        %parallel_loop3A_1531 = arith.constant 3 : i32
        %parallel_loop3A_1532 = arith.index_cast %parallel_loop3A_1530 : i32 to index
        %parallel_loop3A_1533 = arith.index_cast %parallel_loop3A_1531 : i32 to index
        %parallel_loop3A_1534 = arith.index_cast %parallel_loop3A_1403 : i32 to index
        %parallel_loop3A_1535 = tpu.vector_load %arg10[%parallel_loop3A_1532, %parallel_loop3A_1533, %parallel_loop3A_1534] {strides = array<i32>} : memref<8x8x1024xf32, #tpu.memory_space<vmem>>, vector<16xf32>,
        %parallel_loop3A_1536 = arith.mulf %parallel_loop3A_1529, %parallel_loop3A_1407 : vector<16xf32>
        %parallel_loop3A_1537 = arith.addf %parallel_loop3A_1396, %parallel_loop3A_1536 : vector<16xf32>
        %parallel_loop3A_1538 = arith.mulf %parallel_loop3A_1535, %parallel_loop3A_1417 : vector<16xf32>
        %parallel_loop3A_1539 = arith.addf %parallel_loop3A_1537, %parallel_loop3A_1538 : vector<16xf32>
        %parallel_loop3A_1540 = arith.mulf %parallel_loop3A_1529, %parallel_loop3A_1411 : vector<16xf32>
        %parallel_loop3A_1541 = arith.addf %parallel_loop3A_1397, %parallel_loop3A_1540 : vector<16xf32>
        %parallel_loop3A_1542 = arith.mulf %parallel_loop3A_1535, %parallel_loop3A_1423 : vector<16xf32>
        %parallel_loop3A_1543 = arith.addf %parallel_loop3A_1541, %parallel_loop3A_1542 : vector<16xf32>
        %parallel_loop3A_1544 = arith.constant 5 : i32
        %parallel_loop3A_1545 = arith.constant 4 : i32
        %parallel_loop3A_1546 = arith.index_cast %parallel_loop3A_1544 : i32 to index
        %parallel_loop3A_1547 = arith.index_cast %parallel_loop3A_1545 : i32 to index
        %parallel_loop3A_1548 = arith.index_cast %parallel_loop3A_1403 : i32 to index
        %parallel_loop3A_1549 = tpu.vector_load %arg10[%parallel_loop3A_1546, %parallel_loop3A_1547, %parallel_loop3A_1548] {strides = array<i32>} : memref<8x8x1024xf32, #tpu.memory_space<vmem>>, vector<16xf32>,
        %parallel_loop3A_1550 = arith.constant 5 : i32
        %parallel_loop3A_1551 = arith.constant 5 : i32
        %parallel_loop3A_1552 = arith.index_cast %parallel_loop3A_1550 : i32 to index
        %parallel_loop3A_1553 = arith.index_cast %parallel_loop3A_1551 : i32 to index
        %parallel_loop3A_1554 = arith.index_cast %parallel_loop3A_1403 : i32 to index
        %parallel_loop3A_1555 = tpu.vector_load %arg10[%parallel_loop3A_1552, %parallel_loop3A_1553, %parallel_loop3A_1554] {strides = array<i32>} : memref<8x8x1024xf32, #tpu.memory_space<vmem>>, vector<16xf32>,
        %parallel_loop3A_1556 = arith.mulf %parallel_loop3A_1549, %parallel_loop3A_1407 : vector<16xf32>
        %parallel_loop3A_1557 = arith.addf %parallel_loop3A_1398, %parallel_loop3A_1556 : vector<16xf32>
        %parallel_loop3A_1558 = arith.mulf %parallel_loop3A_1555, %parallel_loop3A_1417 : vector<16xf32>
        %parallel_loop3A_1559 = arith.addf %parallel_loop3A_1557, %parallel_loop3A_1558 : vector<16xf32>
        %parallel_loop3A_1560 = arith.mulf %parallel_loop3A_1549, %parallel_loop3A_1411 : vector<16xf32>
        %parallel_loop3A_1561 = arith.addf %parallel_loop3A_1399, %parallel_loop3A_1560 : vector<16xf32>
        %parallel_loop3A_1562 = arith.mulf %parallel_loop3A_1555, %parallel_loop3A_1423 : vector<16xf32>
        %parallel_loop3A_1563 = arith.addf %parallel_loop3A_1561, %parallel_loop3A_1562 : vector<16xf32>
        %parallel_loop3A_1564 = arith.constant 5 : i32
        %parallel_loop3A_1565 = arith.constant 6 : i32
        %parallel_loop3A_1566 = arith.index_cast %parallel_loop3A_1564 : i32 to index
        %parallel_loop3A_1567 = arith.index_cast %parallel_loop3A_1565 : i32 to index
        %parallel_loop3A_1568 = arith.index_cast %parallel_loop3A_1403 : i32 to index
        %parallel_loop3A_1569 = tpu.vector_load %arg10[%parallel_loop3A_1566, %parallel_loop3A_1567, %parallel_loop3A_1568] {strides = array<i32>} : memref<8x8x1024xf32, #tpu.memory_space<vmem>>, vector<16xf32>,
        %parallel_loop3A_1570 = arith.constant 5 : i32
        %parallel_loop3A_1571 = arith.constant 7 : i32
        %parallel_loop3A_1572 = arith.index_cast %parallel_loop3A_1570 : i32 to index
        %parallel_loop3A_1573 = arith.index_cast %parallel_loop3A_1571 : i32 to index
        %parallel_loop3A_1574 = arith.index_cast %parallel_loop3A_1403 : i32 to index
        %parallel_loop3A_1575 = tpu.vector_load %arg10[%parallel_loop3A_1572, %parallel_loop3A_1573, %parallel_loop3A_1574] {strides = array<i32>} : memref<8x8x1024xf32, #tpu.memory_space<vmem>>, vector<16xf32>,
        %parallel_loop3A_1576 = arith.mulf %parallel_loop3A_1569, %parallel_loop3A_1407 : vector<16xf32>
        %parallel_loop3A_1577 = arith.addf %parallel_loop3A_1400, %parallel_loop3A_1576 : vector<16xf32>
        %parallel_loop3A_1578 = arith.mulf %parallel_loop3A_1575, %parallel_loop3A_1417 : vector<16xf32>
        %parallel_loop3A_1579 = arith.addf %parallel_loop3A_1577, %parallel_loop3A_1578 : vector<16xf32>
        %parallel_loop3A_1580 = arith.mulf %parallel_loop3A_1569, %parallel_loop3A_1411 : vector<16xf32>
        %parallel_loop3A_1581 = arith.addf %parallel_loop3A_1401, %parallel_loop3A_1580 : vector<16xf32>
        %parallel_loop3A_1582 = arith.mulf %parallel_loop3A_1575, %parallel_loop3A_1423 : vector<16xf32>
        %parallel_loop3A_1583 = arith.addf %parallel_loop3A_1581, %parallel_loop3A_1582 : vector<16xf32>
        scf.yield %parallel_loop3A_1439, %parallel_loop3A_1443, %parallel_loop3A_1459, %parallel_loop3A_1463, %parallel_loop3A_1479, %parallel_loop3A_1483, %parallel_loop3A_1499, %parallel_loop3A_1503, %parallel_loop3A_1519, %parallel_loop3A_1523, %parallel_loop3A_1539, %parallel_loop3A_1543, %parallel_loop3A_1559, %parallel_loop3A_1563, %parallel_loop3A_1579, %parallel_loop3A_1583 : vector<16xf32>, vector<16xf32>, vector<16xf32>, vector<16xf32>, vector<16xf32>, vector<16xf32>, vector<16xf32>, vector<16xf32>, vector<16xf32>, vector<16xf32>, vector<16xf32>, vector<16xf32>, vector<16xf32>, vector<16xf32>, vector<16xf32>, vector<16xf32>
      } {sc.loop_unroll_factor = 1 : i64, sc.parallel_access}
      %swap3A_1062 = arith.constant 0 : index
      %swap3A_1063 = tpu.vector_load %arg16[%swap3A_1062] {strides = array<i32>} : memref<256xf32, #tpu.memory_space<vmem>>, vector<16xf32>,
      tpu.vector_store %arg16[%swap3A_1062], %parallel_loop3A_1061#0 {strides = array<i32>} : memref<256xf32, #tpu.memory_space<vmem>>, vector<16xf32>,
      %swap3A_1064 = arith.constant 16 : index
      %swap3A_1065 = tpu.vector_load %arg16[%swap3A_1064] {strides = array<i32>} : memref<256xf32, #tpu.memory_space<vmem>>, vector<16xf32>,
      tpu.vector_store %arg16[%swap3A_1064], %parallel_loop3A_1061#1 {strides = array<i32>} : memref<256xf32, #tpu.memory_space<vmem>>, vector<16xf32>,
      %swap3A_1066 = arith.constant 32 : index
      %swap3A_1067 = tpu.vector_load %arg16[%swap3A_1066] {strides = array<i32>} : memref<256xf32, #tpu.memory_space<vmem>>, vector<16xf32>,
      tpu.vector_store %arg16[%swap3A_1066], %parallel_loop3A_1061#2 {strides = array<i32>} : memref<256xf32, #tpu.memory_space<vmem>>, vector<16xf32>,
      %swap3A_1068 = arith.constant 48 : index
      %swap3A_1069 = tpu.vector_load %arg16[%swap3A_1068] {strides = array<i32>} : memref<256xf32, #tpu.memory_space<vmem>>, vector<16xf32>,
      tpu.vector_store %arg16[%swap3A_1068], %parallel_loop3A_1061#3 {strides = array<i32>} : memref<256xf32, #tpu.memory_space<vmem>>, vector<16xf32>,
      %swap3A_1070 = arith.constant 64 : index
      %swap3A_1071 = tpu.vector_load %arg16[%swap3A_1070] {strides = array<i32>} : memref<256xf32, #tpu.memory_space<vmem>>, vector<16xf32>,
      tpu.vector_store %arg16[%swap3A_1070], %parallel_loop3A_1061#4 {strides = array<i32>} : memref<256xf32, #tpu.memory_space<vmem>>, vector<16xf32>,
      %swap3A_1072 = arith.constant 80 : index
      %swap3A_1073 = tpu.vector_load %arg16[%swap3A_1072] {strides = array<i32>} : memref<256xf32, #tpu.memory_space<vmem>>, vector<16xf32>,
      tpu.vector_store %arg16[%swap3A_1072], %parallel_loop3A_1061#5 {strides = array<i32>} : memref<256xf32, #tpu.memory_space<vmem>>, vector<16xf32>,
      %swap3A_1074 = arith.constant 96 : index
      %swap3A_1075 = tpu.vector_load %arg16[%swap3A_1074] {strides = array<i32>} : memref<256xf32, #tpu.memory_space<vmem>>, vector<16xf32>,
      tpu.vector_store %arg16[%swap3A_1074], %parallel_loop3A_1061#6 {strides = array<i32>} : memref<256xf32, #tpu.memory_space<vmem>>, vector<16xf32>,
      %swap3A_1076 = arith.constant 112 : index
      %swap3A_1077 = tpu.vector_load %arg16[%swap3A_1076] {strides = array<i32>} : memref<256xf32, #tpu.memory_space<vmem>>, vector<16xf32>,
      tpu.vector_store %arg16[%swap3A_1076], %parallel_loop3A_1061#7 {strides = array<i32>} : memref<256xf32, #tpu.memory_space<vmem>>, vector<16xf32>,
      %swap3A_1078 = arith.constant 128 : index
      %swap3A_1079 = tpu.vector_load %arg16[%swap3A_1078] {strides = array<i32>} : memref<256xf32, #tpu.memory_space<vmem>>, vector<16xf32>,
      tpu.vector_store %arg16[%swap3A_1078], %parallel_loop3A_1061#8 {strides = array<i32>} : memref<256xf32, #tpu.memory_space<vmem>>, vector<16xf32>,
      %swap3A_1080 = arith.constant 144 : index
      %swap3A_1081 = tpu.vector_load %arg16[%swap3A_1080] {strides = array<i32>} : memref<256xf32, #tpu.memory_space<vmem>>, vector<16xf32>,
      tpu.vector_store %arg16[%swap3A_1080], %parallel_loop3A_1061#9 {strides = array<i32>} : memref<256xf32, #tpu.memory_space<vmem>>, vector<16xf32>,
      %swap3A_1082 = arith.constant 160 : index
      %swap3A_1083 = tpu.vector_load %arg16[%swap3A_1082] {strides = array<i32>} : memref<256xf32, #tpu.memory_space<vmem>>, vector<16xf32>,
      tpu.vector_store %arg16[%swap3A_1082], %parallel_loop3A_1061#10 {strides = array<i32>} : memref<256xf32, #tpu.memory_space<vmem>>, vector<16xf32>,
      %swap3A_1084 = arith.constant 176 : index
      %swap3A_1085 = tpu.vector_load %arg16[%swap3A_1084] {strides = array<i32>} : memref<256xf32, #tpu.memory_space<vmem>>, vector<16xf32>,
      tpu.vector_store %arg16[%swap3A_1084], %parallel_loop3A_1061#11 {strides = array<i32>} : memref<256xf32, #tpu.memory_space<vmem>>, vector<16xf32>,
      %swap3A_1086 = arith.constant 192 : index
      %swap3A_1087 = tpu.vector_load %arg16[%swap3A_1086] {strides = array<i32>} : memref<256xf32, #tpu.memory_space<vmem>>, vector<16xf32>,
      tpu.vector_store %arg16[%swap3A_1086], %parallel_loop3A_1061#12 {strides = array<i32>} : memref<256xf32, #tpu.memory_space<vmem>>, vector<16xf32>,
      %swap3A_1088 = arith.constant 208 : index
      %swap3A_1089 = tpu.vector_load %arg16[%swap3A_1088] {strides = array<i32>} : memref<256xf32, #tpu.memory_space<vmem>>, vector<16xf32>,
      tpu.vector_store %arg16[%swap3A_1088], %parallel_loop3A_1061#13 {strides = array<i32>} : memref<256xf32, #tpu.memory_space<vmem>>, vector<16xf32>,
      %swap3A_1090 = arith.constant 224 : index
      %swap3A_1091 = tpu.vector_load %arg16[%swap3A_1090] {strides = array<i32>} : memref<256xf32, #tpu.memory_space<vmem>>, vector<16xf32>,
      tpu.vector_store %arg16[%swap3A_1090], %parallel_loop3A_1061#14 {strides = array<i32>} : memref<256xf32, #tpu.memory_space<vmem>>, vector<16xf32>,
      %swap3A_1092 = arith.constant 240 : index
      %swap3A_1093 = tpu.vector_load %arg16[%swap3A_1092] {strides = array<i32>} : memref<256xf32, #tpu.memory_space<vmem>>, vector<16xf32>,
      tpu.vector_store %arg16[%swap3A_1092], %parallel_loop3A_1061#15 {strides = array<i32>} : memref<256xf32, #tpu.memory_space<vmem>>, vector<16xf32>,
      %add3A_1094 = arith.constant 0 : i32
      %add3A_1095 = vector.broadcast %add3A_1094 : i32 to vector<16xi32>
      %add3A_1096 = arith.addi %mul3A_24, %add3A_1095 : vector<16xi32>
      %gather3A_1097 = tpu.vector_load_idx %arg16[%add3A_1096] : memref<256xf32, #tpu.memory_space<vmem>>[vector<16xi32>], vector<16xf32>,
      %add3A_1098 = arith.addf %add3A_21, %gather3A_1097 : vector<16xf32>
      %add3A_1099 = arith.constant 1 : i32
      %add3A_1100 = vector.broadcast %add3A_1099 : i32 to vector<16xi32>
      %add3A_1101 = arith.addi %mul3A_24, %add3A_1100 : vector<16xi32>
      %gather3A_1102 = tpu.vector_load_idx %arg16[%add3A_1101] : memref<256xf32, #tpu.memory_space<vmem>>[vector<16xi32>], vector<16xf32>,
      %add3A_1103 = arith.addf %add3A_1098, %gather3A_1102 : vector<16xf32>
      %add3A_1104 = arith.constant 2 : i32
      %add3A_1105 = vector.broadcast %add3A_1104 : i32 to vector<16xi32>
      %add3A_1106 = arith.addi %mul3A_24, %add3A_1105 : vector<16xi32>
      %gather3A_1107 = tpu.vector_load_idx %arg16[%add3A_1106] : memref<256xf32, #tpu.memory_space<vmem>>[vector<16xi32>], vector<16xf32>,
      %add3A_1108 = arith.addf %add3A_1103, %gather3A_1107 : vector<16xf32>
      %add3A_1109 = arith.constant 3 : i32
      %add3A_1110 = vector.broadcast %add3A_1109 : i32 to vector<16xi32>
      %add3A_1111 = arith.addi %mul3A_24, %add3A_1110 : vector<16xi32>
      %gather3A_1112 = tpu.vector_load_idx %arg16[%add3A_1111] : memref<256xf32, #tpu.memory_space<vmem>>[vector<16xi32>], vector<16xf32>,
      %add3A_1113 = arith.addf %add3A_1108, %gather3A_1112 : vector<16xf32>
      %add3A_1114 = arith.constant 4 : i32
      %add3A_1115 = vector.broadcast %add3A_1114 : i32 to vector<16xi32>
      %add3A_1116 = arith.addi %mul3A_24, %add3A_1115 : vector<16xi32>
      %gather3A_1117 = tpu.vector_load_idx %arg16[%add3A_1116] : memref<256xf32, #tpu.memory_space<vmem>>[vector<16xi32>], vector<16xf32>,
      %add3A_1118 = arith.addf %add3A_1113, %gather3A_1117 : vector<16xf32>
      %add3A_1119 = arith.constant 5 : i32
      %add3A_1120 = vector.broadcast %add3A_1119 : i32 to vector<16xi32>
      %add3A_1121 = arith.addi %mul3A_24, %add3A_1120 : vector<16xi32>
      %gather3A_1122 = tpu.vector_load_idx %arg16[%add3A_1121] : memref<256xf32, #tpu.memory_space<vmem>>[vector<16xi32>], vector<16xf32>,
      %add3A_1123 = arith.addf %add3A_1118, %gather3A_1122 : vector<16xf32>
      %add3A_1124 = arith.constant 6 : i32
      %add3A_1125 = vector.broadcast %add3A_1124 : i32 to vector<16xi32>
      %add3A_1126 = arith.addi %mul3A_24, %add3A_1125 : vector<16xi32>
      %gather3A_1127 = tpu.vector_load_idx %arg16[%add3A_1126] : memref<256xf32, #tpu.memory_space<vmem>>[vector<16xi32>], vector<16xf32>,
      %add3A_1128 = arith.addf %add3A_1123, %gather3A_1127 : vector<16xf32>
      %add3A_1129 = arith.constant 7 : i32
      %add3A_1130 = vector.broadcast %add3A_1129 : i32 to vector<16xi32>
      %add3A_1131 = arith.addi %mul3A_24, %add3A_1130 : vector<16xi32>
      %gather3A_1132 = tpu.vector_load_idx %arg16[%add3A_1131] : memref<256xf32, #tpu.memory_space<vmem>>[vector<16xi32>], vector<16xf32>,
      %add3A_1133 = arith.addf %add3A_1128, %gather3A_1132 : vector<16xf32>
      %add3A_1134 = arith.constant 8 : i32
      %add3A_1135 = vector.broadcast %add3A_1134 : i32 to vector<16xi32>
      %add3A_1136 = arith.addi %mul3A_24, %add3A_1135 : vector<16xi32>
      %gather3A_1137 = tpu.vector_load_idx %arg16[%add3A_1136] : memref<256xf32, #tpu.memory_space<vmem>>[vector<16xi32>], vector<16xf32>,
      %add3A_1138 = arith.addf %add3A_1133, %gather3A_1137 : vector<16xf32>
      %add3A_1139 = arith.constant 9 : i32
      %add3A_1140 = vector.broadcast %add3A_1139 : i32 to vector<16xi32>
      %add3A_1141 = arith.addi %mul3A_24, %add3A_1140 : vector<16xi32>
      %gather3A_1142 = tpu.vector_load_idx %arg16[%add3A_1141] : memref<256xf32, #tpu.memory_space<vmem>>[vector<16xi32>], vector<16xf32>,
      %add3A_1143 = arith.addf %add3A_1138, %gather3A_1142 : vector<16xf32>
      %add3A_1144 = arith.constant 10 : i32
      %add3A_1145 = vector.broadcast %add3A_1144 : i32 to vector<16xi32>
      %add3A_1146 = arith.addi %mul3A_24, %add3A_1145 : vector<16xi32>
      %gather3A_1147 = tpu.vector_load_idx %arg16[%add3A_1146] : memref<256xf32, #tpu.memory_space<vmem>>[vector<16xi32>], vector<16xf32>,
      %add3A_1148 = arith.addf %add3A_1143, %gather3A_1147 : vector<16xf32>
      %add3A_1149 = arith.constant 11 : i32
      %add3A_1150 = vector.broadcast %add3A_1149 : i32 to vector<16xi32>
      %add3A_1151 = arith.addi %mul3A_24, %add3A_1150 : vector<16xi32>
      %gather3A_1152 = tpu.vector_load_idx %arg16[%add3A_1151] : memref<256xf32, #tpu.memory_space<vmem>>[vector<16xi32>], vector<16xf32>,
      %add3A_1153 = arith.addf %add3A_1148, %gather3A_1152 : vector<16xf32>
      %add3A_1154 = arith.constant 12 : i32
      %add3A_1155 = vector.broadcast %add3A_1154 : i32 to vector<16xi32>
      %add3A_1156 = arith.addi %mul3A_24, %add3A_1155 : vector<16xi32>
      %gather3A_1157 = tpu.vector_load_idx %arg16[%add3A_1156] : memref<256xf32, #tpu.memory_space<vmem>>[vector<16xi32>], vector<16xf32>,
      %add3A_1158 = arith.addf %add3A_1153, %gather3A_1157 : vector<16xf32>
      %add3A_1159 = arith.constant 13 : i32
      %add3A_1160 = vector.broadcast %add3A_1159 : i32 to vector<16xi32>
      %add3A_1161 = arith.addi %mul3A_24, %add3A_1160 : vector<16xi32>
      %gather3A_1162 = tpu.vector_load_idx %arg16[%add3A_1161] : memref<256xf32, #tpu.memory_space<vmem>>[vector<16xi32>], vector<16xf32>,
      %add3A_1163 = arith.addf %add3A_1158, %gather3A_1162 : vector<16xf32>
      %add3A_1164 = arith.constant 14 : i32
      %add3A_1165 = vector.broadcast %add3A_1164 : i32 to vector<16xi32>
      %add3A_1166 = arith.addi %mul3A_24, %add3A_1165 : vector<16xi32>
      %gather3A_1167 = tpu.vector_load_idx %arg16[%add3A_1166] : memref<256xf32, #tpu.memory_space<vmem>>[vector<16xi32>], vector<16xf32>,
      %add3A_1168 = arith.addf %add3A_1163, %gather3A_1167 : vector<16xf32>
      %add3A_1169 = arith.constant 15 : i32
      %add3A_1170 = vector.broadcast %add3A_1169 : i32 to vector<16xi32>
      %add3A_1171 = arith.addi %mul3A_24, %add3A_1170 : vector<16xi32>
      %gather3A_1172 = tpu.vector_load_idx %arg16[%add3A_1171] : memref<256xf32, #tpu.memory_space<vmem>>[vector<16xi32>], vector<16xf32>,
      %add3A_1173 = arith.addf %add3A_1168, %gather3A_1172 : vector<16xf32>
      %mul3A_1174 = arith.constant 8 : i32
      %mul3A_1175 = arith.muli %mul3A_1174, %add3A_1031 : i32
      %swap3A_1176 = arith.index_cast %mul3A_1175 : i32 to index
      %swap3A_1177 = tpu.vector_load %arg17[%swap3A_1176] {strides = array<i32>} : memref<1024xf32, #tpu.memory_space<vmem>>, vector<16xf32>,
      tpu.vector_store %arg17[%swap3A_1176], %add3A_1173 {strides = array<i32>} : memref<1024xf32, #tpu.memory_space<vmem>>, vector<16xf32>,
      %add3A_1178 = arith.constant 8 : i32
      %add3A_1179 = arith.addi %add3A_1031, %add3A_1178 : i32
      %mul3A_1180 = arith.constant 8 : i32
      %mul3A_1181 = arith.muli %add3A_1179, %mul3A_1180 : i32
      %dma_start3A_1182 = arith.constant 4 : i32
      %dma_start3A_1183 = arith.constant 0 : i32
      %dma_start3A_1184 = arith.constant 0 : i32
      %dma_start3A_1185 = tpu.memref_slice %arg10[%dma_start3A_1182, %dma_start3A_1183, %dma_start3A_1184] : memref<8x8x1024xf32, #tpu.memory_space<vmem>> -> memref<1x8x1024xf32, #tpu.memory_space<vmem>>
      %dma_start3A_1186 = tpu.memref_squeeze %dma_start3A_1185 : memref<1x8x1024xf32, #tpu.memory_space<vmem>> -> memref<8x1024xf32, #tpu.memory_space<vmem>>
      %dma_start3A_1187 = tpu.memref_slice %arg9[%mul3A_1181] : memref<1024xi32, #tpu.memory_space<vmem>> -> memref<8xi32, #tpu.memory_space<vmem>>
      %dma_start3A_1188 = arith.constant 0 : i32
      %dma_start3A_1189 = arith.constant 0 : i32
      %dma_start3A_1190 = tpu.memref_slice %arg3[%dma_start3A_1188, %dma_start3A_1189] : memref<100001x1024xf32, #tpu.memory_space<hbm>> -> memref<100001x1024xf32, #tpu.memory_space<hbm>>
      tpu.enqueue_indirect_dma source(%dma_start3A_1190 : memref<100001x1024xf32, #tpu.memory_space<hbm>>) target(%dma_start3A_1186 : memref<8x1024xf32, #tpu.memory_space<vmem>>) offsets(%dma_start3A_1187 : memref<8xi32, #tpu.memory_space<vmem>>) semaphore(%arg22 : memref<!tpu.dma_semaphore, #tpu.memory_space<semaphore_mem>>)
      %add3A_1191 = arith.constant 1 : i32
      %add3A_1192 = arith.addi %add3A_1031, %add3A_1191 : i32
      %add3A_1193 = arith.constant 8 : i32
      %add3A_1194 = arith.addi %add3A_1192, %add3A_1193 : i32
      %mul3A_1195 = arith.constant 8 : i32
      %mul3A_1196 = arith.muli %add3A_1194, %mul3A_1195 : i32
      %dma_start3A_1197 = arith.constant 5 : i32
      %dma_start3A_1198 = arith.constant 0 : i32
      %dma_start3A_1199 = arith.constant 0 : i32
      %dma_start3A_1200 = tpu.memref_slice %arg10[%dma_start3A_1197, %dma_start3A_1198, %dma_start3A_1199] : memref<8x8x1024xf32, #tpu.memory_space<vmem>> -> memref<1x8x1024xf32, #tpu.memory_space<vmem>>
      %dma_start3A_1201 = tpu.memref_squeeze %dma_start3A_1200 : memref<1x8x1024xf32, #tpu.memory_space<vmem>> -> memref<8x1024xf32, #tpu.memory_space<vmem>>
      %dma_start3A_1202 = tpu.memref_slice %arg9[%mul3A_1196] : memref<1024xi32, #tpu.memory_space<vmem>> -> memref<8xi32, #tpu.memory_space<vmem>>
      %dma_start3A_1203 = arith.constant 0 : i32
      %dma_start3A_1204 = arith.constant 0 : i32
      %dma_start3A_1205 = tpu.memref_slice %arg3[%dma_start3A_1203, %dma_start3A_1204] : memref<100001x1024xf32, #tpu.memory_space<hbm>> -> memref<100001x1024xf32, #tpu.memory_space<hbm>>
      tpu.enqueue_indirect_dma source(%dma_start3A_1205 : memref<100001x1024xf32, #tpu.memory_space<hbm>>) target(%dma_start3A_1201 : memref<8x1024xf32, #tpu.memory_space<vmem>>) offsets(%dma_start3A_1202 : memref<8xi32, #tpu.memory_space<vmem>>) semaphore(%arg23 : memref<!tpu.dma_semaphore, #tpu.memory_space<semaphore_mem>>)
      %mul3A_1206 = arith.constant 8 : i32
      %mul3A_1207 = arith.muli %mul3A_1206, %scan3A_670 : i32
      %add3A_1208 = arith.constant 6 : i32
      %add3A_1209 = arith.addi %mul3A_1207, %add3A_1208 : i32
      %mul3A_1210 = arith.constant 8 : i32
      %mul3A_1211 = arith.muli %add3A_1209, %mul3A_1210 : i32
      %dma_wait3A_1212 = arith.constant 6 : i32
      %dma_wait3A_1213 = arith.constant 0 : i32
      %dma_wait3A_1214 = arith.constant 0 : i32
      %dma_wait3A_1215 = tpu.memref_slice %arg10[%dma_wait3A_1212, %dma_wait3A_1213, %dma_wait3A_1214] : memref<8x8x1024xf32, #tpu.memory_space<vmem>> -> memref<1x8x1024xf32, #tpu.memory_space<vmem>>
      %dma_wait3A_1216 = tpu.memref_squeeze %dma_wait3A_1215 : memref<1x8x1024xf32, #tpu.memory_space<vmem>> -> memref<8x1024xf32, #tpu.memory_space<vmem>>
      %dma_wait3A_1217 = tpu.memref_slice %arg9[%mul3A_1211] : memref<1024xi32, #tpu.memory_space<vmem>> -> memref<8xi32, #tpu.memory_space<vmem>>
      %dma_wait3A_1218 = arith.constant 0 : i32
      %dma_wait3A_1219 = arith.constant 0 : i32
      %dma_wait3A_1220 = tpu.memref_slice %arg3[%dma_wait3A_1218, %dma_wait3A_1219] : memref<100001x1024xf32, #tpu.memory_space<hbm>> -> memref<100001x1024xf32, #tpu.memory_space<hbm>>
      tpu.wait_indirect_dma semaphore(%arg24 : memref<!tpu.dma_semaphore, #tpu.memory_space<semaphore_mem>>) src(%dma_wait3A_1220 : memref<100001x1024xf32, #tpu.memory_space<hbm>>) dst(%dma_wait3A_1216 : memref<8x1024xf32, #tpu.memory_space<vmem>>)
      %add3A_1221 = arith.constant 1 : i32
      %add3A_1222 = arith.addi %add3A_1209, %add3A_1221 : i32
      %mul3A_1223 = arith.constant 8 : i32
      %mul3A_1224 = arith.muli %add3A_1222, %mul3A_1223 : i32
      %dma_wait3A_1225 = arith.constant 7 : i32
      %dma_wait3A_1226 = arith.constant 0 : i32
      %dma_wait3A_1227 = arith.constant 0 : i32
      %dma_wait3A_1228 = tpu.memref_slice %arg10[%dma_wait3A_1225, %dma_wait3A_1226, %dma_wait3A_1227] : memref<8x8x1024xf32, #tpu.memory_space<vmem>> -> memref<1x8x1024xf32, #tpu.memory_space<vmem>>
      %dma_wait3A_1229 = tpu.memref_squeeze %dma_wait3A_1228 : memref<1x8x1024xf32, #tpu.memory_space<vmem>> -> memref<8x1024xf32, #tpu.memory_space<vmem>>
      %dma_wait3A_1230 = tpu.memref_slice %arg9[%mul3A_1224] : memref<1024xi32, #tpu.memory_space<vmem>> -> memref<8xi32, #tpu.memory_space<vmem>>
      %dma_wait3A_1231 = arith.constant 0 : i32
      %dma_wait3A_1232 = arith.constant 0 : i32
      %dma_wait3A_1233 = tpu.memref_slice %arg3[%dma_wait3A_1231, %dma_wait3A_1232] : memref<100001x1024xf32, #tpu.memory_space<hbm>> -> memref<100001x1024xf32, #tpu.memory_space<hbm>>
      tpu.wait_indirect_dma semaphore(%arg25 : memref<!tpu.dma_semaphore, #tpu.memory_space<semaphore_mem>>) src(%dma_wait3A_1233 : memref<100001x1024xf32, #tpu.memory_space<hbm>>) dst(%dma_wait3A_1229 : memref<8x1024xf32, #tpu.memory_space<vmem>>)
      %broadcast_in_dim3A_1234 = arith.constant 0.000000e+00 : f32
      %broadcast_in_dim3A_1235 = vector.broadcast %broadcast_in_dim3A_1234 : f32 to vector<16xf32>
      %parallel_loop3A_1236 = arith.constant 0 : i32
      %parallel_loop3A_1237 = arith.constant 64 : i32
      %parallel_loop3A_1238 = arith.constant 1 : i32
      %parallel_loop3A_1239:16 = scf.for %parallel_loop3A_1385 = %parallel_loop3A_1236 to %parallel_loop3A_1237 step %parallel_loop3A_1238 iter_args(%parallel_loop3A_1386 = %broadcast_in_dim3A_1235, %parallel_loop3A_1387 = %broadcast_in_dim3A_1235, %parallel_loop3A_1388 = %broadcast_in_dim3A_1235, %parallel_loop3A_1389 = %broadcast_in_dim3A_1235, %parallel_loop3A_1390 = %broadcast_in_dim3A_1235, %parallel_loop3A_1391 = %broadcast_in_dim3A_1235, %parallel_loop3A_1392 = %broadcast_in_dim3A_1235, %parallel_loop3A_1393 = %broadcast_in_dim3A_1235, %parallel_loop3A_1394 = %broadcast_in_dim3A_1235, %parallel_loop3A_1395 = %broadcast_in_dim3A_1235, %parallel_loop3A_1396 = %broadcast_in_dim3A_1235, %parallel_loop3A_1397 = %broadcast_in_dim3A_1235, %parallel_loop3A_1398 = %broadcast_in_dim3A_1235, %parallel_loop3A_1399 = %broadcast_in_dim3A_1235, %parallel_loop3A_1400 = %broadcast_in_dim3A_1235, %parallel_loop3A_1401 = %broadcast_in_dim3A_1235) -> (vector<16xf32>, vector<16xf32>, vector<16xf32>, vector<16xf32>, vector<16xf32>, vector<16xf32>, vector<16xf32>, vector<16xf32>, vector<16xf32>, vector<16xf32>, vector<16xf32>, vector<16xf32>, vector<16xf32>, vector<16xf32>, vector<16xf32>, vector<16xf32>)  : i32 {
        %parallel_loop3A_1402 = arith.constant 16 : i32
        %parallel_loop3A_1403 = arith.muli %parallel_loop3A_1385, %parallel_loop3A_1402 : i32
        %parallel_loop3A_1404 = arith.constant 0 : i32
        %parallel_loop3A_1405 = arith.index_cast %parallel_loop3A_1404 : i32 to index
        %parallel_loop3A_1406 = arith.index_cast %parallel_loop3A_1403 : i32 to index
        %parallel_loop3A_1407 = tpu.vector_load %arg11[%parallel_loop3A_1405, %parallel_loop3A_1406] {strides = array<i32>} : memref<2x2048xf32, #tpu.memory_space<vmem>>, vector<16xf32>,
        %parallel_loop3A_1408 = arith.constant 1 : i32
        %parallel_loop3A_1409 = arith.index_cast %parallel_loop3A_1408 : i32 to index
        %parallel_loop3A_1410 = arith.index_cast %parallel_loop3A_1403 : i32 to index
        %parallel_loop3A_1411 = tpu.vector_load %arg11[%parallel_loop3A_1409, %parallel_loop3A_1410] {strides = array<i32>} : memref<2x2048xf32, #tpu.memory_space<vmem>>, vector<16xf32>,
        %parallel_loop3A_1412 = arith.constant 1024 : i32
        %parallel_loop3A_1413 = arith.addi %parallel_loop3A_1412, %parallel_loop3A_1403 : i32
        %parallel_loop3A_1414 = arith.constant 0 : i32
        %parallel_loop3A_1415 = arith.index_cast %parallel_loop3A_1414 : i32 to index
        %parallel_loop3A_1416 = arith.index_cast %parallel_loop3A_1413 : i32 to index
        %parallel_loop3A_1417 = tpu.vector_load %arg11[%parallel_loop3A_1415, %parallel_loop3A_1416] {strides = array<i32>} : memref<2x2048xf32, #tpu.memory_space<vmem>>, vector<16xf32>,
        %parallel_loop3A_1418 = arith.constant 1024 : i32
        %parallel_loop3A_1419 = arith.addi %parallel_loop3A_1418, %parallel_loop3A_1403 : i32
        %parallel_loop3A_1420 = arith.constant 1 : i32
        %parallel_loop3A_1421 = arith.index_cast %parallel_loop3A_1420 : i32 to index
        %parallel_loop3A_1422 = arith.index_cast %parallel_loop3A_1419 : i32 to index
        %parallel_loop3A_1423 = tpu.vector_load %arg11[%parallel_loop3A_1421, %parallel_loop3A_1422] {strides = array<i32>} : memref<2x2048xf32, #tpu.memory_space<vmem>>, vector<16xf32>,
        %parallel_loop3A_1424 = arith.constant 6 : i32
        %parallel_loop3A_1425 = arith.constant 0 : i32
        %parallel_loop3A_1426 = arith.index_cast %parallel_loop3A_1424 : i32 to index
        %parallel_loop3A_1427 = arith.index_cast %parallel_loop3A_1425 : i32 to index
        %parallel_loop3A_1428 = arith.index_cast %parallel_loop3A_1403 : i32 to index
        %parallel_loop3A_1429 = tpu.vector_load %arg10[%parallel_loop3A_1426, %parallel_loop3A_1427, %parallel_loop3A_1428] {strides = array<i32>} : memref<8x8x1024xf32, #tpu.memory_space<vmem>>, vector<16xf32>,
        %parallel_loop3A_1430 = arith.constant 6 : i32
        %parallel_loop3A_1431 = arith.constant 1 : i32
        %parallel_loop3A_1432 = arith.index_cast %parallel_loop3A_1430 : i32 to index
        %parallel_loop3A_1433 = arith.index_cast %parallel_loop3A_1431 : i32 to index
        %parallel_loop3A_1434 = arith.index_cast %parallel_loop3A_1403 : i32 to index
        %parallel_loop3A_1435 = tpu.vector_load %arg10[%parallel_loop3A_1432, %parallel_loop3A_1433, %parallel_loop3A_1434] {strides = array<i32>} : memref<8x8x1024xf32, #tpu.memory_space<vmem>>, vector<16xf32>,
        %parallel_loop3A_1436 = arith.mulf %parallel_loop3A_1429, %parallel_loop3A_1407 : vector<16xf32>
        %parallel_loop3A_1437 = arith.addf %parallel_loop3A_1386, %parallel_loop3A_1436 : vector<16xf32>
        %parallel_loop3A_1438 = arith.mulf %parallel_loop3A_1435, %parallel_loop3A_1417 : vector<16xf32>
        %parallel_loop3A_1439 = arith.addf %parallel_loop3A_1437, %parallel_loop3A_1438 : vector<16xf32>
        %parallel_loop3A_1440 = arith.mulf %parallel_loop3A_1429, %parallel_loop3A_1411 : vector<16xf32>
        %parallel_loop3A_1441 = arith.addf %parallel_loop3A_1387, %parallel_loop3A_1440 : vector<16xf32>
        %parallel_loop3A_1442 = arith.mulf %parallel_loop3A_1435, %parallel_loop3A_1423 : vector<16xf32>
        %parallel_loop3A_1443 = arith.addf %parallel_loop3A_1441, %parallel_loop3A_1442 : vector<16xf32>
        %parallel_loop3A_1444 = arith.constant 6 : i32
        %parallel_loop3A_1445 = arith.constant 2 : i32
        %parallel_loop3A_1446 = arith.index_cast %parallel_loop3A_1444 : i32 to index
        %parallel_loop3A_1447 = arith.index_cast %parallel_loop3A_1445 : i32 to index
        %parallel_loop3A_1448 = arith.index_cast %parallel_loop3A_1403 : i32 to index
        %parallel_loop3A_1449 = tpu.vector_load %arg10[%parallel_loop3A_1446, %parallel_loop3A_1447, %parallel_loop3A_1448] {strides = array<i32>} : memref<8x8x1024xf32, #tpu.memory_space<vmem>>, vector<16xf32>,
        %parallel_loop3A_1450 = arith.constant 6 : i32
        %parallel_loop3A_1451 = arith.constant 3 : i32
        %parallel_loop3A_1452 = arith.index_cast %parallel_loop3A_1450 : i32 to index
        %parallel_loop3A_1453 = arith.index_cast %parallel_loop3A_1451 : i32 to index
        %parallel_loop3A_1454 = arith.index_cast %parallel_loop3A_1403 : i32 to index
        %parallel_loop3A_1455 = tpu.vector_load %arg10[%parallel_loop3A_1452, %parallel_loop3A_1453, %parallel_loop3A_1454] {strides = array<i32>} : memref<8x8x1024xf32, #tpu.memory_space<vmem>>, vector<16xf32>,
        %parallel_loop3A_1456 = arith.mulf %parallel_loop3A_1449, %parallel_loop3A_1407 : vector<16xf32>
        %parallel_loop3A_1457 = arith.addf %parallel_loop3A_1388, %parallel_loop3A_1456 : vector<16xf32>
        %parallel_loop3A_1458 = arith.mulf %parallel_loop3A_1455, %parallel_loop3A_1417 : vector<16xf32>
        %parallel_loop3A_1459 = arith.addf %parallel_loop3A_1457, %parallel_loop3A_1458 : vector<16xf32>
        %parallel_loop3A_1460 = arith.mulf %parallel_loop3A_1449, %parallel_loop3A_1411 : vector<16xf32>
        %parallel_loop3A_1461 = arith.addf %parallel_loop3A_1389, %parallel_loop3A_1460 : vector<16xf32>
        %parallel_loop3A_1462 = arith.mulf %parallel_loop3A_1455, %parallel_loop3A_1423 : vector<16xf32>
        %parallel_loop3A_1463 = arith.addf %parallel_loop3A_1461, %parallel_loop3A_1462 : vector<16xf32>
        %parallel_loop3A_1464 = arith.constant 6 : i32
        %parallel_loop3A_1465 = arith.constant 4 : i32
        %parallel_loop3A_1466 = arith.index_cast %parallel_loop3A_1464 : i32 to index
        %parallel_loop3A_1467 = arith.index_cast %parallel_loop3A_1465 : i32 to index
        %parallel_loop3A_1468 = arith.index_cast %parallel_loop3A_1403 : i32 to index
        %parallel_loop3A_1469 = tpu.vector_load %arg10[%parallel_loop3A_1466, %parallel_loop3A_1467, %parallel_loop3A_1468] {strides = array<i32>} : memref<8x8x1024xf32, #tpu.memory_space<vmem>>, vector<16xf32>,
        %parallel_loop3A_1470 = arith.constant 6 : i32
        %parallel_loop3A_1471 = arith.constant 5 : i32
        %parallel_loop3A_1472 = arith.index_cast %parallel_loop3A_1470 : i32 to index
        %parallel_loop3A_1473 = arith.index_cast %parallel_loop3A_1471 : i32 to index
        %parallel_loop3A_1474 = arith.index_cast %parallel_loop3A_1403 : i32 to index
        %parallel_loop3A_1475 = tpu.vector_load %arg10[%parallel_loop3A_1472, %parallel_loop3A_1473, %parallel_loop3A_1474] {strides = array<i32>} : memref<8x8x1024xf32, #tpu.memory_space<vmem>>, vector<16xf32>,
        %parallel_loop3A_1476 = arith.mulf %parallel_loop3A_1469, %parallel_loop3A_1407 : vector<16xf32>
        %parallel_loop3A_1477 = arith.addf %parallel_loop3A_1390, %parallel_loop3A_1476 : vector<16xf32>
        %parallel_loop3A_1478 = arith.mulf %parallel_loop3A_1475, %parallel_loop3A_1417 : vector<16xf32>
        %parallel_loop3A_1479 = arith.addf %parallel_loop3A_1477, %parallel_loop3A_1478 : vector<16xf32>
        %parallel_loop3A_1480 = arith.mulf %parallel_loop3A_1469, %parallel_loop3A_1411 : vector<16xf32>
        %parallel_loop3A_1481 = arith.addf %parallel_loop3A_1391, %parallel_loop3A_1480 : vector<16xf32>
        %parallel_loop3A_1482 = arith.mulf %parallel_loop3A_1475, %parallel_loop3A_1423 : vector<16xf32>
        %parallel_loop3A_1483 = arith.addf %parallel_loop3A_1481, %parallel_loop3A_1482 : vector<16xf32>
        %parallel_loop3A_1484 = arith.constant 6 : i32
        %parallel_loop3A_1485 = arith.constant 6 : i32
        %parallel_loop3A_1486 = arith.index_cast %parallel_loop3A_1484 : i32 to index
        %parallel_loop3A_1487 = arith.index_cast %parallel_loop3A_1485 : i32 to index
        %parallel_loop3A_1488 = arith.index_cast %parallel_loop3A_1403 : i32 to index
        %parallel_loop3A_1489 = tpu.vector_load %arg10[%parallel_loop3A_1486, %parallel_loop3A_1487, %parallel_loop3A_1488] {strides = array<i32>} : memref<8x8x1024xf32, #tpu.memory_space<vmem>>, vector<16xf32>,
        %parallel_loop3A_1490 = arith.constant 6 : i32
        %parallel_loop3A_1491 = arith.constant 7 : i32
        %parallel_loop3A_1492 = arith.index_cast %parallel_loop3A_1490 : i32 to index
        %parallel_loop3A_1493 = arith.index_cast %parallel_loop3A_1491 : i32 to index
        %parallel_loop3A_1494 = arith.index_cast %parallel_loop3A_1403 : i32 to index
        %parallel_loop3A_1495 = tpu.vector_load %arg10[%parallel_loop3A_1492, %parallel_loop3A_1493, %parallel_loop3A_1494] {strides = array<i32>} : memref<8x8x1024xf32, #tpu.memory_space<vmem>>, vector<16xf32>,
        %parallel_loop3A_1496 = arith.mulf %parallel_loop3A_1489, %parallel_loop3A_1407 : vector<16xf32>
        %parallel_loop3A_1497 = arith.addf %parallel_loop3A_1392, %parallel_loop3A_1496 : vector<16xf32>
        %parallel_loop3A_1498 = arith.mulf %parallel_loop3A_1495, %parallel_loop3A_1417 : vector<16xf32>
        %parallel_loop3A_1499 = arith.addf %parallel_loop3A_1497, %parallel_loop3A_1498 : vector<16xf32>
        %parallel_loop3A_1500 = arith.mulf %parallel_loop3A_1489, %parallel_loop3A_1411 : vector<16xf32>
        %parallel_loop3A_1501 = arith.addf %parallel_loop3A_1393, %parallel_loop3A_1500 : vector<16xf32>
        %parallel_loop3A_1502 = arith.mulf %parallel_loop3A_1495, %parallel_loop3A_1423 : vector<16xf32>
        %parallel_loop3A_1503 = arith.addf %parallel_loop3A_1501, %parallel_loop3A_1502 : vector<16xf32>
        %parallel_loop3A_1504 = arith.constant 7 : i32
        %parallel_loop3A_1505 = arith.constant 0 : i32
        %parallel_loop3A_1506 = arith.index_cast %parallel_loop3A_1504 : i32 to index
        %parallel_loop3A_1507 = arith.index_cast %parallel_loop3A_1505 : i32 to index
        %parallel_loop3A_1508 = arith.index_cast %parallel_loop3A_1403 : i32 to index
        %parallel_loop3A_1509 = tpu.vector_load %arg10[%parallel_loop3A_1506, %parallel_loop3A_1507, %parallel_loop3A_1508] {strides = array<i32>} : memref<8x8x1024xf32, #tpu.memory_space<vmem>>, vector<16xf32>,
        %parallel_loop3A_1510 = arith.constant 7 : i32
        %parallel_loop3A_1511 = arith.constant 1 : i32
        %parallel_loop3A_1512 = arith.index_cast %parallel_loop3A_1510 : i32 to index
        %parallel_loop3A_1513 = arith.index_cast %parallel_loop3A_1511 : i32 to index
        %parallel_loop3A_1514 = arith.index_cast %parallel_loop3A_1403 : i32 to index
        %parallel_loop3A_1515 = tpu.vector_load %arg10[%parallel_loop3A_1512, %parallel_loop3A_1513, %parallel_loop3A_1514] {strides = array<i32>} : memref<8x8x1024xf32, #tpu.memory_space<vmem>>, vector<16xf32>,
        %parallel_loop3A_1516 = arith.mulf %parallel_loop3A_1509, %parallel_loop3A_1407 : vector<16xf32>
        %parallel_loop3A_1517 = arith.addf %parallel_loop3A_1394, %parallel_loop3A_1516 : vector<16xf32>
        %parallel_loop3A_1518 = arith.mulf %parallel_loop3A_1515, %parallel_loop3A_1417 : vector<16xf32>
        %parallel_loop3A_1519 = arith.addf %parallel_loop3A_1517, %parallel_loop3A_1518 : vector<16xf32>
        %parallel_loop3A_1520 = arith.mulf %parallel_loop3A_1509, %parallel_loop3A_1411 : vector<16xf32>
        %parallel_loop3A_1521 = arith.addf %parallel_loop3A_1395, %parallel_loop3A_1520 : vector<16xf32>
        %parallel_loop3A_1522 = arith.mulf %parallel_loop3A_1515, %parallel_loop3A_1423 : vector<16xf32>
        %parallel_loop3A_1523 = arith.addf %parallel_loop3A_1521, %parallel_loop3A_1522 : vector<16xf32>
        %parallel_loop3A_1524 = arith.constant 7 : i32
        %parallel_loop3A_1525 = arith.constant 2 : i32
        %parallel_loop3A_1526 = arith.index_cast %parallel_loop3A_1524 : i32 to index
        %parallel_loop3A_1527 = arith.index_cast %parallel_loop3A_1525 : i32 to index
        %parallel_loop3A_1528 = arith.index_cast %parallel_loop3A_1403 : i32 to index
        %parallel_loop3A_1529 = tpu.vector_load %arg10[%parallel_loop3A_1526, %parallel_loop3A_1527, %parallel_loop3A_1528] {strides = array<i32>} : memref<8x8x1024xf32, #tpu.memory_space<vmem>>, vector<16xf32>,
        %parallel_loop3A_1530 = arith.constant 7 : i32
        %parallel_loop3A_1531 = arith.constant 3 : i32
        %parallel_loop3A_1532 = arith.index_cast %parallel_loop3A_1530 : i32 to index
        %parallel_loop3A_1533 = arith.index_cast %parallel_loop3A_1531 : i32 to index
        %parallel_loop3A_1534 = arith.index_cast %parallel_loop3A_1403 : i32 to index
        %parallel_loop3A_1535 = tpu.vector_load %arg10[%parallel_loop3A_1532, %parallel_loop3A_1533, %parallel_loop3A_1534] {strides = array<i32>} : memref<8x8x1024xf32, #tpu.memory_space<vmem>>, vector<16xf32>,
        %parallel_loop3A_1536 = arith.mulf %parallel_loop3A_1529, %parallel_loop3A_1407 : vector<16xf32>
        %parallel_loop3A_1537 = arith.addf %parallel_loop3A_1396, %parallel_loop3A_1536 : vector<16xf32>
        %parallel_loop3A_1538 = arith.mulf %parallel_loop3A_1535, %parallel_loop3A_1417 : vector<16xf32>
        %parallel_loop3A_1539 = arith.addf %parallel_loop3A_1537, %parallel_loop3A_1538 : vector<16xf32>
        %parallel_loop3A_1540 = arith.mulf %parallel_loop3A_1529, %parallel_loop3A_1411 : vector<16xf32>
        %parallel_loop3A_1541 = arith.addf %parallel_loop3A_1397, %parallel_loop3A_1540 : vector<16xf32>
        %parallel_loop3A_1542 = arith.mulf %parallel_loop3A_1535, %parallel_loop3A_1423 : vector<16xf32>
        %parallel_loop3A_1543 = arith.addf %parallel_loop3A_1541, %parallel_loop3A_1542 : vector<16xf32>
        %parallel_loop3A_1544 = arith.constant 7 : i32
        %parallel_loop3A_1545 = arith.constant 4 : i32
        %parallel_loop3A_1546 = arith.index_cast %parallel_loop3A_1544 : i32 to index
        %parallel_loop3A_1547 = arith.index_cast %parallel_loop3A_1545 : i32 to index
        %parallel_loop3A_1548 = arith.index_cast %parallel_loop3A_1403 : i32 to index
        %parallel_loop3A_1549 = tpu.vector_load %arg10[%parallel_loop3A_1546, %parallel_loop3A_1547, %parallel_loop3A_1548] {strides = array<i32>} : memref<8x8x1024xf32, #tpu.memory_space<vmem>>, vector<16xf32>,
        %parallel_loop3A_1550 = arith.constant 7 : i32
        %parallel_loop3A_1551 = arith.constant 5 : i32
        %parallel_loop3A_1552 = arith.index_cast %parallel_loop3A_1550 : i32 to index
        %parallel_loop3A_1553 = arith.index_cast %parallel_loop3A_1551 : i32 to index
        %parallel_loop3A_1554 = arith.index_cast %parallel_loop3A_1403 : i32 to index
        %parallel_loop3A_1555 = tpu.vector_load %arg10[%parallel_loop3A_1552, %parallel_loop3A_1553, %parallel_loop3A_1554] {strides = array<i32>} : memref<8x8x1024xf32, #tpu.memory_space<vmem>>, vector<16xf32>,
        %parallel_loop3A_1556 = arith.mulf %parallel_loop3A_1549, %parallel_loop3A_1407 : vector<16xf32>
        %parallel_loop3A_1557 = arith.addf %parallel_loop3A_1398, %parallel_loop3A_1556 : vector<16xf32>
        %parallel_loop3A_1558 = arith.mulf %parallel_loop3A_1555, %parallel_loop3A_1417 : vector<16xf32>
        %parallel_loop3A_1559 = arith.addf %parallel_loop3A_1557, %parallel_loop3A_1558 : vector<16xf32>
        %parallel_loop3A_1560 = arith.mulf %parallel_loop3A_1549, %parallel_loop3A_1411 : vector<16xf32>
        %parallel_loop3A_1561 = arith.addf %parallel_loop3A_1399, %parallel_loop3A_1560 : vector<16xf32>
        %parallel_loop3A_1562 = arith.mulf %parallel_loop3A_1555, %parallel_loop3A_1423 : vector<16xf32>
        %parallel_loop3A_1563 = arith.addf %parallel_loop3A_1561, %parallel_loop3A_1562 : vector<16xf32>
        %parallel_loop3A_1564 = arith.constant 7 : i32
        %parallel_loop3A_1565 = arith.constant 6 : i32
        %parallel_loop3A_1566 = arith.index_cast %parallel_loop3A_1564 : i32 to index
        %parallel_loop3A_1567 = arith.index_cast %parallel_loop3A_1565 : i32 to index
        %parallel_loop3A_1568 = arith.index_cast %parallel_loop3A_1403 : i32 to index
        %parallel_loop3A_1569 = tpu.vector_load %arg10[%parallel_loop3A_1566, %parallel_loop3A_1567, %parallel_loop3A_1568] {strides = array<i32>} : memref<8x8x1024xf32, #tpu.memory_space<vmem>>, vector<16xf32>,
        %parallel_loop3A_1570 = arith.constant 7 : i32
        %parallel_loop3A_1571 = arith.constant 7 : i32
        %parallel_loop3A_1572 = arith.index_cast %parallel_loop3A_1570 : i32 to index
        %parallel_loop3A_1573 = arith.index_cast %parallel_loop3A_1571 : i32 to index
        %parallel_loop3A_1574 = arith.index_cast %parallel_loop3A_1403 : i32 to index
        %parallel_loop3A_1575 = tpu.vector_load %arg10[%parallel_loop3A_1572, %parallel_loop3A_1573, %parallel_loop3A_1574] {strides = array<i32>} : memref<8x8x1024xf32, #tpu.memory_space<vmem>>, vector<16xf32>,
        %parallel_loop3A_1576 = arith.mulf %parallel_loop3A_1569, %parallel_loop3A_1407 : vector<16xf32>
        %parallel_loop3A_1577 = arith.addf %parallel_loop3A_1400, %parallel_loop3A_1576 : vector<16xf32>
        %parallel_loop3A_1578 = arith.mulf %parallel_loop3A_1575, %parallel_loop3A_1417 : vector<16xf32>
        %parallel_loop3A_1579 = arith.addf %parallel_loop3A_1577, %parallel_loop3A_1578 : vector<16xf32>
        %parallel_loop3A_1580 = arith.mulf %parallel_loop3A_1569, %parallel_loop3A_1411 : vector<16xf32>
        %parallel_loop3A_1581 = arith.addf %parallel_loop3A_1401, %parallel_loop3A_1580 : vector<16xf32>
        %parallel_loop3A_1582 = arith.mulf %parallel_loop3A_1575, %parallel_loop3A_1423 : vector<16xf32>
        %parallel_loop3A_1583 = arith.addf %parallel_loop3A_1581, %parallel_loop3A_1582 : vector<16xf32>
        scf.yield %parallel_loop3A_1439, %parallel_loop3A_1443, %parallel_loop3A_1459, %parallel_loop3A_1463, %parallel_loop3A_1479, %parallel_loop3A_1483, %parallel_loop3A_1499, %parallel_loop3A_1503, %parallel_loop3A_1519, %parallel_loop3A_1523, %parallel_loop3A_1539, %parallel_loop3A_1543, %parallel_loop3A_1559, %parallel_loop3A_1563, %parallel_loop3A_1579, %parallel_loop3A_1583 : vector<16xf32>, vector<16xf32>, vector<16xf32>, vector<16xf32>, vector<16xf32>, vector<16xf32>, vector<16xf32>, vector<16xf32>, vector<16xf32>, vector<16xf32>, vector<16xf32>, vector<16xf32>, vector<16xf32>, vector<16xf32>, vector<16xf32>, vector<16xf32>
      } {sc.loop_unroll_factor = 1 : i64, sc.parallel_access}
      %swap3A_1240 = arith.constant 0 : index
      %swap3A_1241 = tpu.vector_load %arg16[%swap3A_1240] {strides = array<i32>} : memref<256xf32, #tpu.memory_space<vmem>>, vector<16xf32>,
      tpu.vector_store %arg16[%swap3A_1240], %parallel_loop3A_1239#0 {strides = array<i32>} : memref<256xf32, #tpu.memory_space<vmem>>, vector<16xf32>,
      %swap3A_1242 = arith.constant 16 : index
      %swap3A_1243 = tpu.vector_load %arg16[%swap3A_1242] {strides = array<i32>} : memref<256xf32, #tpu.memory_space<vmem>>, vector<16xf32>,
      tpu.vector_store %arg16[%swap3A_1242], %parallel_loop3A_1239#1 {strides = array<i32>} : memref<256xf32, #tpu.memory_space<vmem>>, vector<16xf32>,
      %swap3A_1244 = arith.constant 32 : index
      %swap3A_1245 = tpu.vector_load %arg16[%swap3A_1244] {strides = array<i32>} : memref<256xf32, #tpu.memory_space<vmem>>, vector<16xf32>,
      tpu.vector_store %arg16[%swap3A_1244], %parallel_loop3A_1239#2 {strides = array<i32>} : memref<256xf32, #tpu.memory_space<vmem>>, vector<16xf32>,
      %swap3A_1246 = arith.constant 48 : index
      %swap3A_1247 = tpu.vector_load %arg16[%swap3A_1246] {strides = array<i32>} : memref<256xf32, #tpu.memory_space<vmem>>, vector<16xf32>,
      tpu.vector_store %arg16[%swap3A_1246], %parallel_loop3A_1239#3 {strides = array<i32>} : memref<256xf32, #tpu.memory_space<vmem>>, vector<16xf32>,
      %swap3A_1248 = arith.constant 64 : index
      %swap3A_1249 = tpu.vector_load %arg16[%swap3A_1248] {strides = array<i32>} : memref<256xf32, #tpu.memory_space<vmem>>, vector<16xf32>,
      tpu.vector_store %arg16[%swap3A_1248], %parallel_loop3A_1239#4 {strides = array<i32>} : memref<256xf32, #tpu.memory_space<vmem>>, vector<16xf32>,
      %swap3A_1250 = arith.constant 80 : index
      %swap3A_1251 = tpu.vector_load %arg16[%swap3A_1250] {strides = array<i32>} : memref<256xf32, #tpu.memory_space<vmem>>, vector<16xf32>,
      tpu.vector_store %arg16[%swap3A_1250], %parallel_loop3A_1239#5 {strides = array<i32>} : memref<256xf32, #tpu.memory_space<vmem>>, vector<16xf32>,
      %swap3A_1252 = arith.constant 96 : index
      %swap3A_1253 = tpu.vector_load %arg16[%swap3A_1252] {strides = array<i32>} : memref<256xf32, #tpu.memory_space<vmem>>, vector<16xf32>,
      tpu.vector_store %arg16[%swap3A_1252], %parallel_loop3A_1239#6 {strides = array<i32>} : memref<256xf32, #tpu.memory_space<vmem>>, vector<16xf32>,
      %swap3A_1254 = arith.constant 112 : index
      %swap3A_1255 = tpu.vector_load %arg16[%swap3A_1254] {strides = array<i32>} : memref<256xf32, #tpu.memory_space<vmem>>, vector<16xf32>,
      tpu.vector_store %arg16[%swap3A_1254], %parallel_loop3A_1239#7 {strides = array<i32>} : memref<256xf32, #tpu.memory_space<vmem>>, vector<16xf32>,
      %swap3A_1256 = arith.constant 128 : index
      %swap3A_1257 = tpu.vector_load %arg16[%swap3A_1256] {strides = array<i32>} : memref<256xf32, #tpu.memory_space<vmem>>, vector<16xf32>,
      tpu.vector_store %arg16[%swap3A_1256], %parallel_loop3A_1239#8 {strides = array<i32>} : memref<256xf32, #tpu.memory_space<vmem>>, vector<16xf32>,
      %swap3A_1258 = arith.constant 144 : index
      %swap3A_1259 = tpu.vector_load %arg16[%swap3A_1258] {strides = array<i32>} : memref<256xf32, #tpu.memory_space<vmem>>, vector<16xf32>,
      tpu.vector_store %arg16[%swap3A_1258], %parallel_loop3A_1239#9 {strides = array<i32>} : memref<256xf32, #tpu.memory_space<vmem>>, vector<16xf32>,
      %swap3A_1260 = arith.constant 160 : index
      %swap3A_1261 = tpu.vector_load %arg16[%swap3A_1260] {strides = array<i32>} : memref<256xf32, #tpu.memory_space<vmem>>, vector<16xf32>,
      tpu.vector_store %arg16[%swap3A_1260], %parallel_loop3A_1239#10 {strides = array<i32>} : memref<256xf32, #tpu.memory_space<vmem>>, vector<16xf32>,
      %swap3A_1262 = arith.constant 176 : index
      %swap3A_1263 = tpu.vector_load %arg16[%swap3A_1262] {strides = array<i32>} : memref<256xf32, #tpu.memory_space<vmem>>, vector<16xf32>,
      tpu.vector_store %arg16[%swap3A_1262], %parallel_loop3A_1239#11 {strides = array<i32>} : memref<256xf32, #tpu.memory_space<vmem>>, vector<16xf32>,
      %swap3A_1264 = arith.constant 192 : index
      %swap3A_1265 = tpu.vector_load %arg16[%swap3A_1264] {strides = array<i32>} : memref<256xf32, #tpu.memory_space<vmem>>, vector<16xf32>,
      tpu.vector_store %arg16[%swap3A_1264], %parallel_loop3A_1239#12 {strides = array<i32>} : memref<256xf32, #tpu.memory_space<vmem>>, vector<16xf32>,
      %swap3A_1266 = arith.constant 208 : index
      %swap3A_1267 = tpu.vector_load %arg16[%swap3A_1266] {strides = array<i32>} : memref<256xf32, #tpu.memory_space<vmem>>, vector<16xf32>,
      tpu.vector_store %arg16[%swap3A_1266], %parallel_loop3A_1239#13 {strides = array<i32>} : memref<256xf32, #tpu.memory_space<vmem>>, vector<16xf32>,
      %swap3A_1268 = arith.constant 224 : index
      %swap3A_1269 = tpu.vector_load %arg16[%swap3A_1268] {strides = array<i32>} : memref<256xf32, #tpu.memory_space<vmem>>, vector<16xf32>,
      tpu.vector_store %arg16[%swap3A_1268], %parallel_loop3A_1239#14 {strides = array<i32>} : memref<256xf32, #tpu.memory_space<vmem>>, vector<16xf32>,
      %swap3A_1270 = arith.constant 240 : index
      %swap3A_1271 = tpu.vector_load %arg16[%swap3A_1270] {strides = array<i32>} : memref<256xf32, #tpu.memory_space<vmem>>, vector<16xf32>,
      tpu.vector_store %arg16[%swap3A_1270], %parallel_loop3A_1239#15 {strides = array<i32>} : memref<256xf32, #tpu.memory_space<vmem>>, vector<16xf32>,
      %add3A_1272 = arith.constant 0 : i32
      %add3A_1273 = vector.broadcast %add3A_1272 : i32 to vector<16xi32>
      %add3A_1274 = arith.addi %mul3A_24, %add3A_1273 : vector<16xi32>
      %gather3A_1275 = tpu.vector_load_idx %arg16[%add3A_1274] : memref<256xf32, #tpu.memory_space<vmem>>[vector<16xi32>], vector<16xf32>,
      %add3A_1276 = arith.addf %add3A_21, %gather3A_1275 : vector<16xf32>
      %add3A_1277 = arith.constant 1 : i32
      %add3A_1278 = vector.broadcast %add3A_1277 : i32 to vector<16xi32>
      %add3A_1279 = arith.addi %mul3A_24, %add3A_1278 : vector<16xi32>
      %gather3A_1280 = tpu.vector_load_idx %arg16[%add3A_1279] : memref<256xf32, #tpu.memory_space<vmem>>[vector<16xi32>], vector<16xf32>,
      %add3A_1281 = arith.addf %add3A_1276, %gather3A_1280 : vector<16xf32>
      %add3A_1282 = arith.constant 2 : i32
      %add3A_1283 = vector.broadcast %add3A_1282 : i32 to vector<16xi32>
      %add3A_1284 = arith.addi %mul3A_24, %add3A_1283 : vector<16xi32>
      %gather3A_1285 = tpu.vector_load_idx %arg16[%add3A_1284] : memref<256xf32, #tpu.memory_space<vmem>>[vector<16xi32>], vector<16xf32>,
      %add3A_1286 = arith.addf %add3A_1281, %gather3A_1285 : vector<16xf32>
      %add3A_1287 = arith.constant 3 : i32
      %add3A_1288 = vector.broadcast %add3A_1287 : i32 to vector<16xi32>
      %add3A_1289 = arith.addi %mul3A_24, %add3A_1288 : vector<16xi32>
      %gather3A_1290 = tpu.vector_load_idx %arg16[%add3A_1289] : memref<256xf32, #tpu.memory_space<vmem>>[vector<16xi32>], vector<16xf32>,
      %add3A_1291 = arith.addf %add3A_1286, %gather3A_1290 : vector<16xf32>
      %add3A_1292 = arith.constant 4 : i32
      %add3A_1293 = vector.broadcast %add3A_1292 : i32 to vector<16xi32>
      %add3A_1294 = arith.addi %mul3A_24, %add3A_1293 : vector<16xi32>
      %gather3A_1295 = tpu.vector_load_idx %arg16[%add3A_1294] : memref<256xf32, #tpu.memory_space<vmem>>[vector<16xi32>], vector<16xf32>,
      %add3A_1296 = arith.addf %add3A_1291, %gather3A_1295 : vector<16xf32>
      %add3A_1297 = arith.constant 5 : i32
      %add3A_1298 = vector.broadcast %add3A_1297 : i32 to vector<16xi32>
      %add3A_1299 = arith.addi %mul3A_24, %add3A_1298 : vector<16xi32>
      %gather3A_1300 = tpu.vector_load_idx %arg16[%add3A_1299] : memref<256xf32, #tpu.memory_space<vmem>>[vector<16xi32>], vector<16xf32>,
      %add3A_1301 = arith.addf %add3A_1296, %gather3A_1300 : vector<16xf32>
      %add3A_1302 = arith.constant 6 : i32
      %add3A_1303 = vector.broadcast %add3A_1302 : i32 to vector<16xi32>
      %add3A_1304 = arith.addi %mul3A_24, %add3A_1303 : vector<16xi32>
      %gather3A_1305 = tpu.vector_load_idx %arg16[%add3A_1304] : memref<256xf32, #tpu.memory_space<vmem>>[vector<16xi32>], vector<16xf32>,
      %add3A_1306 = arith.addf %add3A_1301, %gather3A_1305 : vector<16xf32>
      %add3A_1307 = arith.constant 7 : i32
      %add3A_1308 = vector.broadcast %add3A_1307 : i32 to vector<16xi32>
      %add3A_1309 = arith.addi %mul3A_24, %add3A_1308 : vector<16xi32>
      %gather3A_1310 = tpu.vector_load_idx %arg16[%add3A_1309] : memref<256xf32, #tpu.memory_space<vmem>>[vector<16xi32>], vector<16xf32>,
      %add3A_1311 = arith.addf %add3A_1306, %gather3A_1310 : vector<16xf32>
      %add3A_1312 = arith.constant 8 : i32
      %add3A_1313 = vector.broadcast %add3A_1312 : i32 to vector<16xi32>
      %add3A_1314 = arith.addi %mul3A_24, %add3A_1313 : vector<16xi32>
      %gather3A_1315 = tpu.vector_load_idx %arg16[%add3A_1314] : memref<256xf32, #tpu.memory_space<vmem>>[vector<16xi32>], vector<16xf32>,
      %add3A_1316 = arith.addf %add3A_1311, %gather3A_1315 : vector<16xf32>
      %add3A_1317 = arith.constant 9 : i32
      %add3A_1318 = vector.broadcast %add3A_1317 : i32 to vector<16xi32>
      %add3A_1319 = arith.addi %mul3A_24, %add3A_1318 : vector<16xi32>
      %gather3A_1320 = tpu.vector_load_idx %arg16[%add3A_1319] : memref<256xf32, #tpu.memory_space<vmem>>[vector<16xi32>], vector<16xf32>,
      %add3A_1321 = arith.addf %add3A_1316, %gather3A_1320 : vector<16xf32>
      %add3A_1322 = arith.constant 10 : i32
      %add3A_1323 = vector.broadcast %add3A_1322 : i32 to vector<16xi32>
      %add3A_1324 = arith.addi %mul3A_24, %add3A_1323 : vector<16xi32>
      %gather3A_1325 = tpu.vector_load_idx %arg16[%add3A_1324] : memref<256xf32, #tpu.memory_space<vmem>>[vector<16xi32>], vector<16xf32>,
      %add3A_1326 = arith.addf %add3A_1321, %gather3A_1325 : vector<16xf32>
      %add3A_1327 = arith.constant 11 : i32
      %add3A_1328 = vector.broadcast %add3A_1327 : i32 to vector<16xi32>
      %add3A_1329 = arith.addi %mul3A_24, %add3A_1328 : vector<16xi32>
      %gather3A_1330 = tpu.vector_load_idx %arg16[%add3A_1329] : memref<256xf32, #tpu.memory_space<vmem>>[vector<16xi32>], vector<16xf32>,
      %add3A_1331 = arith.addf %add3A_1326, %gather3A_1330 : vector<16xf32>
      %add3A_1332 = arith.constant 12 : i32
      %add3A_1333 = vector.broadcast %add3A_1332 : i32 to vector<16xi32>
      %add3A_1334 = arith.addi %mul3A_24, %add3A_1333 : vector<16xi32>
      %gather3A_1335 = tpu.vector_load_idx %arg16[%add3A_1334] : memref<256xf32, #tpu.memory_space<vmem>>[vector<16xi32>], vector<16xf32>,
      %add3A_1336 = arith.addf %add3A_1331, %gather3A_1335 : vector<16xf32>
      %add3A_1337 = arith.constant 13 : i32
      %add3A_1338 = vector.broadcast %add3A_1337 : i32 to vector<16xi32>
      %add3A_1339 = arith.addi %mul3A_24, %add3A_1338 : vector<16xi32>
      %gather3A_1340 = tpu.vector_load_idx %arg16[%add3A_1339] : memref<256xf32, #tpu.memory_space<vmem>>[vector<16xi32>], vector<16xf32>,
      %add3A_1341 = arith.addf %add3A_1336, %gather3A_1340 : vector<16xf32>
      %add3A_1342 = arith.constant 14 : i32
      %add3A_1343 = vector.broadcast %add3A_1342 : i32 to vector<16xi32>
      %add3A_1344 = arith.addi %mul3A_24, %add3A_1343 : vector<16xi32>
      %gather3A_1345 = tpu.vector_load_idx %arg16[%add3A_1344] : memref<256xf32, #tpu.memory_space<vmem>>[vector<16xi32>], vector<16xf32>,
      %add3A_1346 = arith.addf %add3A_1341, %gather3A_1345 : vector<16xf32>
      %add3A_1347 = arith.constant 15 : i32
      %add3A_1348 = vector.broadcast %add3A_1347 : i32 to vector<16xi32>
      %add3A_1349 = arith.addi %mul3A_24, %add3A_1348 : vector<16xi32>
      %gather3A_1350 = tpu.vector_load_idx %arg16[%add3A_1349] : memref<256xf32, #tpu.memory_space<vmem>>[vector<16xi32>], vector<16xf32>,
      %add3A_1351 = arith.addf %add3A_1346, %gather3A_1350 : vector<16xf32>
      %mul3A_1352 = arith.constant 8 : i32
      %mul3A_1353 = arith.muli %mul3A_1352, %add3A_1209 : i32
      %swap3A_1354 = arith.index_cast %mul3A_1353 : i32 to index
      %swap3A_1355 = tpu.vector_load %arg17[%swap3A_1354] {strides = array<i32>} : memref<1024xf32, #tpu.memory_space<vmem>>, vector<16xf32>,
      tpu.vector_store %arg17[%swap3A_1354], %add3A_1351 {strides = array<i32>} : memref<1024xf32, #tpu.memory_space<vmem>>, vector<16xf32>,
      %add3A_1356 = arith.constant 8 : i32
      %add3A_1357 = arith.addi %add3A_1209, %add3A_1356 : i32
      %mul3A_1358 = arith.constant 8 : i32
      %mul3A_1359 = arith.muli %add3A_1357, %mul3A_1358 : i32
      %dma_start3A_1360 = arith.constant 6 : i32
      %dma_start3A_1361 = arith.constant 0 : i32
      %dma_start3A_1362 = arith.constant 0 : i32
      %dma_start3A_1363 = tpu.memref_slice %arg10[%dma_start3A_1360, %dma_start3A_1361, %dma_start3A_1362] : memref<8x8x1024xf32, #tpu.memory_space<vmem>> -> memref<1x8x1024xf32, #tpu.memory_space<vmem>>
      %dma_start3A_1364 = tpu.memref_squeeze %dma_start3A_1363 : memref<1x8x1024xf32, #tpu.memory_space<vmem>> -> memref<8x1024xf32, #tpu.memory_space<vmem>>
      %dma_start3A_1365 = tpu.memref_slice %arg9[%mul3A_1359] : memref<1024xi32, #tpu.memory_space<vmem>> -> memref<8xi32, #tpu.memory_space<vmem>>
      %dma_start3A_1366 = arith.constant 0 : i32
      %dma_start3A_1367 = arith.constant 0 : i32
      %dma_start3A_1368 = tpu.memref_slice %arg3[%dma_start3A_1366, %dma_start3A_1367] : memref<100001x1024xf32, #tpu.memory_space<hbm>> -> memref<100001x1024xf32, #tpu.memory_space<hbm>>
      tpu.enqueue_indirect_dma source(%dma_start3A_1368 : memref<100001x1024xf32, #tpu.memory_space<hbm>>) target(%dma_start3A_1364 : memref<8x1024xf32, #tpu.memory_space<vmem>>) offsets(%dma_start3A_1365 : memref<8xi32, #tpu.memory_space<vmem>>) semaphore(%arg24 : memref<!tpu.dma_semaphore, #tpu.memory_space<semaphore_mem>>)
      %add3A_1369 = arith.constant 1 : i32
      %add3A_1370 = arith.addi %add3A_1209, %add3A_1369 : i32
      %add3A_1371 = arith.constant 8 : i32
      %add3A_1372 = arith.addi %add3A_1370, %add3A_1371 : i32
      %mul3A_1373 = arith.constant 8 : i32
      %mul3A_1374 = arith.muli %add3A_1372, %mul3A_1373 : i32
      %dma_start3A_1375 = arith.constant 7 : i32
      %dma_start3A_1376 = arith.constant 0 : i32
      %dma_start3A_1377 = arith.constant 0 : i32
      %dma_start3A_1378 = tpu.memref_slice %arg10[%dma_start3A_1375, %dma_start3A_1376, %dma_start3A_1377] : memref<8x8x1024xf32, #tpu.memory_space<vmem>> -> memref<1x8x1024xf32, #tpu.memory_space<vmem>>
      %dma_start3A_1379 = tpu.memref_squeeze %dma_start3A_1378 : memref<1x8x1024xf32, #tpu.memory_space<vmem>> -> memref<8x1024xf32, #tpu.memory_space<vmem>>
      %dma_start3A_1380 = tpu.memref_slice %arg9[%mul3A_1374] : memref<1024xi32, #tpu.memory_space<vmem>> -> memref<8xi32, #tpu.memory_space<vmem>>
      %dma_start3A_1381 = arith.constant 0 : i32
      %dma_start3A_1382 = arith.constant 0 : i32
      %dma_start3A_1383 = tpu.memref_slice %arg3[%dma_start3A_1381, %dma_start3A_1382] : memref<100001x1024xf32, #tpu.memory_space<hbm>> -> memref<100001x1024xf32, #tpu.memory_space<hbm>>
      tpu.enqueue_indirect_dma source(%dma_start3A_1383 : memref<100001x1024xf32, #tpu.memory_space<hbm>>) target(%dma_start3A_1379 : memref<8x1024xf32, #tpu.memory_space<vmem>>) offsets(%dma_start3A_1380 : memref<8xi32, #tpu.memory_space<vmem>>) semaphore(%arg25 : memref<!tpu.dma_semaphore, #tpu.memory_space<semaphore_mem>>)
      %scan3A_1384 = arith.constant 0 : i32
      scf.yield %scan3A_1384 : i32
    }
    %scan3A_110 = arith.constant 15 : i32
    %dma_wait3A = arith.constant 0 : i32
    %dma_wait3A_111 = arith.constant 0 : i32
    %dma_wait3A_112 = arith.constant 0 : i32
    %dma_wait3A_113 = tpu.memref_slice %arg10[%dma_wait3A, %dma_wait3A_111, %dma_wait3A_112] : memref<8x8x1024xf32, #tpu.memory_space<vmem>> -> memref<1x8x1024xf32, #tpu.memory_space<vmem>>
    %dma_wait3A_114 = tpu.memref_squeeze %dma_wait3A_113 : memref<1x8x1024xf32, #tpu.memory_space<vmem>> -> memref<8x1024xf32, #tpu.memory_space<vmem>>
    %dma_wait3A_115 = arith.constant 960 : i32
    %dma_wait3A_116 = tpu.memref_slice %arg9[%dma_wait3A_115] : memref<1024xi32, #tpu.memory_space<vmem>> -> memref<8xi32, #tpu.memory_space<vmem>>
    %dma_wait3A_117 = arith.constant 0 : i32
    %dma_wait3A_118 = arith.constant 0 : i32
    %dma_wait3A_119 = tpu.memref_slice %arg3[%dma_wait3A_117, %dma_wait3A_118] : memref<100001x1024xf32, #tpu.memory_space<hbm>> -> memref<100001x1024xf32, #tpu.memory_space<hbm>>
    tpu.wait_indirect_dma semaphore(%arg18 : memref<!tpu.dma_semaphore, #tpu.memory_space<semaphore_mem>>) src(%dma_wait3A_119 : memref<100001x1024xf32, #tpu.memory_space<hbm>>) dst(%dma_wait3A_114 : memref<8x1024xf32, #tpu.memory_space<vmem>>)
    %dma_wait3A_120 = arith.constant 1 : i32
    %dma_wait3A_121 = arith.constant 0 : i32
    %dma_wait3A_122 = arith.constant 0 : i32
    %dma_wait3A_123 = tpu.memref_slice %arg10[%dma_wait3A_120, %dma_wait3A_121, %dma_wait3A_122] : memref<8x8x1024xf32, #tpu.memory_space<vmem>> -> memref<1x8x1024xf32, #tpu.memory_space<vmem>>
    %dma_wait3A_124 = tpu.memref_squeeze %dma_wait3A_123 : memref<1x8x1024xf32, #tpu.memory_space<vmem>> -> memref<8x1024xf32, #tpu.memory_space<vmem>>
    %dma_wait3A_125 = arith.constant 968 : i32
    %dma_wait3A_126 = tpu.memref_slice %arg9[%dma_wait3A_125] : memref<1024xi32, #tpu.memory_space<vmem>> -> memref<8xi32, #tpu.memory_space<vmem>>
    %dma_wait3A_127 = arith.constant 0 : i32
    %dma_wait3A_128 = arith.constant 0 : i32
    %dma_wait3A_129 = tpu.memref_slice %arg3[%dma_wait3A_127, %dma_wait3A_128] : memref<100001x1024xf32, #tpu.memory_space<hbm>> -> memref<100001x1024xf32, #tpu.memory_space<hbm>>
    tpu.wait_indirect_dma semaphore(%arg19 : memref<!tpu.dma_semaphore, #tpu.memory_space<semaphore_mem>>) src(%dma_wait3A_129 : memref<100001x1024xf32, #tpu.memory_space<hbm>>) dst(%dma_wait3A_124 : memref<8x1024xf32, #tpu.memory_space<vmem>>)
    %broadcast_in_dim3A = arith.constant 0.000000e+00 : f32
    %broadcast_in_dim3A_130 = vector.broadcast %broadcast_in_dim3A : f32 to vector<16xf32>
    %parallel_loop3A = arith.constant 0 : i32
    %parallel_loop3A_131 = arith.constant 64 : i32
    %parallel_loop3A_132 = arith.constant 1 : i32
    %parallel_loop3A_133:16 = scf.for %parallel_loop3A_670 = %parallel_loop3A to %parallel_loop3A_131 step %parallel_loop3A_132 iter_args(%parallel_loop3A_671 = %broadcast_in_dim3A_130, %parallel_loop3A_672 = %broadcast_in_dim3A_130, %parallel_loop3A_673 = %broadcast_in_dim3A_130, %parallel_loop3A_674 = %broadcast_in_dim3A_130, %parallel_loop3A_675 = %broadcast_in_dim3A_130, %parallel_loop3A_676 = %broadcast_in_dim3A_130, %parallel_loop3A_677 = %broadcast_in_dim3A_130, %parallel_loop3A_678 = %broadcast_in_dim3A_130, %parallel_loop3A_679 = %broadcast_in_dim3A_130, %parallel_loop3A_680 = %broadcast_in_dim3A_130, %parallel_loop3A_681 = %broadcast_in_dim3A_130, %parallel_loop3A_682 = %broadcast_in_dim3A_130, %parallel_loop3A_683 = %broadcast_in_dim3A_130, %parallel_loop3A_684 = %broadcast_in_dim3A_130, %parallel_loop3A_685 = %broadcast_in_dim3A_130, %parallel_loop3A_686 = %broadcast_in_dim3A_130) -> (vector<16xf32>, vector<16xf32>, vector<16xf32>, vector<16xf32>, vector<16xf32>, vector<16xf32>, vector<16xf32>, vector<16xf32>, vector<16xf32>, vector<16xf32>, vector<16xf32>, vector<16xf32>, vector<16xf32>, vector<16xf32>, vector<16xf32>, vector<16xf32>)  : i32 {
      %parallel_loop3A_687 = arith.constant 16 : i32
      %parallel_loop3A_688 = arith.muli %parallel_loop3A_670, %parallel_loop3A_687 : i32
      %parallel_loop3A_689 = arith.constant 0 : i32
      %parallel_loop3A_690 = arith.index_cast %parallel_loop3A_689 : i32 to index
      %parallel_loop3A_691 = arith.index_cast %parallel_loop3A_688 : i32 to index
      %parallel_loop3A_692 = tpu.vector_load %arg11[%parallel_loop3A_690, %parallel_loop3A_691] {strides = array<i32>} : memref<2x2048xf32, #tpu.memory_space<vmem>>, vector<16xf32>,
      %parallel_loop3A_693 = arith.constant 1 : i32
      %parallel_loop3A_694 = arith.index_cast %parallel_loop3A_693 : i32 to index
      %parallel_loop3A_695 = arith.index_cast %parallel_loop3A_688 : i32 to index
      %parallel_loop3A_696 = tpu.vector_load %arg11[%parallel_loop3A_694, %parallel_loop3A_695] {strides = array<i32>} : memref<2x2048xf32, #tpu.memory_space<vmem>>, vector<16xf32>,
      %parallel_loop3A_697 = arith.constant 1024 : i32
      %parallel_loop3A_698 = arith.addi %parallel_loop3A_697, %parallel_loop3A_688 : i32
      %parallel_loop3A_699 = arith.constant 0 : i32
      %parallel_loop3A_700 = arith.index_cast %parallel_loop3A_699 : i32 to index
      %parallel_loop3A_701 = arith.index_cast %parallel_loop3A_698 : i32 to index
      %parallel_loop3A_702 = tpu.vector_load %arg11[%parallel_loop3A_700, %parallel_loop3A_701] {strides = array<i32>} : memref<2x2048xf32, #tpu.memory_space<vmem>>, vector<16xf32>,
      %parallel_loop3A_703 = arith.constant 1024 : i32
      %parallel_loop3A_704 = arith.addi %parallel_loop3A_703, %parallel_loop3A_688 : i32
      %parallel_loop3A_705 = arith.constant 1 : i32
      %parallel_loop3A_706 = arith.index_cast %parallel_loop3A_705 : i32 to index
      %parallel_loop3A_707 = arith.index_cast %parallel_loop3A_704 : i32 to index
      %parallel_loop3A_708 = tpu.vector_load %arg11[%parallel_loop3A_706, %parallel_loop3A_707] {strides = array<i32>} : memref<2x2048xf32, #tpu.memory_space<vmem>>, vector<16xf32>,
      %parallel_loop3A_709 = arith.constant 0 : i32
      %parallel_loop3A_710 = arith.constant 0 : i32
      %parallel_loop3A_711 = arith.index_cast %parallel_loop3A_709 : i32 to index
      %parallel_loop3A_712 = arith.index_cast %parallel_loop3A_710 : i32 to index
      %parallel_loop3A_713 = arith.index_cast %parallel_loop3A_688 : i32 to index
      %parallel_loop3A_714 = tpu.vector_load %arg10[%parallel_loop3A_711, %parallel_loop3A_712, %parallel_loop3A_713] {strides = array<i32>} : memref<8x8x1024xf32, #tpu.memory_space<vmem>>, vector<16xf32>,
      %parallel_loop3A_715 = arith.constant 0 : i32
      %parallel_loop3A_716 = arith.constant 1 : i32
      %parallel_loop3A_717 = arith.index_cast %parallel_loop3A_715 : i32 to index
      %parallel_loop3A_718 = arith.index_cast %parallel_loop3A_716 : i32 to index
      %parallel_loop3A_719 = arith.index_cast %parallel_loop3A_688 : i32 to index
      %parallel_loop3A_720 = tpu.vector_load %arg10[%parallel_loop3A_717, %parallel_loop3A_718, %parallel_loop3A_719] {strides = array<i32>} : memref<8x8x1024xf32, #tpu.memory_space<vmem>>, vector<16xf32>,
      %parallel_loop3A_721 = arith.mulf %parallel_loop3A_714, %parallel_loop3A_692 : vector<16xf32>
      %parallel_loop3A_722 = arith.addf %parallel_loop3A_671, %parallel_loop3A_721 : vector<16xf32>
      %parallel_loop3A_723 = arith.mulf %parallel_loop3A_720, %parallel_loop3A_702 : vector<16xf32>
      %parallel_loop3A_724 = arith.addf %parallel_loop3A_722, %parallel_loop3A_723 : vector<16xf32>
      %parallel_loop3A_725 = arith.mulf %parallel_loop3A_714, %parallel_loop3A_696 : vector<16xf32>
      %parallel_loop3A_726 = arith.addf %parallel_loop3A_672, %parallel_loop3A_725 : vector<16xf32>
      %parallel_loop3A_727 = arith.mulf %parallel_loop3A_720, %parallel_loop3A_708 : vector<16xf32>
      %parallel_loop3A_728 = arith.addf %parallel_loop3A_726, %parallel_loop3A_727 : vector<16xf32>
      %parallel_loop3A_729 = arith.constant 0 : i32
      %parallel_loop3A_730 = arith.constant 2 : i32
      %parallel_loop3A_731 = arith.index_cast %parallel_loop3A_729 : i32 to index
      %parallel_loop3A_732 = arith.index_cast %parallel_loop3A_730 : i32 to index
      %parallel_loop3A_733 = arith.index_cast %parallel_loop3A_688 : i32 to index
      %parallel_loop3A_734 = tpu.vector_load %arg10[%parallel_loop3A_731, %parallel_loop3A_732, %parallel_loop3A_733] {strides = array<i32>} : memref<8x8x1024xf32, #tpu.memory_space<vmem>>, vector<16xf32>,
      %parallel_loop3A_735 = arith.constant 0 : i32
      %parallel_loop3A_736 = arith.constant 3 : i32
      %parallel_loop3A_737 = arith.index_cast %parallel_loop3A_735 : i32 to index
      %parallel_loop3A_738 = arith.index_cast %parallel_loop3A_736 : i32 to index
      %parallel_loop3A_739 = arith.index_cast %parallel_loop3A_688 : i32 to index
      %parallel_loop3A_740 = tpu.vector_load %arg10[%parallel_loop3A_737, %parallel_loop3A_738, %parallel_loop3A_739] {strides = array<i32>} : memref<8x8x1024xf32, #tpu.memory_space<vmem>>, vector<16xf32>,
      %parallel_loop3A_741 = arith.mulf %parallel_loop3A_734, %parallel_loop3A_692 : vector<16xf32>
      %parallel_loop3A_742 = arith.addf %parallel_loop3A_673, %parallel_loop3A_741 : vector<16xf32>
      %parallel_loop3A_743 = arith.mulf %parallel_loop3A_740, %parallel_loop3A_702 : vector<16xf32>
      %parallel_loop3A_744 = arith.addf %parallel_loop3A_742, %parallel_loop3A_743 : vector<16xf32>
      %parallel_loop3A_745 = arith.mulf %parallel_loop3A_734, %parallel_loop3A_696 : vector<16xf32>
      %parallel_loop3A_746 = arith.addf %parallel_loop3A_674, %parallel_loop3A_745 : vector<16xf32>
      %parallel_loop3A_747 = arith.mulf %parallel_loop3A_740, %parallel_loop3A_708 : vector<16xf32>
      %parallel_loop3A_748 = arith.addf %parallel_loop3A_746, %parallel_loop3A_747 : vector<16xf32>
      %parallel_loop3A_749 = arith.constant 0 : i32
      %parallel_loop3A_750 = arith.constant 4 : i32
      %parallel_loop3A_751 = arith.index_cast %parallel_loop3A_749 : i32 to index
      %parallel_loop3A_752 = arith.index_cast %parallel_loop3A_750 : i32 to index
      %parallel_loop3A_753 = arith.index_cast %parallel_loop3A_688 : i32 to index
      %parallel_loop3A_754 = tpu.vector_load %arg10[%parallel_loop3A_751, %parallel_loop3A_752, %parallel_loop3A_753] {strides = array<i32>} : memref<8x8x1024xf32, #tpu.memory_space<vmem>>, vector<16xf32>,
      %parallel_loop3A_755 = arith.constant 0 : i32
      %parallel_loop3A_756 = arith.constant 5 : i32
      %parallel_loop3A_757 = arith.index_cast %parallel_loop3A_755 : i32 to index
      %parallel_loop3A_758 = arith.index_cast %parallel_loop3A_756 : i32 to index
      %parallel_loop3A_759 = arith.index_cast %parallel_loop3A_688 : i32 to index
      %parallel_loop3A_760 = tpu.vector_load %arg10[%parallel_loop3A_757, %parallel_loop3A_758, %parallel_loop3A_759] {strides = array<i32>} : memref<8x8x1024xf32, #tpu.memory_space<vmem>>, vector<16xf32>,
      %parallel_loop3A_761 = arith.mulf %parallel_loop3A_754, %parallel_loop3A_692 : vector<16xf32>
      %parallel_loop3A_762 = arith.addf %parallel_loop3A_675, %parallel_loop3A_761 : vector<16xf32>
      %parallel_loop3A_763 = arith.mulf %parallel_loop3A_760, %parallel_loop3A_702 : vector<16xf32>
      %parallel_loop3A_764 = arith.addf %parallel_loop3A_762, %parallel_loop3A_763 : vector<16xf32>
      %parallel_loop3A_765 = arith.mulf %parallel_loop3A_754, %parallel_loop3A_696 : vector<16xf32>
      %parallel_loop3A_766 = arith.addf %parallel_loop3A_676, %parallel_loop3A_765 : vector<16xf32>
      %parallel_loop3A_767 = arith.mulf %parallel_loop3A_760, %parallel_loop3A_708 : vector<16xf32>
      %parallel_loop3A_768 = arith.addf %parallel_loop3A_766, %parallel_loop3A_767 : vector<16xf32>
      %parallel_loop3A_769 = arith.constant 0 : i32
      %parallel_loop3A_770 = arith.constant 6 : i32
      %parallel_loop3A_771 = arith.index_cast %parallel_loop3A_769 : i32 to index
      %parallel_loop3A_772 = arith.index_cast %parallel_loop3A_770 : i32 to index
      %parallel_loop3A_773 = arith.index_cast %parallel_loop3A_688 : i32 to index
      %parallel_loop3A_774 = tpu.vector_load %arg10[%parallel_loop3A_771, %parallel_loop3A_772, %parallel_loop3A_773] {strides = array<i32>} : memref<8x8x1024xf32, #tpu.memory_space<vmem>>, vector<16xf32>,
      %parallel_loop3A_775 = arith.constant 0 : i32
      %parallel_loop3A_776 = arith.constant 7 : i32
      %parallel_loop3A_777 = arith.index_cast %parallel_loop3A_775 : i32 to index
      %parallel_loop3A_778 = arith.index_cast %parallel_loop3A_776 : i32 to index
      %parallel_loop3A_779 = arith.index_cast %parallel_loop3A_688 : i32 to index
      %parallel_loop3A_780 = tpu.vector_load %arg10[%parallel_loop3A_777, %parallel_loop3A_778, %parallel_loop3A_779] {strides = array<i32>} : memref<8x8x1024xf32, #tpu.memory_space<vmem>>, vector<16xf32>,
      %parallel_loop3A_781 = arith.mulf %parallel_loop3A_774, %parallel_loop3A_692 : vector<16xf32>
      %parallel_loop3A_782 = arith.addf %parallel_loop3A_677, %parallel_loop3A_781 : vector<16xf32>
      %parallel_loop3A_783 = arith.mulf %parallel_loop3A_780, %parallel_loop3A_702 : vector<16xf32>
      %parallel_loop3A_784 = arith.addf %parallel_loop3A_782, %parallel_loop3A_783 : vector<16xf32>
      %parallel_loop3A_785 = arith.mulf %parallel_loop3A_774, %parallel_loop3A_696 : vector<16xf32>
      %parallel_loop3A_786 = arith.addf %parallel_loop3A_678, %parallel_loop3A_785 : vector<16xf32>
      %parallel_loop3A_787 = arith.mulf %parallel_loop3A_780, %parallel_loop3A_708 : vector<16xf32>
      %parallel_loop3A_788 = arith.addf %parallel_loop3A_786, %parallel_loop3A_787 : vector<16xf32>
      %parallel_loop3A_789 = arith.constant 1 : i32
      %parallel_loop3A_790 = arith.constant 0 : i32
      %parallel_loop3A_791 = arith.index_cast %parallel_loop3A_789 : i32 to index
      %parallel_loop3A_792 = arith.index_cast %parallel_loop3A_790 : i32 to index
      %parallel_loop3A_793 = arith.index_cast %parallel_loop3A_688 : i32 to index
      %parallel_loop3A_794 = tpu.vector_load %arg10[%parallel_loop3A_791, %parallel_loop3A_792, %parallel_loop3A_793] {strides = array<i32>} : memref<8x8x1024xf32, #tpu.memory_space<vmem>>, vector<16xf32>,
      %parallel_loop3A_795 = arith.constant 1 : i32
      %parallel_loop3A_796 = arith.constant 1 : i32
      %parallel_loop3A_797 = arith.index_cast %parallel_loop3A_795 : i32 to index
      %parallel_loop3A_798 = arith.index_cast %parallel_loop3A_796 : i32 to index
      %parallel_loop3A_799 = arith.index_cast %parallel_loop3A_688 : i32 to index
      %parallel_loop3A_800 = tpu.vector_load %arg10[%parallel_loop3A_797, %parallel_loop3A_798, %parallel_loop3A_799] {strides = array<i32>} : memref<8x8x1024xf32, #tpu.memory_space<vmem>>, vector<16xf32>,
      %parallel_loop3A_801 = arith.mulf %parallel_loop3A_794, %parallel_loop3A_692 : vector<16xf32>
      %parallel_loop3A_802 = arith.addf %parallel_loop3A_679, %parallel_loop3A_801 : vector<16xf32>
      %parallel_loop3A_803 = arith.mulf %parallel_loop3A_800, %parallel_loop3A_702 : vector<16xf32>
      %parallel_loop3A_804 = arith.addf %parallel_loop3A_802, %parallel_loop3A_803 : vector<16xf32>
      %parallel_loop3A_805 = arith.mulf %parallel_loop3A_794, %parallel_loop3A_696 : vector<16xf32>
      %parallel_loop3A_806 = arith.addf %parallel_loop3A_680, %parallel_loop3A_805 : vector<16xf32>
      %parallel_loop3A_807 = arith.mulf %parallel_loop3A_800, %parallel_loop3A_708 : vector<16xf32>
      %parallel_loop3A_808 = arith.addf %parallel_loop3A_806, %parallel_loop3A_807 : vector<16xf32>
      %parallel_loop3A_809 = arith.constant 1 : i32
      %parallel_loop3A_810 = arith.constant 2 : i32
      %parallel_loop3A_811 = arith.index_cast %parallel_loop3A_809 : i32 to index
      %parallel_loop3A_812 = arith.index_cast %parallel_loop3A_810 : i32 to index
      %parallel_loop3A_813 = arith.index_cast %parallel_loop3A_688 : i32 to index
      %parallel_loop3A_814 = tpu.vector_load %arg10[%parallel_loop3A_811, %parallel_loop3A_812, %parallel_loop3A_813] {strides = array<i32>} : memref<8x8x1024xf32, #tpu.memory_space<vmem>>, vector<16xf32>,
      %parallel_loop3A_815 = arith.constant 1 : i32
      %parallel_loop3A_816 = arith.constant 3 : i32
      %parallel_loop3A_817 = arith.index_cast %parallel_loop3A_815 : i32 to index
      %parallel_loop3A_818 = arith.index_cast %parallel_loop3A_816 : i32 to index
      %parallel_loop3A_819 = arith.index_cast %parallel_loop3A_688 : i32 to index
      %parallel_loop3A_820 = tpu.vector_load %arg10[%parallel_loop3A_817, %parallel_loop3A_818, %parallel_loop3A_819] {strides = array<i32>} : memref<8x8x1024xf32, #tpu.memory_space<vmem>>, vector<16xf32>,
      %parallel_loop3A_821 = arith.mulf %parallel_loop3A_814, %parallel_loop3A_692 : vector<16xf32>
      %parallel_loop3A_822 = arith.addf %parallel_loop3A_681, %parallel_loop3A_821 : vector<16xf32>
      %parallel_loop3A_823 = arith.mulf %parallel_loop3A_820, %parallel_loop3A_702 : vector<16xf32>
      %parallel_loop3A_824 = arith.addf %parallel_loop3A_822, %parallel_loop3A_823 : vector<16xf32>
      %parallel_loop3A_825 = arith.mulf %parallel_loop3A_814, %parallel_loop3A_696 : vector<16xf32>
      %parallel_loop3A_826 = arith.addf %parallel_loop3A_682, %parallel_loop3A_825 : vector<16xf32>
      %parallel_loop3A_827 = arith.mulf %parallel_loop3A_820, %parallel_loop3A_708 : vector<16xf32>
      %parallel_loop3A_828 = arith.addf %parallel_loop3A_826, %parallel_loop3A_827 : vector<16xf32>
      %parallel_loop3A_829 = arith.constant 1 : i32
      %parallel_loop3A_830 = arith.constant 4 : i32
      %parallel_loop3A_831 = arith.index_cast %parallel_loop3A_829 : i32 to index
      %parallel_loop3A_832 = arith.index_cast %parallel_loop3A_830 : i32 to index
      %parallel_loop3A_833 = arith.index_cast %parallel_loop3A_688 : i32 to index
      %parallel_loop3A_834 = tpu.vector_load %arg10[%parallel_loop3A_831, %parallel_loop3A_832, %parallel_loop3A_833] {strides = array<i32>} : memref<8x8x1024xf32, #tpu.memory_space<vmem>>, vector<16xf32>,
      %parallel_loop3A_835 = arith.constant 1 : i32
      %parallel_loop3A_836 = arith.constant 5 : i32
      %parallel_loop3A_837 = arith.index_cast %parallel_loop3A_835 : i32 to index
      %parallel_loop3A_838 = arith.index_cast %parallel_loop3A_836 : i32 to index
      %parallel_loop3A_839 = arith.index_cast %parallel_loop3A_688 : i32 to index
      %parallel_loop3A_840 = tpu.vector_load %arg10[%parallel_loop3A_837, %parallel_loop3A_838, %parallel_loop3A_839] {strides = array<i32>} : memref<8x8x1024xf32, #tpu.memory_space<vmem>>, vector<16xf32>,
      %parallel_loop3A_841 = arith.mulf %parallel_loop3A_834, %parallel_loop3A_692 : vector<16xf32>
      %parallel_loop3A_842 = arith.addf %parallel_loop3A_683, %parallel_loop3A_841 : vector<16xf32>
      %parallel_loop3A_843 = arith.mulf %parallel_loop3A_840, %parallel_loop3A_702 : vector<16xf32>
      %parallel_loop3A_844 = arith.addf %parallel_loop3A_842, %parallel_loop3A_843 : vector<16xf32>
      %parallel_loop3A_845 = arith.mulf %parallel_loop3A_834, %parallel_loop3A_696 : vector<16xf32>
      %parallel_loop3A_846 = arith.addf %parallel_loop3A_684, %parallel_loop3A_845 : vector<16xf32>
      %parallel_loop3A_847 = arith.mulf %parallel_loop3A_840, %parallel_loop3A_708 : vector<16xf32>
      %parallel_loop3A_848 = arith.addf %parallel_loop3A_846, %parallel_loop3A_847 : vector<16xf32>
      %parallel_loop3A_849 = arith.constant 1 : i32
      %parallel_loop3A_850 = arith.constant 6 : i32
      %parallel_loop3A_851 = arith.index_cast %parallel_loop3A_849 : i32 to index
      %parallel_loop3A_852 = arith.index_cast %parallel_loop3A_850 : i32 to index
      %parallel_loop3A_853 = arith.index_cast %parallel_loop3A_688 : i32 to index
      %parallel_loop3A_854 = tpu.vector_load %arg10[%parallel_loop3A_851, %parallel_loop3A_852, %parallel_loop3A_853] {strides = array<i32>} : memref<8x8x1024xf32, #tpu.memory_space<vmem>>, vector<16xf32>,
      %parallel_loop3A_855 = arith.constant 1 : i32
      %parallel_loop3A_856 = arith.constant 7 : i32
      %parallel_loop3A_857 = arith.index_cast %parallel_loop3A_855 : i32 to index
      %parallel_loop3A_858 = arith.index_cast %parallel_loop3A_856 : i32 to index
      %parallel_loop3A_859 = arith.index_cast %parallel_loop3A_688 : i32 to index
      %parallel_loop3A_860 = tpu.vector_load %arg10[%parallel_loop3A_857, %parallel_loop3A_858, %parallel_loop3A_859] {strides = array<i32>} : memref<8x8x1024xf32, #tpu.memory_space<vmem>>, vector<16xf32>,
      %parallel_loop3A_861 = arith.mulf %parallel_loop3A_854, %parallel_loop3A_692 : vector<16xf32>
      %parallel_loop3A_862 = arith.addf %parallel_loop3A_685, %parallel_loop3A_861 : vector<16xf32>
      %parallel_loop3A_863 = arith.mulf %parallel_loop3A_860, %parallel_loop3A_702 : vector<16xf32>
      %parallel_loop3A_864 = arith.addf %parallel_loop3A_862, %parallel_loop3A_863 : vector<16xf32>
      %parallel_loop3A_865 = arith.mulf %parallel_loop3A_854, %parallel_loop3A_696 : vector<16xf32>
      %parallel_loop3A_866 = arith.addf %parallel_loop3A_686, %parallel_loop3A_865 : vector<16xf32>
      %parallel_loop3A_867 = arith.mulf %parallel_loop3A_860, %parallel_loop3A_708 : vector<16xf32>
      %parallel_loop3A_868 = arith.addf %parallel_loop3A_866, %parallel_loop3A_867 : vector<16xf32>
      scf.yield %parallel_loop3A_724, %parallel_loop3A_728, %parallel_loop3A_744, %parallel_loop3A_748, %parallel_loop3A_764, %parallel_loop3A_768, %parallel_loop3A_784, %parallel_loop3A_788, %parallel_loop3A_804, %parallel_loop3A_808, %parallel_loop3A_824, %parallel_loop3A_828, %parallel_loop3A_844, %parallel_loop3A_848, %parallel_loop3A_864, %parallel_loop3A_868 : vector<16xf32>, vector<16xf32>, vector<16xf32>, vector<16xf32>, vector<16xf32>, vector<16xf32>, vector<16xf32>, vector<16xf32>, vector<16xf32>, vector<16xf32>, vector<16xf32>, vector<16xf32>, vector<16xf32>, vector<16xf32>, vector<16xf32>, vector<16xf32>
    } {sc.loop_unroll_factor = 1 : i64, sc.parallel_access}
    %swap3A = arith.constant 0 : index
    %swap3A_134 = tpu.vector_load %arg16[%swap3A] {strides = array<i32>} : memref<256xf32, #tpu.memory_space<vmem>>, vector<16xf32>,
    tpu.vector_store %arg16[%swap3A], %parallel_loop3A_133#0 {strides = array<i32>} : memref<256xf32, #tpu.memory_space<vmem>>, vector<16xf32>,
    %swap3A_135 = arith.constant 16 : index
    %swap3A_136 = tpu.vector_load %arg16[%swap3A_135] {strides = array<i32>} : memref<256xf32, #tpu.memory_space<vmem>>, vector<16xf32>,
    tpu.vector_store %arg16[%swap3A_135], %parallel_loop3A_133#1 {strides = array<i32>} : memref<256xf32, #tpu.memory_space<vmem>>, vector<16xf32>,
    %swap3A_137 = arith.constant 32 : index
    %swap3A_138 = tpu.vector_load %arg16[%swap3A_137] {strides = array<i32>} : memref<256xf32, #tpu.memory_space<vmem>>, vector<16xf32>,
    tpu.vector_store %arg16[%swap3A_137], %parallel_loop3A_133#2 {strides = array<i32>} : memref<256xf32, #tpu.memory_space<vmem>>, vector<16xf32>,
    %swap3A_139 = arith.constant 48 : index
    %swap3A_140 = tpu.vector_load %arg16[%swap3A_139] {strides = array<i32>} : memref<256xf32, #tpu.memory_space<vmem>>, vector<16xf32>,
    tpu.vector_store %arg16[%swap3A_139], %parallel_loop3A_133#3 {strides = array<i32>} : memref<256xf32, #tpu.memory_space<vmem>>, vector<16xf32>,
    %swap3A_141 = arith.constant 64 : index
    %swap3A_142 = tpu.vector_load %arg16[%swap3A_141] {strides = array<i32>} : memref<256xf32, #tpu.memory_space<vmem>>, vector<16xf32>,
    tpu.vector_store %arg16[%swap3A_141], %parallel_loop3A_133#4 {strides = array<i32>} : memref<256xf32, #tpu.memory_space<vmem>>, vector<16xf32>,
    %swap3A_143 = arith.constant 80 : index
    %swap3A_144 = tpu.vector_load %arg16[%swap3A_143] {strides = array<i32>} : memref<256xf32, #tpu.memory_space<vmem>>, vector<16xf32>,
    tpu.vector_store %arg16[%swap3A_143], %parallel_loop3A_133#5 {strides = array<i32>} : memref<256xf32, #tpu.memory_space<vmem>>, vector<16xf32>,
    %swap3A_145 = arith.constant 96 : index
    %swap3A_146 = tpu.vector_load %arg16[%swap3A_145] {strides = array<i32>} : memref<256xf32, #tpu.memory_space<vmem>>, vector<16xf32>,
    tpu.vector_store %arg16[%swap3A_145], %parallel_loop3A_133#6 {strides = array<i32>} : memref<256xf32, #tpu.memory_space<vmem>>, vector<16xf32>,
    %swap3A_147 = arith.constant 112 : index
    %swap3A_148 = tpu.vector_load %arg16[%swap3A_147] {strides = array<i32>} : memref<256xf32, #tpu.memory_space<vmem>>, vector<16xf32>,
    tpu.vector_store %arg16[%swap3A_147], %parallel_loop3A_133#7 {strides = array<i32>} : memref<256xf32, #tpu.memory_space<vmem>>, vector<16xf32>,
    %swap3A_149 = arith.constant 128 : index
    %swap3A_150 = tpu.vector_load %arg16[%swap3A_149] {strides = array<i32>} : memref<256xf32, #tpu.memory_space<vmem>>, vector<16xf32>,
    tpu.vector_store %arg16[%swap3A_149], %parallel_loop3A_133#8 {strides = array<i32>} : memref<256xf32, #tpu.memory_space<vmem>>, vector<16xf32>,
    %swap3A_151 = arith.constant 144 : index
    %swap3A_152 = tpu.vector_load %arg16[%swap3A_151] {strides = array<i32>} : memref<256xf32, #tpu.memory_space<vmem>>, vector<16xf32>,
    tpu.vector_store %arg16[%swap3A_151], %parallel_loop3A_133#9 {strides = array<i32>} : memref<256xf32, #tpu.memory_space<vmem>>, vector<16xf32>,
    %swap3A_153 = arith.constant 160 : index
    %swap3A_154 = tpu.vector_load %arg16[%swap3A_153] {strides = array<i32>} : memref<256xf32, #tpu.memory_space<vmem>>, vector<16xf32>,
    tpu.vector_store %arg16[%swap3A_153], %parallel_loop3A_133#10 {strides = array<i32>} : memref<256xf32, #tpu.memory_space<vmem>>, vector<16xf32>,
    %swap3A_155 = arith.constant 176 : index
    %swap3A_156 = tpu.vector_load %arg16[%swap3A_155] {strides = array<i32>} : memref<256xf32, #tpu.memory_space<vmem>>, vector<16xf32>,
    tpu.vector_store %arg16[%swap3A_155], %parallel_loop3A_133#11 {strides = array<i32>} : memref<256xf32, #tpu.memory_space<vmem>>, vector<16xf32>,
    %swap3A_157 = arith.constant 192 : index
    %swap3A_158 = tpu.vector_load %arg16[%swap3A_157] {strides = array<i32>} : memref<256xf32, #tpu.memory_space<vmem>>, vector<16xf32>,
    tpu.vector_store %arg16[%swap3A_157], %parallel_loop3A_133#12 {strides = array<i32>} : memref<256xf32, #tpu.memory_space<vmem>>, vector<16xf32>,
    %swap3A_159 = arith.constant 208 : index
    %swap3A_160 = tpu.vector_load %arg16[%swap3A_159] {strides = array<i32>} : memref<256xf32, #tpu.memory_space<vmem>>, vector<16xf32>,
    tpu.vector_store %arg16[%swap3A_159], %parallel_loop3A_133#13 {strides = array<i32>} : memref<256xf32, #tpu.memory_space<vmem>>, vector<16xf32>,
    %swap3A_161 = arith.constant 224 : index
    %swap3A_162 = tpu.vector_load %arg16[%swap3A_161] {strides = array<i32>} : memref<256xf32, #tpu.memory_space<vmem>>, vector<16xf32>,
    tpu.vector_store %arg16[%swap3A_161], %parallel_loop3A_133#14 {strides = array<i32>} : memref<256xf32, #tpu.memory_space<vmem>>, vector<16xf32>,
    %swap3A_163 = arith.constant 240 : index
    %swap3A_164 = tpu.vector_load %arg16[%swap3A_163] {strides = array<i32>} : memref<256xf32, #tpu.memory_space<vmem>>, vector<16xf32>,
    tpu.vector_store %arg16[%swap3A_163], %parallel_loop3A_133#15 {strides = array<i32>} : memref<256xf32, #tpu.memory_space<vmem>>, vector<16xf32>,
    %add3A_165 = arith.constant 0 : i32
    %add3A_166 = vector.broadcast %add3A_165 : i32 to vector<16xi32>
    %add3A_167 = arith.addi %mul3A_24, %add3A_166 : vector<16xi32>
    %gather3A = tpu.vector_load_idx %arg16[%add3A_167] : memref<256xf32, #tpu.memory_space<vmem>>[vector<16xi32>], vector<16xf32>,
    %add3A_168 = arith.addf %add3A_21, %gather3A : vector<16xf32>
    %add3A_169 = arith.constant 1 : i32
    %add3A_170 = vector.broadcast %add3A_169 : i32 to vector<16xi32>
    %add3A_171 = arith.addi %mul3A_24, %add3A_170 : vector<16xi32>
    %gather3A_172 = tpu.vector_load_idx %arg16[%add3A_171] : memref<256xf32, #tpu.memory_space<vmem>>[vector<16xi32>], vector<16xf32>,
    %add3A_173 = arith.addf %add3A_168, %gather3A_172 : vector<16xf32>
    %add3A_174 = arith.constant 2 : i32
    %add3A_175 = vector.broadcast %add3A_174 : i32 to vector<16xi32>
    %add3A_176 = arith.addi %mul3A_24, %add3A_175 : vector<16xi32>
    %gather3A_177 = tpu.vector_load_idx %arg16[%add3A_176] : memref<256xf32, #tpu.memory_space<vmem>>[vector<16xi32>], vector<16xf32>,
    %add3A_178 = arith.addf %add3A_173, %gather3A_177 : vector<16xf32>
    %add3A_179 = arith.constant 3 : i32
    %add3A_180 = vector.broadcast %add3A_179 : i32 to vector<16xi32>
    %add3A_181 = arith.addi %mul3A_24, %add3A_180 : vector<16xi32>
    %gather3A_182 = tpu.vector_load_idx %arg16[%add3A_181] : memref<256xf32, #tpu.memory_space<vmem>>[vector<16xi32>], vector<16xf32>,
    %add3A_183 = arith.addf %add3A_178, %gather3A_182 : vector<16xf32>
    %add3A_184 = arith.constant 4 : i32
    %add3A_185 = vector.broadcast %add3A_184 : i32 to vector<16xi32>
    %add3A_186 = arith.addi %mul3A_24, %add3A_185 : vector<16xi32>
    %gather3A_187 = tpu.vector_load_idx %arg16[%add3A_186] : memref<256xf32, #tpu.memory_space<vmem>>[vector<16xi32>], vector<16xf32>,
    %add3A_188 = arith.addf %add3A_183, %gather3A_187 : vector<16xf32>
    %add3A_189 = arith.constant 5 : i32
    %add3A_190 = vector.broadcast %add3A_189 : i32 to vector<16xi32>
    %add3A_191 = arith.addi %mul3A_24, %add3A_190 : vector<16xi32>
    %gather3A_192 = tpu.vector_load_idx %arg16[%add3A_191] : memref<256xf32, #tpu.memory_space<vmem>>[vector<16xi32>], vector<16xf32>,
    %add3A_193 = arith.addf %add3A_188, %gather3A_192 : vector<16xf32>
    %add3A_194 = arith.constant 6 : i32
    %add3A_195 = vector.broadcast %add3A_194 : i32 to vector<16xi32>
    %add3A_196 = arith.addi %mul3A_24, %add3A_195 : vector<16xi32>
    %gather3A_197 = tpu.vector_load_idx %arg16[%add3A_196] : memref<256xf32, #tpu.memory_space<vmem>>[vector<16xi32>], vector<16xf32>,
    %add3A_198 = arith.addf %add3A_193, %gather3A_197 : vector<16xf32>
    %add3A_199 = arith.constant 7 : i32
    %add3A_200 = vector.broadcast %add3A_199 : i32 to vector<16xi32>
    %add3A_201 = arith.addi %mul3A_24, %add3A_200 : vector<16xi32>
    %gather3A_202 = tpu.vector_load_idx %arg16[%add3A_201] : memref<256xf32, #tpu.memory_space<vmem>>[vector<16xi32>], vector<16xf32>,
    %add3A_203 = arith.addf %add3A_198, %gather3A_202 : vector<16xf32>
    %add3A_204 = arith.constant 8 : i32
    %add3A_205 = vector.broadcast %add3A_204 : i32 to vector<16xi32>
    %add3A_206 = arith.addi %mul3A_24, %add3A_205 : vector<16xi32>
    %gather3A_207 = tpu.vector_load_idx %arg16[%add3A_206] : memref<256xf32, #tpu.memory_space<vmem>>[vector<16xi32>], vector<16xf32>,
    %add3A_208 = arith.addf %add3A_203, %gather3A_207 : vector<16xf32>
    %add3A_209 = arith.constant 9 : i32
    %add3A_210 = vector.broadcast %add3A_209 : i32 to vector<16xi32>
    %add3A_211 = arith.addi %mul3A_24, %add3A_210 : vector<16xi32>
    %gather3A_212 = tpu.vector_load_idx %arg16[%add3A_211] : memref<256xf32, #tpu.memory_space<vmem>>[vector<16xi32>], vector<16xf32>,
    %add3A_213 = arith.addf %add3A_208, %gather3A_212 : vector<16xf32>
    %add3A_214 = arith.constant 10 : i32
    %add3A_215 = vector.broadcast %add3A_214 : i32 to vector<16xi32>
    %add3A_216 = arith.addi %mul3A_24, %add3A_215 : vector<16xi32>
    %gather3A_217 = tpu.vector_load_idx %arg16[%add3A_216] : memref<256xf32, #tpu.memory_space<vmem>>[vector<16xi32>], vector<16xf32>,
    %add3A_218 = arith.addf %add3A_213, %gather3A_217 : vector<16xf32>
    %add3A_219 = arith.constant 11 : i32
    %add3A_220 = vector.broadcast %add3A_219 : i32 to vector<16xi32>
    %add3A_221 = arith.addi %mul3A_24, %add3A_220 : vector<16xi32>
    %gather3A_222 = tpu.vector_load_idx %arg16[%add3A_221] : memref<256xf32, #tpu.memory_space<vmem>>[vector<16xi32>], vector<16xf32>,
    %add3A_223 = arith.addf %add3A_218, %gather3A_222 : vector<16xf32>
    %add3A_224 = arith.constant 12 : i32
    %add3A_225 = vector.broadcast %add3A_224 : i32 to vector<16xi32>
    %add3A_226 = arith.addi %mul3A_24, %add3A_225 : vector<16xi32>
    %gather3A_227 = tpu.vector_load_idx %arg16[%add3A_226] : memref<256xf32, #tpu.memory_space<vmem>>[vector<16xi32>], vector<16xf32>,
    %add3A_228 = arith.addf %add3A_223, %gather3A_227 : vector<16xf32>
    %add3A_229 = arith.constant 13 : i32
    %add3A_230 = vector.broadcast %add3A_229 : i32 to vector<16xi32>
    %add3A_231 = arith.addi %mul3A_24, %add3A_230 : vector<16xi32>
    %gather3A_232 = tpu.vector_load_idx %arg16[%add3A_231] : memref<256xf32, #tpu.memory_space<vmem>>[vector<16xi32>], vector<16xf32>,
    %add3A_233 = arith.addf %add3A_228, %gather3A_232 : vector<16xf32>
    %add3A_234 = arith.constant 14 : i32
    %add3A_235 = vector.broadcast %add3A_234 : i32 to vector<16xi32>
    %add3A_236 = arith.addi %mul3A_24, %add3A_235 : vector<16xi32>
    %gather3A_237 = tpu.vector_load_idx %arg16[%add3A_236] : memref<256xf32, #tpu.memory_space<vmem>>[vector<16xi32>], vector<16xf32>,
    %add3A_238 = arith.addf %add3A_233, %gather3A_237 : vector<16xf32>
    %add3A_239 = arith.constant 15 : i32
    %add3A_240 = vector.broadcast %add3A_239 : i32 to vector<16xi32>
    %add3A_241 = arith.addi %mul3A_24, %add3A_240 : vector<16xi32>
    %gather3A_242 = tpu.vector_load_idx %arg16[%add3A_241] : memref<256xf32, #tpu.memory_space<vmem>>[vector<16xi32>], vector<16xf32>,
    %add3A_243 = arith.addf %add3A_238, %gather3A_242 : vector<16xf32>
    %swap3A_244 = arith.constant 960 : index
    %swap3A_245 = tpu.vector_load %arg17[%swap3A_244] {strides = array<i32>} : memref<1024xf32, #tpu.memory_space<vmem>>, vector<16xf32>,
    tpu.vector_store %arg17[%swap3A_244], %add3A_243 {strides = array<i32>} : memref<1024xf32, #tpu.memory_space<vmem>>, vector<16xf32>,
    %dma_wait3A_246 = arith.constant 2 : i32
    %dma_wait3A_247 = arith.constant 0 : i32
    %dma_wait3A_248 = arith.constant 0 : i32
    %dma_wait3A_249 = tpu.memref_slice %arg10[%dma_wait3A_246, %dma_wait3A_247, %dma_wait3A_248] : memref<8x8x1024xf32, #tpu.memory_space<vmem>> -> memref<1x8x1024xf32, #tpu.memory_space<vmem>>
    %dma_wait3A_250 = tpu.memref_squeeze %dma_wait3A_249 : memref<1x8x1024xf32, #tpu.memory_space<vmem>> -> memref<8x1024xf32, #tpu.memory_space<vmem>>
    %dma_wait3A_251 = arith.constant 976 : i32
    %dma_wait3A_252 = tpu.memref_slice %arg9[%dma_wait3A_251] : memref<1024xi32, #tpu.memory_space<vmem>> -> memref<8xi32, #tpu.memory_space<vmem>>
    %dma_wait3A_253 = arith.constant 0 : i32
    %dma_wait3A_254 = arith.constant 0 : i32
    %dma_wait3A_255 = tpu.memref_slice %arg3[%dma_wait3A_253, %dma_wait3A_254] : memref<100001x1024xf32, #tpu.memory_space<hbm>> -> memref<100001x1024xf32, #tpu.memory_space<hbm>>
    tpu.wait_indirect_dma semaphore(%arg20 : memref<!tpu.dma_semaphore, #tpu.memory_space<semaphore_mem>>) src(%dma_wait3A_255 : memref<100001x1024xf32, #tpu.memory_space<hbm>>) dst(%dma_wait3A_250 : memref<8x1024xf32, #tpu.memory_space<vmem>>)
    %dma_wait3A_256 = arith.constant 3 : i32
    %dma_wait3A_257 = arith.constant 0 : i32
    %dma_wait3A_258 = arith.constant 0 : i32
    %dma_wait3A_259 = tpu.memref_slice %arg10[%dma_wait3A_256, %dma_wait3A_257, %dma_wait3A_258] : memref<8x8x1024xf32, #tpu.memory_space<vmem>> -> memref<1x8x1024xf32, #tpu.memory_space<vmem>>
    %dma_wait3A_260 = tpu.memref_squeeze %dma_wait3A_259 : memref<1x8x1024xf32, #tpu.memory_space<vmem>> -> memref<8x1024xf32, #tpu.memory_space<vmem>>
    %dma_wait3A_261 = arith.constant 984 : i32
    %dma_wait3A_262 = tpu.memref_slice %arg9[%dma_wait3A_261] : memref<1024xi32, #tpu.memory_space<vmem>> -> memref<8xi32, #tpu.memory_space<vmem>>
    %dma_wait3A_263 = arith.constant 0 : i32
    %dma_wait3A_264 = arith.constant 0 : i32
    %dma_wait3A_265 = tpu.memref_slice %arg3[%dma_wait3A_263, %dma_wait3A_264] : memref<100001x1024xf32, #tpu.memory_space<hbm>> -> memref<100001x1024xf32, #tpu.memory_space<hbm>>
    tpu.wait_indirect_dma semaphore(%arg21 : memref<!tpu.dma_semaphore, #tpu.memory_space<semaphore_mem>>) src(%dma_wait3A_265 : memref<100001x1024xf32, #tpu.memory_space<hbm>>) dst(%dma_wait3A_260 : memref<8x1024xf32, #tpu.memory_space<vmem>>)
    %broadcast_in_dim3A_266 = arith.constant 0.000000e+00 : f32
    %broadcast_in_dim3A_267 = vector.broadcast %broadcast_in_dim3A_266 : f32 to vector<16xf32>
    %parallel_loop3A_268 = arith.constant 0 : i32
    %parallel_loop3A_269 = arith.constant 64 : i32
    %parallel_loop3A_270 = arith.constant 1 : i32
    %parallel_loop3A_271:16 = scf.for %parallel_loop3A_670 = %parallel_loop3A_268 to %parallel_loop3A_269 step %parallel_loop3A_270 iter_args(%parallel_loop3A_671 = %broadcast_in_dim3A_267, %parallel_loop3A_672 = %broadcast_in_dim3A_267, %parallel_loop3A_673 = %broadcast_in_dim3A_267, %parallel_loop3A_674 = %broadcast_in_dim3A_267, %parallel_loop3A_675 = %broadcast_in_dim3A_267, %parallel_loop3A_676 = %broadcast_in_dim3A_267, %parallel_loop3A_677 = %broadcast_in_dim3A_267, %parallel_loop3A_678 = %broadcast_in_dim3A_267, %parallel_loop3A_679 = %broadcast_in_dim3A_267, %parallel_loop3A_680 = %broadcast_in_dim3A_267, %parallel_loop3A_681 = %broadcast_in_dim3A_267, %parallel_loop3A_682 = %broadcast_in_dim3A_267, %parallel_loop3A_683 = %broadcast_in_dim3A_267, %parallel_loop3A_684 = %broadcast_in_dim3A_267, %parallel_loop3A_685 = %broadcast_in_dim3A_267, %parallel_loop3A_686 = %broadcast_in_dim3A_267) -> (vector<16xf32>, vector<16xf32>, vector<16xf32>, vector<16xf32>, vector<16xf32>, vector<16xf32>, vector<16xf32>, vector<16xf32>, vector<16xf32>, vector<16xf32>, vector<16xf32>, vector<16xf32>, vector<16xf32>, vector<16xf32>, vector<16xf32>, vector<16xf32>)  : i32 {
      %parallel_loop3A_687 = arith.constant 16 : i32
      %parallel_loop3A_688 = arith.muli %parallel_loop3A_670, %parallel_loop3A_687 : i32
      %parallel_loop3A_689 = arith.constant 0 : i32
      %parallel_loop3A_690 = arith.index_cast %parallel_loop3A_689 : i32 to index
      %parallel_loop3A_691 = arith.index_cast %parallel_loop3A_688 : i32 to index
      %parallel_loop3A_692 = tpu.vector_load %arg11[%parallel_loop3A_690, %parallel_loop3A_691] {strides = array<i32>} : memref<2x2048xf32, #tpu.memory_space<vmem>>, vector<16xf32>,
      %parallel_loop3A_693 = arith.constant 1 : i32
      %parallel_loop3A_694 = arith.index_cast %parallel_loop3A_693 : i32 to index
      %parallel_loop3A_695 = arith.index_cast %parallel_loop3A_688 : i32 to index
      %parallel_loop3A_696 = tpu.vector_load %arg11[%parallel_loop3A_694, %parallel_loop3A_695] {strides = array<i32>} : memref<2x2048xf32, #tpu.memory_space<vmem>>, vector<16xf32>,
      %parallel_loop3A_697 = arith.constant 1024 : i32
      %parallel_loop3A_698 = arith.addi %parallel_loop3A_697, %parallel_loop3A_688 : i32
      %parallel_loop3A_699 = arith.constant 0 : i32
      %parallel_loop3A_700 = arith.index_cast %parallel_loop3A_699 : i32 to index
      %parallel_loop3A_701 = arith.index_cast %parallel_loop3A_698 : i32 to index
      %parallel_loop3A_702 = tpu.vector_load %arg11[%parallel_loop3A_700, %parallel_loop3A_701] {strides = array<i32>} : memref<2x2048xf32, #tpu.memory_space<vmem>>, vector<16xf32>,
      %parallel_loop3A_703 = arith.constant 1024 : i32
      %parallel_loop3A_704 = arith.addi %parallel_loop3A_703, %parallel_loop3A_688 : i32
      %parallel_loop3A_705 = arith.constant 1 : i32
      %parallel_loop3A_706 = arith.index_cast %parallel_loop3A_705 : i32 to index
      %parallel_loop3A_707 = arith.index_cast %parallel_loop3A_704 : i32 to index
      %parallel_loop3A_708 = tpu.vector_load %arg11[%parallel_loop3A_706, %parallel_loop3A_707] {strides = array<i32>} : memref<2x2048xf32, #tpu.memory_space<vmem>>, vector<16xf32>,
      %parallel_loop3A_709 = arith.constant 2 : i32
      %parallel_loop3A_710 = arith.constant 0 : i32
      %parallel_loop3A_711 = arith.index_cast %parallel_loop3A_709 : i32 to index
      %parallel_loop3A_712 = arith.index_cast %parallel_loop3A_710 : i32 to index
      %parallel_loop3A_713 = arith.index_cast %parallel_loop3A_688 : i32 to index
      %parallel_loop3A_714 = tpu.vector_load %arg10[%parallel_loop3A_711, %parallel_loop3A_712, %parallel_loop3A_713] {strides = array<i32>} : memref<8x8x1024xf32, #tpu.memory_space<vmem>>, vector<16xf32>,
      %parallel_loop3A_715 = arith.constant 2 : i32
      %parallel_loop3A_716 = arith.constant 1 : i32
      %parallel_loop3A_717 = arith.index_cast %parallel_loop3A_715 : i32 to index
      %parallel_loop3A_718 = arith.index_cast %parallel_loop3A_716 : i32 to index
      %parallel_loop3A_719 = arith.index_cast %parallel_loop3A_688 : i32 to index
      %parallel_loop3A_720 = tpu.vector_load %arg10[%parallel_loop3A_717, %parallel_loop3A_718, %parallel_loop3A_719] {strides = array<i32>} : memref<8x8x1024xf32, #tpu.memory_space<vmem>>, vector<16xf32>,
      %parallel_loop3A_721 = arith.mulf %parallel_loop3A_714, %parallel_loop3A_692 : vector<16xf32>
      %parallel_loop3A_722 = arith.addf %parallel_loop3A_671, %parallel_loop3A_721 : vector<16xf32>
      %parallel_loop3A_723 = arith.mulf %parallel_loop3A_720, %parallel_loop3A_702 : vector<16xf32>
      %parallel_loop3A_724 = arith.addf %parallel_loop3A_722, %parallel_loop3A_723 : vector<16xf32>
      %parallel_loop3A_725 = arith.mulf %parallel_loop3A_714, %parallel_loop3A_696 : vector<16xf32>
      %parallel_loop3A_726 = arith.addf %parallel_loop3A_672, %parallel_loop3A_725 : vector<16xf32>
      %parallel_loop3A_727 = arith.mulf %parallel_loop3A_720, %parallel_loop3A_708 : vector<16xf32>
      %parallel_loop3A_728 = arith.addf %parallel_loop3A_726, %parallel_loop3A_727 : vector<16xf32>
      %parallel_loop3A_729 = arith.constant 2 : i32
      %parallel_loop3A_730 = arith.constant 2 : i32
      %parallel_loop3A_731 = arith.index_cast %parallel_loop3A_729 : i32 to index
      %parallel_loop3A_732 = arith.index_cast %parallel_loop3A_730 : i32 to index
      %parallel_loop3A_733 = arith.index_cast %parallel_loop3A_688 : i32 to index
      %parallel_loop3A_734 = tpu.vector_load %arg10[%parallel_loop3A_731, %parallel_loop3A_732, %parallel_loop3A_733] {strides = array<i32>} : memref<8x8x1024xf32, #tpu.memory_space<vmem>>, vector<16xf32>,
      %parallel_loop3A_735 = arith.constant 2 : i32
      %parallel_loop3A_736 = arith.constant 3 : i32
      %parallel_loop3A_737 = arith.index_cast %parallel_loop3A_735 : i32 to index
      %parallel_loop3A_738 = arith.index_cast %parallel_loop3A_736 : i32 to index
      %parallel_loop3A_739 = arith.index_cast %parallel_loop3A_688 : i32 to index
      %parallel_loop3A_740 = tpu.vector_load %arg10[%parallel_loop3A_737, %parallel_loop3A_738, %parallel_loop3A_739] {strides = array<i32>} : memref<8x8x1024xf32, #tpu.memory_space<vmem>>, vector<16xf32>,
      %parallel_loop3A_741 = arith.mulf %parallel_loop3A_734, %parallel_loop3A_692 : vector<16xf32>
      %parallel_loop3A_742 = arith.addf %parallel_loop3A_673, %parallel_loop3A_741 : vector<16xf32>
      %parallel_loop3A_743 = arith.mulf %parallel_loop3A_740, %parallel_loop3A_702 : vector<16xf32>
      %parallel_loop3A_744 = arith.addf %parallel_loop3A_742, %parallel_loop3A_743 : vector<16xf32>
      %parallel_loop3A_745 = arith.mulf %parallel_loop3A_734, %parallel_loop3A_696 : vector<16xf32>
      %parallel_loop3A_746 = arith.addf %parallel_loop3A_674, %parallel_loop3A_745 : vector<16xf32>
      %parallel_loop3A_747 = arith.mulf %parallel_loop3A_740, %parallel_loop3A_708 : vector<16xf32>
      %parallel_loop3A_748 = arith.addf %parallel_loop3A_746, %parallel_loop3A_747 : vector<16xf32>
      %parallel_loop3A_749 = arith.constant 2 : i32
      %parallel_loop3A_750 = arith.constant 4 : i32
      %parallel_loop3A_751 = arith.index_cast %parallel_loop3A_749 : i32 to index
      %parallel_loop3A_752 = arith.index_cast %parallel_loop3A_750 : i32 to index
      %parallel_loop3A_753 = arith.index_cast %parallel_loop3A_688 : i32 to index
      %parallel_loop3A_754 = tpu.vector_load %arg10[%parallel_loop3A_751, %parallel_loop3A_752, %parallel_loop3A_753] {strides = array<i32>} : memref<8x8x1024xf32, #tpu.memory_space<vmem>>, vector<16xf32>,
      %parallel_loop3A_755 = arith.constant 2 : i32
      %parallel_loop3A_756 = arith.constant 5 : i32
      %parallel_loop3A_757 = arith.index_cast %parallel_loop3A_755 : i32 to index
      %parallel_loop3A_758 = arith.index_cast %parallel_loop3A_756 : i32 to index
      %parallel_loop3A_759 = arith.index_cast %parallel_loop3A_688 : i32 to index
      %parallel_loop3A_760 = tpu.vector_load %arg10[%parallel_loop3A_757, %parallel_loop3A_758, %parallel_loop3A_759] {strides = array<i32>} : memref<8x8x1024xf32, #tpu.memory_space<vmem>>, vector<16xf32>,
      %parallel_loop3A_761 = arith.mulf %parallel_loop3A_754, %parallel_loop3A_692 : vector<16xf32>
      %parallel_loop3A_762 = arith.addf %parallel_loop3A_675, %parallel_loop3A_761 : vector<16xf32>
      %parallel_loop3A_763 = arith.mulf %parallel_loop3A_760, %parallel_loop3A_702 : vector<16xf32>
      %parallel_loop3A_764 = arith.addf %parallel_loop3A_762, %parallel_loop3A_763 : vector<16xf32>
      %parallel_loop3A_765 = arith.mulf %parallel_loop3A_754, %parallel_loop3A_696 : vector<16xf32>
      %parallel_loop3A_766 = arith.addf %parallel_loop3A_676, %parallel_loop3A_765 : vector<16xf32>
      %parallel_loop3A_767 = arith.mulf %parallel_loop3A_760, %parallel_loop3A_708 : vector<16xf32>
      %parallel_loop3A_768 = arith.addf %parallel_loop3A_766, %parallel_loop3A_767 : vector<16xf32>
      %parallel_loop3A_769 = arith.constant 2 : i32
      %parallel_loop3A_770 = arith.constant 6 : i32
      %parallel_loop3A_771 = arith.index_cast %parallel_loop3A_769 : i32 to index
      %parallel_loop3A_772 = arith.index_cast %parallel_loop3A_770 : i32 to index
      %parallel_loop3A_773 = arith.index_cast %parallel_loop3A_688 : i32 to index
      %parallel_loop3A_774 = tpu.vector_load %arg10[%parallel_loop3A_771, %parallel_loop3A_772, %parallel_loop3A_773] {strides = array<i32>} : memref<8x8x1024xf32, #tpu.memory_space<vmem>>, vector<16xf32>,
      %parallel_loop3A_775 = arith.constant 2 : i32
      %parallel_loop3A_776 = arith.constant 7 : i32
      %parallel_loop3A_777 = arith.index_cast %parallel_loop3A_775 : i32 to index
      %parallel_loop3A_778 = arith.index_cast %parallel_loop3A_776 : i32 to index
      %parallel_loop3A_779 = arith.index_cast %parallel_loop3A_688 : i32 to index
      %parallel_loop3A_780 = tpu.vector_load %arg10[%parallel_loop3A_777, %parallel_loop3A_778, %parallel_loop3A_779] {strides = array<i32>} : memref<8x8x1024xf32, #tpu.memory_space<vmem>>, vector<16xf32>,
      %parallel_loop3A_781 = arith.mulf %parallel_loop3A_774, %parallel_loop3A_692 : vector<16xf32>
      %parallel_loop3A_782 = arith.addf %parallel_loop3A_677, %parallel_loop3A_781 : vector<16xf32>
      %parallel_loop3A_783 = arith.mulf %parallel_loop3A_780, %parallel_loop3A_702 : vector<16xf32>
      %parallel_loop3A_784 = arith.addf %parallel_loop3A_782, %parallel_loop3A_783 : vector<16xf32>
      %parallel_loop3A_785 = arith.mulf %parallel_loop3A_774, %parallel_loop3A_696 : vector<16xf32>
      %parallel_loop3A_786 = arith.addf %parallel_loop3A_678, %parallel_loop3A_785 : vector<16xf32>
      %parallel_loop3A_787 = arith.mulf %parallel_loop3A_780, %parallel_loop3A_708 : vector<16xf32>
      %parallel_loop3A_788 = arith.addf %parallel_loop3A_786, %parallel_loop3A_787 : vector<16xf32>
      %parallel_loop3A_789 = arith.constant 3 : i32
      %parallel_loop3A_790 = arith.constant 0 : i32
      %parallel_loop3A_791 = arith.index_cast %parallel_loop3A_789 : i32 to index
      %parallel_loop3A_792 = arith.index_cast %parallel_loop3A_790 : i32 to index
      %parallel_loop3A_793 = arith.index_cast %parallel_loop3A_688 : i32 to index
      %parallel_loop3A_794 = tpu.vector_load %arg10[%parallel_loop3A_791, %parallel_loop3A_792, %parallel_loop3A_793] {strides = array<i32>} : memref<8x8x1024xf32, #tpu.memory_space<vmem>>, vector<16xf32>,
      %parallel_loop3A_795 = arith.constant 3 : i32
      %parallel_loop3A_796 = arith.constant 1 : i32
      %parallel_loop3A_797 = arith.index_cast %parallel_loop3A_795 : i32 to index
      %parallel_loop3A_798 = arith.index_cast %parallel_loop3A_796 : i32 to index
      %parallel_loop3A_799 = arith.index_cast %parallel_loop3A_688 : i32 to index
      %parallel_loop3A_800 = tpu.vector_load %arg10[%parallel_loop3A_797, %parallel_loop3A_798, %parallel_loop3A_799] {strides = array<i32>} : memref<8x8x1024xf32, #tpu.memory_space<vmem>>, vector<16xf32>,
      %parallel_loop3A_801 = arith.mulf %parallel_loop3A_794, %parallel_loop3A_692 : vector<16xf32>
      %parallel_loop3A_802 = arith.addf %parallel_loop3A_679, %parallel_loop3A_801 : vector<16xf32>
      %parallel_loop3A_803 = arith.mulf %parallel_loop3A_800, %parallel_loop3A_702 : vector<16xf32>
      %parallel_loop3A_804 = arith.addf %parallel_loop3A_802, %parallel_loop3A_803 : vector<16xf32>
      %parallel_loop3A_805 = arith.mulf %parallel_loop3A_794, %parallel_loop3A_696 : vector<16xf32>
      %parallel_loop3A_806 = arith.addf %parallel_loop3A_680, %parallel_loop3A_805 : vector<16xf32>
      %parallel_loop3A_807 = arith.mulf %parallel_loop3A_800, %parallel_loop3A_708 : vector<16xf32>
      %parallel_loop3A_808 = arith.addf %parallel_loop3A_806, %parallel_loop3A_807 : vector<16xf32>
      %parallel_loop3A_809 = arith.constant 3 : i32
      %parallel_loop3A_810 = arith.constant 2 : i32
      %parallel_loop3A_811 = arith.index_cast %parallel_loop3A_809 : i32 to index
      %parallel_loop3A_812 = arith.index_cast %parallel_loop3A_810 : i32 to index
      %parallel_loop3A_813 = arith.index_cast %parallel_loop3A_688 : i32 to index
      %parallel_loop3A_814 = tpu.vector_load %arg10[%parallel_loop3A_811, %parallel_loop3A_812, %parallel_loop3A_813] {strides = array<i32>} : memref<8x8x1024xf32, #tpu.memory_space<vmem>>, vector<16xf32>,
      %parallel_loop3A_815 = arith.constant 3 : i32
      %parallel_loop3A_816 = arith.constant 3 : i32
      %parallel_loop3A_817 = arith.index_cast %parallel_loop3A_815 : i32 to index
      %parallel_loop3A_818 = arith.index_cast %parallel_loop3A_816 : i32 to index
      %parallel_loop3A_819 = arith.index_cast %parallel_loop3A_688 : i32 to index
      %parallel_loop3A_820 = tpu.vector_load %arg10[%parallel_loop3A_817, %parallel_loop3A_818, %parallel_loop3A_819] {strides = array<i32>} : memref<8x8x1024xf32, #tpu.memory_space<vmem>>, vector<16xf32>,
      %parallel_loop3A_821 = arith.mulf %parallel_loop3A_814, %parallel_loop3A_692 : vector<16xf32>
      %parallel_loop3A_822 = arith.addf %parallel_loop3A_681, %parallel_loop3A_821 : vector<16xf32>
      %parallel_loop3A_823 = arith.mulf %parallel_loop3A_820, %parallel_loop3A_702 : vector<16xf32>
      %parallel_loop3A_824 = arith.addf %parallel_loop3A_822, %parallel_loop3A_823 : vector<16xf32>
      %parallel_loop3A_825 = arith.mulf %parallel_loop3A_814, %parallel_loop3A_696 : vector<16xf32>
      %parallel_loop3A_826 = arith.addf %parallel_loop3A_682, %parallel_loop3A_825 : vector<16xf32>
      %parallel_loop3A_827 = arith.mulf %parallel_loop3A_820, %parallel_loop3A_708 : vector<16xf32>
      %parallel_loop3A_828 = arith.addf %parallel_loop3A_826, %parallel_loop3A_827 : vector<16xf32>
      %parallel_loop3A_829 = arith.constant 3 : i32
      %parallel_loop3A_830 = arith.constant 4 : i32
      %parallel_loop3A_831 = arith.index_cast %parallel_loop3A_829 : i32 to index
      %parallel_loop3A_832 = arith.index_cast %parallel_loop3A_830 : i32 to index
      %parallel_loop3A_833 = arith.index_cast %parallel_loop3A_688 : i32 to index
      %parallel_loop3A_834 = tpu.vector_load %arg10[%parallel_loop3A_831, %parallel_loop3A_832, %parallel_loop3A_833] {strides = array<i32>} : memref<8x8x1024xf32, #tpu.memory_space<vmem>>, vector<16xf32>,
      %parallel_loop3A_835 = arith.constant 3 : i32
      %parallel_loop3A_836 = arith.constant 5 : i32
      %parallel_loop3A_837 = arith.index_cast %parallel_loop3A_835 : i32 to index
      %parallel_loop3A_838 = arith.index_cast %parallel_loop3A_836 : i32 to index
      %parallel_loop3A_839 = arith.index_cast %parallel_loop3A_688 : i32 to index
      %parallel_loop3A_840 = tpu.vector_load %arg10[%parallel_loop3A_837, %parallel_loop3A_838, %parallel_loop3A_839] {strides = array<i32>} : memref<8x8x1024xf32, #tpu.memory_space<vmem>>, vector<16xf32>,
      %parallel_loop3A_841 = arith.mulf %parallel_loop3A_834, %parallel_loop3A_692 : vector<16xf32>
      %parallel_loop3A_842 = arith.addf %parallel_loop3A_683, %parallel_loop3A_841 : vector<16xf32>
      %parallel_loop3A_843 = arith.mulf %parallel_loop3A_840, %parallel_loop3A_702 : vector<16xf32>
      %parallel_loop3A_844 = arith.addf %parallel_loop3A_842, %parallel_loop3A_843 : vector<16xf32>
      %parallel_loop3A_845 = arith.mulf %parallel_loop3A_834, %parallel_loop3A_696 : vector<16xf32>
      %parallel_loop3A_846 = arith.addf %parallel_loop3A_684, %parallel_loop3A_845 : vector<16xf32>
      %parallel_loop3A_847 = arith.mulf %parallel_loop3A_840, %parallel_loop3A_708 : vector<16xf32>
      %parallel_loop3A_848 = arith.addf %parallel_loop3A_846, %parallel_loop3A_847 : vector<16xf32>
      %parallel_loop3A_849 = arith.constant 3 : i32
      %parallel_loop3A_850 = arith.constant 6 : i32
      %parallel_loop3A_851 = arith.index_cast %parallel_loop3A_849 : i32 to index
      %parallel_loop3A_852 = arith.index_cast %parallel_loop3A_850 : i32 to index
      %parallel_loop3A_853 = arith.index_cast %parallel_loop3A_688 : i32 to index
      %parallel_loop3A_854 = tpu.vector_load %arg10[%parallel_loop3A_851, %parallel_loop3A_852, %parallel_loop3A_853] {strides = array<i32>} : memref<8x8x1024xf32, #tpu.memory_space<vmem>>, vector<16xf32>,
      %parallel_loop3A_855 = arith.constant 3 : i32
      %parallel_loop3A_856 = arith.constant 7 : i32
      %parallel_loop3A_857 = arith.index_cast %parallel_loop3A_855 : i32 to index
      %parallel_loop3A_858 = arith.index_cast %parallel_loop3A_856 : i32 to index
      %parallel_loop3A_859 = arith.index_cast %parallel_loop3A_688 : i32 to index
      %parallel_loop3A_860 = tpu.vector_load %arg10[%parallel_loop3A_857, %parallel_loop3A_858, %parallel_loop3A_859] {strides = array<i32>} : memref<8x8x1024xf32, #tpu.memory_space<vmem>>, vector<16xf32>,
      %parallel_loop3A_861 = arith.mulf %parallel_loop3A_854, %parallel_loop3A_692 : vector<16xf32>
      %parallel_loop3A_862 = arith.addf %parallel_loop3A_685, %parallel_loop3A_861 : vector<16xf32>
      %parallel_loop3A_863 = arith.mulf %parallel_loop3A_860, %parallel_loop3A_702 : vector<16xf32>
      %parallel_loop3A_864 = arith.addf %parallel_loop3A_862, %parallel_loop3A_863 : vector<16xf32>
      %parallel_loop3A_865 = arith.mulf %parallel_loop3A_854, %parallel_loop3A_696 : vector<16xf32>
      %parallel_loop3A_866 = arith.addf %parallel_loop3A_686, %parallel_loop3A_865 : vector<16xf32>
      %parallel_loop3A_867 = arith.mulf %parallel_loop3A_860, %parallel_loop3A_708 : vector<16xf32>
      %parallel_loop3A_868 = arith.addf %parallel_loop3A_866, %parallel_loop3A_867 : vector<16xf32>
      scf.yield %parallel_loop3A_724, %parallel_loop3A_728, %parallel_loop3A_744, %parallel_loop3A_748, %parallel_loop3A_764, %parallel_loop3A_768, %parallel_loop3A_784, %parallel_loop3A_788, %parallel_loop3A_804, %parallel_loop3A_808, %parallel_loop3A_824, %parallel_loop3A_828, %parallel_loop3A_844, %parallel_loop3A_848, %parallel_loop3A_864, %parallel_loop3A_868 : vector<16xf32>, vector<16xf32>, vector<16xf32>, vector<16xf32>, vector<16xf32>, vector<16xf32>, vector<16xf32>, vector<16xf32>, vector<16xf32>, vector<16xf32>, vector<16xf32>, vector<16xf32>, vector<16xf32>, vector<16xf32>, vector<16xf32>, vector<16xf32>
    } {sc.loop_unroll_factor = 1 : i64, sc.parallel_access}
    %swap3A_272 = arith.constant 0 : index
    %swap3A_273 = tpu.vector_load %arg16[%swap3A_272] {strides = array<i32>} : memref<256xf32, #tpu.memory_space<vmem>>, vector<16xf32>,
    tpu.vector_store %arg16[%swap3A_272], %parallel_loop3A_271#0 {strides = array<i32>} : memref<256xf32, #tpu.memory_space<vmem>>, vector<16xf32>,
    %swap3A_274 = arith.constant 16 : index
    %swap3A_275 = tpu.vector_load %arg16[%swap3A_274] {strides = array<i32>} : memref<256xf32, #tpu.memory_space<vmem>>, vector<16xf32>,
    tpu.vector_store %arg16[%swap3A_274], %parallel_loop3A_271#1 {strides = array<i32>} : memref<256xf32, #tpu.memory_space<vmem>>, vector<16xf32>,
    %swap3A_276 = arith.constant 32 : index
    %swap3A_277 = tpu.vector_load %arg16[%swap3A_276] {strides = array<i32>} : memref<256xf32, #tpu.memory_space<vmem>>, vector<16xf32>,
    tpu.vector_store %arg16[%swap3A_276], %parallel_loop3A_271#2 {strides = array<i32>} : memref<256xf32, #tpu.memory_space<vmem>>, vector<16xf32>,
    %swap3A_278 = arith.constant 48 : index
    %swap3A_279 = tpu.vector_load %arg16[%swap3A_278] {strides = array<i32>} : memref<256xf32, #tpu.memory_space<vmem>>, vector<16xf32>,
    tpu.vector_store %arg16[%swap3A_278], %parallel_loop3A_271#3 {strides = array<i32>} : memref<256xf32, #tpu.memory_space<vmem>>, vector<16xf32>,
    %swap3A_280 = arith.constant 64 : index
    %swap3A_281 = tpu.vector_load %arg16[%swap3A_280] {strides = array<i32>} : memref<256xf32, #tpu.memory_space<vmem>>, vector<16xf32>,
    tpu.vector_store %arg16[%swap3A_280], %parallel_loop3A_271#4 {strides = array<i32>} : memref<256xf32, #tpu.memory_space<vmem>>, vector<16xf32>,
    %swap3A_282 = arith.constant 80 : index
    %swap3A_283 = tpu.vector_load %arg16[%swap3A_282] {strides = array<i32>} : memref<256xf32, #tpu.memory_space<vmem>>, vector<16xf32>,
    tpu.vector_store %arg16[%swap3A_282], %parallel_loop3A_271#5 {strides = array<i32>} : memref<256xf32, #tpu.memory_space<vmem>>, vector<16xf32>,
    %swap3A_284 = arith.constant 96 : index
    %swap3A_285 = tpu.vector_load %arg16[%swap3A_284] {strides = array<i32>} : memref<256xf32, #tpu.memory_space<vmem>>, vector<16xf32>,
    tpu.vector_store %arg16[%swap3A_284], %parallel_loop3A_271#6 {strides = array<i32>} : memref<256xf32, #tpu.memory_space<vmem>>, vector<16xf32>,
    %swap3A_286 = arith.constant 112 : index
    %swap3A_287 = tpu.vector_load %arg16[%swap3A_286] {strides = array<i32>} : memref<256xf32, #tpu.memory_space<vmem>>, vector<16xf32>,
    tpu.vector_store %arg16[%swap3A_286], %parallel_loop3A_271#7 {strides = array<i32>} : memref<256xf32, #tpu.memory_space<vmem>>, vector<16xf32>,
    %swap3A_288 = arith.constant 128 : index
    %swap3A_289 = tpu.vector_load %arg16[%swap3A_288] {strides = array<i32>} : memref<256xf32, #tpu.memory_space<vmem>>, vector<16xf32>,
    tpu.vector_store %arg16[%swap3A_288], %parallel_loop3A_271#8 {strides = array<i32>} : memref<256xf32, #tpu.memory_space<vmem>>, vector<16xf32>,
    %swap3A_290 = arith.constant 144 : index
    %swap3A_291 = tpu.vector_load %arg16[%swap3A_290] {strides = array<i32>} : memref<256xf32, #tpu.memory_space<vmem>>, vector<16xf32>,
    tpu.vector_store %arg16[%swap3A_290], %parallel_loop3A_271#9 {strides = array<i32>} : memref<256xf32, #tpu.memory_space<vmem>>, vector<16xf32>,
    %swap3A_292 = arith.constant 160 : index
    %swap3A_293 = tpu.vector_load %arg16[%swap3A_292] {strides = array<i32>} : memref<256xf32, #tpu.memory_space<vmem>>, vector<16xf32>,
    tpu.vector_store %arg16[%swap3A_292], %parallel_loop3A_271#10 {strides = array<i32>} : memref<256xf32, #tpu.memory_space<vmem>>, vector<16xf32>,
    %swap3A_294 = arith.constant 176 : index
    %swap3A_295 = tpu.vector_load %arg16[%swap3A_294] {strides = array<i32>} : memref<256xf32, #tpu.memory_space<vmem>>, vector<16xf32>,
    tpu.vector_store %arg16[%swap3A_294], %parallel_loop3A_271#11 {strides = array<i32>} : memref<256xf32, #tpu.memory_space<vmem>>, vector<16xf32>,
    %swap3A_296 = arith.constant 192 : index
    %swap3A_297 = tpu.vector_load %arg16[%swap3A_296] {strides = array<i32>} : memref<256xf32, #tpu.memory_space<vmem>>, vector<16xf32>,
    tpu.vector_store %arg16[%swap3A_296], %parallel_loop3A_271#12 {strides = array<i32>} : memref<256xf32, #tpu.memory_space<vmem>>, vector<16xf32>,
    %swap3A_298 = arith.constant 208 : index
    %swap3A_299 = tpu.vector_load %arg16[%swap3A_298] {strides = array<i32>} : memref<256xf32, #tpu.memory_space<vmem>>, vector<16xf32>,
    tpu.vector_store %arg16[%swap3A_298], %parallel_loop3A_271#13 {strides = array<i32>} : memref<256xf32, #tpu.memory_space<vmem>>, vector<16xf32>,
    %swap3A_300 = arith.constant 224 : index
    %swap3A_301 = tpu.vector_load %arg16[%swap3A_300] {strides = array<i32>} : memref<256xf32, #tpu.memory_space<vmem>>, vector<16xf32>,
    tpu.vector_store %arg16[%swap3A_300], %parallel_loop3A_271#14 {strides = array<i32>} : memref<256xf32, #tpu.memory_space<vmem>>, vector<16xf32>,
    %swap3A_302 = arith.constant 240 : index
    %swap3A_303 = tpu.vector_load %arg16[%swap3A_302] {strides = array<i32>} : memref<256xf32, #tpu.memory_space<vmem>>, vector<16xf32>,
    tpu.vector_store %arg16[%swap3A_302], %parallel_loop3A_271#15 {strides = array<i32>} : memref<256xf32, #tpu.memory_space<vmem>>, vector<16xf32>,
    %add3A_304 = arith.constant 0 : i32
    %add3A_305 = vector.broadcast %add3A_304 : i32 to vector<16xi32>
    %add3A_306 = arith.addi %mul3A_24, %add3A_305 : vector<16xi32>
    %gather3A_307 = tpu.vector_load_idx %arg16[%add3A_306] : memref<256xf32, #tpu.memory_space<vmem>>[vector<16xi32>], vector<16xf32>,
    %add3A_308 = arith.addf %add3A_21, %gather3A_307 : vector<16xf32>
    %add3A_309 = arith.constant 1 : i32
    %add3A_310 = vector.broadcast %add3A_309 : i32 to vector<16xi32>
    %add3A_311 = arith.addi %mul3A_24, %add3A_310 : vector<16xi32>
    %gather3A_312 = tpu.vector_load_idx %arg16[%add3A_311] : memref<256xf32, #tpu.memory_space<vmem>>[vector<16xi32>], vector<16xf32>,
    %add3A_313 = arith.addf %add3A_308, %gather3A_312 : vector<16xf32>
    %add3A_314 = arith.constant 2 : i32
    %add3A_315 = vector.broadcast %add3A_314 : i32 to vector<16xi32>
    %add3A_316 = arith.addi %mul3A_24, %add3A_315 : vector<16xi32>
    %gather3A_317 = tpu.vector_load_idx %arg16[%add3A_316] : memref<256xf32, #tpu.memory_space<vmem>>[vector<16xi32>], vector<16xf32>,
    %add3A_318 = arith.addf %add3A_313, %gather3A_317 : vector<16xf32>
    %add3A_319 = arith.constant 3 : i32
    %add3A_320 = vector.broadcast %add3A_319 : i32 to vector<16xi32>
    %add3A_321 = arith.addi %mul3A_24, %add3A_320 : vector<16xi32>
    %gather3A_322 = tpu.vector_load_idx %arg16[%add3A_321] : memref<256xf32, #tpu.memory_space<vmem>>[vector<16xi32>], vector<16xf32>,
    %add3A_323 = arith.addf %add3A_318, %gather3A_322 : vector<16xf32>
    %add3A_324 = arith.constant 4 : i32
    %add3A_325 = vector.broadcast %add3A_324 : i32 to vector<16xi32>
    %add3A_326 = arith.addi %mul3A_24, %add3A_325 : vector<16xi32>
    %gather3A_327 = tpu.vector_load_idx %arg16[%add3A_326] : memref<256xf32, #tpu.memory_space<vmem>>[vector<16xi32>], vector<16xf32>,
    %add3A_328 = arith.addf %add3A_323, %gather3A_327 : vector<16xf32>
    %add3A_329 = arith.constant 5 : i32
    %add3A_330 = vector.broadcast %add3A_329 : i32 to vector<16xi32>
    %add3A_331 = arith.addi %mul3A_24, %add3A_330 : vector<16xi32>
    %gather3A_332 = tpu.vector_load_idx %arg16[%add3A_331] : memref<256xf32, #tpu.memory_space<vmem>>[vector<16xi32>], vector<16xf32>,
    %add3A_333 = arith.addf %add3A_328, %gather3A_332 : vector<16xf32>
    %add3A_334 = arith.constant 6 : i32
    %add3A_335 = vector.broadcast %add3A_334 : i32 to vector<16xi32>
    %add3A_336 = arith.addi %mul3A_24, %add3A_335 : vector<16xi32>
    %gather3A_337 = tpu.vector_load_idx %arg16[%add3A_336] : memref<256xf32, #tpu.memory_space<vmem>>[vector<16xi32>], vector<16xf32>,
    %add3A_338 = arith.addf %add3A_333, %gather3A_337 : vector<16xf32>
    %add3A_339 = arith.constant 7 : i32
    %add3A_340 = vector.broadcast %add3A_339 : i32 to vector<16xi32>
    %add3A_341 = arith.addi %mul3A_24, %add3A_340 : vector<16xi32>
    %gather3A_342 = tpu.vector_load_idx %arg16[%add3A_341] : memref<256xf32, #tpu.memory_space<vmem>>[vector<16xi32>], vector<16xf32>,
    %add3A_343 = arith.addf %add3A_338, %gather3A_342 : vector<16xf32>
    %add3A_344 = arith.constant 8 : i32
    %add3A_345 = vector.broadcast %add3A_344 : i32 to vector<16xi32>
    %add3A_346 = arith.addi %mul3A_24, %add3A_345 : vector<16xi32>
    %gather3A_347 = tpu.vector_load_idx %arg16[%add3A_346] : memref<256xf32, #tpu.memory_space<vmem>>[vector<16xi32>], vector<16xf32>,
    %add3A_348 = arith.addf %add3A_343, %gather3A_347 : vector<16xf32>
    %add3A_349 = arith.constant 9 : i32
    %add3A_350 = vector.broadcast %add3A_349 : i32 to vector<16xi32>
    %add3A_351 = arith.addi %mul3A_24, %add3A_350 : vector<16xi32>
    %gather3A_352 = tpu.vector_load_idx %arg16[%add3A_351] : memref<256xf32, #tpu.memory_space<vmem>>[vector<16xi32>], vector<16xf32>,
    %add3A_353 = arith.addf %add3A_348, %gather3A_352 : vector<16xf32>
    %add3A_354 = arith.constant 10 : i32
    %add3A_355 = vector.broadcast %add3A_354 : i32 to vector<16xi32>
    %add3A_356 = arith.addi %mul3A_24, %add3A_355 : vector<16xi32>
    %gather3A_357 = tpu.vector_load_idx %arg16[%add3A_356] : memref<256xf32, #tpu.memory_space<vmem>>[vector<16xi32>], vector<16xf32>,
    %add3A_358 = arith.addf %add3A_353, %gather3A_357 : vector<16xf32>
    %add3A_359 = arith.constant 11 : i32
    %add3A_360 = vector.broadcast %add3A_359 : i32 to vector<16xi32>
    %add3A_361 = arith.addi %mul3A_24, %add3A_360 : vector<16xi32>
    %gather3A_362 = tpu.vector_load_idx %arg16[%add3A_361] : memref<256xf32, #tpu.memory_space<vmem>>[vector<16xi32>], vector<16xf32>,
    %add3A_363 = arith.addf %add3A_358, %gather3A_362 : vector<16xf32>
    %add3A_364 = arith.constant 12 : i32
    %add3A_365 = vector.broadcast %add3A_364 : i32 to vector<16xi32>
    %add3A_366 = arith.addi %mul3A_24, %add3A_365 : vector<16xi32>
    %gather3A_367 = tpu.vector_load_idx %arg16[%add3A_366] : memref<256xf32, #tpu.memory_space<vmem>>[vector<16xi32>], vector<16xf32>,
    %add3A_368 = arith.addf %add3A_363, %gather3A_367 : vector<16xf32>
    %add3A_369 = arith.constant 13 : i32
    %add3A_370 = vector.broadcast %add3A_369 : i32 to vector<16xi32>
    %add3A_371 = arith.addi %mul3A_24, %add3A_370 : vector<16xi32>
    %gather3A_372 = tpu.vector_load_idx %arg16[%add3A_371] : memref<256xf32, #tpu.memory_space<vmem>>[vector<16xi32>], vector<16xf32>,
    %add3A_373 = arith.addf %add3A_368, %gather3A_372 : vector<16xf32>
    %add3A_374 = arith.constant 14 : i32
    %add3A_375 = vector.broadcast %add3A_374 : i32 to vector<16xi32>
    %add3A_376 = arith.addi %mul3A_24, %add3A_375 : vector<16xi32>
    %gather3A_377 = tpu.vector_load_idx %arg16[%add3A_376] : memref<256xf32, #tpu.memory_space<vmem>>[vector<16xi32>], vector<16xf32>,
    %add3A_378 = arith.addf %add3A_373, %gather3A_377 : vector<16xf32>
    %add3A_379 = arith.constant 15 : i32
    %add3A_380 = vector.broadcast %add3A_379 : i32 to vector<16xi32>
    %add3A_381 = arith.addi %mul3A_24, %add3A_380 : vector<16xi32>
    %gather3A_382 = tpu.vector_load_idx %arg16[%add3A_381] : memref<256xf32, #tpu.memory_space<vmem>>[vector<16xi32>], vector<16xf32>,
    %add3A_383 = arith.addf %add3A_378, %gather3A_382 : vector<16xf32>
    %swap3A_384 = arith.constant 976 : index
    %swap3A_385 = tpu.vector_load %arg17[%swap3A_384] {strides = array<i32>} : memref<1024xf32, #tpu.memory_space<vmem>>, vector<16xf32>,
    tpu.vector_store %arg17[%swap3A_384], %add3A_383 {strides = array<i32>} : memref<1024xf32, #tpu.memory_space<vmem>>, vector<16xf32>,
    %dma_wait3A_386 = arith.constant 4 : i32
    %dma_wait3A_387 = arith.constant 0 : i32
    %dma_wait3A_388 = arith.constant 0 : i32
    %dma_wait3A_389 = tpu.memref_slice %arg10[%dma_wait3A_386, %dma_wait3A_387, %dma_wait3A_388] : memref<8x8x1024xf32, #tpu.memory_space<vmem>> -> memref<1x8x1024xf32, #tpu.memory_space<vmem>>
    %dma_wait3A_390 = tpu.memref_squeeze %dma_wait3A_389 : memref<1x8x1024xf32, #tpu.memory_space<vmem>> -> memref<8x1024xf32, #tpu.memory_space<vmem>>
    %dma_wait3A_391 = arith.constant 992 : i32
    %dma_wait3A_392 = tpu.memref_slice %arg9[%dma_wait3A_391] : memref<1024xi32, #tpu.memory_space<vmem>> -> memref<8xi32, #tpu.memory_space<vmem>>
    %dma_wait3A_393 = arith.constant 0 : i32
    %dma_wait3A_394 = arith.constant 0 : i32
    %dma_wait3A_395 = tpu.memref_slice %arg3[%dma_wait3A_393, %dma_wait3A_394] : memref<100001x1024xf32, #tpu.memory_space<hbm>> -> memref<100001x1024xf32, #tpu.memory_space<hbm>>
    tpu.wait_indirect_dma semaphore(%arg22 : memref<!tpu.dma_semaphore, #tpu.memory_space<semaphore_mem>>) src(%dma_wait3A_395 : memref<100001x1024xf32, #tpu.memory_space<hbm>>) dst(%dma_wait3A_390 : memref<8x1024xf32, #tpu.memory_space<vmem>>)
    %dma_wait3A_396 = arith.constant 5 : i32
    %dma_wait3A_397 = arith.constant 0 : i32
    %dma_wait3A_398 = arith.constant 0 : i32
    %dma_wait3A_399 = tpu.memref_slice %arg10[%dma_wait3A_396, %dma_wait3A_397, %dma_wait3A_398] : memref<8x8x1024xf32, #tpu.memory_space<vmem>> -> memref<1x8x1024xf32, #tpu.memory_space<vmem>>
    %dma_wait3A_400 = tpu.memref_squeeze %dma_wait3A_399 : memref<1x8x1024xf32, #tpu.memory_space<vmem>> -> memref<8x1024xf32, #tpu.memory_space<vmem>>
    %dma_wait3A_401 = arith.constant 1000 : i32
    %dma_wait3A_402 = tpu.memref_slice %arg9[%dma_wait3A_401] : memref<1024xi32, #tpu.memory_space<vmem>> -> memref<8xi32, #tpu.memory_space<vmem>>
    %dma_wait3A_403 = arith.constant 0 : i32
    %dma_wait3A_404 = arith.constant 0 : i32
    %dma_wait3A_405 = tpu.memref_slice %arg3[%dma_wait3A_403, %dma_wait3A_404] : memref<100001x1024xf32, #tpu.memory_space<hbm>> -> memref<100001x1024xf32, #tpu.memory_space<hbm>>
    tpu.wait_indirect_dma semaphore(%arg23 : memref<!tpu.dma_semaphore, #tpu.memory_space<semaphore_mem>>) src(%dma_wait3A_405 : memref<100001x1024xf32, #tpu.memory_space<hbm>>) dst(%dma_wait3A_400 : memref<8x1024xf32, #tpu.memory_space<vmem>>)
    %broadcast_in_dim3A_406 = arith.constant 0.000000e+00 : f32
    %broadcast_in_dim3A_407 = vector.broadcast %broadcast_in_dim3A_406 : f32 to vector<16xf32>
    %parallel_loop3A_408 = arith.constant 0 : i32
    %parallel_loop3A_409 = arith.constant 64 : i32
    %parallel_loop3A_410 = arith.constant 1 : i32
    %parallel_loop3A_411:16 = scf.for %parallel_loop3A_670 = %parallel_loop3A_408 to %parallel_loop3A_409 step %parallel_loop3A_410 iter_args(%parallel_loop3A_671 = %broadcast_in_dim3A_407, %parallel_loop3A_672 = %broadcast_in_dim3A_407, %parallel_loop3A_673 = %broadcast_in_dim3A_407, %parallel_loop3A_674 = %broadcast_in_dim3A_407, %parallel_loop3A_675 = %broadcast_in_dim3A_407, %parallel_loop3A_676 = %broadcast_in_dim3A_407, %parallel_loop3A_677 = %broadcast_in_dim3A_407, %parallel_loop3A_678 = %broadcast_in_dim3A_407, %parallel_loop3A_679 = %broadcast_in_dim3A_407, %parallel_loop3A_680 = %broadcast_in_dim3A_407, %parallel_loop3A_681 = %broadcast_in_dim3A_407, %parallel_loop3A_682 = %broadcast_in_dim3A_407, %parallel_loop3A_683 = %broadcast_in_dim3A_407, %parallel_loop3A_684 = %broadcast_in_dim3A_407, %parallel_loop3A_685 = %broadcast_in_dim3A_407, %parallel_loop3A_686 = %broadcast_in_dim3A_407) -> (vector<16xf32>, vector<16xf32>, vector<16xf32>, vector<16xf32>, vector<16xf32>, vector<16xf32>, vector<16xf32>, vector<16xf32>, vector<16xf32>, vector<16xf32>, vector<16xf32>, vector<16xf32>, vector<16xf32>, vector<16xf32>, vector<16xf32>, vector<16xf32>)  : i32 {
      %parallel_loop3A_687 = arith.constant 16 : i32
      %parallel_loop3A_688 = arith.muli %parallel_loop3A_670, %parallel_loop3A_687 : i32
      %parallel_loop3A_689 = arith.constant 0 : i32
      %parallel_loop3A_690 = arith.index_cast %parallel_loop3A_689 : i32 to index
      %parallel_loop3A_691 = arith.index_cast %parallel_loop3A_688 : i32 to index
      %parallel_loop3A_692 = tpu.vector_load %arg11[%parallel_loop3A_690, %parallel_loop3A_691] {strides = array<i32>} : memref<2x2048xf32, #tpu.memory_space<vmem>>, vector<16xf32>,
      %parallel_loop3A_693 = arith.constant 1 : i32
      %parallel_loop3A_694 = arith.index_cast %parallel_loop3A_693 : i32 to index
      %parallel_loop3A_695 = arith.index_cast %parallel_loop3A_688 : i32 to index
      %parallel_loop3A_696 = tpu.vector_load %arg11[%parallel_loop3A_694, %parallel_loop3A_695] {strides = array<i32>} : memref<2x2048xf32, #tpu.memory_space<vmem>>, vector<16xf32>,
      %parallel_loop3A_697 = arith.constant 1024 : i32
      %parallel_loop3A_698 = arith.addi %parallel_loop3A_697, %parallel_loop3A_688 : i32
      %parallel_loop3A_699 = arith.constant 0 : i32
      %parallel_loop3A_700 = arith.index_cast %parallel_loop3A_699 : i32 to index
      %parallel_loop3A_701 = arith.index_cast %parallel_loop3A_698 : i32 to index
      %parallel_loop3A_702 = tpu.vector_load %arg11[%parallel_loop3A_700, %parallel_loop3A_701] {strides = array<i32>} : memref<2x2048xf32, #tpu.memory_space<vmem>>, vector<16xf32>,
      %parallel_loop3A_703 = arith.constant 1024 : i32
      %parallel_loop3A_704 = arith.addi %parallel_loop3A_703, %parallel_loop3A_688 : i32
      %parallel_loop3A_705 = arith.constant 1 : i32
      %parallel_loop3A_706 = arith.index_cast %parallel_loop3A_705 : i32 to index
      %parallel_loop3A_707 = arith.index_cast %parallel_loop3A_704 : i32 to index
      %parallel_loop3A_708 = tpu.vector_load %arg11[%parallel_loop3A_706, %parallel_loop3A_707] {strides = array<i32>} : memref<2x2048xf32, #tpu.memory_space<vmem>>, vector<16xf32>,
      %parallel_loop3A_709 = arith.constant 4 : i32
      %parallel_loop3A_710 = arith.constant 0 : i32
      %parallel_loop3A_711 = arith.index_cast %parallel_loop3A_709 : i32 to index
      %parallel_loop3A_712 = arith.index_cast %parallel_loop3A_710 : i32 to index
      %parallel_loop3A_713 = arith.index_cast %parallel_loop3A_688 : i32 to index
      %parallel_loop3A_714 = tpu.vector_load %arg10[%parallel_loop3A_711, %parallel_loop3A_712, %parallel_loop3A_713] {strides = array<i32>} : memref<8x8x1024xf32, #tpu.memory_space<vmem>>, vector<16xf32>,
      %parallel_loop3A_715 = arith.constant 4 : i32
      %parallel_loop3A_716 = arith.constant 1 : i32
      %parallel_loop3A_717 = arith.index_cast %parallel_loop3A_715 : i32 to index
      %parallel_loop3A_718 = arith.index_cast %parallel_loop3A_716 : i32 to index
      %parallel_loop3A_719 = arith.index_cast %parallel_loop3A_688 : i32 to index
      %parallel_loop3A_720 = tpu.vector_load %arg10[%parallel_loop3A_717, %parallel_loop3A_718, %parallel_loop3A_719] {strides = array<i32>} : memref<8x8x1024xf32, #tpu.memory_space<vmem>>, vector<16xf32>,
      %parallel_loop3A_721 = arith.mulf %parallel_loop3A_714, %parallel_loop3A_692 : vector<16xf32>
      %parallel_loop3A_722 = arith.addf %parallel_loop3A_671, %parallel_loop3A_721 : vector<16xf32>
      %parallel_loop3A_723 = arith.mulf %parallel_loop3A_720, %parallel_loop3A_702 : vector<16xf32>
      %parallel_loop3A_724 = arith.addf %parallel_loop3A_722, %parallel_loop3A_723 : vector<16xf32>
      %parallel_loop3A_725 = arith.mulf %parallel_loop3A_714, %parallel_loop3A_696 : vector<16xf32>
      %parallel_loop3A_726 = arith.addf %parallel_loop3A_672, %parallel_loop3A_725 : vector<16xf32>
      %parallel_loop3A_727 = arith.mulf %parallel_loop3A_720, %parallel_loop3A_708 : vector<16xf32>
      %parallel_loop3A_728 = arith.addf %parallel_loop3A_726, %parallel_loop3A_727 : vector<16xf32>
      %parallel_loop3A_729 = arith.constant 4 : i32
      %parallel_loop3A_730 = arith.constant 2 : i32
      %parallel_loop3A_731 = arith.index_cast %parallel_loop3A_729 : i32 to index
      %parallel_loop3A_732 = arith.index_cast %parallel_loop3A_730 : i32 to index
      %parallel_loop3A_733 = arith.index_cast %parallel_loop3A_688 : i32 to index
      %parallel_loop3A_734 = tpu.vector_load %arg10[%parallel_loop3A_731, %parallel_loop3A_732, %parallel_loop3A_733] {strides = array<i32>} : memref<8x8x1024xf32, #tpu.memory_space<vmem>>, vector<16xf32>,
      %parallel_loop3A_735 = arith.constant 4 : i32
      %parallel_loop3A_736 = arith.constant 3 : i32
      %parallel_loop3A_737 = arith.index_cast %parallel_loop3A_735 : i32 to index
      %parallel_loop3A_738 = arith.index_cast %parallel_loop3A_736 : i32 to index
      %parallel_loop3A_739 = arith.index_cast %parallel_loop3A_688 : i32 to index
      %parallel_loop3A_740 = tpu.vector_load %arg10[%parallel_loop3A_737, %parallel_loop3A_738, %parallel_loop3A_739] {strides = array<i32>} : memref<8x8x1024xf32, #tpu.memory_space<vmem>>, vector<16xf32>,
      %parallel_loop3A_741 = arith.mulf %parallel_loop3A_734, %parallel_loop3A_692 : vector<16xf32>
      %parallel_loop3A_742 = arith.addf %parallel_loop3A_673, %parallel_loop3A_741 : vector<16xf32>
      %parallel_loop3A_743 = arith.mulf %parallel_loop3A_740, %parallel_loop3A_702 : vector<16xf32>
      %parallel_loop3A_744 = arith.addf %parallel_loop3A_742, %parallel_loop3A_743 : vector<16xf32>
      %parallel_loop3A_745 = arith.mulf %parallel_loop3A_734, %parallel_loop3A_696 : vector<16xf32>
      %parallel_loop3A_746 = arith.addf %parallel_loop3A_674, %parallel_loop3A_745 : vector<16xf32>
      %parallel_loop3A_747 = arith.mulf %parallel_loop3A_740, %parallel_loop3A_708 : vector<16xf32>
      %parallel_loop3A_748 = arith.addf %parallel_loop3A_746, %parallel_loop3A_747 : vector<16xf32>
      %parallel_loop3A_749 = arith.constant 4 : i32
      %parallel_loop3A_750 = arith.constant 4 : i32
      %parallel_loop3A_751 = arith.index_cast %parallel_loop3A_749 : i32 to index
      %parallel_loop3A_752 = arith.index_cast %parallel_loop3A_750 : i32 to index
      %parallel_loop3A_753 = arith.index_cast %parallel_loop3A_688 : i32 to index
      %parallel_loop3A_754 = tpu.vector_load %arg10[%parallel_loop3A_751, %parallel_loop3A_752, %parallel_loop3A_753] {strides = array<i32>} : memref<8x8x1024xf32, #tpu.memory_space<vmem>>, vector<16xf32>,
      %parallel_loop3A_755 = arith.constant 4 : i32
      %parallel_loop3A_756 = arith.constant 5 : i32
      %parallel_loop3A_757 = arith.index_cast %parallel_loop3A_755 : i32 to index
      %parallel_loop3A_758 = arith.index_cast %parallel_loop3A_756 : i32 to index
      %parallel_loop3A_759 = arith.index_cast %parallel_loop3A_688 : i32 to index
      %parallel_loop3A_760 = tpu.vector_load %arg10[%parallel_loop3A_757, %parallel_loop3A_758, %parallel_loop3A_759] {strides = array<i32>} : memref<8x8x1024xf32, #tpu.memory_space<vmem>>, vector<16xf32>,
      %parallel_loop3A_761 = arith.mulf %parallel_loop3A_754, %parallel_loop3A_692 : vector<16xf32>
      %parallel_loop3A_762 = arith.addf %parallel_loop3A_675, %parallel_loop3A_761 : vector<16xf32>
      %parallel_loop3A_763 = arith.mulf %parallel_loop3A_760, %parallel_loop3A_702 : vector<16xf32>
      %parallel_loop3A_764 = arith.addf %parallel_loop3A_762, %parallel_loop3A_763 : vector<16xf32>
      %parallel_loop3A_765 = arith.mulf %parallel_loop3A_754, %parallel_loop3A_696 : vector<16xf32>
      %parallel_loop3A_766 = arith.addf %parallel_loop3A_676, %parallel_loop3A_765 : vector<16xf32>
      %parallel_loop3A_767 = arith.mulf %parallel_loop3A_760, %parallel_loop3A_708 : vector<16xf32>
      %parallel_loop3A_768 = arith.addf %parallel_loop3A_766, %parallel_loop3A_767 : vector<16xf32>
      %parallel_loop3A_769 = arith.constant 4 : i32
      %parallel_loop3A_770 = arith.constant 6 : i32
      %parallel_loop3A_771 = arith.index_cast %parallel_loop3A_769 : i32 to index
      %parallel_loop3A_772 = arith.index_cast %parallel_loop3A_770 : i32 to index
      %parallel_loop3A_773 = arith.index_cast %parallel_loop3A_688 : i32 to index
      %parallel_loop3A_774 = tpu.vector_load %arg10[%parallel_loop3A_771, %parallel_loop3A_772, %parallel_loop3A_773] {strides = array<i32>} : memref<8x8x1024xf32, #tpu.memory_space<vmem>>, vector<16xf32>,
      %parallel_loop3A_775 = arith.constant 4 : i32
      %parallel_loop3A_776 = arith.constant 7 : i32
      %parallel_loop3A_777 = arith.index_cast %parallel_loop3A_775 : i32 to index
      %parallel_loop3A_778 = arith.index_cast %parallel_loop3A_776 : i32 to index
      %parallel_loop3A_779 = arith.index_cast %parallel_loop3A_688 : i32 to index
      %parallel_loop3A_780 = tpu.vector_load %arg10[%parallel_loop3A_777, %parallel_loop3A_778, %parallel_loop3A_779] {strides = array<i32>} : memref<8x8x1024xf32, #tpu.memory_space<vmem>>, vector<16xf32>,
      %parallel_loop3A_781 = arith.mulf %parallel_loop3A_774, %parallel_loop3A_692 : vector<16xf32>
      %parallel_loop3A_782 = arith.addf %parallel_loop3A_677, %parallel_loop3A_781 : vector<16xf32>
      %parallel_loop3A_783 = arith.mulf %parallel_loop3A_780, %parallel_loop3A_702 : vector<16xf32>
      %parallel_loop3A_784 = arith.addf %parallel_loop3A_782, %parallel_loop3A_783 : vector<16xf32>
      %parallel_loop3A_785 = arith.mulf %parallel_loop3A_774, %parallel_loop3A_696 : vector<16xf32>
      %parallel_loop3A_786 = arith.addf %parallel_loop3A_678, %parallel_loop3A_785 : vector<16xf32>
      %parallel_loop3A_787 = arith.mulf %parallel_loop3A_780, %parallel_loop3A_708 : vector<16xf32>
      %parallel_loop3A_788 = arith.addf %parallel_loop3A_786, %parallel_loop3A_787 : vector<16xf32>
      %parallel_loop3A_789 = arith.constant 5 : i32
      %parallel_loop3A_790 = arith.constant 0 : i32
      %parallel_loop3A_791 = arith.index_cast %parallel_loop3A_789 : i32 to index
      %parallel_loop3A_792 = arith.index_cast %parallel_loop3A_790 : i32 to index
      %parallel_loop3A_793 = arith.index_cast %parallel_loop3A_688 : i32 to index
      %parallel_loop3A_794 = tpu.vector_load %arg10[%parallel_loop3A_791, %parallel_loop3A_792, %parallel_loop3A_793] {strides = array<i32>} : memref<8x8x1024xf32, #tpu.memory_space<vmem>>, vector<16xf32>,
      %parallel_loop3A_795 = arith.constant 5 : i32
      %parallel_loop3A_796 = arith.constant 1 : i32
      %parallel_loop3A_797 = arith.index_cast %parallel_loop3A_795 : i32 to index
      %parallel_loop3A_798 = arith.index_cast %parallel_loop3A_796 : i32 to index
      %parallel_loop3A_799 = arith.index_cast %parallel_loop3A_688 : i32 to index
      %parallel_loop3A_800 = tpu.vector_load %arg10[%parallel_loop3A_797, %parallel_loop3A_798, %parallel_loop3A_799] {strides = array<i32>} : memref<8x8x1024xf32, #tpu.memory_space<vmem>>, vector<16xf32>,
      %parallel_loop3A_801 = arith.mulf %parallel_loop3A_794, %parallel_loop3A_692 : vector<16xf32>
      %parallel_loop3A_802 = arith.addf %parallel_loop3A_679, %parallel_loop3A_801 : vector<16xf32>
      %parallel_loop3A_803 = arith.mulf %parallel_loop3A_800, %parallel_loop3A_702 : vector<16xf32>
      %parallel_loop3A_804 = arith.addf %parallel_loop3A_802, %parallel_loop3A_803 : vector<16xf32>
      %parallel_loop3A_805 = arith.mulf %parallel_loop3A_794, %parallel_loop3A_696 : vector<16xf32>
      %parallel_loop3A_806 = arith.addf %parallel_loop3A_680, %parallel_loop3A_805 : vector<16xf32>
      %parallel_loop3A_807 = arith.mulf %parallel_loop3A_800, %parallel_loop3A_708 : vector<16xf32>
      %parallel_loop3A_808 = arith.addf %parallel_loop3A_806, %parallel_loop3A_807 : vector<16xf32>
      %parallel_loop3A_809 = arith.constant 5 : i32
      %parallel_loop3A_810 = arith.constant 2 : i32
      %parallel_loop3A_811 = arith.index_cast %parallel_loop3A_809 : i32 to index
      %parallel_loop3A_812 = arith.index_cast %parallel_loop3A_810 : i32 to index
      %parallel_loop3A_813 = arith.index_cast %parallel_loop3A_688 : i32 to index
      %parallel_loop3A_814 = tpu.vector_load %arg10[%parallel_loop3A_811, %parallel_loop3A_812, %parallel_loop3A_813] {strides = array<i32>} : memref<8x8x1024xf32, #tpu.memory_space<vmem>>, vector<16xf32>,
      %parallel_loop3A_815 = arith.constant 5 : i32
      %parallel_loop3A_816 = arith.constant 3 : i32
      %parallel_loop3A_817 = arith.index_cast %parallel_loop3A_815 : i32 to index
      %parallel_loop3A_818 = arith.index_cast %parallel_loop3A_816 : i32 to index
      %parallel_loop3A_819 = arith.index_cast %parallel_loop3A_688 : i32 to index
      %parallel_loop3A_820 = tpu.vector_load %arg10[%parallel_loop3A_817, %parallel_loop3A_818, %parallel_loop3A_819] {strides = array<i32>} : memref<8x8x1024xf32, #tpu.memory_space<vmem>>, vector<16xf32>,
      %parallel_loop3A_821 = arith.mulf %parallel_loop3A_814, %parallel_loop3A_692 : vector<16xf32>
      %parallel_loop3A_822 = arith.addf %parallel_loop3A_681, %parallel_loop3A_821 : vector<16xf32>
      %parallel_loop3A_823 = arith.mulf %parallel_loop3A_820, %parallel_loop3A_702 : vector<16xf32>
      %parallel_loop3A_824 = arith.addf %parallel_loop3A_822, %parallel_loop3A_823 : vector<16xf32>
      %parallel_loop3A_825 = arith.mulf %parallel_loop3A_814, %parallel_loop3A_696 : vector<16xf32>
      %parallel_loop3A_826 = arith.addf %parallel_loop3A_682, %parallel_loop3A_825 : vector<16xf32>
      %parallel_loop3A_827 = arith.mulf %parallel_loop3A_820, %parallel_loop3A_708 : vector<16xf32>
      %parallel_loop3A_828 = arith.addf %parallel_loop3A_826, %parallel_loop3A_827 : vector<16xf32>
      %parallel_loop3A_829 = arith.constant 5 : i32
      %parallel_loop3A_830 = arith.constant 4 : i32
      %parallel_loop3A_831 = arith.index_cast %parallel_loop3A_829 : i32 to index
      %parallel_loop3A_832 = arith.index_cast %parallel_loop3A_830 : i32 to index
      %parallel_loop3A_833 = arith.index_cast %parallel_loop3A_688 : i32 to index
      %parallel_loop3A_834 = tpu.vector_load %arg10[%parallel_loop3A_831, %parallel_loop3A_832, %parallel_loop3A_833] {strides = array<i32>} : memref<8x8x1024xf32, #tpu.memory_space<vmem>>, vector<16xf32>,
      %parallel_loop3A_835 = arith.constant 5 : i32
      %parallel_loop3A_836 = arith.constant 5 : i32
      %parallel_loop3A_837 = arith.index_cast %parallel_loop3A_835 : i32 to index
      %parallel_loop3A_838 = arith.index_cast %parallel_loop3A_836 : i32 to index
      %parallel_loop3A_839 = arith.index_cast %parallel_loop3A_688 : i32 to index
      %parallel_loop3A_840 = tpu.vector_load %arg10[%parallel_loop3A_837, %parallel_loop3A_838, %parallel_loop3A_839] {strides = array<i32>} : memref<8x8x1024xf32, #tpu.memory_space<vmem>>, vector<16xf32>,
      %parallel_loop3A_841 = arith.mulf %parallel_loop3A_834, %parallel_loop3A_692 : vector<16xf32>
      %parallel_loop3A_842 = arith.addf %parallel_loop3A_683, %parallel_loop3A_841 : vector<16xf32>
      %parallel_loop3A_843 = arith.mulf %parallel_loop3A_840, %parallel_loop3A_702 : vector<16xf32>
      %parallel_loop3A_844 = arith.addf %parallel_loop3A_842, %parallel_loop3A_843 : vector<16xf32>
      %parallel_loop3A_845 = arith.mulf %parallel_loop3A_834, %parallel_loop3A_696 : vector<16xf32>
      %parallel_loop3A_846 = arith.addf %parallel_loop3A_684, %parallel_loop3A_845 : vector<16xf32>
      %parallel_loop3A_847 = arith.mulf %parallel_loop3A_840, %parallel_loop3A_708 : vector<16xf32>
      %parallel_loop3A_848 = arith.addf %parallel_loop3A_846, %parallel_loop3A_847 : vector<16xf32>
      %parallel_loop3A_849 = arith.constant 5 : i32
      %parallel_loop3A_850 = arith.constant 6 : i32
      %parallel_loop3A_851 = arith.index_cast %parallel_loop3A_849 : i32 to index
      %parallel_loop3A_852 = arith.index_cast %parallel_loop3A_850 : i32 to index
      %parallel_loop3A_853 = arith.index_cast %parallel_loop3A_688 : i32 to index
      %parallel_loop3A_854 = tpu.vector_load %arg10[%parallel_loop3A_851, %parallel_loop3A_852, %parallel_loop3A_853] {strides = array<i32>} : memref<8x8x1024xf32, #tpu.memory_space<vmem>>, vector<16xf32>,
      %parallel_loop3A_855 = arith.constant 5 : i32
      %parallel_loop3A_856 = arith.constant 7 : i32
      %parallel_loop3A_857 = arith.index_cast %parallel_loop3A_855 : i32 to index
      %parallel_loop3A_858 = arith.index_cast %parallel_loop3A_856 : i32 to index
      %parallel_loop3A_859 = arith.index_cast %parallel_loop3A_688 : i32 to index
      %parallel_loop3A_860 = tpu.vector_load %arg10[%parallel_loop3A_857, %parallel_loop3A_858, %parallel_loop3A_859] {strides = array<i32>} : memref<8x8x1024xf32, #tpu.memory_space<vmem>>, vector<16xf32>,
      %parallel_loop3A_861 = arith.mulf %parallel_loop3A_854, %parallel_loop3A_692 : vector<16xf32>
      %parallel_loop3A_862 = arith.addf %parallel_loop3A_685, %parallel_loop3A_861 : vector<16xf32>
      %parallel_loop3A_863 = arith.mulf %parallel_loop3A_860, %parallel_loop3A_702 : vector<16xf32>
      %parallel_loop3A_864 = arith.addf %parallel_loop3A_862, %parallel_loop3A_863 : vector<16xf32>
      %parallel_loop3A_865 = arith.mulf %parallel_loop3A_854, %parallel_loop3A_696 : vector<16xf32>
      %parallel_loop3A_866 = arith.addf %parallel_loop3A_686, %parallel_loop3A_865 : vector<16xf32>
      %parallel_loop3A_867 = arith.mulf %parallel_loop3A_860, %parallel_loop3A_708 : vector<16xf32>
      %parallel_loop3A_868 = arith.addf %parallel_loop3A_866, %parallel_loop3A_867 : vector<16xf32>
      scf.yield %parallel_loop3A_724, %parallel_loop3A_728, %parallel_loop3A_744, %parallel_loop3A_748, %parallel_loop3A_764, %parallel_loop3A_768, %parallel_loop3A_784, %parallel_loop3A_788, %parallel_loop3A_804, %parallel_loop3A_808, %parallel_loop3A_824, %parallel_loop3A_828, %parallel_loop3A_844, %parallel_loop3A_848, %parallel_loop3A_864, %parallel_loop3A_868 : vector<16xf32>, vector<16xf32>, vector<16xf32>, vector<16xf32>, vector<16xf32>, vector<16xf32>, vector<16xf32>, vector<16xf32>, vector<16xf32>, vector<16xf32>, vector<16xf32>, vector<16xf32>, vector<16xf32>, vector<16xf32>, vector<16xf32>, vector<16xf32>
    } {sc.loop_unroll_factor = 1 : i64, sc.parallel_access}
    %swap3A_412 = arith.constant 0 : index
    %swap3A_413 = tpu.vector_load %arg16[%swap3A_412] {strides = array<i32>} : memref<256xf32, #tpu.memory_space<vmem>>, vector<16xf32>,
    tpu.vector_store %arg16[%swap3A_412], %parallel_loop3A_411#0 {strides = array<i32>} : memref<256xf32, #tpu.memory_space<vmem>>, vector<16xf32>,
    %swap3A_414 = arith.constant 16 : index
    %swap3A_415 = tpu.vector_load %arg16[%swap3A_414] {strides = array<i32>} : memref<256xf32, #tpu.memory_space<vmem>>, vector<16xf32>,
    tpu.vector_store %arg16[%swap3A_414], %parallel_loop3A_411#1 {strides = array<i32>} : memref<256xf32, #tpu.memory_space<vmem>>, vector<16xf32>,
    %swap3A_416 = arith.constant 32 : index
    %swap3A_417 = tpu.vector_load %arg16[%swap3A_416] {strides = array<i32>} : memref<256xf32, #tpu.memory_space<vmem>>, vector<16xf32>,
    tpu.vector_store %arg16[%swap3A_416], %parallel_loop3A_411#2 {strides = array<i32>} : memref<256xf32, #tpu.memory_space<vmem>>, vector<16xf32>,
    %swap3A_418 = arith.constant 48 : index
    %swap3A_419 = tpu.vector_load %arg16[%swap3A_418] {strides = array<i32>} : memref<256xf32, #tpu.memory_space<vmem>>, vector<16xf32>,
    tpu.vector_store %arg16[%swap3A_418], %parallel_loop3A_411#3 {strides = array<i32>} : memref<256xf32, #tpu.memory_space<vmem>>, vector<16xf32>,
    %swap3A_420 = arith.constant 64 : index
    %swap3A_421 = tpu.vector_load %arg16[%swap3A_420] {strides = array<i32>} : memref<256xf32, #tpu.memory_space<vmem>>, vector<16xf32>,
    tpu.vector_store %arg16[%swap3A_420], %parallel_loop3A_411#4 {strides = array<i32>} : memref<256xf32, #tpu.memory_space<vmem>>, vector<16xf32>,
    %swap3A_422 = arith.constant 80 : index
    %swap3A_423 = tpu.vector_load %arg16[%swap3A_422] {strides = array<i32>} : memref<256xf32, #tpu.memory_space<vmem>>, vector<16xf32>,
    tpu.vector_store %arg16[%swap3A_422], %parallel_loop3A_411#5 {strides = array<i32>} : memref<256xf32, #tpu.memory_space<vmem>>, vector<16xf32>,
    %swap3A_424 = arith.constant 96 : index
    %swap3A_425 = tpu.vector_load %arg16[%swap3A_424] {strides = array<i32>} : memref<256xf32, #tpu.memory_space<vmem>>, vector<16xf32>,
    tpu.vector_store %arg16[%swap3A_424], %parallel_loop3A_411#6 {strides = array<i32>} : memref<256xf32, #tpu.memory_space<vmem>>, vector<16xf32>,
    %swap3A_426 = arith.constant 112 : index
    %swap3A_427 = tpu.vector_load %arg16[%swap3A_426] {strides = array<i32>} : memref<256xf32, #tpu.memory_space<vmem>>, vector<16xf32>,
    tpu.vector_store %arg16[%swap3A_426], %parallel_loop3A_411#7 {strides = array<i32>} : memref<256xf32, #tpu.memory_space<vmem>>, vector<16xf32>,
    %swap3A_428 = arith.constant 128 : index
    %swap3A_429 = tpu.vector_load %arg16[%swap3A_428] {strides = array<i32>} : memref<256xf32, #tpu.memory_space<vmem>>, vector<16xf32>,
    tpu.vector_store %arg16[%swap3A_428], %parallel_loop3A_411#8 {strides = array<i32>} : memref<256xf32, #tpu.memory_space<vmem>>, vector<16xf32>,
    %swap3A_430 = arith.constant 144 : index
    %swap3A_431 = tpu.vector_load %arg16[%swap3A_430] {strides = array<i32>} : memref<256xf32, #tpu.memory_space<vmem>>, vector<16xf32>,
    tpu.vector_store %arg16[%swap3A_430], %parallel_loop3A_411#9 {strides = array<i32>} : memref<256xf32, #tpu.memory_space<vmem>>, vector<16xf32>,
    %swap3A_432 = arith.constant 160 : index
    %swap3A_433 = tpu.vector_load %arg16[%swap3A_432] {strides = array<i32>} : memref<256xf32, #tpu.memory_space<vmem>>, vector<16xf32>,
    tpu.vector_store %arg16[%swap3A_432], %parallel_loop3A_411#10 {strides = array<i32>} : memref<256xf32, #tpu.memory_space<vmem>>, vector<16xf32>,
    %swap3A_434 = arith.constant 176 : index
    %swap3A_435 = tpu.vector_load %arg16[%swap3A_434] {strides = array<i32>} : memref<256xf32, #tpu.memory_space<vmem>>, vector<16xf32>,
    tpu.vector_store %arg16[%swap3A_434], %parallel_loop3A_411#11 {strides = array<i32>} : memref<256xf32, #tpu.memory_space<vmem>>, vector<16xf32>,
    %swap3A_436 = arith.constant 192 : index
    %swap3A_437 = tpu.vector_load %arg16[%swap3A_436] {strides = array<i32>} : memref<256xf32, #tpu.memory_space<vmem>>, vector<16xf32>,
    tpu.vector_store %arg16[%swap3A_436], %parallel_loop3A_411#12 {strides = array<i32>} : memref<256xf32, #tpu.memory_space<vmem>>, vector<16xf32>,
    %swap3A_438 = arith.constant 208 : index
    %swap3A_439 = tpu.vector_load %arg16[%swap3A_438] {strides = array<i32>} : memref<256xf32, #tpu.memory_space<vmem>>, vector<16xf32>,
    tpu.vector_store %arg16[%swap3A_438], %parallel_loop3A_411#13 {strides = array<i32>} : memref<256xf32, #tpu.memory_space<vmem>>, vector<16xf32>,
    %swap3A_440 = arith.constant 224 : index
    %swap3A_441 = tpu.vector_load %arg16[%swap3A_440] {strides = array<i32>} : memref<256xf32, #tpu.memory_space<vmem>>, vector<16xf32>,
    tpu.vector_store %arg16[%swap3A_440], %parallel_loop3A_411#14 {strides = array<i32>} : memref<256xf32, #tpu.memory_space<vmem>>, vector<16xf32>,
    %swap3A_442 = arith.constant 240 : index
    %swap3A_443 = tpu.vector_load %arg16[%swap3A_442] {strides = array<i32>} : memref<256xf32, #tpu.memory_space<vmem>>, vector<16xf32>,
    tpu.vector_store %arg16[%swap3A_442], %parallel_loop3A_411#15 {strides = array<i32>} : memref<256xf32, #tpu.memory_space<vmem>>, vector<16xf32>,
    %add3A_444 = arith.constant 0 : i32
    %add3A_445 = vector.broadcast %add3A_444 : i32 to vector<16xi32>
    %add3A_446 = arith.addi %mul3A_24, %add3A_445 : vector<16xi32>
    %gather3A_447 = tpu.vector_load_idx %arg16[%add3A_446] : memref<256xf32, #tpu.memory_space<vmem>>[vector<16xi32>], vector<16xf32>,
    %add3A_448 = arith.addf %add3A_21, %gather3A_447 : vector<16xf32>
    %add3A_449 = arith.constant 1 : i32
    %add3A_450 = vector.broadcast %add3A_449 : i32 to vector<16xi32>
    %add3A_451 = arith.addi %mul3A_24, %add3A_450 : vector<16xi32>
    %gather3A_452 = tpu.vector_load_idx %arg16[%add3A_451] : memref<256xf32, #tpu.memory_space<vmem>>[vector<16xi32>], vector<16xf32>,
    %add3A_453 = arith.addf %add3A_448, %gather3A_452 : vector<16xf32>
    %add3A_454 = arith.constant 2 : i32
    %add3A_455 = vector.broadcast %add3A_454 : i32 to vector<16xi32>
    %add3A_456 = arith.addi %mul3A_24, %add3A_455 : vector<16xi32>
    %gather3A_457 = tpu.vector_load_idx %arg16[%add3A_456] : memref<256xf32, #tpu.memory_space<vmem>>[vector<16xi32>], vector<16xf32>,
    %add3A_458 = arith.addf %add3A_453, %gather3A_457 : vector<16xf32>
    %add3A_459 = arith.constant 3 : i32
    %add3A_460 = vector.broadcast %add3A_459 : i32 to vector<16xi32>
    %add3A_461 = arith.addi %mul3A_24, %add3A_460 : vector<16xi32>
    %gather3A_462 = tpu.vector_load_idx %arg16[%add3A_461] : memref<256xf32, #tpu.memory_space<vmem>>[vector<16xi32>], vector<16xf32>,
    %add3A_463 = arith.addf %add3A_458, %gather3A_462 : vector<16xf32>
    %add3A_464 = arith.constant 4 : i32
    %add3A_465 = vector.broadcast %add3A_464 : i32 to vector<16xi32>
    %add3A_466 = arith.addi %mul3A_24, %add3A_465 : vector<16xi32>
    %gather3A_467 = tpu.vector_load_idx %arg16[%add3A_466] : memref<256xf32, #tpu.memory_space<vmem>>[vector<16xi32>], vector<16xf32>,
    %add3A_468 = arith.addf %add3A_463, %gather3A_467 : vector<16xf32>
    %add3A_469 = arith.constant 5 : i32
    %add3A_470 = vector.broadcast %add3A_469 : i32 to vector<16xi32>
    %add3A_471 = arith.addi %mul3A_24, %add3A_470 : vector<16xi32>
    %gather3A_472 = tpu.vector_load_idx %arg16[%add3A_471] : memref<256xf32, #tpu.memory_space<vmem>>[vector<16xi32>], vector<16xf32>,
    %add3A_473 = arith.addf %add3A_468, %gather3A_472 : vector<16xf32>
    %add3A_474 = arith.constant 6 : i32
    %add3A_475 = vector.broadcast %add3A_474 : i32 to vector<16xi32>
    %add3A_476 = arith.addi %mul3A_24, %add3A_475 : vector<16xi32>
    %gather3A_477 = tpu.vector_load_idx %arg16[%add3A_476] : memref<256xf32, #tpu.memory_space<vmem>>[vector<16xi32>], vector<16xf32>,
    %add3A_478 = arith.addf %add3A_473, %gather3A_477 : vector<16xf32>
    %add3A_479 = arith.constant 7 : i32
    %add3A_480 = vector.broadcast %add3A_479 : i32 to vector<16xi32>
    %add3A_481 = arith.addi %mul3A_24, %add3A_480 : vector<16xi32>
    %gather3A_482 = tpu.vector_load_idx %arg16[%add3A_481] : memref<256xf32, #tpu.memory_space<vmem>>[vector<16xi32>], vector<16xf32>,
    %add3A_483 = arith.addf %add3A_478, %gather3A_482 : vector<16xf32>
    %add3A_484 = arith.constant 8 : i32
    %add3A_485 = vector.broadcast %add3A_484 : i32 to vector<16xi32>
    %add3A_486 = arith.addi %mul3A_24, %add3A_485 : vector<16xi32>
    %gather3A_487 = tpu.vector_load_idx %arg16[%add3A_486] : memref<256xf32, #tpu.memory_space<vmem>>[vector<16xi32>], vector<16xf32>,
    %add3A_488 = arith.addf %add3A_483, %gather3A_487 : vector<16xf32>
    %add3A_489 = arith.constant 9 : i32
    %add3A_490 = vector.broadcast %add3A_489 : i32 to vector<16xi32>
    %add3A_491 = arith.addi %mul3A_24, %add3A_490 : vector<16xi32>
    %gather3A_492 = tpu.vector_load_idx %arg16[%add3A_491] : memref<256xf32, #tpu.memory_space<vmem>>[vector<16xi32>], vector<16xf32>,
    %add3A_493 = arith.addf %add3A_488, %gather3A_492 : vector<16xf32>
    %add3A_494 = arith.constant 10 : i32
    %add3A_495 = vector.broadcast %add3A_494 : i32 to vector<16xi32>
    %add3A_496 = arith.addi %mul3A_24, %add3A_495 : vector<16xi32>
    %gather3A_497 = tpu.vector_load_idx %arg16[%add3A_496] : memref<256xf32, #tpu.memory_space<vmem>>[vector<16xi32>], vector<16xf32>,
    %add3A_498 = arith.addf %add3A_493, %gather3A_497 : vector<16xf32>
    %add3A_499 = arith.constant 11 : i32
    %add3A_500 = vector.broadcast %add3A_499 : i32 to vector<16xi32>
    %add3A_501 = arith.addi %mul3A_24, %add3A_500 : vector<16xi32>
    %gather3A_502 = tpu.vector_load_idx %arg16[%add3A_501] : memref<256xf32, #tpu.memory_space<vmem>>[vector<16xi32>], vector<16xf32>,
    %add3A_503 = arith.addf %add3A_498, %gather3A_502 : vector<16xf32>
    %add3A_504 = arith.constant 12 : i32
    %add3A_505 = vector.broadcast %add3A_504 : i32 to vector<16xi32>
    %add3A_506 = arith.addi %mul3A_24, %add3A_505 : vector<16xi32>
    %gather3A_507 = tpu.vector_load_idx %arg16[%add3A_506] : memref<256xf32, #tpu.memory_space<vmem>>[vector<16xi32>], vector<16xf32>,
    %add3A_508 = arith.addf %add3A_503, %gather3A_507 : vector<16xf32>
    %add3A_509 = arith.constant 13 : i32
    %add3A_510 = vector.broadcast %add3A_509 : i32 to vector<16xi32>
    %add3A_511 = arith.addi %mul3A_24, %add3A_510 : vector<16xi32>
    %gather3A_512 = tpu.vector_load_idx %arg16[%add3A_511] : memref<256xf32, #tpu.memory_space<vmem>>[vector<16xi32>], vector<16xf32>,
    %add3A_513 = arith.addf %add3A_508, %gather3A_512 : vector<16xf32>
    %add3A_514 = arith.constant 14 : i32
    %add3A_515 = vector.broadcast %add3A_514 : i32 to vector<16xi32>
    %add3A_516 = arith.addi %mul3A_24, %add3A_515 : vector<16xi32>
    %gather3A_517 = tpu.vector_load_idx %arg16[%add3A_516] : memref<256xf32, #tpu.memory_space<vmem>>[vector<16xi32>], vector<16xf32>,
    %add3A_518 = arith.addf %add3A_513, %gather3A_517 : vector<16xf32>
    %add3A_519 = arith.constant 15 : i32
    %add3A_520 = vector.broadcast %add3A_519 : i32 to vector<16xi32>
    %add3A_521 = arith.addi %mul3A_24, %add3A_520 : vector<16xi32>
    %gather3A_522 = tpu.vector_load_idx %arg16[%add3A_521] : memref<256xf32, #tpu.memory_space<vmem>>[vector<16xi32>], vector<16xf32>,
    %add3A_523 = arith.addf %add3A_518, %gather3A_522 : vector<16xf32>
    %swap3A_524 = arith.constant 992 : index
    %swap3A_525 = tpu.vector_load %arg17[%swap3A_524] {strides = array<i32>} : memref<1024xf32, #tpu.memory_space<vmem>>, vector<16xf32>,
    tpu.vector_store %arg17[%swap3A_524], %add3A_523 {strides = array<i32>} : memref<1024xf32, #tpu.memory_space<vmem>>, vector<16xf32>,
    %dma_wait3A_526 = arith.constant 6 : i32
    %dma_wait3A_527 = arith.constant 0 : i32
    %dma_wait3A_528 = arith.constant 0 : i32
    %dma_wait3A_529 = tpu.memref_slice %arg10[%dma_wait3A_526, %dma_wait3A_527, %dma_wait3A_528] : memref<8x8x1024xf32, #tpu.memory_space<vmem>> -> memref<1x8x1024xf32, #tpu.memory_space<vmem>>
    %dma_wait3A_530 = tpu.memref_squeeze %dma_wait3A_529 : memref<1x8x1024xf32, #tpu.memory_space<vmem>> -> memref<8x1024xf32, #tpu.memory_space<vmem>>
    %dma_wait3A_531 = arith.constant 1008 : i32
    %dma_wait3A_532 = tpu.memref_slice %arg9[%dma_wait3A_531] : memref<1024xi32, #tpu.memory_space<vmem>> -> memref<8xi32, #tpu.memory_space<vmem>>
    %dma_wait3A_533 = arith.constant 0 : i32
    %dma_wait3A_534 = arith.constant 0 : i32
    %dma_wait3A_535 = tpu.memref_slice %arg3[%dma_wait3A_533, %dma_wait3A_534] : memref<100001x1024xf32, #tpu.memory_space<hbm>> -> memref<100001x1024xf32, #tpu.memory_space<hbm>>
    tpu.wait_indirect_dma semaphore(%arg24 : memref<!tpu.dma_semaphore, #tpu.memory_space<semaphore_mem>>) src(%dma_wait3A_535 : memref<100001x1024xf32, #tpu.memory_space<hbm>>) dst(%dma_wait3A_530 : memref<8x1024xf32, #tpu.memory_space<vmem>>)
    %dma_wait3A_536 = arith.constant 7 : i32
    %dma_wait3A_537 = arith.constant 0 : i32
    %dma_wait3A_538 = arith.constant 0 : i32
    %dma_wait3A_539 = tpu.memref_slice %arg10[%dma_wait3A_536, %dma_wait3A_537, %dma_wait3A_538] : memref<8x8x1024xf32, #tpu.memory_space<vmem>> -> memref<1x8x1024xf32, #tpu.memory_space<vmem>>
    %dma_wait3A_540 = tpu.memref_squeeze %dma_wait3A_539 : memref<1x8x1024xf32, #tpu.memory_space<vmem>> -> memref<8x1024xf32, #tpu.memory_space<vmem>>
    %dma_wait3A_541 = arith.constant 1016 : i32
    %dma_wait3A_542 = tpu.memref_slice %arg9[%dma_wait3A_541] : memref<1024xi32, #tpu.memory_space<vmem>> -> memref<8xi32, #tpu.memory_space<vmem>>
    %dma_wait3A_543 = arith.constant 0 : i32
    %dma_wait3A_544 = arith.constant 0 : i32
    %dma_wait3A_545 = tpu.memref_slice %arg3[%dma_wait3A_543, %dma_wait3A_544] : memref<100001x1024xf32, #tpu.memory_space<hbm>> -> memref<100001x1024xf32, #tpu.memory_space<hbm>>
    tpu.wait_indirect_dma semaphore(%arg25 : memref<!tpu.dma_semaphore, #tpu.memory_space<semaphore_mem>>) src(%dma_wait3A_545 : memref<100001x1024xf32, #tpu.memory_space<hbm>>) dst(%dma_wait3A_540 : memref<8x1024xf32, #tpu.memory_space<vmem>>)
    %broadcast_in_dim3A_546 = arith.constant 0.000000e+00 : f32
    %broadcast_in_dim3A_547 = vector.broadcast %broadcast_in_dim3A_546 : f32 to vector<16xf32>
    %parallel_loop3A_548 = arith.constant 0 : i32
    %parallel_loop3A_549 = arith.constant 64 : i32
    %parallel_loop3A_550 = arith.constant 1 : i32
    %parallel_loop3A_551:16 = scf.for %parallel_loop3A_670 = %parallel_loop3A_548 to %parallel_loop3A_549 step %parallel_loop3A_550 iter_args(%parallel_loop3A_671 = %broadcast_in_dim3A_547, %parallel_loop3A_672 = %broadcast_in_dim3A_547, %parallel_loop3A_673 = %broadcast_in_dim3A_547, %parallel_loop3A_674 = %broadcast_in_dim3A_547, %parallel_loop3A_675 = %broadcast_in_dim3A_547, %parallel_loop3A_676 = %broadcast_in_dim3A_547, %parallel_loop3A_677 = %broadcast_in_dim3A_547, %parallel_loop3A_678 = %broadcast_in_dim3A_547, %parallel_loop3A_679 = %broadcast_in_dim3A_547, %parallel_loop3A_680 = %broadcast_in_dim3A_547, %parallel_loop3A_681 = %broadcast_in_dim3A_547, %parallel_loop3A_682 = %broadcast_in_dim3A_547, %parallel_loop3A_683 = %broadcast_in_dim3A_547, %parallel_loop3A_684 = %broadcast_in_dim3A_547, %parallel_loop3A_685 = %broadcast_in_dim3A_547, %parallel_loop3A_686 = %broadcast_in_dim3A_547) -> (vector<16xf32>, vector<16xf32>, vector<16xf32>, vector<16xf32>, vector<16xf32>, vector<16xf32>, vector<16xf32>, vector<16xf32>, vector<16xf32>, vector<16xf32>, vector<16xf32>, vector<16xf32>, vector<16xf32>, vector<16xf32>, vector<16xf32>, vector<16xf32>)  : i32 {
      %parallel_loop3A_687 = arith.constant 16 : i32
      %parallel_loop3A_688 = arith.muli %parallel_loop3A_670, %parallel_loop3A_687 : i32
      %parallel_loop3A_689 = arith.constant 0 : i32
      %parallel_loop3A_690 = arith.index_cast %parallel_loop3A_689 : i32 to index
      %parallel_loop3A_691 = arith.index_cast %parallel_loop3A_688 : i32 to index
      %parallel_loop3A_692 = tpu.vector_load %arg11[%parallel_loop3A_690, %parallel_loop3A_691] {strides = array<i32>} : memref<2x2048xf32, #tpu.memory_space<vmem>>, vector<16xf32>,
      %parallel_loop3A_693 = arith.constant 1 : i32
      %parallel_loop3A_694 = arith.index_cast %parallel_loop3A_693 : i32 to index
      %parallel_loop3A_695 = arith.index_cast %parallel_loop3A_688 : i32 to index
      %parallel_loop3A_696 = tpu.vector_load %arg11[%parallel_loop3A_694, %parallel_loop3A_695] {strides = array<i32>} : memref<2x2048xf32, #tpu.memory_space<vmem>>, vector<16xf32>,
      %parallel_loop3A_697 = arith.constant 1024 : i32
      %parallel_loop3A_698 = arith.addi %parallel_loop3A_697, %parallel_loop3A_688 : i32
      %parallel_loop3A_699 = arith.constant 0 : i32
      %parallel_loop3A_700 = arith.index_cast %parallel_loop3A_699 : i32 to index
      %parallel_loop3A_701 = arith.index_cast %parallel_loop3A_698 : i32 to index
      %parallel_loop3A_702 = tpu.vector_load %arg11[%parallel_loop3A_700, %parallel_loop3A_701] {strides = array<i32>} : memref<2x2048xf32, #tpu.memory_space<vmem>>, vector<16xf32>,
      %parallel_loop3A_703 = arith.constant 1024 : i32
      %parallel_loop3A_704 = arith.addi %parallel_loop3A_703, %parallel_loop3A_688 : i32
      %parallel_loop3A_705 = arith.constant 1 : i32
      %parallel_loop3A_706 = arith.index_cast %parallel_loop3A_705 : i32 to index
      %parallel_loop3A_707 = arith.index_cast %parallel_loop3A_704 : i32 to index
      %parallel_loop3A_708 = tpu.vector_load %arg11[%parallel_loop3A_706, %parallel_loop3A_707] {strides = array<i32>} : memref<2x2048xf32, #tpu.memory_space<vmem>>, vector<16xf32>,
      %parallel_loop3A_709 = arith.constant 6 : i32
      %parallel_loop3A_710 = arith.constant 0 : i32
      %parallel_loop3A_711 = arith.index_cast %parallel_loop3A_709 : i32 to index
      %parallel_loop3A_712 = arith.index_cast %parallel_loop3A_710 : i32 to index
      %parallel_loop3A_713 = arith.index_cast %parallel_loop3A_688 : i32 to index
      %parallel_loop3A_714 = tpu.vector_load %arg10[%parallel_loop3A_711, %parallel_loop3A_712, %parallel_loop3A_713] {strides = array<i32>} : memref<8x8x1024xf32, #tpu.memory_space<vmem>>, vector<16xf32>,
      %parallel_loop3A_715 = arith.constant 6 : i32
      %parallel_loop3A_716 = arith.constant 1 : i32
      %parallel_loop3A_717 = arith.index_cast %parallel_loop3A_715 : i32 to index
      %parallel_loop3A_718 = arith.index_cast %parallel_loop3A_716 : i32 to index
      %parallel_loop3A_719 = arith.index_cast %parallel_loop3A_688 : i32 to index
      %parallel_loop3A_720 = tpu.vector_load %arg10[%parallel_loop3A_717, %parallel_loop3A_718, %parallel_loop3A_719] {strides = array<i32>} : memref<8x8x1024xf32, #tpu.memory_space<vmem>>, vector<16xf32>,
      %parallel_loop3A_721 = arith.mulf %parallel_loop3A_714, %parallel_loop3A_692 : vector<16xf32>
      %parallel_loop3A_722 = arith.addf %parallel_loop3A_671, %parallel_loop3A_721 : vector<16xf32>
      %parallel_loop3A_723 = arith.mulf %parallel_loop3A_720, %parallel_loop3A_702 : vector<16xf32>
      %parallel_loop3A_724 = arith.addf %parallel_loop3A_722, %parallel_loop3A_723 : vector<16xf32>
      %parallel_loop3A_725 = arith.mulf %parallel_loop3A_714, %parallel_loop3A_696 : vector<16xf32>
      %parallel_loop3A_726 = arith.addf %parallel_loop3A_672, %parallel_loop3A_725 : vector<16xf32>
      %parallel_loop3A_727 = arith.mulf %parallel_loop3A_720, %parallel_loop3A_708 : vector<16xf32>
      %parallel_loop3A_728 = arith.addf %parallel_loop3A_726, %parallel_loop3A_727 : vector<16xf32>
      %parallel_loop3A_729 = arith.constant 6 : i32
      %parallel_loop3A_730 = arith.constant 2 : i32
      %parallel_loop3A_731 = arith.index_cast %parallel_loop3A_729 : i32 to index
      %parallel_loop3A_732 = arith.index_cast %parallel_loop3A_730 : i32 to index
      %parallel_loop3A_733 = arith.index_cast %parallel_loop3A_688 : i32 to index
      %parallel_loop3A_734 = tpu.vector_load %arg10[%parallel_loop3A_731, %parallel_loop3A_732, %parallel_loop3A_733] {strides = array<i32>} : memref<8x8x1024xf32, #tpu.memory_space<vmem>>, vector<16xf32>,
      %parallel_loop3A_735 = arith.constant 6 : i32
      %parallel_loop3A_736 = arith.constant 3 : i32
      %parallel_loop3A_737 = arith.index_cast %parallel_loop3A_735 : i32 to index
      %parallel_loop3A_738 = arith.index_cast %parallel_loop3A_736 : i32 to index
      %parallel_loop3A_739 = arith.index_cast %parallel_loop3A_688 : i32 to index
      %parallel_loop3A_740 = tpu.vector_load %arg10[%parallel_loop3A_737, %parallel_loop3A_738, %parallel_loop3A_739] {strides = array<i32>} : memref<8x8x1024xf32, #tpu.memory_space<vmem>>, vector<16xf32>,
      %parallel_loop3A_741 = arith.mulf %parallel_loop3A_734, %parallel_loop3A_692 : vector<16xf32>
      %parallel_loop3A_742 = arith.addf %parallel_loop3A_673, %parallel_loop3A_741 : vector<16xf32>
      %parallel_loop3A_743 = arith.mulf %parallel_loop3A_740, %parallel_loop3A_702 : vector<16xf32>
      %parallel_loop3A_744 = arith.addf %parallel_loop3A_742, %parallel_loop3A_743 : vector<16xf32>
      %parallel_loop3A_745 = arith.mulf %parallel_loop3A_734, %parallel_loop3A_696 : vector<16xf32>
      %parallel_loop3A_746 = arith.addf %parallel_loop3A_674, %parallel_loop3A_745 : vector<16xf32>
      %parallel_loop3A_747 = arith.mulf %parallel_loop3A_740, %parallel_loop3A_708 : vector<16xf32>
      %parallel_loop3A_748 = arith.addf %parallel_loop3A_746, %parallel_loop3A_747 : vector<16xf32>
      %parallel_loop3A_749 = arith.constant 6 : i32
      %parallel_loop3A_750 = arith.constant 4 : i32
      %parallel_loop3A_751 = arith.index_cast %parallel_loop3A_749 : i32 to index
      %parallel_loop3A_752 = arith.index_cast %parallel_loop3A_750 : i32 to index
      %parallel_loop3A_753 = arith.index_cast %parallel_loop3A_688 : i32 to index
      %parallel_loop3A_754 = tpu.vector_load %arg10[%parallel_loop3A_751, %parallel_loop3A_752, %parallel_loop3A_753] {strides = array<i32>} : memref<8x8x1024xf32, #tpu.memory_space<vmem>>, vector<16xf32>,
      %parallel_loop3A_755 = arith.constant 6 : i32
      %parallel_loop3A_756 = arith.constant 5 : i32
      %parallel_loop3A_757 = arith.index_cast %parallel_loop3A_755 : i32 to index
      %parallel_loop3A_758 = arith.index_cast %parallel_loop3A_756 : i32 to index
      %parallel_loop3A_759 = arith.index_cast %parallel_loop3A_688 : i32 to index
      %parallel_loop3A_760 = tpu.vector_load %arg10[%parallel_loop3A_757, %parallel_loop3A_758, %parallel_loop3A_759] {strides = array<i32>} : memref<8x8x1024xf32, #tpu.memory_space<vmem>>, vector<16xf32>,
      %parallel_loop3A_761 = arith.mulf %parallel_loop3A_754, %parallel_loop3A_692 : vector<16xf32>
      %parallel_loop3A_762 = arith.addf %parallel_loop3A_675, %parallel_loop3A_761 : vector<16xf32>
      %parallel_loop3A_763 = arith.mulf %parallel_loop3A_760, %parallel_loop3A_702 : vector<16xf32>
      %parallel_loop3A_764 = arith.addf %parallel_loop3A_762, %parallel_loop3A_763 : vector<16xf32>
      %parallel_loop3A_765 = arith.mulf %parallel_loop3A_754, %parallel_loop3A_696 : vector<16xf32>
      %parallel_loop3A_766 = arith.addf %parallel_loop3A_676, %parallel_loop3A_765 : vector<16xf32>
      %parallel_loop3A_767 = arith.mulf %parallel_loop3A_760, %parallel_loop3A_708 : vector<16xf32>
      %parallel_loop3A_768 = arith.addf %parallel_loop3A_766, %parallel_loop3A_767 : vector<16xf32>
      %parallel_loop3A_769 = arith.constant 6 : i32
      %parallel_loop3A_770 = arith.constant 6 : i32
      %parallel_loop3A_771 = arith.index_cast %parallel_loop3A_769 : i32 to index
      %parallel_loop3A_772 = arith.index_cast %parallel_loop3A_770 : i32 to index
      %parallel_loop3A_773 = arith.index_cast %parallel_loop3A_688 : i32 to index
      %parallel_loop3A_774 = tpu.vector_load %arg10[%parallel_loop3A_771, %parallel_loop3A_772, %parallel_loop3A_773] {strides = array<i32>} : memref<8x8x1024xf32, #tpu.memory_space<vmem>>, vector<16xf32>,
      %parallel_loop3A_775 = arith.constant 6 : i32
      %parallel_loop3A_776 = arith.constant 7 : i32
      %parallel_loop3A_777 = arith.index_cast %parallel_loop3A_775 : i32 to index
      %parallel_loop3A_778 = arith.index_cast %parallel_loop3A_776 : i32 to index
      %parallel_loop3A_779 = arith.index_cast %parallel_loop3A_688 : i32 to index
      %parallel_loop3A_780 = tpu.vector_load %arg10[%parallel_loop3A_777, %parallel_loop3A_778, %parallel_loop3A_779] {strides = array<i32>} : memref<8x8x1024xf32, #tpu.memory_space<vmem>>, vector<16xf32>,
      %parallel_loop3A_781 = arith.mulf %parallel_loop3A_774, %parallel_loop3A_692 : vector<16xf32>
      %parallel_loop3A_782 = arith.addf %parallel_loop3A_677, %parallel_loop3A_781 : vector<16xf32>
      %parallel_loop3A_783 = arith.mulf %parallel_loop3A_780, %parallel_loop3A_702 : vector<16xf32>
      %parallel_loop3A_784 = arith.addf %parallel_loop3A_782, %parallel_loop3A_783 : vector<16xf32>
      %parallel_loop3A_785 = arith.mulf %parallel_loop3A_774, %parallel_loop3A_696 : vector<16xf32>
      %parallel_loop3A_786 = arith.addf %parallel_loop3A_678, %parallel_loop3A_785 : vector<16xf32>
      %parallel_loop3A_787 = arith.mulf %parallel_loop3A_780, %parallel_loop3A_708 : vector<16xf32>
      %parallel_loop3A_788 = arith.addf %parallel_loop3A_786, %parallel_loop3A_787 : vector<16xf32>
      %parallel_loop3A_789 = arith.constant 7 : i32
      %parallel_loop3A_790 = arith.constant 0 : i32
      %parallel_loop3A_791 = arith.index_cast %parallel_loop3A_789 : i32 to index
      %parallel_loop3A_792 = arith.index_cast %parallel_loop3A_790 : i32 to index
      %parallel_loop3A_793 = arith.index_cast %parallel_loop3A_688 : i32 to index
      %parallel_loop3A_794 = tpu.vector_load %arg10[%parallel_loop3A_791, %parallel_loop3A_792, %parallel_loop3A_793] {strides = array<i32>} : memref<8x8x1024xf32, #tpu.memory_space<vmem>>, vector<16xf32>,
      %parallel_loop3A_795 = arith.constant 7 : i32
      %parallel_loop3A_796 = arith.constant 1 : i32
      %parallel_loop3A_797 = arith.index_cast %parallel_loop3A_795 : i32 to index
      %parallel_loop3A_798 = arith.index_cast %parallel_loop3A_796 : i32 to index
      %parallel_loop3A_799 = arith.index_cast %parallel_loop3A_688 : i32 to index
      %parallel_loop3A_800 = tpu.vector_load %arg10[%parallel_loop3A_797, %parallel_loop3A_798, %parallel_loop3A_799] {strides = array<i32>} : memref<8x8x1024xf32, #tpu.memory_space<vmem>>, vector<16xf32>,
      %parallel_loop3A_801 = arith.mulf %parallel_loop3A_794, %parallel_loop3A_692 : vector<16xf32>
      %parallel_loop3A_802 = arith.addf %parallel_loop3A_679, %parallel_loop3A_801 : vector<16xf32>
      %parallel_loop3A_803 = arith.mulf %parallel_loop3A_800, %parallel_loop3A_702 : vector<16xf32>
      %parallel_loop3A_804 = arith.addf %parallel_loop3A_802, %parallel_loop3A_803 : vector<16xf32>
      %parallel_loop3A_805 = arith.mulf %parallel_loop3A_794, %parallel_loop3A_696 : vector<16xf32>
      %parallel_loop3A_806 = arith.addf %parallel_loop3A_680, %parallel_loop3A_805 : vector<16xf32>
      %parallel_loop3A_807 = arith.mulf %parallel_loop3A_800, %parallel_loop3A_708 : vector<16xf32>
      %parallel_loop3A_808 = arith.addf %parallel_loop3A_806, %parallel_loop3A_807 : vector<16xf32>
      %parallel_loop3A_809 = arith.constant 7 : i32
      %parallel_loop3A_810 = arith.constant 2 : i32
      %parallel_loop3A_811 = arith.index_cast %parallel_loop3A_809 : i32 to index
      %parallel_loop3A_812 = arith.index_cast %parallel_loop3A_810 : i32 to index
      %parallel_loop3A_813 = arith.index_cast %parallel_loop3A_688 : i32 to index
      %parallel_loop3A_814 = tpu.vector_load %arg10[%parallel_loop3A_811, %parallel_loop3A_812, %parallel_loop3A_813] {strides = array<i32>} : memref<8x8x1024xf32, #tpu.memory_space<vmem>>, vector<16xf32>,
      %parallel_loop3A_815 = arith.constant 7 : i32
      %parallel_loop3A_816 = arith.constant 3 : i32
      %parallel_loop3A_817 = arith.index_cast %parallel_loop3A_815 : i32 to index
      %parallel_loop3A_818 = arith.index_cast %parallel_loop3A_816 : i32 to index
      %parallel_loop3A_819 = arith.index_cast %parallel_loop3A_688 : i32 to index
      %parallel_loop3A_820 = tpu.vector_load %arg10[%parallel_loop3A_817, %parallel_loop3A_818, %parallel_loop3A_819] {strides = array<i32>} : memref<8x8x1024xf32, #tpu.memory_space<vmem>>, vector<16xf32>,
      %parallel_loop3A_821 = arith.mulf %parallel_loop3A_814, %parallel_loop3A_692 : vector<16xf32>
      %parallel_loop3A_822 = arith.addf %parallel_loop3A_681, %parallel_loop3A_821 : vector<16xf32>
      %parallel_loop3A_823 = arith.mulf %parallel_loop3A_820, %parallel_loop3A_702 : vector<16xf32>
      %parallel_loop3A_824 = arith.addf %parallel_loop3A_822, %parallel_loop3A_823 : vector<16xf32>
      %parallel_loop3A_825 = arith.mulf %parallel_loop3A_814, %parallel_loop3A_696 : vector<16xf32>
      %parallel_loop3A_826 = arith.addf %parallel_loop3A_682, %parallel_loop3A_825 : vector<16xf32>
      %parallel_loop3A_827 = arith.mulf %parallel_loop3A_820, %parallel_loop3A_708 : vector<16xf32>
      %parallel_loop3A_828 = arith.addf %parallel_loop3A_826, %parallel_loop3A_827 : vector<16xf32>
      %parallel_loop3A_829 = arith.constant 7 : i32
      %parallel_loop3A_830 = arith.constant 4 : i32
      %parallel_loop3A_831 = arith.index_cast %parallel_loop3A_829 : i32 to index
      %parallel_loop3A_832 = arith.index_cast %parallel_loop3A_830 : i32 to index
      %parallel_loop3A_833 = arith.index_cast %parallel_loop3A_688 : i32 to index
      %parallel_loop3A_834 = tpu.vector_load %arg10[%parallel_loop3A_831, %parallel_loop3A_832, %parallel_loop3A_833] {strides = array<i32>} : memref<8x8x1024xf32, #tpu.memory_space<vmem>>, vector<16xf32>,
      %parallel_loop3A_835 = arith.constant 7 : i32
      %parallel_loop3A_836 = arith.constant 5 : i32
      %parallel_loop3A_837 = arith.index_cast %parallel_loop3A_835 : i32 to index
      %parallel_loop3A_838 = arith.index_cast %parallel_loop3A_836 : i32 to index
      %parallel_loop3A_839 = arith.index_cast %parallel_loop3A_688 : i32 to index
      %parallel_loop3A_840 = tpu.vector_load %arg10[%parallel_loop3A_837, %parallel_loop3A_838, %parallel_loop3A_839] {strides = array<i32>} : memref<8x8x1024xf32, #tpu.memory_space<vmem>>, vector<16xf32>,
      %parallel_loop3A_841 = arith.mulf %parallel_loop3A_834, %parallel_loop3A_692 : vector<16xf32>
      %parallel_loop3A_842 = arith.addf %parallel_loop3A_683, %parallel_loop3A_841 : vector<16xf32>
      %parallel_loop3A_843 = arith.mulf %parallel_loop3A_840, %parallel_loop3A_702 : vector<16xf32>
      %parallel_loop3A_844 = arith.addf %parallel_loop3A_842, %parallel_loop3A_843 : vector<16xf32>
      %parallel_loop3A_845 = arith.mulf %parallel_loop3A_834, %parallel_loop3A_696 : vector<16xf32>
      %parallel_loop3A_846 = arith.addf %parallel_loop3A_684, %parallel_loop3A_845 : vector<16xf32>
      %parallel_loop3A_847 = arith.mulf %parallel_loop3A_840, %parallel_loop3A_708 : vector<16xf32>
      %parallel_loop3A_848 = arith.addf %parallel_loop3A_846, %parallel_loop3A_847 : vector<16xf32>
      %parallel_loop3A_849 = arith.constant 7 : i32
      %parallel_loop3A_850 = arith.constant 6 : i32
      %parallel_loop3A_851 = arith.index_cast %parallel_loop3A_849 : i32 to index
      %parallel_loop3A_852 = arith.index_cast %parallel_loop3A_850 : i32 to index
      %parallel_loop3A_853 = arith.index_cast %parallel_loop3A_688 : i32 to index
      %parallel_loop3A_854 = tpu.vector_load %arg10[%parallel_loop3A_851, %parallel_loop3A_852, %parallel_loop3A_853] {strides = array<i32>} : memref<8x8x1024xf32, #tpu.memory_space<vmem>>, vector<16xf32>,
      %parallel_loop3A_855 = arith.constant 7 : i32
      %parallel_loop3A_856 = arith.constant 7 : i32
      %parallel_loop3A_857 = arith.index_cast %parallel_loop3A_855 : i32 to index
      %parallel_loop3A_858 = arith.index_cast %parallel_loop3A_856 : i32 to index
      %parallel_loop3A_859 = arith.index_cast %parallel_loop3A_688 : i32 to index
      %parallel_loop3A_860 = tpu.vector_load %arg10[%parallel_loop3A_857, %parallel_loop3A_858, %parallel_loop3A_859] {strides = array<i32>} : memref<8x8x1024xf32, #tpu.memory_space<vmem>>, vector<16xf32>,
      %parallel_loop3A_861 = arith.mulf %parallel_loop3A_854, %parallel_loop3A_692 : vector<16xf32>
      %parallel_loop3A_862 = arith.addf %parallel_loop3A_685, %parallel_loop3A_861 : vector<16xf32>
      %parallel_loop3A_863 = arith.mulf %parallel_loop3A_860, %parallel_loop3A_702 : vector<16xf32>
      %parallel_loop3A_864 = arith.addf %parallel_loop3A_862, %parallel_loop3A_863 : vector<16xf32>
      %parallel_loop3A_865 = arith.mulf %parallel_loop3A_854, %parallel_loop3A_696 : vector<16xf32>
      %parallel_loop3A_866 = arith.addf %parallel_loop3A_686, %parallel_loop3A_865 : vector<16xf32>
      %parallel_loop3A_867 = arith.mulf %parallel_loop3A_860, %parallel_loop3A_708 : vector<16xf32>
      %parallel_loop3A_868 = arith.addf %parallel_loop3A_866, %parallel_loop3A_867 : vector<16xf32>
      scf.yield %parallel_loop3A_724, %parallel_loop3A_728, %parallel_loop3A_744, %parallel_loop3A_748, %parallel_loop3A_764, %parallel_loop3A_768, %parallel_loop3A_784, %parallel_loop3A_788, %parallel_loop3A_804, %parallel_loop3A_808, %parallel_loop3A_824, %parallel_loop3A_828, %parallel_loop3A_844, %parallel_loop3A_848, %parallel_loop3A_864, %parallel_loop3A_868 : vector<16xf32>, vector<16xf32>, vector<16xf32>, vector<16xf32>, vector<16xf32>, vector<16xf32>, vector<16xf32>, vector<16xf32>, vector<16xf32>, vector<16xf32>, vector<16xf32>, vector<16xf32>, vector<16xf32>, vector<16xf32>, vector<16xf32>, vector<16xf32>
    } {sc.loop_unroll_factor = 1 : i64, sc.parallel_access}
    %swap3A_552 = arith.constant 0 : index
    %swap3A_553 = tpu.vector_load %arg16[%swap3A_552] {strides = array<i32>} : memref<256xf32, #tpu.memory_space<vmem>>, vector<16xf32>,
    tpu.vector_store %arg16[%swap3A_552], %parallel_loop3A_551#0 {strides = array<i32>} : memref<256xf32, #tpu.memory_space<vmem>>, vector<16xf32>,
    %swap3A_554 = arith.constant 16 : index
    %swap3A_555 = tpu.vector_load %arg16[%swap3A_554] {strides = array<i32>} : memref<256xf32, #tpu.memory_space<vmem>>, vector<16xf32>,
    tpu.vector_store %arg16[%swap3A_554], %parallel_loop3A_551#1 {strides = array<i32>} : memref<256xf32, #tpu.memory_space<vmem>>, vector<16xf32>,
    %swap3A_556 = arith.constant 32 : index
    %swap3A_557 = tpu.vector_load %arg16[%swap3A_556] {strides = array<i32>} : memref<256xf32, #tpu.memory_space<vmem>>, vector<16xf32>,
    tpu.vector_store %arg16[%swap3A_556], %parallel_loop3A_551#2 {strides = array<i32>} : memref<256xf32, #tpu.memory_space<vmem>>, vector<16xf32>,
    %swap3A_558 = arith.constant 48 : index
    %swap3A_559 = tpu.vector_load %arg16[%swap3A_558] {strides = array<i32>} : memref<256xf32, #tpu.memory_space<vmem>>, vector<16xf32>,
    tpu.vector_store %arg16[%swap3A_558], %parallel_loop3A_551#3 {strides = array<i32>} : memref<256xf32, #tpu.memory_space<vmem>>, vector<16xf32>,
    %swap3A_560 = arith.constant 64 : index
    %swap3A_561 = tpu.vector_load %arg16[%swap3A_560] {strides = array<i32>} : memref<256xf32, #tpu.memory_space<vmem>>, vector<16xf32>,
    tpu.vector_store %arg16[%swap3A_560], %parallel_loop3A_551#4 {strides = array<i32>} : memref<256xf32, #tpu.memory_space<vmem>>, vector<16xf32>,
    %swap3A_562 = arith.constant 80 : index
    %swap3A_563 = tpu.vector_load %arg16[%swap3A_562] {strides = array<i32>} : memref<256xf32, #tpu.memory_space<vmem>>, vector<16xf32>,
    tpu.vector_store %arg16[%swap3A_562], %parallel_loop3A_551#5 {strides = array<i32>} : memref<256xf32, #tpu.memory_space<vmem>>, vector<16xf32>,
    %swap3A_564 = arith.constant 96 : index
    %swap3A_565 = tpu.vector_load %arg16[%swap3A_564] {strides = array<i32>} : memref<256xf32, #tpu.memory_space<vmem>>, vector<16xf32>,
    tpu.vector_store %arg16[%swap3A_564], %parallel_loop3A_551#6 {strides = array<i32>} : memref<256xf32, #tpu.memory_space<vmem>>, vector<16xf32>,
    %swap3A_566 = arith.constant 112 : index
    %swap3A_567 = tpu.vector_load %arg16[%swap3A_566] {strides = array<i32>} : memref<256xf32, #tpu.memory_space<vmem>>, vector<16xf32>,
    tpu.vector_store %arg16[%swap3A_566], %parallel_loop3A_551#7 {strides = array<i32>} : memref<256xf32, #tpu.memory_space<vmem>>, vector<16xf32>,
    %swap3A_568 = arith.constant 128 : index
    %swap3A_569 = tpu.vector_load %arg16[%swap3A_568] {strides = array<i32>} : memref<256xf32, #tpu.memory_space<vmem>>, vector<16xf32>,
    tpu.vector_store %arg16[%swap3A_568], %parallel_loop3A_551#8 {strides = array<i32>} : memref<256xf32, #tpu.memory_space<vmem>>, vector<16xf32>,
    %swap3A_570 = arith.constant 144 : index
    %swap3A_571 = tpu.vector_load %arg16[%swap3A_570] {strides = array<i32>} : memref<256xf32, #tpu.memory_space<vmem>>, vector<16xf32>,
    tpu.vector_store %arg16[%swap3A_570], %parallel_loop3A_551#9 {strides = array<i32>} : memref<256xf32, #tpu.memory_space<vmem>>, vector<16xf32>,
    %swap3A_572 = arith.constant 160 : index
    %swap3A_573 = tpu.vector_load %arg16[%swap3A_572] {strides = array<i32>} : memref<256xf32, #tpu.memory_space<vmem>>, vector<16xf32>,
    tpu.vector_store %arg16[%swap3A_572], %parallel_loop3A_551#10 {strides = array<i32>} : memref<256xf32, #tpu.memory_space<vmem>>, vector<16xf32>,
    %swap3A_574 = arith.constant 176 : index
    %swap3A_575 = tpu.vector_load %arg16[%swap3A_574] {strides = array<i32>} : memref<256xf32, #tpu.memory_space<vmem>>, vector<16xf32>,
    tpu.vector_store %arg16[%swap3A_574], %parallel_loop3A_551#11 {strides = array<i32>} : memref<256xf32, #tpu.memory_space<vmem>>, vector<16xf32>,
    %swap3A_576 = arith.constant 192 : index
    %swap3A_577 = tpu.vector_load %arg16[%swap3A_576] {strides = array<i32>} : memref<256xf32, #tpu.memory_space<vmem>>, vector<16xf32>,
    tpu.vector_store %arg16[%swap3A_576], %parallel_loop3A_551#12 {strides = array<i32>} : memref<256xf32, #tpu.memory_space<vmem>>, vector<16xf32>,
    %swap3A_578 = arith.constant 208 : index
    %swap3A_579 = tpu.vector_load %arg16[%swap3A_578] {strides = array<i32>} : memref<256xf32, #tpu.memory_space<vmem>>, vector<16xf32>,
    tpu.vector_store %arg16[%swap3A_578], %parallel_loop3A_551#13 {strides = array<i32>} : memref<256xf32, #tpu.memory_space<vmem>>, vector<16xf32>,
    %swap3A_580 = arith.constant 224 : index
    %swap3A_581 = tpu.vector_load %arg16[%swap3A_580] {strides = array<i32>} : memref<256xf32, #tpu.memory_space<vmem>>, vector<16xf32>,
    tpu.vector_store %arg16[%swap3A_580], %parallel_loop3A_551#14 {strides = array<i32>} : memref<256xf32, #tpu.memory_space<vmem>>, vector<16xf32>,
    %swap3A_582 = arith.constant 240 : index
    %swap3A_583 = tpu.vector_load %arg16[%swap3A_582] {strides = array<i32>} : memref<256xf32, #tpu.memory_space<vmem>>, vector<16xf32>,
    tpu.vector_store %arg16[%swap3A_582], %parallel_loop3A_551#15 {strides = array<i32>} : memref<256xf32, #tpu.memory_space<vmem>>, vector<16xf32>,
    %add3A_584 = arith.constant 0 : i32
    %add3A_585 = vector.broadcast %add3A_584 : i32 to vector<16xi32>
    %add3A_586 = arith.addi %mul3A_24, %add3A_585 : vector<16xi32>
    %gather3A_587 = tpu.vector_load_idx %arg16[%add3A_586] : memref<256xf32, #tpu.memory_space<vmem>>[vector<16xi32>], vector<16xf32>,
    %add3A_588 = arith.addf %add3A_21, %gather3A_587 : vector<16xf32>
    %add3A_589 = arith.constant 1 : i32
    %add3A_590 = vector.broadcast %add3A_589 : i32 to vector<16xi32>
    %add3A_591 = arith.addi %mul3A_24, %add3A_590 : vector<16xi32>
    %gather3A_592 = tpu.vector_load_idx %arg16[%add3A_591] : memref<256xf32, #tpu.memory_space<vmem>>[vector<16xi32>], vector<16xf32>,
    %add3A_593 = arith.addf %add3A_588, %gather3A_592 : vector<16xf32>
    %add3A_594 = arith.constant 2 : i32
    %add3A_595 = vector.broadcast %add3A_594 : i32 to vector<16xi32>
    %add3A_596 = arith.addi %mul3A_24, %add3A_595 : vector<16xi32>
    %gather3A_597 = tpu.vector_load_idx %arg16[%add3A_596] : memref<256xf32, #tpu.memory_space<vmem>>[vector<16xi32>], vector<16xf32>,
    %add3A_598 = arith.addf %add3A_593, %gather3A_597 : vector<16xf32>
    %add3A_599 = arith.constant 3 : i32
    %add3A_600 = vector.broadcast %add3A_599 : i32 to vector<16xi32>
    %add3A_601 = arith.addi %mul3A_24, %add3A_600 : vector<16xi32>
    %gather3A_602 = tpu.vector_load_idx %arg16[%add3A_601] : memref<256xf32, #tpu.memory_space<vmem>>[vector<16xi32>], vector<16xf32>,
    %add3A_603 = arith.addf %add3A_598, %gather3A_602 : vector<16xf32>
    %add3A_604 = arith.constant 4 : i32
    %add3A_605 = vector.broadcast %add3A_604 : i32 to vector<16xi32>
    %add3A_606 = arith.addi %mul3A_24, %add3A_605 : vector<16xi32>
    %gather3A_607 = tpu.vector_load_idx %arg16[%add3A_606] : memref<256xf32, #tpu.memory_space<vmem>>[vector<16xi32>], vector<16xf32>,
    %add3A_608 = arith.addf %add3A_603, %gather3A_607 : vector<16xf32>
    %add3A_609 = arith.constant 5 : i32
    %add3A_610 = vector.broadcast %add3A_609 : i32 to vector<16xi32>
    %add3A_611 = arith.addi %mul3A_24, %add3A_610 : vector<16xi32>
    %gather3A_612 = tpu.vector_load_idx %arg16[%add3A_611] : memref<256xf32, #tpu.memory_space<vmem>>[vector<16xi32>], vector<16xf32>,
    %add3A_613 = arith.addf %add3A_608, %gather3A_612 : vector<16xf32>
    %add3A_614 = arith.constant 6 : i32
    %add3A_615 = vector.broadcast %add3A_614 : i32 to vector<16xi32>
    %add3A_616 = arith.addi %mul3A_24, %add3A_615 : vector<16xi32>
    %gather3A_617 = tpu.vector_load_idx %arg16[%add3A_616] : memref<256xf32, #tpu.memory_space<vmem>>[vector<16xi32>], vector<16xf32>,
    %add3A_618 = arith.addf %add3A_613, %gather3A_617 : vector<16xf32>
    %add3A_619 = arith.constant 7 : i32
    %add3A_620 = vector.broadcast %add3A_619 : i32 to vector<16xi32>
    %add3A_621 = arith.addi %mul3A_24, %add3A_620 : vector<16xi32>
    %gather3A_622 = tpu.vector_load_idx %arg16[%add3A_621] : memref<256xf32, #tpu.memory_space<vmem>>[vector<16xi32>], vector<16xf32>,
    %add3A_623 = arith.addf %add3A_618, %gather3A_622 : vector<16xf32>
    %add3A_624 = arith.constant 8 : i32
    %add3A_625 = vector.broadcast %add3A_624 : i32 to vector<16xi32>
    %add3A_626 = arith.addi %mul3A_24, %add3A_625 : vector<16xi32>
    %gather3A_627 = tpu.vector_load_idx %arg16[%add3A_626] : memref<256xf32, #tpu.memory_space<vmem>>[vector<16xi32>], vector<16xf32>,
    %add3A_628 = arith.addf %add3A_623, %gather3A_627 : vector<16xf32>
    %add3A_629 = arith.constant 9 : i32
    %add3A_630 = vector.broadcast %add3A_629 : i32 to vector<16xi32>
    %add3A_631 = arith.addi %mul3A_24, %add3A_630 : vector<16xi32>
    %gather3A_632 = tpu.vector_load_idx %arg16[%add3A_631] : memref<256xf32, #tpu.memory_space<vmem>>[vector<16xi32>], vector<16xf32>,
    %add3A_633 = arith.addf %add3A_628, %gather3A_632 : vector<16xf32>
    %add3A_634 = arith.constant 10 : i32
    %add3A_635 = vector.broadcast %add3A_634 : i32 to vector<16xi32>
    %add3A_636 = arith.addi %mul3A_24, %add3A_635 : vector<16xi32>
    %gather3A_637 = tpu.vector_load_idx %arg16[%add3A_636] : memref<256xf32, #tpu.memory_space<vmem>>[vector<16xi32>], vector<16xf32>,
    %add3A_638 = arith.addf %add3A_633, %gather3A_637 : vector<16xf32>
    %add3A_639 = arith.constant 11 : i32
    %add3A_640 = vector.broadcast %add3A_639 : i32 to vector<16xi32>
    %add3A_641 = arith.addi %mul3A_24, %add3A_640 : vector<16xi32>
    %gather3A_642 = tpu.vector_load_idx %arg16[%add3A_641] : memref<256xf32, #tpu.memory_space<vmem>>[vector<16xi32>], vector<16xf32>,
    %add3A_643 = arith.addf %add3A_638, %gather3A_642 : vector<16xf32>
    %add3A_644 = arith.constant 12 : i32
    %add3A_645 = vector.broadcast %add3A_644 : i32 to vector<16xi32>
    %add3A_646 = arith.addi %mul3A_24, %add3A_645 : vector<16xi32>
    %gather3A_647 = tpu.vector_load_idx %arg16[%add3A_646] : memref<256xf32, #tpu.memory_space<vmem>>[vector<16xi32>], vector<16xf32>,
    %add3A_648 = arith.addf %add3A_643, %gather3A_647 : vector<16xf32>
    %add3A_649 = arith.constant 13 : i32
    %add3A_650 = vector.broadcast %add3A_649 : i32 to vector<16xi32>
    %add3A_651 = arith.addi %mul3A_24, %add3A_650 : vector<16xi32>
    %gather3A_652 = tpu.vector_load_idx %arg16[%add3A_651] : memref<256xf32, #tpu.memory_space<vmem>>[vector<16xi32>], vector<16xf32>,
    %add3A_653 = arith.addf %add3A_648, %gather3A_652 : vector<16xf32>
    %add3A_654 = arith.constant 14 : i32
    %add3A_655 = vector.broadcast %add3A_654 : i32 to vector<16xi32>
    %add3A_656 = arith.addi %mul3A_24, %add3A_655 : vector<16xi32>
    %gather3A_657 = tpu.vector_load_idx %arg16[%add3A_656] : memref<256xf32, #tpu.memory_space<vmem>>[vector<16xi32>], vector<16xf32>,
    %add3A_658 = arith.addf %add3A_653, %gather3A_657 : vector<16xf32>
    %add3A_659 = arith.constant 15 : i32
    %add3A_660 = vector.broadcast %add3A_659 : i32 to vector<16xi32>
    %add3A_661 = arith.addi %mul3A_24, %add3A_660 : vector<16xi32>
    %gather3A_662 = tpu.vector_load_idx %arg16[%add3A_661] : memref<256xf32, #tpu.memory_space<vmem>>[vector<16xi32>], vector<16xf32>,
    %add3A_663 = arith.addf %add3A_658, %gather3A_662 : vector<16xf32>
    %swap3A_664 = arith.constant 1008 : index
    %swap3A_665 = tpu.vector_load %arg17[%swap3A_664] {strides = array<i32>} : memref<1024xf32, #tpu.memory_space<vmem>>, vector<16xf32>,
    tpu.vector_store %arg17[%swap3A_664], %add3A_663 {strides = array<i32>} : memref<1024xf32, #tpu.memory_space<vmem>>, vector<16xf32>,
    %mul3A_666 = arith.constant 2 : i32
    %mul3A_667 = arith.muli %add3A, %mul3A_666 : i32
    %mul3A_668 = arith.constant 512 : i32
    %mul3A_669 = arith.muli %mul3A_667, %mul3A_668 : i32
    "tpu.region"() ({
      %run_scoped3A = tpu.sem_alloc : memref<!tpu.dma_semaphore, #tpu.memory_space<semaphore_mem>>
      %dma_start3A_670 = tpu.memref_slice %arg8[%mul3A_669] : memref<32768xf32, #tpu.memory_space<hbm>> -> memref<1024xf32, #tpu.memory_space<hbm>>
      %dma_start3A_671 = tpu.memref_slice %arg8[%mul3A_669] : memref<32768xf32, #tpu.memory_space<hbm>> -> memref<1024xf32, #tpu.memory_space<hbm>>
      tpu.enqueue_dma source(%arg17 : memref<1024xf32, #tpu.memory_space<vmem>>) target(%dma_start3A_671 : memref<1024xf32, #tpu.memory_space<hbm>>) target_semaphore(%run_scoped3A : memref<!tpu.dma_semaphore, #tpu.memory_space<semaphore_mem>>)
      %dma_wait3A_672 = tpu.memref_slice %arg8[%mul3A_669] : memref<32768xf32, #tpu.memory_space<hbm>> -> memref<1024xf32, #tpu.memory_space<hbm>>
      %dma_wait3A_673 = tpu.memref_slice %arg8[%mul3A_669] : memref<32768xf32, #tpu.memory_space<hbm>> -> memref<1024xf32, #tpu.memory_space<hbm>>
      tpu.wait_dma2 semaphore(%run_scoped3A : memref<!tpu.dma_semaphore, #tpu.memory_space<semaphore_mem>>) src(%arg17 : memref<1024xf32, #tpu.memory_space<vmem>>) dst(%dma_wait3A_673 : memref<1024xf32, #tpu.memory_space<hbm>>)
      tpu.yield
    }) : () -> ()
    return
  }
}

</mosaic_0001>

<sc_bundles>
// kernel: _sc_call.3.cloned.1.call-start
scs
__scs_entry_jumppad:
0x0: {  	(pc) =	sbr.rel $0x88, $3  }
0x1: {  	(tag) =	ssettag $0x0;
	lr =	simm.s32 $0x1  }
0x2: {  	[smem:$0x3F9B] =	sst lr;
	_ =	strace $0xD0000000  }
0x3: {  	_ = 	snop  }
0x4: {  	_ = 	snop  }
0x5: {  	_ = 	snop  }
0x6: {  	_ = 	snop  }
0x7: {  	_ = 	snop  }
__scs_overlays_trampoline_lowered:
0x8: {  	[smem:$0x3FAA] =	sst s0  }
0x9: {  	[smem:$0x3FAB] =	sst s1  }
0xa: {  	[smem:$0x3FAC] =	sst s2  }
0xb: {  	[smem:$0x3FAD] =	sst s3  }
0xc: {  	[smem:$0x3FAE] =	sst s4  }
0xd: {  	[smem:$0x3FAF] =	sst s5  }
0xe: {  	[smem:$0x3FB0] =	sst s6  }
0xf: {  	[smem:$0x3FB1] =	sst s7  }
0x10: {  	[smem:$0x3FB2] =	sst s8  }
0x11: {  	[smem:$0x3FB3] =	sst s9;
	s0 =	simm.s32 @!p0 $0x0  }
0x12: {  	s1 =	sld [smem:$0x3F99];
	s0 =	simm.s32 @p0 $0x1  }
0x13: {  	[smem:$0x3FB4] =	sst s0;
	s0 =	simm.s32 @!p1 $0x0  }
0x14: {  	s2 =	sld [smem:$0x3F98];
	s0 =	simm.s32 @p1 $0x1  }
0x15: {  	[smem:$0x3FB5] =	sst s0;
	s0 =	simm.s32 @!p2 $0x0  }
0x16: {  	s3 =	sld [smem:$0x3FDB];
	s0 =	simm.s32 @p2 $0x1  }
0x17: {  	s4 =	simm.s32 $0x1BF5;
	[smem:$0x3FB7] =	sst s0  }
0x18: {  	s0 =	sld [smem:$0x3F9A];
	_ =	swait.ge [sflag:s4], $0x0  }
0x19: {  	s7 =	sld [smem:$0x3F9B]  }
0x1a: {  	s8 =	sadd.s32 $0xFFFFE003, lr  }
0x1b: {  	s9 =	sadd.s32 $0xFFFFFEF7, lr;
	s5 =	simm.s32 $0xFFFFFFFF;
	p2 =	slt.u32 s8, $0xFFFFF086  }
0x1c: {  	p1 =	slt.u32 s9, $0xF7A;
	s5 =	simm.s32 @!p2 $0x0  }
0x1d: {  	s5 =	simm.s32 @p1 $0x1;
	p0 =	seq.s32 s7, s2  }
0x1e: {  	s7 =	smul.u32 @!p0 $0xF7A, s2;
	p2 =	seq.s32 @!p0 s5, $0x0  }
0x1f: {  	s9 =	smul.u32 $0xF7A, s1;
	s8 =	simm.s32 @!p0 $0x1BF5;
	p2 =	por !p2, p0  }
0x20: {  	[sflag:s8] =	ssyncset.s32 @!p0 $0xFFFFF086;
	s6 =	sadd.s32 @!p0 s3, s7;
	s7 =	simm.s32 @!p0 $0x108  }
0x21: {  	s3 =	sadd.s32 s3, s9;
	s6 =	sadd.s32 @!p0 $0x88, s6;
	s7 =	simm.s32 @p2 $0x1082  }
0x22: {  	[simem:s7], [sflag:s8] =	dma.local @!p0 [hbm:s6], $0xF7A  }
0x23: {  	s9 =	sor.u32 $0xD0000000, s2;
	s6 =	simm.s32 $0x108;
	_ =	swait.ge @!p0 [sflag:s8], $0x0  }
0x24: {  	s3 =	sadd.s32 $0x88, s3;
	s6 =	simm.s32 @!p1 $0x1082;
	[sflag:s4] =	ssyncset.s32 $0xFFFFF086  }
0x25: {  	[simem:s6], [sflag:s4] =	dma.local [hbm:s3], $0xF7A  }
0x26: {  	[smem:$0x3F9B] =	sst s1;
	(tag) =	ssettag s2;
	_ =	strace s9  }
0x27: {  	s1 =	sld [smem:$0x3FAB]  }
0x28: {  	s2 =	sld [smem:$0x3FAC]  }
0x29: {  	s4 =	sld [smem:$0x3FAE]  }
0x2a: {  	p0 =	seq.s32 s5, $0x0;
	s5 =	sld [smem:$0x3FAF]  }
0x2b: {  	s6 =	sld [smem:$0x3FB0]  }
0x2c: {  	s7 =	sld [smem:$0x3FB1]  }
0x2d: {  	s3 =	simm.s32 $0x108;
	s8 =	sld [smem:$0x3FB2]  }
0x2e: {  	s3 =	simm.s32 @!p0 $0x1082;
	s9 =	sld [smem:$0x3FB3]  }
0x2f: {  	lr =	sadd.s32 s0, s3;
	s0 =	sld [smem:$0x3FAA]  }
0x30: {  	s3 =	sld [smem:$0x3FAD]  }
0x31: {  	[smem:$0x3FB6] =	sst s10  }
0x32: {  	s10 =	sld [smem:$0x3FB4];
	_ =	sdelay $0x3  }
0x33: {  	p0 =	seq.s32 s10, $0x1;
	s10 =	sld [smem:$0x3FB6];
	_ =	sdelay $0x3  }
0x34: {  	[smem:$0x3FB6] =	sst s10  }
0x35: {  	s10 =	sld [smem:$0x3FB5];
	_ =	sdelay $0x3  }
0x36: {  	p1 =	seq.s32 s10, $0x1;
	s10 =	sld [smem:$0x3FB6];
	_ =	sdelay $0x3  }
0x37: {  	[smem:$0x3FB6] =	sst s10  }
0x38: {  	s10 =	sld [smem:$0x3FB7]  }
0x39: {  	_ = 	snop;
	(pc) =	sbr.ind lr, $3  }
0x3a: {  	_ = 	snop  }
0x3b: {  	_ = 	snop  }
0x3c: {  	p2 =	seq.s32 s10, $0x1;
	s10 =	sld [smem:$0x3FB6]  }
0x3d: {  	_ =	shalt  }
0x3e: {  	_ =	shalt  }
0x3f: {  	_ =	shalt  }
0x40: {  	_ =	shalt  }
0x41: {  	_ =	shalt  }
0x42: {  	_ =	shalt  }
0x43: {  	_ =	shalt  }
0x44: {  	_ =	shalt  }
0x45: {  	_ =	shalt  }
0x46: {  	_ =	shalt  }
0x47: {  	_ =	shalt  }
0x48: {  	_ =	shalt  }
0x49: {  	_ =	shalt  }
0x4a: {  	_ =	shalt  }
0x4b: {  	_ =	shalt  }
0x4c: {  	_ =	shalt  }
0x4d: {  	_ =	shalt  }
0x4e: {  	_ =	shalt  }
0x4f: {  	_ =	shalt  }
0x50: {  	_ =	shalt  }
0x51: {  	_ =	shalt  }
0x52: {  	_ =	shalt  }
0x53: {  	_ =	shalt  }
0x54: {  	_ =	shalt  }
0x55: {  	_ =	shalt  }
0x56: {  	_ =	shalt  }
0x57: {  	_ =	shalt  }
0x58: {  	_ =	shalt  }
0x59: {  	_ =	shalt  }
0x5a: {  	_ =	shalt  }
0x5b: {  	_ =	shalt  }
0x5c: {  	_ =	shalt  }
0x5d: {  	_ =	shalt  }
0x5e: {  	_ =	shalt  }
0x5f: {  	_ =	shalt  }
0x60: {  	_ =	shalt  }
0x61: {  	_ =	shalt  }
0x62: {  	_ =	shalt  }
0x63: {  	_ =	shalt  }
0x64: {  	_ =	shalt  }
0x65: {  	_ =	shalt  }
0x66: {  	_ =	shalt  }
0x67: {  	_ =	shalt  }
0x68: {  	_ =	shalt  }
0x69: {  	_ =	shalt  }
0x6a: {  	_ =	shalt  }
0x6b: {  	_ =	shalt  }
0x6c: {  	_ =	shalt  }
0x6d: {  	_ =	shalt  }
0x6e: {  	_ =	shalt  }
0x6f: {  	_ =	shalt  }
0x70: {  	_ =	shalt  }
0x71: {  	_ =	shalt  }
0x72: {  	_ =	shalt  }
0x73: {  	_ =	shalt  }
0x74: {  	_ =	shalt  }
0x75: {  	_ =	shalt  }
0x76: {  	_ =	shalt  }
0x77: {  	_ =	shalt  }
0x78: {  	_ =	shalt  }
0x79: {  	_ =	shalt  }
0x7a: {  	_ =	shalt  }
0x7b: {  	_ =	shalt  }
0x7c: {  	_ =	shalt  }
0x7d: {  	_ =	shalt  }
0x7e: {  	_ =	shalt  }
0x7f: {  	_ =	shalt  }
0x80: {  	_ =	shalt  }
0x81: {  	_ =	shalt  }
0x82: {  	_ =	shalt  }
0x83: {  	_ =	shalt  }
0x84: {  	_ =	shalt  }
0x85: {  	_ =	shalt  }
0x86: {  	_ =	shalt  }
0x87: {  	_ =	shalt  }
.Lfunc_end0:
.L_simem_size_0:
called_computation_lowered:
.L_overlay_start_0:
0x88: {  	s2 =	sld [smem:$0x3FD9]  }
0x89: {  	s3 =	sld [smem:$0x3FFE];
	_ =	sdelay $0x1  }
0x8a: {  	s1 =	srdreg.scid  }
0x8b: {  	s0 =	sand.u32 $0x1, s1  }
0x8c: {  	s18 =	sshll.u32 s0, $0xA;
	s2 =	sadd.s32 s3, s2  }
0x8d: {  	s2 =	sadd.s32 s2, s18  }
0x8e: {  	[smem:$0x3FC2] =	sst s2  }
0x8f: {  	_ = 	snop  }
0x90: {  	s2 =	sld [smem:$0x3FC9]  }
0x91: {  	s19 =	sld [smem:$0x3FC8]  }
0x92: {  	s4 =	sld [smem:$0x3FC7]  }
0x93: {  	s5 =	sld [smem:$0x3FC6]  }
0x94: {  	s6 =	sld [smem:$0x3FC5]  }
0x95: {  	s7 =	sld [smem:$0x3FC4]  }
0x96: {  	s8 =	sld [smem:$0x3FD0];
	(tm) =	ssettm $0x1  }
0x97: {  	s9 =	sld [smem:$0x3FFB];
	_ =	sdelay $0x3  }
0x98: {  	_ =	strace s9  }
0x99: {  	s9 =	sld [smem:$0x3FFC];
	_ =	sdelay $0x3  }
0x9a: {  	_ =	strace s9  }
0x9b: {  	s9 =	sld [smem:$0x3FFD];
	_ =	sdelay $0x3  }
0x9c: {  	_ =	strace s9  }
0x9d: {  	_ =	strace $0x8FFFFFFF  }
0x9e: {  	s20 =	sld [smem:$0x3FDB];
	_ =	sdelay $0x1  }
0x9f: {  	s10 =	simm.s32 $_scs_section_size  }
0xa0: {  	s11 =	simm.s32 $_size__tile_overlayer_lowered;
	s12 =	simm.s32 $_tile_overlayer_lowered  }
0xa1: {  	s23 =	simm.s32 $0x1BFF;
	s22 =	sshll.u32 s12, $0x1;
	s9 =	sadd.s32 s10, s20  }
0xa2: {  	s13 =	simm.s32 $0x0;
	s21 =	sshll.u32 s11, $0x1;
	s11 =	sadd.s32 s22, s9  }
0xa3: {  	[timem:s13], [sflag:s23] =	dma.local [hbm:s11], s21  }
0xa4: {  	_ =	swait.ge [sflag:s23], s21  }
0xa5: {  	s10 =	ssub.s32 $0x0, s21;
	[sflag:s23] =	ssyncset.done $0x0  }
0xa6: {  	[sflag:s23] =	ssyncadd.s32 s10;
	_ =	sdelay $0x1  }
0xa7: {  	s24 =	simm.s32 $0x1B8B  }
0xa8: {  	_ =	swait.ge [sflag:s24], $0x1  }
0xa9: {  	[sflag:s24] =	ssyncset.done $0x0  }
0xaa: {  	s25 =	simm.s32 $0x1B8E;
	[sflag:s24] =	ssyncadd.s32 $0xFFFFFFFF  }
0xab: {  	s26 =	simm.s32 $execute0_lowered;
	[smem:$0x3FD2] =	sst s25  }
0xac: {  	s10 =	sshll.u32 s26, $0x1;
	_ =	strace $0x80000046;
	[dreg:$0x1] =	wrdreg $0xFFFFFFFF  }
0xad: {  	s28 =	simm.s32 $_size_execute0_lowered;
	s9 =	sadd.s32 s9, s10;
	[dreg:$0x0] =	wrdreg $0x0  }
0xae: {  	s10 =	sshll.u32 s28, $0x1;
	[dreg:$0x2] =	wrdreg s9  }
0xaf: {  	[dreg:$0x3] =	wrdreg s10  }
0xb0: {  	[dreg:$0x4] =	wrdreg $0xC0  }
0xb1: {  	_ =	task [dreg:s13], $0x5FFFF  }
0xb2: {  	[dreg:$0x1] =	wrdreg $0xFFFFFFFF  }
0xb3: {  	[dreg:$0x0] =	wrdreg $0x60  }
0xb4: {  	[dreg:$0x2] =	wrdreg s2  }
0xb5: {  	[dreg:$0x3] =	wrdreg s19  }
0xb6: {  	[dreg:$0x4] =	wrdreg s4  }
0xb7: {  	[dreg:$0x5] =	wrdreg s5  }
0xb8: {  	[dreg:$0x6] =	wrdreg s6  }
0xb9: {  	[dreg:$0x7] =	wrdreg s7  }
0xba: {  	[dreg:$0x8] =	wrdreg s8  }
0xbb: {  	[dreg:$0x9] =	wrdreg $0x9  }
0xbc: {  	_ =	task.clear_ibuf [dreg:s13], $0xAFFFF;
	_ =	strace $0x90000046  }
0xbd: {  	s29 =	simm.s32 $0x9;
	_ =	strace $0x80000048  }
0xbe: {  	_ =	swait.ge [sflag:s29], $0x1  }
0xbf: {  	[sflag:s29] =	ssyncadd.s32 $0xFFFFFFFF  }
0xc0: {  	_ =	strace $0x90000048  }
0xc1: {  	_ =	sfence  }
0xc2: {  	s30 =	sld [smem:$0x0];
	_ =	sdelay $0x2  }
0xc3: {  	s31 =	sshll.u32 s1, $0xD;
	s1 =	sshrl.u32 s1, $0x2  }
0xc4: {  	s3 =	sand.u32 $0x4000, s31;
	s1 =	sadd.s32 s1, s30  }
0xc5: {  	s0 =	sor.u32 s3, s0;
	s1 =	sshll.u32 s1, $0x11  }
0xc6: {  	s0 =	sor.u32 s1, s0  }
0xc7: {  	s0 =	sadd.s32 $0x8F2B, s0  }
0xc8: {  	[sflag:s0] =	ssyncadd.remote.s32 $0x1  }
0xc9: {  	_ =	sfence.sel $0xFFFF  }
0xca: {  	[dreg:$0x0] =	wrdreg $0xFFFFFFFF;
	(pc) =	sbr.abs _section_cstart, $3  }
0xcb: {  	[dreg:$0x1] =	wrdreg $0xFFFFFFFF  }
0xcc: {  	_ =	task.clear_ibuf [dreg:s13], $0x2FFFF;
	_ =	strace $0x9FFFFFFF  }
0xcd: {  	(tm) =	ssettm $0x7FFFFFFF  }
tec
execute0_lowered:
.L_overlay_start_1:
0x0: {  	(tag) =	ssettag $0x1  }
0x1: {  	s1 =	rddreg [dreg:$0x0]  }
0x2: {  	s0 =	rddreg [dreg:$0x1]  }
0x3: {  	s2 =	rddreg [dreg:$0x6];
	s3 =	srdreg.scid  }
0x4: {  	s7 =	simm.s32 $0x0;
	s6 =	stileid.u32;
	s13 =	simm.s32 $0x9  }
0x5: {  	s20 =	simm.s32 $0xDC00;
	s21 =	simm.s32 $0xE400;
	s22 =	simm.s32 $0xEC00  }
0x6: {  	s23 =	simm.s32 $0xF400;
	s24 =	simm.s32 $0xFC00;
	s28 =	simm.s32 $0x14600  }
0x7: {  	s29 =	simm.s32 $0x3;
	s30 =	simm.s32 $0x4;
	s31 =	simm.s32 $0x5  }
0x8: {  	s3 =	sand.u32 $0x1, s3;
	[smem:$0x7FF] =	sst s7;
	s6 =	sshll.u32 s6, $0x8  }
0x9: {  	s9 =	sadd.s32 $0x100, s0;
	s4 =	ssub.s32 $0x2, s3;
	s3 =	sshll.u32 s3, $0x7  }
0xa: {  	v1 =	vlaneseq.u32;
	s10 =	sadd.s32 $0x200, s0;
	s11 =	sadd.s32 $0x300, s0;
	s3 =	sor.u32 s3, s6  }
0xb: {  	v0 =	vmul.u32 $0x10, v1;
	_ =	strace $0x80000047;
	s5 =	sshrl.u32 s4, $0x1;
	s1 =	sadd.s32 s1, s3  }
0xc: {  	vm0 =	vmmov $0xffff;
	s6 =	simm.s32 $0x7;
	s25 =	sadd.s32 s2, s3;
	[dreg:$0x8] =	wrdreg s1  }
0xd: {  	v2 =	vshrl.u32 v1, $0x3;
	v1 =	vand.u32 $0x7, v1;
	v3 =	vor.u32 $0x1, v0;
	s4 =	ssub.s32 s4, s5;
	s2 =	simm.s32 $0x8;
	[dreg:$0x9] =	wrdreg s25  }
0xe: {  	v2 =	vmul.u32 $0x8, v2;
	v5 =	vor.u32 $0x3, v0;
	[tilespmem:$0x1FFE0] =	vst v3;
	v3 =	vor.u32 $0x2, v0;
	s26 =	smax.u32 s4, $0x1;
	s25 =	simm.s32 $0x1;
	s1 =	simm.s32 $0x6  }
0xf: {  	v6 =	vor.u32 $0x4, v0;
	v7 =	vor.u32 $0x5, v0;
	v8 =	vor.u32 $0x6, v0;
	[tilespmem:$0x1FFF0] =	vst v3;
	s4 =	simm.s32 $0x0;
	[dreg:$0xa] =	wrdreg s26;
	s26 =	simm.s32 $0x2  }
.LBB2_1:
0x10: {  	[dreg:$0xb] =	wrdreg s4  }
0x11: {  	s3 =	rddreg [dreg:$0x8]  }
0x12: {  	[tilespmem:s7], [sflag:$0x9] =	stream.linear.gather [hbm4b:s3+s7], $0x400, $0x38;
	[tilespmem:$0x14B00] =	vst v63  }
0x13: {  	_ =	swait.ge [sflag:s13], $0x400  }
0x14: {  	[sflag:s13] =	ssyncset.done $0x0  }
0x15: {  	[sflag:s13] =	ssyncadd.s32 $0xFFFFFC00  }
0x16: {  	s19 =	simm.s32 $0x11400;
	s18 =	rddreg [dreg:$0x2]  }
0x17: {  	[tilespmem:s19], [sflag:$0x9] =	stream.linear.gather [hbm4b:s18+s7], $0x1000, $0x38;
	[tilespmem:$0x14B00] =	vst v63  }
0x18: {  	_ =	swait.ge [sflag:s13], $0x1000  }
0x19: {  	[sflag:s13] =	ssyncset.done $0x0  }
0x1a: {  	[sflag:s13] =	ssyncadd.s32 $0xFFFFF000  }
0x1b: {  	s8 =	simm.s32 $0x12400;
	s5 =	rddreg [dreg:$0x3]  }
0x1c: {  	[tilespmem:s8], [sflag:$0x9] =	stream.linear.gather [hbm4b:s5+s7], $0x1000, $0x38;
	[tilespmem:$0x14B00] =	vst v63  }
0x1d: {  	_ =	swait.ge [sflag:s13], $0x1000  }
0x1e: {  	[sflag:s13] =	ssyncset.done $0x0  }
0x1f: {  	[sflag:s13] =	ssyncadd.s32 $0xFFFFF000  }
0x20: {  	s14 =	simm.s32 $0x13400;
	s12 =	rddreg [dreg:$0x4]  }
0x21: {  	[tilespmem:s14], [sflag:$0x9] =	stream.linear.gather [hbm4b:s12+s7], $0x1000, $0x38;
	[tilespmem:$0x14B00] =	vst v63  }
0x22: {  	_ =	swait.ge [sflag:s13], $0x1000  }
0x23: {  	s15 =	sand.u32 $0x70, s7;
	s16 =	sand.u32 $0xF00, s7;
	[sflag:s13] =	ssyncset.done $0x0  }
0x24: {  	s5 =	sor.u32 s15, s16;
	[sflag:s13] =	ssyncadd.s32 $0xFFFFF000  }
0x25: {  	v9 =	vld [tilespmem:s5+$0x12480]  }
0x26: {  	v10 =	vld [tilespmem:s5+$0x12400];
	_ =	sdelay $0x1  }
0x27: {  	s17 =	simm.s32 $0x10;
	s18 =	simm.s32 $0x20  }
0x28: {  	s3 =	sand.u32 $0x70, s17;
	s4 =	sand.u32 $0xF00, s18  }
0x29: {  	s3 =	sor.u32 s3, s4;
	v14 =	vld [tilespmem:s5+$0x13400];
	v9 =	vmul.f32 $1.442695020e+00, v9  }
0x2a: {  	s19 =	simm.s32 $0x20;
	s8 =	simm.s32 $0x40;
	v11 =	vld [tilespmem:s3+$0x12480];
	v10 =	vmul.f32 $1.442695020e+00, v10  }
0x2b: {  	s4 =	sand.u32 $0x70, s19;
	s8 =	sand.u32 $0xF00, s8;
	v12 =	vld [tilespmem:s3+$0x12400];
	(erf) = vpow2.f32 v9  }
0x2c: {  	s4 =	sor.u32 s4, s8;
	v17 =	vld [tilespmem:s5+$0x11400];
	(erf) = vpow2.f32 v10  }
0x2d: {  	v13 =	vld [tilespmem:s4+$0x12480]  }
0x2e: {  	v18 =	vld [tilespmem:s4+$0x12400]  }
0x2f: {  	v15 =	vld [tilespmem:s5+$0x13480];
	v11 =	vmul.f32 $1.442695020e+00, v11  }
0x30: {  	v19 =	vld [tilespmem:s5+$0x11480];
	v16 =	vmul.f32 $1.442695020e+00, v12  }
0x31: {  	v12 =	vld [tilespmem:s4+$0x13400];
	(erf) = vpow2.f32 v11  }
0x32: {  	v20 =	vmul.f32 $1.442695020e+00, v13;
	v13 =	vld [tilespmem:s3+$0x13480];
	(erf) = vpow2.f32 v16  }
0x33: {  	s8 =	simm.s32 $0x60;
	s12 =	simm.s32 $0x30;
	v22 =	vmul.f32 $1.442695020e+00, v18;
	v9 =	vld [tilespmem:s3+$0x11400]  }
0x34: {  	s15 =	sand.u32 $0xF00, s8;
	s12 =	sand.u32 $0x70, s12;
	v11 =	vld [tilespmem:s4+$0x11400];
	v16 =	vpop (erf);
	(erf) = vpow2.f32 v20  }
0x35: {  	s15 =	sor.u32 s12, s15;
	v10 =	vld [tilespmem:s3+$0x13400];
	v21 =	vmul.f32 v16, v15;
	v15 =	vpop (erf);
	(erf) = vpow2.f32 v22  }
0x36: {  	v16 =	vld [tilespmem:s15+$0x12480];
	v23 =	vmul.f32 v15, v14  }
0x37: {  	v15 =	vld [tilespmem:s15+$0x12400];
	v18 =	vadd.f32 v21, v19  }
0x38: {  	s16 =	simm.s32 $0x40;
	v14 =	vld [tilespmem:s3+$0x11480];
	v17 =	vadd.f32 v23, v17  }
.LBB2_2:
0x39: {  	s12 =	sand.u32 $0x70, s16;
	v19 =	vld [tilespmem:s15+$0x13400];
	s8 =	sadd.s32 $0x20, s8;
	[tilespmem:s5+$0x10480] =	vst v18;
	v20 =	vmov v11;
	p0 =	sne.s32 s16, $0x7F0  }
.Ltmp0:
0x3a: {  	s16 =	sadd.s32 $0x10, s16;
	s17 =	sand.u32 $0xF00, s8;
	v11 =	vld [tilespmem:s15+$0x11400];
	v18 =	vpop (erf);
	[tilespmem:s5+$0x10400] =	vst v17;
	(pc) =	sbr.rel @p0 .LBB2_2-.Ltmp0, $4  }
0x3b: {  	s5 =	smov.u32 s3;
	s3 =	smov.u32 s4;
	s12 =	sor.u32 s12, s17;
	v17 =	vmul.f32 $1.442695020e+00, v16;
	v18 =	vmul.f32 v18, v13;
	v13 =	vld [tilespmem:s4+$0x13480];
	v21 =	vpop (erf)  }
0x3c: {  	s4 =	smov.u32 s15;
	v16 =	vld [tilespmem:s12+$0x12480];
	v22 =	vmul.f32 $1.442695020e+00, v15;
	v21 =	vmul.f32 v21, v10;
	v10 =	vmov v12;
	s15 =	smov.u32 s12  }
0x3d: {  	v15 =	vld [tilespmem:s15+$0x12400];
	(erf) = vpow2.f32 v17;
	v18 =	vadd.f32 v18, v14  }
0x3e: {  	(erf) = vpow2.f32 v22;
	v14 =	vld [tilespmem:s3+$0x11480];
	v17 =	vadd.f32 v21, v9;
	v12 =	vmovc v19;
	v9 =	vmov v20  }
0x3f: {  	_ =	sdelay $0x1  }
0x40: {  	v48 =	vpop (erf);
	v16 =	vmul.f32 $1.442695020e+00, v16  }
0x41: {  	v13 =	vmul.f32 v48, v13;
	v49 =	vpop (erf);
	v15 =	vmul.f32 $1.442695020e+00, v15  }
0x42: {  	v19 =	vld [tilespmem:s15+$0x13400];
	[tilespmem:s5+$0x10480] =	vst v18;
	v10 =	vmul.f32 v49, v10;
	(erf) = vpow2.f32 v16  }
0x43: {  	v20 =	vld [tilespmem:s15+$0x11400];
	[tilespmem:s5+$0x10400] =	vst v17;
	v13 =	vadd.f32 v13, v14;
	(erf) = vpow2.f32 v15  }
0x44: {  	v50 =	vld [tilespmem:s4+$0x13480];
	v9 =	vadd.f32 v10, v9  }
0x45: {  	v51 =	vld [tilespmem:s4+$0x11480];
	[tilespmem:s3+$0x10480] =	vst v13  }
0x46: {  	[tilespmem:s3+$0x10400] =	vst v9  }
0x47: {  	v9 =	vld [tilespmem:s15+$0x13480];
	_ =	sdelay $0x1  }
0x48: {  	v10 =	vpop (erf);
	v13 =	vld [tilespmem:s15+$0x11480]  }
0x49: {  	v10 =	vmul.f32 v10, v50;
	v52 =	vpop (erf)  }
0x4a: {  	v12 =	vmul.f32 v52, v12;
	v53 =	vpop (erf)  }
0x4b: {  	v10 =	vadd.f32 v10, v51;
	v9 =	vmul.f32 v53, v9;
	v54 =	vpop (erf)  }
0x4c: {  	v11 =	vadd.f32 v12, v11;
	v55 =	vmul.f32 v54, v19  }
0x4d: {  	[tilespmem:s4+$0x10480] =	vst v10;
	v9 =	vadd.f32 v9, v13  }
0x4e: {  	[tilespmem:s4+$0x10400] =	vst v11;
	v10 =	vadd.f32 v55, v20  }
0x4f: {  	[tilespmem:s15+$0x10480] =	vst v9  }
0x50: {  	s8 =	rddreg [dreg:$0x5];
	s12 =	simm.s32 $0x14400;
	s3 =	simm.s32 $0x0;
	[tilespmem:s15+$0x10400] =	vst v10  }
0x51: {  	[tilespmem:s12], [sflag:$0x9] =	stream.linear.gather [hbm4b:s8+s3], $0x180, $0x38;
	[tilespmem:$0x14B00] =	vst v63  }
0x52: {  	_ =	swait.ge [sflag:s13], $0x180  }
0x53: {  	[sflag:s13] =	ssyncset.done $0x0  }
0x54: {  	[sflag:s13] =	ssyncadd.s32 $0xFFFFFE80  }
0x55: {  	v9 =	vld.msk [tilespmem:$0x0], $0xff;
	_ =	sdelay $0x4  }
0x56: {  	v10 =	vshll.u32 v9, $0x3  }
0x57: {  	v9 =	vand.u32 $0x7, v9;
	v10 =	vand.u32 $0xFFFFFFC0, v10  }
0x58: {  	v9 =	vor.u32 v9, v10  }
0x59: {  	v9 =	vperm.xlane v9, v1;
	_ =	sdelay $0x1  }
0x5a: {  	v9 =	vadd.s32 v2, v9;
	_ =	sdelay $0x2  }
0x5b: {  	v11 =	vld [tilespmem:$0x14480]  }
0x5c: {  	s13 =	simm.s32 $0x400;
	v56 =	vld [tilespmem:$0x14500]  }
0x5d: {  	v10 =	vld [tilespmem:$0x14400];
	[tilespmem:s13], [sflag:$0x1] =	stream.indirect_vreg.gather [hbm4b:s0+s3], $0x80, v9, vm0, $0xb8  }
0x5e: {  	s14 =	simm.s32 $0xC00  }
0x5f: {  	[tilespmem:s14], [sflag:$0x1] =	stream.indirect_vreg.gather [hbm4b:s9+s3], $0x80, v9, vm0, $0xb8;
	[tilespmem:$0x14B00] =	vst v63  }
0x60: {  	s15 =	simm.s32 $0x1400  }
0x61: {  	[tilespmem:s15], [sflag:$0x1] =	stream.indirect_vreg.gather [hbm4b:s10+s3], $0x80, v9, vm0, $0xb8;
	[tilespmem:$0x14B00] =	vst v63  }
0x62: {  	s16 =	simm.s32 $0x1C00  }
0x63: {  	[tilespmem:s16], [sflag:$0x1] =	stream.indirect_vreg.gather [hbm4b:s11+s3], $0x80, v9, vm0, $0xb8;
	[tilespmem:$0x14B00] =	vst v63  }
0x64: {  	v9 =	vld.msk [tilespmem:$0x8], $0xff;
	_ =	sdelay $0x4  }
0x65: {  	v57 =	vshll.u32 v9, $0x3  }
0x66: {  	v9 =	vand.u32 $0x7, v9;
	v13 =	vand.u32 $0xFFFFFFC0, v57  }
0x67: {  	v9 =	vor.u32 v9, v13  }
0x68: {  	v9 =	vperm.xlane v9, v1;
	_ =	sdelay $0x1  }
0x69: {  	v9 =	vadd.s32 v2, v9;
	_ =	sdelay $0x3  }
0x6a: {  	s17 =	simm.s32 $0x2400  }
0x6b: {  	[tilespmem:s17], [sflag:$0x2] =	stream.indirect_vreg.gather [hbm4b:s0+s3], $0x80, v9, vm0, $0xb8;
	[tilespmem:$0x14B00] =	vst v63  }
0x6c: {  	s18 =	simm.s32 $0x2C00  }
0x6d: {  	[tilespmem:s18], [sflag:$0x2] =	stream.indirect_vreg.gather [hbm4b:s9+s3], $0x80, v9, vm0, $0xb8;
	[tilespmem:$0x14B00] =	vst v63  }
0x6e: {  	s19 =	simm.s32 $0x3400  }
0x6f: {  	[tilespmem:s19], [sflag:$0x2] =	stream.indirect_vreg.gather [hbm4b:s10+s3], $0x80, v9, vm0, $0xb8;
	[tilespmem:$0x14B00] =	vst v63  }
0x70: {  	s5 =	simm.s32 $0x3C00  }
0x71: {  	[tilespmem:s5], [sflag:$0x2] =	stream.indirect_vreg.gather [hbm4b:s11+s3], $0x80, v9, vm0, $0xb8;
	[tilespmem:$0x14B00] =	vst v63  }
0x72: {  	v9 =	vld.msk [tilespmem:$0x10], $0xff;
	_ =	sdelay $0x4  }
0x73: {  	v58 =	vshll.u32 v9, $0x3  }
0x74: {  	v9 =	vand.u32 $0x7, v9;
	v13 =	vand.u32 $0xFFFFFFC0, v58  }
0x75: {  	v9 =	vor.u32 v9, v13  }
0x76: {  	v9 =	vperm.xlane v9, v1;
	_ =	sdelay $0x1  }
0x77: {  	v9 =	vadd.s32 v2, v9;
	_ =	sdelay $0x3  }
0x78: {  	s8 =	simm.s32 $0x4400  }
0x79: {  	[tilespmem:s8], [sflag:$0x3] =	stream.indirect_vreg.gather [hbm4b:s0+s3], $0x80, v9, vm0, $0xb8;
	[tilespmem:$0x14B00] =	vst v63  }
0x7a: {  	s12 =	simm.s32 $0x4C00  }
0x7b: {  	[tilespmem:s12], [sflag:$0x3] =	stream.indirect_vreg.gather [hbm4b:s9+s3], $0x80, v9, vm0, $0xb8;
	[tilespmem:$0x14B00] =	vst v63  }
0x7c: {  	s13 =	simm.s32 $0x5400  }
0x7d: {  	[tilespmem:s13], [sflag:$0x3] =	stream.indirect_vreg.gather [hbm4b:s10+s3], $0x80, v9, vm0, $0xb8;
	[tilespmem:$0x14B00] =	vst v63  }
0x7e: {  	s14 =	simm.s32 $0x5C00  }
0x7f: {  	[tilespmem:s14], [sflag:$0x3] =	stream.indirect_vreg.gather [hbm4b:s11+s3], $0x80, v9, vm0, $0xb8;
	[tilespmem:$0x14B00] =	vst v63  }
0x80: {  	v9 =	vld.msk [tilespmem:$0x18], $0xff;
	_ =	sdelay $0x4  }
0x81: {  	v59 =	vshll.u32 v9, $0x3  }
0x82: {  	v9 =	vand.u32 $0x7, v9;
	v13 =	vand.u32 $0xFFFFFFC0, v59  }
0x83: {  	v9 =	vor.u32 v9, v13  }
0x84: {  	v9 =	vperm.xlane v9, v1;
	_ =	sdelay $0x1  }
0x85: {  	v9 =	vadd.s32 v2, v9;
	_ =	sdelay $0x3  }
0x86: {  	s15 =	simm.s32 $0x6400  }
0x87: {  	[tilespmem:s15], [sflag:$0x4] =	stream.indirect_vreg.gather [hbm4b:s0+s3], $0x80, v9, vm0, $0xb8;
	[tilespmem:$0x14B00] =	vst v63  }
0x88: {  	s16 =	simm.s32 $0x6C00  }
0x89: {  	[tilespmem:s16], [sflag:$0x4] =	stream.indirect_vreg.gather [hbm4b:s9+s3], $0x80, v9, vm0, $0xb8;
	[tilespmem:$0x14B00] =	vst v63  }
0x8a: {  	s17 =	simm.s32 $0x7400  }
0x8b: {  	[tilespmem:s17], [sflag:$0x4] =	stream.indirect_vreg.gather [hbm4b:s10+s3], $0x80, v9, vm0, $0xb8;
	[tilespmem:$0x14B00] =	vst v63  }
0x8c: {  	s18 =	simm.s32 $0x7C00  }
0x8d: {  	[tilespmem:s18], [sflag:$0x4] =	stream.indirect_vreg.gather [hbm4b:s11+s3], $0x80, v9, vm0, $0xb8;
	[tilespmem:$0x14B00] =	vst v63  }
0x8e: {  	v9 =	vld.msk [tilespmem:$0x20], $0xff;
	_ =	sdelay $0x4  }
0x8f: {  	v60 =	vshll.u32 v9, $0x3  }
0x90: {  	v9 =	vand.u32 $0x7, v9;
	v13 =	vand.u32 $0xFFFFFFC0, v60  }
0x91: {  	v9 =	vor.u32 v9, v13  }
0x92: {  	v9 =	vperm.xlane v9, v1;
	_ =	sdelay $0x1  }
0x93: {  	v9 =	vadd.s32 v2, v9;
	_ =	sdelay $0x3  }
0x94: {  	s19 =	simm.s32 $0x8400  }
0x95: {  	[tilespmem:s19], [sflag:$0x5] =	stream.indirect_vreg.gather [hbm4b:s0+s3], $0x80, v9, vm0, $0xb8;
	[tilespmem:$0x14B00] =	vst v63  }
0x96: {  	s5 =	simm.s32 $0x8C00  }
0x97: {  	[tilespmem:s5], [sflag:$0x5] =	stream.indirect_vreg.gather [hbm4b:s9+s3], $0x80, v9, vm0, $0xb8;
	[tilespmem:$0x14B00] =	vst v63  }
0x98: {  	s8 =	simm.s32 $0x9400  }
0x99: {  	[tilespmem:s8], [sflag:$0x5] =	stream.indirect_vreg.gather [hbm4b:s10+s3], $0x80, v9, vm0, $0xb8;
	[tilespmem:$0x14B00] =	vst v63  }
0x9a: {  	s12 =	simm.s32 $0x9C00  }
0x9b: {  	[tilespmem:s12], [sflag:$0x5] =	stream.indirect_vreg.gather [hbm4b:s11+s3], $0x80, v9, vm0, $0xb8;
	[tilespmem:$0x14B00] =	vst v63  }
0x9c: {  	v9 =	vld.msk [tilespmem:$0x28], $0xff;
	_ =	sdelay $0x4  }
0x9d: {  	v61 =	vshll.u32 v9, $0x3  }
0x9e: {  	v9 =	vand.u32 $0x7, v9;
	v13 =	vand.u32 $0xFFFFFFC0, v61  }
0x9f: {  	v9 =	vor.u32 v9, v13  }
0xa0: {  	v9 =	vperm.xlane v9, v1;
	_ =	sdelay $0x1  }
0xa1: {  	v9 =	vadd.s32 v2, v9;
	_ =	sdelay $0x3  }
0xa2: {  	s13 =	simm.s32 $0xA400  }
0xa3: {  	[tilespmem:s13], [sflag:$0x6] =	stream.indirect_vreg.gather [hbm4b:s0+s3], $0x80, v9, vm0, $0xb8;
	[tilespmem:$0x14B00] =	vst v63  }
0xa4: {  	s14 =	simm.s32 $0xAC00  }
0xa5: {  	[tilespmem:s14], [sflag:$0x6] =	stream.indirect_vreg.gather [hbm4b:s9+s3], $0x80, v9, vm0, $0xb8;
	[tilespmem:$0x14B00] =	vst v63  }
0xa6: {  	s15 =	simm.s32 $0xB400  }
0xa7: {  	[tilespmem:s15], [sflag:$0x6] =	stream.indirect_vreg.gather [hbm4b:s10+s3], $0x80, v9, vm0, $0xb8;
	[tilespmem:$0x14B00] =	vst v63  }
0xa8: {  	s16 =	simm.s32 $0xBC00  }
0xa9: {  	[tilespmem:s16], [sflag:$0x6] =	stream.indirect_vreg.gather [hbm4b:s11+s3], $0x80, v9, vm0, $0xb8;
	[tilespmem:$0x14B00] =	vst v63  }
0xaa: {  	v9 =	vld.msk [tilespmem:$0x30], $0xff;
	_ =	sdelay $0x4  }
0xab: {  	v62 =	vshll.u32 v9, $0x3  }
0xac: {  	v9 =	vand.u32 $0x7, v9;
	v13 =	vand.u32 $0xFFFFFFC0, v62  }
0xad: {  	v9 =	vor.u32 v9, v13  }
0xae: {  	v9 =	vperm.xlane v9, v1;
	_ =	sdelay $0x1  }
0xaf: {  	v9 =	vadd.s32 v2, v9;
	_ =	sdelay $0x3  }
0xb0: {  	s17 =	simm.s32 $0xC400  }
0xb1: {  	[tilespmem:s17], [sflag:$0x7] =	stream.indirect_vreg.gather [hbm4b:s0+s3], $0x80, v9, vm0, $0xb8;
	[tilespmem:$0x14B00] =	vst v63  }
0xb2: {  	s18 =	simm.s32 $0xCC00  }
0xb3: {  	[tilespmem:s18], [sflag:$0x7] =	stream.indirect_vreg.gather [hbm4b:s9+s3], $0x80, v9, vm0, $0xb8;
	[tilespmem:$0x14B00] =	vst v63  }
0xb4: {  	s19 =	simm.s32 $0xD400  }
0xb5: {  	[tilespmem:s19], [sflag:$0x7] =	stream.indirect_vreg.gather [hbm4b:s10+s3], $0x80, v9, vm0, $0xb8;
	[tilespmem:$0x14B00] =	vst v63  }
0xb6: {  	_ = 	snop  }
0xb7: {  	[tilespmem:s20], [sflag:$0x7] =	stream.indirect_vreg.gather [hbm4b:s11+s3], $0x80, v9, vm0, $0xb8;
	[tilespmem:$0x14B00] =	vst v63  }
0xb8: {  	v9 =	vld.msk [tilespmem:$0x38], $0xff;
	_ =	sdelay $0x4  }
0xb9: {  	v63 =	vshll.u32 v9, $0x3  }
0xba: {  	v9 =	vand.u32 $0x7, v9;
	v13 =	vand.u32 $0xFFFFFFC0, v63  }
0xbb: {  	v11 =	vmul.f32 $1.442695020e+00, v11;
	v9 =	vor.u32 v9, v13  }
0xbc: {  	v9 =	vperm.xlane v9, v1  }
0xbd: {  	(erf) = vpow2.f32 v11  }
0xbe: {  	v9 =	vadd.s32 v2, v9;
	_ =	sdelay $0x4  }
0xbf: {  	[tilespmem:s21], [sflag:$0x8] =	stream.indirect_vreg.gather [hbm4b:s0+s3], $0x80, v9, vm0, $0xb8;
	[tilespmem:$0x14B00] =	vst v63  }
0xc0: {  	_ = 	snop  }
0xc1: {  	[tilespmem:s22], [sflag:$0x8] =	stream.indirect_vreg.gather [hbm4b:s9+s3], $0x80, v9, vm0, $0xb8;
	[tilespmem:$0x14B00] =	vst v63  }
0xc2: {  	v11 =	vpop (erf)  }
0xc3: {  	v11 =	vmul.f32 v11, v56;
	[tilespmem:s23], [sflag:$0x8] =	stream.indirect_vreg.gather [hbm4b:s10+s3], $0x80, v9, vm0, $0xb8;
	[tilespmem:$0x14B00] =	vst v63  }
0xc4: {  	s4 =	simm.s32 $0x0  }
0xc5: {  	[tilespmem:s24], [sflag:$0x8] =	stream.indirect_vreg.gather [hbm4b:s11+s3], $0x80, v9, vm0, $0xb8;
	v9 =	vadd.f32 v11, v10;
	[tilespmem:$0x14B00] =	vst v63  }
.LBB2_4:
0xc6: {  	_ =	swait.ge [sflag:s25], $0x2000  }
0xc7: {  	[sflag:s25] =	ssyncset.done $0x0  }
0xc8: {  	[sflag:s25] =	ssyncadd.s32 $0xFFFFE000  }
0xc9: {  	s5 =	simm.s32 $0x0;
	_ =	swait.ge [sflag:s26], $0x2000  }
0xca: {  	s8 =	sand.u32 $0x70, s3;
	s5 =	sand.u32 $0x3FFFFC00, s5;
	[sflag:s26] =	ssyncset.done $0x0  }
0xcb: {  	s5 =	sor.u32 s8, s5;
	[sflag:s26] =	ssyncadd.s32 $0xFFFFE000  }
0xcc: {  	v10 =	vld [tilespmem:s5+$0x2680]  }
0xcd: {  	v13 =	vld [tilespmem:s5+$0x2780]  }
0xce: {  	s12 =	sand.u32 $0x700, s3;
	v19 =	vld [tilespmem:s5+$0x480]  }
0xcf: {  	s12 =	sor.u32 s8, s12;
	v16 =	vld [tilespmem:s5+$0x2480]  }
0xd0: {  	v11 =	vld [tilespmem:s12+$0x10C80]  }
0xd1: {  	v15 =	vld [tilespmem:s12+$0x10C00]  }
0xd2: {  	s15 =	simm.s32 $0x0;
	v22 =	vld [tilespmem:s5+$0x780]  }
0xd3: {  	s19 =	sand.u32 $0xFFFFFF00, s15;
	v17 =	vld [tilespmem:s5+$0x500]  }
0xd4: {  	v45 =	vimm.f32 $0.0e+00;
	s8 =	sor.u32 s8, s19;
	v24 =	vld [tilespmem:s5+$0x400]  }
0xd5: {  	v48 =	vimm.f32 $0.0e+00;
	v39 =	vimm.f32 $0.0e+00;
	v44 =	vimm.f32 $0.0e+00;
	v18 =	vld [tilespmem:s8+$0x10400]  }
0xd6: {  	v30 =	vimm.f32 $0.0e+00;
	v33 =	vimm.f32 $0.0e+00;
	v42 =	vimm.f32 $0.0e+00;
	s12 =	sadd.s32 $0x10400, s8;
	v38 =	vld [tilespmem:s5+$0x600]  }
0xd7: {  	v25 =	vimm.f32 $0.0e+00;
	v32 =	vimm.f32 $0.0e+00;
	v14 =	vld [tilespmem:s12+$0x80];
	v20 =	vmul.f32 v10, v11  }
0xd8: {  	v34 =	vimm.f32 $0.0e+00;
	v37 =	vld [tilespmem:s5+$0x700];
	v12 =	vmul.f32 v10, v15;
	v21 =	vmul.f32 v13, v11  }
0xd9: {  	v35 =	vimm.f32 $0.0e+00;
	v31 =	vld [tilespmem:s5+$0x2500];
	v36 =	vmul.f32 v22, v15;
	v10 =	vmul.f32 v13, v15  }
0xda: {  	v26 =	vimm.f32 $0.0e+00;
	v43 =	vld [tilespmem:s5+$0x580];
	v23 =	vmul.f32 v19, v15;
	v29 =	vmul.f32 v16, v15  }
0xdb: {  	v28 =	vimm.f32 $0.0e+00;
	v47 =	vld [tilespmem:s5+$0x2600];
	v27 =	vmul.f32 v16, v11;
	v49 =	vmul.f32 v24, v18  }
0xdc: {  	v40 =	vld [tilespmem:s5+$0x2700];
	v41 =	vmul.f32 v17, v18;
	v16 =	vimm.f32 $0.0e+00;
	v46 =	vmul.f32 v24, v14  }
0xdd: {  	s16 =	simm.s32 $0x10;
	s15 =	simm.s32 $0x20;
	s8 =	simm.s32 $0x1;
	v13 =	vld [tilespmem:s5+$0x2580];
	v50 =	vmul.f32 v17, v14;
	v17 =	vimm.f32 $0.0e+00;
	v24 =	vimm.f32 $0.0e+00  }
.LBB2_5:
0xde: {  	s17 =	smov.u32 s8  }
0xdf: {  	s12 =	sshll.u32 s8, $0x7;
	s18 =	sand.u32 $0x700, s15;
	v45 =	vadd.f32 v50, v45;
	v50 =	vmul.f32 v38, v18;
	v51 =	vmul.f32 v38, v14;
	s17 =	sadd.s32 $0x1, s8  }
0xe0: {  	s13 =	sand.u32 $0x70, s16;
	v38 =	vmul.f32 v37, v18;
	s14 =	sshra.s32 s12, $0x2;
	s12 =	sand.u32 $0x3FFFFC00, s12;
	v48 =	vadd.f32 v49, v48;
	v49 =	vmul.f32 v43, v11;
	v52 =	vld [tilespmem:s5+$0x2400]  }
0xe1: {  	s19 =	sor.u32 s13, s18;
	s14 =	sand.u32 $0xFFFFFF00, s14;
	v39 =	vadd.f32 v50, v39;
	v50 =	vmul.f32 v47, v18;
	v47 =	vmul.f32 v47, v14;
	v53 =	vld [tilespmem:s5+$0x680];
	s5 =	sor.u32 s13, s12  }
0xe2: {  	p0 =	sne.s32 s8, $0x3F;
	v44 =	vadd.f32 v46, v44;
	s18 =	sor.u32 s13, s14;
	v46 =	vmul.f32 v40, v18;
	v40 =	vmul.f32 v40, v14;
	v54 =	vld [tilespmem:s5+$0x2680]  }
0xe3: {  	v56 =	vmul.f32 v43, v15;
	v30 =	vadd.f32 v38, v30;
	s8 =	sadd.s32 $0x10400, s18;
	v17 =	vadd.f32 v47, v17;
	v55 =	vld [tilespmem:s5+$0x2780]  }
0xe4: {  	v37 =	vmul.f32 v37, v14;
	v33 =	vadd.f32 v50, v33;
	v16 =	vadd.f32 v40, v16;
	v43 =	vld [tilespmem:s5+$0x480]  }
0xe5: {  	v30 =	vadd.f32 v36, v30;
	v17 =	vadd.f32 v20, v17;
	v40 =	vld [tilespmem:s5+$0x2480];
	v36 =	vmul.f32 v52, v18  }
0xe6: {  	v41 =	vadd.f32 v41, v42;
	v42 =	vmul.f32 v52, v14;
	v16 =	vadd.f32 v21, v16;
	v20 =	vld [tilespmem:s5+$0x780]  }
0xe7: {  	v47 =	vmul.f32 v22, v11;
	v32 =	vadd.f32 v46, v32;
	v21 =	vld [tilespmem:s5+$0x2580];
	v22 =	vadd.f32 v36, v25  }
0xe8: {  	v34 =	vadd.f32 v51, v34;
	v36 =	vmul.f32 v53, v11;
	v24 =	vadd.f32 v42, v24;
	v38 =	vld [tilespmem:s5+$0x600]  }
0xe9: {  	v35 =	vadd.f32 v37, v35;
	v46 =	vmul.f32 v53, v15;
	v42 =	vld [tilespmem:s19+$0x10C80];
	v25 =	vadd.f32 v29, v22  }
0xea: {  	v18 =	vmul.f32 v31, v18;
	v24 =	vadd.f32 v27, v24;
	v27 =	vmul.f32 v31, v14;
	v29 =	vld [tilespmem:s19+$0x10C00]  }
0xeb: {  	v15 =	vmul.f32 v13, v15;
	v39 =	vadd.f32 v46, v39;
	v34 =	vadd.f32 v36, v34;
	v37 =	vld [tilespmem:s5+$0x700];
	v22 =	vmovc v20  }
0xec: {  	v45 =	vadd.f32 v49, v45;
	v18 =	vadd.f32 v18, v26;
	v46 =	vmul.f32 v19, v11;
	v19 =	vmovc v43;
	v51 =	vld [tilespmem:s5+$0x500]  }
0xed: {  	v35 =	vadd.f32 v47, v35;
	v47 =	vmul.f32 v13, v11;
	v33 =	vadd.f32 v12, v33;
	v13 =	vmovc v21;
	v49 =	vld [tilespmem:s5+$0x400]  }
0xee: {  	v26 =	vadd.f32 v15, v18;
	v27 =	vadd.f32 v27, v28;
	v14 =	vld [tilespmem:s8+$0x80];
	v20 =	vmul.f32 v54, v42;
	v11 =	vmovc v42  }
0xef: {  	v32 =	vadd.f32 v10, v32;
	v18 =	vld [tilespmem:s18+$0x10400];
	v12 =	vmul.f32 v54, v29;
	v21 =	vmul.f32 v55, v11;
	v15 =	vmovc v29  }
.Ltmp1:
0xf0: {  	v44 =	vadd.f32 v46, v44;
	v36 =	vmul.f32 v22, v15;
	v31 =	vld [tilespmem:s5+$0x2500];
	v10 =	vmul.f32 v55, v15;
	(pc) =	sbr.rel @p0 .LBB2_5-.Ltmp1, $4  }
0xf1: {  	v28 =	vadd.f32 v47, v27;
	v52 =	vmul.f32 v19, v15;
	v29 =	vmul.f32 v40, v15;
	v43 =	vld [tilespmem:s5+$0x580]  }
0xf2: {  	v48 =	vadd.f32 v23, v48;
	v42 =	vadd.f32 v56, v41;
	v27 =	vmul.f32 v40, v11;
	v47 =	vld [tilespmem:s5+$0x2600]  }
0xf3: {  	v23 =	vmov v52;
	v46 =	vmul.f32 v49, v14;
	v50 =	vmul.f32 v51, v14;
	v40 =	vld [tilespmem:s5+$0x2700]  }
0xf4: {  	s15 =	sadd.s32 $0x20, s15;
	s16 =	sadd.s32 $0x10, s16;
	s8 =	smov.u32 s17;
	v49 =	vmul.f32 v49, v18;
	v41 =	vmul.f32 v51, v18  }
0xf5: {  	v51 =	vmul.f32 v38, v18  }
0xf6: {  	v45 =	vadd.f32 v50, v45;
	v60 =	vmul.f32 v38, v14;
	v52 =	vmul.f32 v37, v18  }
0xf7: {  	v44 =	vadd.f32 v46, v44;
	v19 =	vmul.f32 v19, v11;
	v58 =	vmul.f32 v37, v14  }
0xf8: {  	v61 =	vld [tilespmem:s5+$0x680];
	v22 =	vmul.f32 v22, v11;
	v48 =	vadd.f32 v49, v48;
	v41 =	vadd.f32 v41, v42  }
0xf9: {  	v63 =	vld [tilespmem:s5+$0x2400];
	v56 =	vmul.f32 v43, v15;
	v30 =	vadd.f32 v52, v30;
	v19 =	vadd.f32 v19, v44  }
0xfa: {  	v62 =	vmul.f32 v43, v11;
	v35 =	vadd.f32 v58, v35;
	v23 =	vadd.f32 v23, v48  }
0xfb: {  	v39 =	vadd.f32 v51, v39;
	v53 =	vmul.f32 v47, v18;
	v41 =	vadd.f32 v56, v41;
	[tilespmem:$0x14610] =	vst v19  }
0xfc: {  	v57 =	vmul.f32 v47, v14;
	v30 =	vadd.f32 v36, v30;
	v22 =	vadd.f32 v22, v35;
	[tilespmem:$0x14600] =	vst v23  }
0xfd: {  	v59 =	vmul.f32 v61, v15;
	v23 =	vadd.f32 v60, v34;
	v60 =	vmul.f32 v61, v11;
	[tilespmem:$0x14620] =	vst v41  }
0xfe: {  	v61 =	vadd.f32 v62, v45;
	v19 =	vmul.f32 v63, v18;
	v62 =	vmul.f32 v63, v14;
	[tilespmem:$0x14660] =	vst v30  }
0xff: {  	v15 =	vmul.f32 v13, v15;
	[tilespmem:$0x14670] =	vst v22;
	v22 =	vadd.f32 v53, v33;
	v39 =	vadd.f32 v59, v39  }
0x100: {  	v23 =	vadd.f32 v60, v23;
	[tilespmem:$0x14630] =	vst v61;
	v19 =	vadd.f32 v19, v25;
	v25 =	vmul.f32 v31, v18  }
0x101: {  	v24 =	vadd.f32 v62, v24;
	v31 =	vmul.f32 v31, v14;
	v12 =	vadd.f32 v12, v22;
	[tilespmem:$0x14640] =	vst v39  }
0x102: {  	v11 =	vmul.f32 v13, v11;
	[tilespmem:$0x14650] =	vst v23;
	v19 =	vadd.f32 v29, v19;
	v23 =	vadd.f32 v25, v26  }
0x103: {  	v3 =	vld [tilespmem:$0x1FFE0];
	v18 =	vmul.f32 v40, v18;
	v24 =	vadd.f32 v27, v24;
	v13 =	vadd.f32 v31, v28;
	[tilespmem:$0x146C0] =	vst v12  }
0x104: {  	v17 =	vadd.f32 v57, v17;
	v14 =	vmul.f32 v40, v14;
	v15 =	vadd.f32 v15, v23;
	[tilespmem:$0x14680] =	vst v19  }
0x105: {  	v11 =	vadd.f32 v11, v13;
	[tilespmem:$0x14690] =	vst v24;
	v13 =	vadd.f32 v18, v32  }
0x106: {  	v14 =	vadd.f32 v14, v16;
	[tilespmem:$0x146A0] =	vst v15;
	v15 =	vadd.f32 v20, v17  }
0x107: {  	[tilespmem:$0x146B0] =	vst v11;
	v10 =	vadd.f32 v10, v13  }
0x108: {  	v11 =	vadd.f32 v21, v14;
	[tilespmem:$0x146D0] =	vst v15  }
0x109: {  	[tilespmem:$0x146E0] =	vst v10  }
0x10a: {  	[tilespmem:$0x146F0] =	vst v11  }
0x10b: {  	v11 =	vld.idx.msk [tilespmem:v3+s28+$0x0], $0xffff  }
0x10c: {  	v3 =	vld [tilespmem:$0x1FFF0];
	_ =	sdelay $0x3  }
0x10d: {  	v10 =	vld.idx.msk [tilespmem:v0+s28+$0x0], $0xffff;
	_ =	sdelay $0x3  }
0x10e: {  	v12 =	vld.idx.msk [tilespmem:v3+s28+$0x0], $0xffff  }
0x10f: {  	v10 =	vadd.f32 v10, v9  }
0x110: {  	v13 =	vld.idx.msk [tilespmem:v5+s28+$0x0], $0xffff  }
0x111: {  	v10 =	vadd.f32 v11, v10  }
0x112: {  	v14 =	vld.idx.msk [tilespmem:v6+s28+$0x0], $0xffff  }
0x113: {  	v11 =	vadd.f32 v12, v10;
	v10 =	vor.u32 $0x7, v0  }
0x114: {  	v15 =	vld.idx.msk [tilespmem:v7+s28+$0x0], $0xffff  }
0x115: {  	v12 =	vadd.f32 v13, v11;
	v11 =	vor.u32 $0x8, v0  }
0x116: {  	v16 =	vld.idx.msk [tilespmem:v8+s28+$0x0], $0xffff  }
0x117: {  	v13 =	vadd.f32 v14, v12;
	v12 =	vor.u32 $0x9, v0  }
0x118: {  	v17 =	vld.idx.msk [tilespmem:v10+s28+$0x0], $0xffff  }
0x119: {  	v14 =	vadd.f32 v15, v13;
	v13 =	vor.u32 $0xA, v0  }
0x11a: {  	v18 =	vld.idx.msk [tilespmem:v11+s28+$0x0], $0xffff  }
0x11b: {  	v15 =	vadd.f32 v16, v14;
	v14 =	vor.u32 $0xB, v0  }
0x11c: {  	v19 =	vld.idx.msk [tilespmem:v12+s28+$0x0], $0xffff  }
0x11d: {  	v16 =	vadd.f32 v17, v15;
	v15 =	vor.u32 $0xC, v0  }
0x11e: {  	v20 =	vld.idx.msk [tilespmem:v13+s28+$0x0], $0xffff  }
0x11f: {  	s15 =	sshll.u32 s4, $0x6;
	v17 =	vadd.f32 v18, v16;
	v16 =	vor.u32 $0xD, v0  }
0x120: {  	s5 =	sand.u32 $0x3FFFFFC0, s15;
	v21 =	vld.idx.msk [tilespmem:v14+s28+$0x0], $0xffff  }
0x121: {  	v18 =	vadd.f32 v19, v17;
	v17 =	vor.u32 $0xE, v0;
	v19 =	vld.msk [tilespmem:s5+$0x40], $0xff  }
0x122: {  	v22 =	vld.idx.msk [tilespmem:v15+s28+$0x0], $0xffff  }
0x123: {  	v20 =	vadd.f32 v20, v18;
	v18 =	vor.u32 $0xF, v0  }
0x124: {  	v23 =	vld.idx.msk [tilespmem:v16+s28+$0x0], $0xffff  }
0x125: {  	v20 =	vadd.f32 v21, v20  }
0x126: {  	v21 =	vld.idx.msk [tilespmem:v17+s28+$0x0], $0xffff;
	v24 =	vshll.u32 v19, $0x3  }
0x127: {  	v19 =	vand.u32 $0x7, v19;
	v20 =	vadd.f32 v22, v20;
	v22 =	vand.u32 $0xFFFFFFC0, v24  }
0x128: {  	v24 =	vld.idx.msk [tilespmem:v18+s28+$0x0], $0xffff;
	v19 =	vor.u32 v19, v22  }
0x129: {  	v20 =	vadd.f32 v23, v20;
	v19 =	vperm.xlane v19, v1;
	_ =	sdelay $0x1  }
0x12a: {  	v20 =	vadd.f32 v21, v20;
	v19 =	vadd.s32 v2, v19;
	_ =	sdelay $0x1  }
0x12b: {  	v20 =	vadd.f32 v24, v20;
	_ =	sdelay $0x1  }
0x12c: {  	s8 =	simm.s32 $0x0;
	s12 =	simm.s32 $0x400;
	[tilespmem:s5+$0x14700] =	vst v20  }
0x12d: {  	[tilespmem:s12], [sflag:$0x1] =	stream.indirect_vreg.gather [hbm4b:s0+s8], $0x80, v19, vm0, $0xb8;
	[tilespmem:$0x14B00] =	vst v63  }
0x12e: {  	s16 =	simm.s32 $0xC00  }
0x12f: {  	[tilespmem:s16], [sflag:$0x1] =	stream.indirect_vreg.gather [hbm4b:s9+s8], $0x80, v19, vm0, $0xb8;
	[tilespmem:$0x14B00] =	vst v63  }
0x130: {  	s17 =	simm.s32 $0x1400  }
0x131: {  	[tilespmem:s17], [sflag:$0x1] =	stream.indirect_vreg.gather [hbm4b:s10+s8], $0x80, v19, vm0, $0xb8;
	[tilespmem:$0x14B00] =	vst v63  }
0x132: {  	s18 =	simm.s32 $0x1C00  }
0x133: {  	[tilespmem:s18], [sflag:$0x1] =	stream.indirect_vreg.gather [hbm4b:s11+s8], $0x80, v19, vm0, $0xb8;
	[tilespmem:$0x14B00] =	vst v63  }
0x134: {  	v19 =	vld.msk [tilespmem:s5+$0x48], $0xff;
	_ =	sdelay $0x4  }
0x135: {  	v20 =	vshll.u32 v19, $0x3  }
0x136: {  	v19 =	vand.u32 $0x7, v19;
	v20 =	vand.u32 $0xFFFFFFC0, v20  }
0x137: {  	v19 =	vor.u32 v19, v20  }
0x138: {  	v19 =	vperm.xlane v19, v1;
	_ =	sdelay $0x1  }
0x139: {  	v19 =	vadd.s32 v2, v19;
	_ =	sdelay $0x3  }
0x13a: {  	s19 =	simm.s32 $0x2400  }
0x13b: {  	[tilespmem:s19], [sflag:$0x2] =	stream.indirect_vreg.gather [hbm4b:s0+s8], $0x80, v19, vm0, $0xb8;
	[tilespmem:$0x14B00] =	vst v63  }
0x13c: {  	s13 =	simm.s32 $0x2C00  }
0x13d: {  	[tilespmem:s13], [sflag:$0x2] =	stream.indirect_vreg.gather [hbm4b:s9+s8], $0x80, v19, vm0, $0xb8;
	[tilespmem:$0x14B00] =	vst v63  }
0x13e: {  	s14 =	simm.s32 $0x3400  }
0x13f: {  	[tilespmem:s14], [sflag:$0x2] =	stream.indirect_vreg.gather [hbm4b:s10+s8], $0x80, v19, vm0, $0xb8;
	[tilespmem:$0x14B00] =	vst v63  }
0x140: {  	s15 =	simm.s32 $0x3C00  }
0x141: {  	[tilespmem:s15], [sflag:$0x2] =	stream.indirect_vreg.gather [hbm4b:s11+s8], $0x80, v19, vm0, $0xb8;
	[tilespmem:$0x14B00] =	vst v63  }
0x142: {  	_ =	swait.ge [sflag:s29], $0x2000  }
0x143: {  	[sflag:s29] =	ssyncset.done $0x0  }
0x144: {  	[sflag:s29] =	ssyncadd.s32 $0xFFFFE000  }
0x145: {  	s16 =	simm.s32 $0x0;
	_ =	swait.ge [sflag:s30], $0x2000  }
0x146: {  	s12 =	sand.u32 $0x3FFFFC00, s16;
	s13 =	sand.u32 $0x70, s8;
	[sflag:s30] =	ssyncset.done $0x0  }
0x147: {  	s15 =	sor.u32 s13, s12;
	[sflag:s30] =	ssyncadd.s32 $0xFFFFE000  }
0x148: {  	v19 =	vld [tilespmem:s15+$0x6680]  }
0x149: {  	v22 =	vld [tilespmem:s15+$0x6780]  }
0x14a: {  	s8 =	sand.u32 $0x700, s8;
	v28 =	vld [tilespmem:s15+$0x4480]  }
0x14b: {  	s8 =	sor.u32 s13, s8;
	v25 =	vld [tilespmem:s15+$0x6480]  }
0x14c: {  	v20 =	vld [tilespmem:s8+$0x10C80]  }
0x14d: {  	v24 =	vld [tilespmem:s8+$0x10C00]  }
0x14e: {  	v31 =	vld [tilespmem:s15+$0x4780]  }
0x14f: {  	v26 =	vld [tilespmem:s15+$0x4500]  }
0x150: {  	v54 =	vimm.f32 $0.0e+00;
	s17 =	simm.s32 $0x0;
	v63 =	vld [tilespmem:s15+$0x4400]  }
0x151: {  	v37 =	vimm.f32 $0.0e+00;
	v42 =	vimm.f32 $0.0e+00;
	v43 =	vimm.f32 $0.0e+00;
	s18 =	sand.u32 $0xFFFFFF00, s17;
	v47 =	vld [tilespmem:s15+$0x4600]  }
0x152: {  	v51 =	vimm.f32 $0.0e+00;
	v44 =	vimm.f32 $0.0e+00;
	v48 =	vimm.f32 $0.0e+00;
	s8 =	sor.u32 s13, s18;
	v46 =	vld [tilespmem:s15+$0x4700]  }
0x153: {  	v57 =	vimm.f32 $0.0e+00;
	v35 =	vimm.f32 $0.0e+00;
	v34 =	vimm.f32 $0.0e+00;
	s19 =	sadd.s32 $0x10400, s8;
	v27 =	vld [tilespmem:s8+$0x10400]  }
0x154: {  	v41 =	vimm.f32 $0.0e+00;
	v23 =	vld [tilespmem:s19+$0x80];
	v29 =	vmul.f32 v19, v20;
	v21 =	vmul.f32 v19, v24  }
0x155: {  	v53 =	vimm.f32 $0.0e+00;
	v40 =	vld [tilespmem:s15+$0x6500];
	v30 =	vmul.f32 v22, v20;
	v45 =	vmul.f32 v31, v24  }
0x156: {  	v33 =	vimm.f32 $0.0e+00;
	v52 =	vld [tilespmem:s15+$0x4580];
	v19 =	vmul.f32 v22, v24;
	v32 =	vmul.f32 v28, v24  }
0x157: {  	v39 =	vimm.f32 $0.0e+00;
	v56 =	vld [tilespmem:s15+$0x6600];
	v38 =	vmul.f32 v25, v24;
	v36 =	vmul.f32 v25, v20  }
0x158: {  	v49 =	vld [tilespmem:s15+$0x6700];
	v25 =	vimm.f32 $0.0e+00;
	v58 =	vmul.f32 v63, v27;
	v50 =	vmul.f32 v26, v27  }
0x159: {  	s16 =	simm.s32 $0x20;
	s17 =	simm.s32 $0x10;
	s18 =	simm.s32 $0x1;
	v22 =	vld [tilespmem:s15+$0x6580];
	v55 =	vmul.f32 v63, v23;
	v59 =	vmul.f32 v26, v23;
	v26 =	vimm.f32 $0.0e+00  }
.LBB2_7:
0x15a: {  	s12 =	smov.u32 s18  }
0x15b: {  	s8 =	sshll.u32 s18, $0x7;
	s13 =	sand.u32 $0x700, s16;
	v54 =	vadd.f32 v59, v54;
	v59 =	vmul.f32 v47, v27;
	v60 =	vmul.f32 v47, v23;
	s12 =	sadd.s32 $0x1, s18  }
0x15c: {  	s14 =	sand.u32 $0x70, s17;
	v47 =	vmul.f32 v46, v27;
	s19 =	sshra.s32 s8, $0x2;
	s8 =	sand.u32 $0x3FFFFC00, s8;
	v57 =	vadd.f32 v58, v57;
	v58 =	vmul.f32 v52, v20;
	v61 =	vld [tilespmem:s15+$0x6400]  }
0x15d: {  	s13 =	sor.u32 s14, s13;
	s19 =	sand.u32 $0xFFFFFF00, s19;
	v48 =	vadd.f32 v59, v48;
	v59 =	vmul.f32 v56, v27;
	v56 =	vmul.f32 v56, v23;
	v62 =	vld [tilespmem:s15+$0x4680];
	s15 =	sor.u32 s14, s8  }
0x15e: {  	p0 =	sne.s32 s18, $0x3F;
	v53 =	vadd.f32 v55, v53;
	s8 =	sor.u32 s14, s19;
	v55 =	vmul.f32 v49, v27;
	v49 =	vmul.f32 v49, v23;
	v63 =	vld [tilespmem:s15+$0x6680]  }
0x15f: {  	v4 =	vmul.f32 v52, v24;
	v39 =	vadd.f32 v47, v39;
	s14 =	sadd.s32 $0x10400, s8;
	v26 =	vadd.f32 v56, v26;
	v3 =	vld [tilespmem:s15+$0x6780]  }
0x160: {  	v46 =	vmul.f32 v46, v23;
	v42 =	vadd.f32 v59, v42;
	v25 =	vadd.f32 v49, v25;
	v52 =	vld [tilespmem:s15+$0x4480]  }
0x161: {  	v39 =	vadd.f32 v45, v39;
	v26 =	vadd.f32 v29, v26;
	v49 =	vld [tilespmem:s15+$0x6480];
	v45 =	vmul.f32 v61, v27  }
0x162: {  	v50 =	vadd.f32 v50, v51;
	v51 =	vmul.f32 v61, v23;
	v25 =	vadd.f32 v30, v25;
	v29 =	vld [tilespmem:s15+$0x4780]  }
0x163: {  	v56 =	vmul.f32 v31, v20;
	v41 =	vadd.f32 v55, v41;
	v30 =	vld [tilespmem:s15+$0x6580];
	v31 =	vadd.f32 v45, v34  }
0x164: {  	v43 =	vadd.f32 v60, v43;
	v45 =	vmul.f32 v62, v20;
	v33 =	vadd.f32 v51, v33;
	v47 =	vld [tilespmem:s15+$0x4600]  }
0x165: {  	v44 =	vadd.f32 v46, v44;
	v55 =	vmul.f32 v62, v24;
	v51 =	vld [tilespmem:s13+$0x10C80];
	v34 =	vadd.f32 v38, v31  }
0x166: {  	v27 =	vmul.f32 v40, v27;
	v33 =	vadd.f32 v36, v33;
	v36 =	vmul.f32 v40, v23;
	v38 =	vld [tilespmem:s13+$0x10C00]  }
0x167: {  	v24 =	vmul.f32 v22, v24;
	v48 =	vadd.f32 v55, v48;
	v43 =	vadd.f32 v45, v43;
	v46 =	vld [tilespmem:s15+$0x4700];
	v31 =	vmovc v29  }
0x168: {  	v54 =	vadd.f32 v58, v54;
	v27 =	vadd.f32 v27, v35;
	v55 =	vmul.f32 v28, v20;
	v28 =	vmovc v52;
	v60 =	vld [tilespmem:s15+$0x4500]  }
0x169: {  	v44 =	vadd.f32 v56, v44;
	v56 =	vmul.f32 v22, v20;
	v42 =	vadd.f32 v21, v42;
	v22 =	vmovc v30;
	v58 =	vld [tilespmem:s15+$0x4400]  }
0x16a: {  	v35 =	vadd.f32 v24, v27;
	v36 =	vadd.f32 v36, v37;
	v23 =	vld [tilespmem:s14+$0x80];
	v29 =	vmul.f32 v63, v51;
	v20 =	vmovc v51  }
0x16b: {  	v41 =	vadd.f32 v19, v41;
	v27 =	vld [tilespmem:s8+$0x10400];
	v21 =	vmul.f32 v63, v38;
	v30 =	vmul.f32 v3, v20;
	v24 =	vmovc v38  }
.Ltmp2:
0x16c: {  	v53 =	vadd.f32 v55, v53;
	v45 =	vmul.f32 v31, v24;
	v40 =	vld [tilespmem:s15+$0x6500];
	v19 =	vmul.f32 v3, v24;
	(pc) =	sbr.rel @p0 .LBB2_7-.Ltmp2, $4  }
0x16d: {  	v37 =	vadd.f32 v56, v36;
	v3 =	vmul.f32 v28, v24;
	v38 =	vmul.f32 v49, v24;
	v52 =	vld [tilespmem:s15+$0x4580]  }
0x16e: {  	v57 =	vadd.f32 v32, v57;
	v51 =	vadd.f32 v4, v50;
	v36 =	vmul.f32 v49, v20;
	v56 =	vld [tilespmem:s15+$0x6600]  }
0x16f: {  	v32 =	vmov v3;
	v55 =	vmul.f32 v58, v23;
	v59 =	vmul.f32 v60, v23;
	v49 =	vld [tilespmem:s15+$0x6700]  }
0x170: {  	s16 =	sadd.s32 $0x20, s16;
	s17 =	sadd.s32 $0x10, s17;
	s18 =	smov.u32 s12;
	v58 =	vmul.f32 v58, v27;
	v50 =	vmul.f32 v60, v27  }
0x171: {  	v3 =	vmul.f32 v47, v27;
	v4 =	vadd.f32 v59, v54;
	v47 =	vmul.f32 v47, v23  }
0x172: {  	v59 =	vmul.f32 v46, v27;
	v53 =	vadd.f32 v55, v53;
	v28 =	vmul.f32 v28, v20  }
0x173: {  	v62 =	vmul.f32 v46, v23;
	v31 =	vmul.f32 v31, v20;
	v54 =	vadd.f32 v58, v57  }
0x174: {  	v57 =	vld [tilespmem:s15+$0x4680];
	v58 =	vmul.f32 v52, v20;
	v61 =	vmul.f32 v52, v24;
	v50 =	vadd.f32 v50, v51  }
0x175: {  	v3 =	vadd.f32 v3, v48;
	v48 =	vld [tilespmem:s15+$0x6400];
	v60 =	vmul.f32 v56, v27;
	v39 =	vadd.f32 v59, v39  }
0x176: {  	v51 =	vmul.f32 v56, v23;
	v28 =	vadd.f32 v28, v53;
	v56 =	vadd.f32 v47, v43  }
0x177: {  	v44 =	vadd.f32 v62, v44;
	v62 =	vmul.f32 v40, v23;
	v4 =	vadd.f32 v58, v4  }
0x178: {  	v32 =	vadd.f32 v32, v54;
	v50 =	vadd.f32 v61, v50;
	v61 =	vmul.f32 v40, v27  }
0x179: {  	[tilespmem:$0x14630] =	vst v4;
	v4 =	vadd.f32 v45, v39;
	v63 =	vmul.f32 v57, v24;
	v57 =	vmul.f32 v57, v20  }
0x17a: {  	[tilespmem:$0x14610] =	vst v28;
	v31 =	vadd.f32 v31, v44;
	v24 =	vmul.f32 v22, v24;
	v28 =	vmul.f32 v48, v27  }
0x17b: {  	v59 =	vmul.f32 v48, v23;
	[tilespmem:$0x14660] =	vst v4;
	v4 =	vmul.f32 v22, v20;
	v20 =	vadd.f32 v62, v37  }
0x17c: {  	[tilespmem:$0x14600] =	vst v32;
	v22 =	vmul.f32 v49, v27;
	v27 =	vadd.f32 v60, v42;
	v23 =	vmul.f32 v49, v23  }
0x17d: {  	[tilespmem:$0x14620] =	vst v50;
	v3 =	vadd.f32 v63, v3;
	v4 =	vadd.f32 v4, v20  }
0x17e: {  	[tilespmem:$0x14670] =	vst v31;
	v20 =	vadd.f32 v21, v27;
	v21 =	vadd.f32 v23, v25  }
0x17f: {  	v32 =	vadd.f32 v57, v56;
	[tilespmem:$0x14640] =	vst v3;
	v3 =	vadd.f32 v59, v33  }
0x180: {  	[tilespmem:$0x146B0] =	vst v4;
	v4 =	vadd.f32 v30, v21  }
0x181: {  	v63 =	vadd.f32 v61, v35;
	[tilespmem:$0x14650] =	vst v32;
	v3 =	vadd.f32 v36, v3  }
0x182: {  	v26 =	vadd.f32 v51, v26;
	v28 =	vadd.f32 v28, v34;
	[tilespmem:$0x146F0] =	vst v4  }
0x183: {  	v24 =	vadd.f32 v24, v63;
	v4 =	vld [tilespmem:$0x1FFE0];
	[tilespmem:$0x14690] =	vst v3;
	v3 =	vadd.f32 v22, v41  }
0x184: {  	v28 =	vadd.f32 v38, v28;
	[tilespmem:$0x146C0] =	vst v20  }
0x185: {  	[tilespmem:$0x146A0] =	vst v24;
	v22 =	vadd.f32 v29, v26;
	v3 =	vadd.f32 v19, v3;
	v19 =	vld [tilespmem:$0x1FFF0]  }
0x186: {  	[tilespmem:$0x14680] =	vst v28  }
0x187: {  	[tilespmem:$0x146D0] =	vst v22  }
0x188: {  	[tilespmem:$0x146E0] =	vst v3  }
0x189: {  	v3 =	vld.idx.msk [tilespmem:v0+s28+$0x0], $0xffff;
	_ =	sdelay $0x1  }
0x18a: {  	v4 =	vld.idx.msk [tilespmem:v4+s28+$0x0], $0xffff;
	_ =	sdelay $0x1  }
0x18b: {  	v19 =	vld.idx.msk [tilespmem:v19+s28+$0x0], $0xffff  }
0x18c: {  	v3 =	vadd.f32 v3, v9  }
0x18d: {  	v20 =	vld.idx.msk [tilespmem:v5+s28+$0x0], $0xffff  }
0x18e: {  	v3 =	vadd.f32 v4, v3  }
0x18f: {  	v4 =	vld.idx.msk [tilespmem:v6+s28+$0x0], $0xffff  }
0x190: {  	v3 =	vadd.f32 v19, v3  }
0x191: {  	v19 =	vld.idx.msk [tilespmem:v7+s28+$0x0], $0xffff  }
0x192: {  	v3 =	vadd.f32 v20, v3  }
0x193: {  	v20 =	vld.idx.msk [tilespmem:v8+s28+$0x0], $0xffff  }
0x194: {  	v3 =	vadd.f32 v4, v3  }
0x195: {  	v4 =	vld.idx.msk [tilespmem:v10+s28+$0x0], $0xffff  }
0x196: {  	v3 =	vadd.f32 v19, v3  }
0x197: {  	v19 =	vld.idx.msk [tilespmem:v11+s28+$0x0], $0xffff  }
0x198: {  	v3 =	vadd.f32 v20, v3  }
0x199: {  	v20 =	vld.idx.msk [tilespmem:v12+s28+$0x0], $0xffff  }
0x19a: {  	v3 =	vadd.f32 v4, v3  }
0x19b: {  	v4 =	vld.idx.msk [tilespmem:v13+s28+$0x0], $0xffff  }
0x19c: {  	v3 =	vadd.f32 v19, v3  }
0x19d: {  	v19 =	vld.idx.msk [tilespmem:v14+s28+$0x0], $0xffff  }
0x19e: {  	v3 =	vadd.f32 v20, v3;
	v20 =	vld.msk [tilespmem:s5+$0x50], $0xff  }
0x19f: {  	v21 =	vld.idx.msk [tilespmem:v15+s28+$0x0], $0xffff  }
0x1a0: {  	v3 =	vadd.f32 v4, v3  }
0x1a1: {  	v4 =	vld.idx.msk [tilespmem:v16+s28+$0x0], $0xffff  }
0x1a2: {  	v3 =	vadd.f32 v19, v3  }
0x1a3: {  	v19 =	vld.idx.msk [tilespmem:v17+s28+$0x0], $0xffff;
	v22 =	vshll.u32 v20, $0x3  }
0x1a4: {  	v20 =	vand.u32 $0x7, v20;
	v3 =	vadd.f32 v21, v3;
	v21 =	vand.u32 $0xFFFFFFC0, v22  }
0x1a5: {  	v22 =	vld.idx.msk [tilespmem:v18+s28+$0x0], $0xffff;
	v20 =	vor.u32 v20, v21  }
0x1a6: {  	v3 =	vadd.f32 v4, v3;
	v4 =	vperm.xlane v20, v1;
	_ =	sdelay $0x1  }
0x1a7: {  	v3 =	vadd.f32 v19, v3;
	v4 =	vadd.s32 v2, v4;
	_ =	sdelay $0x1  }
0x1a8: {  	v3 =	vadd.f32 v22, v3;
	_ =	sdelay $0x1  }
0x1a9: {  	s8 =	simm.s32 $0x0;
	s12 =	simm.s32 $0x4400;
	[tilespmem:s5+$0x14710] =	vst v3  }
0x1aa: {  	[tilespmem:s12], [sflag:$0x3] =	stream.indirect_vreg.gather [hbm4b:s0+s8], $0x80, v4, vm0, $0xb8;
	[tilespmem:$0x14B00] =	vst v63  }
0x1ab: {  	s16 =	simm.s32 $0x4C00  }
0x1ac: {  	[tilespmem:s16], [sflag:$0x3] =	stream.indirect_vreg.gather [hbm4b:s9+s8], $0x80, v4, vm0, $0xb8;
	[tilespmem:$0x14B00] =	vst v63  }
0x1ad: {  	s17 =	simm.s32 $0x5400  }
0x1ae: {  	[tilespmem:s17], [sflag:$0x3] =	stream.indirect_vreg.gather [hbm4b:s10+s8], $0x80, v4, vm0, $0xb8;
	[tilespmem:$0x14B00] =	vst v63  }
0x1af: {  	s18 =	simm.s32 $0x5C00  }
0x1b0: {  	[tilespmem:s18], [sflag:$0x3] =	stream.indirect_vreg.gather [hbm4b:s11+s8], $0x80, v4, vm0, $0xb8;
	[tilespmem:$0x14B00] =	vst v63  }
0x1b1: {  	v3 =	vld.msk [tilespmem:s5+$0x58], $0xff;
	_ =	sdelay $0x4  }
0x1b2: {  	v4 =	vshll.u32 v3, $0x3  }
0x1b3: {  	v3 =	vand.u32 $0x7, v3;
	v4 =	vand.u32 $0xFFFFFFC0, v4  }
0x1b4: {  	v3 =	vor.u32 v3, v4  }
0x1b5: {  	v3 =	vperm.xlane v3, v1;
	_ =	sdelay $0x1  }
0x1b6: {  	v3 =	vadd.s32 v2, v3;
	_ =	sdelay $0x3  }
0x1b7: {  	s19 =	simm.s32 $0x6400  }
0x1b8: {  	[tilespmem:s19], [sflag:$0x4] =	stream.indirect_vreg.gather [hbm4b:s0+s8], $0x80, v3, vm0, $0xb8;
	[tilespmem:$0x14B00] =	vst v63  }
0x1b9: {  	s13 =	simm.s32 $0x6C00  }
0x1ba: {  	[tilespmem:s13], [sflag:$0x4] =	stream.indirect_vreg.gather [hbm4b:s9+s8], $0x80, v3, vm0, $0xb8;
	[tilespmem:$0x14B00] =	vst v63  }
0x1bb: {  	s14 =	simm.s32 $0x7400  }
0x1bc: {  	[tilespmem:s14], [sflag:$0x4] =	stream.indirect_vreg.gather [hbm4b:s10+s8], $0x80, v3, vm0, $0xb8;
	[tilespmem:$0x14B00] =	vst v63  }
0x1bd: {  	s15 =	simm.s32 $0x7C00  }
0x1be: {  	[tilespmem:s15], [sflag:$0x4] =	stream.indirect_vreg.gather [hbm4b:s11+s8], $0x80, v3, vm0, $0xb8;
	[tilespmem:$0x14B00] =	vst v63  }
0x1bf: {  	_ =	swait.ge [sflag:s31], $0x2000  }
0x1c0: {  	[sflag:s31] =	ssyncset.done $0x0  }
0x1c1: {  	[sflag:s31] =	ssyncadd.s32 $0xFFFFE000  }
0x1c2: {  	s16 =	simm.s32 $0x0;
	_ =	swait.ge [sflag:s1], $0x2000  }
0x1c3: {  	s12 =	sand.u32 $0x3FFFFC00, s16;
	s13 =	sand.u32 $0x70, s8;
	[sflag:s1] =	ssyncset.done $0x0  }
0x1c4: {  	s15 =	sor.u32 s13, s12;
	[sflag:s1] =	ssyncadd.s32 $0xFFFFE000  }
0x1c5: {  	v3 =	vld [tilespmem:s15+$0xA680]  }
0x1c6: {  	v4 =	vld [tilespmem:s15+$0xA780]  }
0x1c7: {  	s8 =	sand.u32 $0x700, s8;
	v28 =	vld [tilespmem:s15+$0x8480]  }
0x1c8: {  	s8 =	sor.u32 s13, s8;
	v22 =	vld [tilespmem:s15+$0xA480]  }
0x1c9: {  	v20 =	vld [tilespmem:s8+$0x10C80]  }
0x1ca: {  	v24 =	vld [tilespmem:s8+$0x10C00]  }
0x1cb: {  	v31 =	vld [tilespmem:s15+$0x8780]  }
0x1cc: {  	s17 =	simm.s32 $0x0;
	v25 =	vld [tilespmem:s15+$0x8500]  }
0x1cd: {  	v53 =	vimm.f32 $0.0e+00;
	s18 =	sand.u32 $0xFFFFFF00, s17;
	v26 =	vld [tilespmem:s15+$0x8400]  }
0x1ce: {  	v43 =	vimm.f32 $0.0e+00;
	v54 =	vimm.f32 $0.0e+00;
	v51 =	vimm.f32 $0.0e+00;
	s8 =	sor.u32 s13, s18;
	v47 =	vld [tilespmem:s15+$0x8600]  }
0x1cf: {  	v44 =	vimm.f32 $0.0e+00;
	v39 =	vimm.f32 $0.0e+00;
	v48 =	vimm.f32 $0.0e+00;
	s19 =	sadd.s32 $0x10400, s8;
	v27 =	vld [tilespmem:s8+$0x10400]  }
0x1d0: {  	v42 =	vimm.f32 $0.0e+00;
	v37 =	vimm.f32 $0.0e+00;
	v23 =	vld [tilespmem:s19+$0x80];
	v29 =	vmul.f32 v3, v20  }
0x1d1: {  	v57 =	vimm.f32 $0.0e+00;
	v46 =	vld [tilespmem:s15+$0x8700];
	v21 =	vmul.f32 v3, v24;
	v30 =	vmul.f32 v4, v20  }
0x1d2: {  	v35 =	vimm.f32 $0.0e+00;
	v40 =	vld [tilespmem:s15+$0xA500];
	v45 =	vmul.f32 v31, v24;
	v19 =	vmul.f32 v4, v24  }
0x1d3: {  	v34 =	vimm.f32 $0.0e+00;
	v52 =	vld [tilespmem:s15+$0x8580];
	v32 =	vmul.f32 v28, v24;
	v38 =	vmul.f32 v22, v24  }
0x1d4: {  	v33 =	vimm.f32 $0.0e+00;
	v56 =	vld [tilespmem:s15+$0xA600];
	v36 =	vmul.f32 v22, v20;
	v58 =	vmul.f32 v26, v27  }
0x1d5: {  	v41 =	vimm.f32 $0.0e+00;
	v49 =	vld [tilespmem:s15+$0xA700];
	v50 =	vmul.f32 v25, v27;
	v55 =	vmul.f32 v26, v23  }
0x1d6: {  	s16 =	simm.s32 $0x20;
	s17 =	simm.s32 $0x10;
	s12 =	simm.s32 $0x1;
	v22 =	vld [tilespmem:s15+$0xA580];
	v59 =	vmul.f32 v25, v23;
	v26 =	vimm.f32 $0.0e+00;
	v25 =	vimm.f32 $0.0e+00  }
.LBB2_9:
0x1d7: {  	s8 =	sshll.u32 s12, $0x7  }
0x1d8: {  	s13 =	sand.u32 $0x700, s16;
	v3 =	vadd.f32 v59, v54;
	v4 =	vmul.f32 v47, v27;
	v54 =	vmul.f32 v47, v23;
	s14 =	smov.u32 s12;
	s18 =	sadd.s32 $0x1, s12  }
0x1d9: {  	v47 =	vmul.f32 v46, v27;
	s14 =	sand.u32 $0x70, s17;
	s19 =	sshra.s32 s8, $0x2;
	s8 =	sand.u32 $0x3FFFFC00, s8;
	v57 =	vadd.f32 v58, v57;
	v58 =	vmul.f32 v52, v20;
	v59 =	vld [tilespmem:s15+$0xA400]  }
0x1da: {  	s19 =	sand.u32 $0xFFFFFF00, s19;
	s13 =	sor.u32 s14, s13;
	v60 =	vld [tilespmem:s15+$0x8680];
	s15 =	sor.u32 s14, s8;
	v4 =	vadd.f32 v4, v48;
	v48 =	vmul.f32 v56, v27;
	v56 =	vmul.f32 v56, v23  }
0x1db: {  	p0 =	sne.s32 s12, $0x3F;
	v53 =	vadd.f32 v55, v53;
	s8 =	sor.u32 s14, s19;
	v61 =	vld [tilespmem:s15+$0xA680];
	v55 =	vmul.f32 v49, v27;
	v49 =	vmul.f32 v49, v23  }
0x1dc: {  	v63 =	vmul.f32 v52, v24;
	v39 =	vadd.f32 v47, v39;
	s12 =	sadd.s32 $0x10400, s8;
	v62 =	vld [tilespmem:s15+$0xA780];
	v26 =	vadd.f32 v56, v26  }
0x1dd: {  	v46 =	vmul.f32 v46, v23;
	v42 =	vadd.f32 v48, v42;
	v52 =	vld [tilespmem:s15+$0x8480];
	v25 =	vadd.f32 v49, v25  }
0x1de: {  	v39 =	vadd.f32 v45, v39;
	v49 =	vld [tilespmem:s15+$0xA480];
	v45 =	vmul.f32 v59, v27;
	v26 =	vadd.f32 v29, v26  }
0x1df: {  	v50 =	vadd.f32 v50, v51;
	v48 =	vmul.f32 v59, v23;
	v29 =	vld [tilespmem:s15+$0x8780];
	v25 =	vadd.f32 v30, v25  }
0x1e0: {  	v51 =	vmul.f32 v31, v20;
	v41 =	vadd.f32 v55, v41;
	v30 =	vld [tilespmem:s15+$0xA580];
	v31 =	vadd.f32 v45, v34  }
0x1e1: {  	v43 =	vadd.f32 v54, v43;
	v45 =	vmul.f32 v60, v20;
	v33 =	vadd.f32 v48, v33;
	v47 =	vld [tilespmem:s15+$0x8600]  }
0x1e2: {  	v44 =	vadd.f32 v46, v44;
	v48 =	vmul.f32 v60, v24;
	v55 =	vld [tilespmem:s13+$0x10C80];
	v34 =	vadd.f32 v38, v31  }
0x1e3: {  	v27 =	vmul.f32 v40, v27;
	v33 =	vadd.f32 v36, v33;
	v36 =	vmul.f32 v40, v23;
	v38 =	vld [tilespmem:s13+$0x10C00]  }
0x1e4: {  	v48 =	vadd.f32 v48, v4;
	v43 =	vadd.f32 v45, v43;
	v4 =	vmul.f32 v22, v24;
	v46 =	vld [tilespmem:s15+$0x8700];
	v31 =	vmovc v29  }
0x1e5: {  	v54 =	vadd.f32 v58, v3;
	v56 =	vmul.f32 v28, v20;
	v3 =	vadd.f32 v27, v35;
	v28 =	vmovc v52;
	v60 =	vld [tilespmem:s15+$0x8500]  }
0x1e6: {  	v44 =	vadd.f32 v51, v44;
	v51 =	vmul.f32 v22, v20;
	v42 =	vadd.f32 v21, v42;
	v22 =	vmovc v30;
	v58 =	vld [tilespmem:s15+$0x8400]  }
0x1e7: {  	v35 =	vadd.f32 v4, v3;
	v3 =	vadd.f32 v36, v37;
	v23 =	vld [tilespmem:s12+$0x80];
	v29 =	vmul.f32 v61, v55;
	v20 =	vmovc v55  }
0x1e8: {  	v41 =	vadd.f32 v19, v41;
	v27 =	vld [tilespmem:s8+$0x10400];
	v21 =	vmul.f32 v61, v38;
	v30 =	vmul.f32 v62, v20;
	v24 =	vmovc v38  }
.Ltmp3:
0x1e9: {  	v53 =	vadd.f32 v56, v53;
	v45 =	vmul.f32 v31, v24;
	v40 =	vld [tilespmem:s15+$0xA500];
	v19 =	vmul.f32 v62, v24;
	(pc) =	sbr.rel @p0 .LBB2_9-.Ltmp3, $4  }
0x1ea: {  	v37 =	vadd.f32 v51, v3;
	v4 =	vmul.f32 v28, v24;
	v38 =	vmul.f32 v49, v24;
	v52 =	vld [tilespmem:s15+$0x8580]  }
0x1eb: {  	v57 =	vadd.f32 v32, v57;
	v51 =	vadd.f32 v63, v50;
	v36 =	vmul.f32 v49, v20;
	v56 =	vld [tilespmem:s15+$0xA600]  }
0x1ec: {  	v32 =	vmov v4;
	v55 =	vmul.f32 v58, v23;
	v59 =	vmul.f32 v60, v23;
	v49 =	vld [tilespmem:s15+$0xA700]  }
0x1ed: {  	s16 =	sadd.s32 $0x20, s16;
	s17 =	sadd.s32 $0x10, s17;
	s12 =	smov.u32 s18;
	v58 =	vmul.f32 v58, v27;
	v50 =	vmul.f32 v60, v27  }
0x1ee: {  	v3 =	vmul.f32 v47, v27;
	v4 =	vadd.f32 v59, v54;
	v47 =	vmul.f32 v47, v23  }
0x1ef: {  	v59 =	vmul.f32 v46, v27;
	v53 =	vadd.f32 v55, v53;
	v28 =	vmul.f32 v28, v20  }
0x1f0: {  	v62 =	vmul.f32 v46, v23;
	v31 =	vmul.f32 v31, v20;
	v54 =	vadd.f32 v58, v57  }
0x1f1: {  	v57 =	vld [tilespmem:s15+$0x8680];
	v58 =	vmul.f32 v52, v20;
	v61 =	vmul.f32 v52, v24;
	v50 =	vadd.f32 v50, v51  }
0x1f2: {  	v3 =	vadd.f32 v3, v48;
	v48 =	vld [tilespmem:s15+$0xA400];
	v60 =	vmul.f32 v56, v27;
	v39 =	vadd.f32 v59, v39  }
0x1f3: {  	v51 =	vmul.f32 v56, v23;
	v28 =	vadd.f32 v28, v53;
	v56 =	vadd.f32 v47, v43  }
0x1f4: {  	v44 =	vadd.f32 v62, v44;
	v62 =	vmul.f32 v40, v23;
	v4 =	vadd.f32 v58, v4  }
0x1f5: {  	v32 =	vadd.f32 v32, v54;
	v50 =	vadd.f32 v61, v50;
	v61 =	vmul.f32 v40, v27  }
0x1f6: {  	[tilespmem:$0x14630] =	vst v4;
	v4 =	vadd.f32 v45, v39;
	v63 =	vmul.f32 v57, v24;
	v57 =	vmul.f32 v57, v20  }
0x1f7: {  	[tilespmem:$0x14610] =	vst v28;
	v31 =	vadd.f32 v31, v44;
	v24 =	vmul.f32 v22, v24;
	v28 =	vmul.f32 v48, v27  }
0x1f8: {  	v59 =	vmul.f32 v48, v23;
	[tilespmem:$0x14660] =	vst v4;
	v4 =	vmul.f32 v22, v20;
	v20 =	vadd.f32 v62, v37  }
0x1f9: {  	[tilespmem:$0x14600] =	vst v32;
	v22 =	vmul.f32 v49, v27;
	v27 =	vadd.f32 v60, v42;
	v23 =	vmul.f32 v49, v23  }
0x1fa: {  	[tilespmem:$0x14620] =	vst v50;
	v3 =	vadd.f32 v63, v3;
	v4 =	vadd.f32 v4, v20  }
0x1fb: {  	[tilespmem:$0x14670] =	vst v31;
	v20 =	vadd.f32 v21, v27;
	v21 =	vadd.f32 v23, v25  }
0x1fc: {  	v32 =	vadd.f32 v57, v56;
	[tilespmem:$0x14640] =	vst v3;
	v3 =	vadd.f32 v59, v33  }
0x1fd: {  	[tilespmem:$0x146B0] =	vst v4;
	v4 =	vadd.f32 v30, v21  }
0x1fe: {  	v63 =	vadd.f32 v61, v35;
	[tilespmem:$0x14650] =	vst v32;
	v3 =	vadd.f32 v36, v3  }
0x1ff: {  	v26 =	vadd.f32 v51, v26;
	v28 =	vadd.f32 v28, v34;
	[tilespmem:$0x146F0] =	vst v4  }
0x200: {  	v24 =	vadd.f32 v24, v63;
	v4 =	vld [tilespmem:$0x1FFE0];
	[tilespmem:$0x14690] =	vst v3;
	v3 =	vadd.f32 v22, v41  }
0x201: {  	v28 =	vadd.f32 v38, v28;
	[tilespmem:$0x146C0] =	vst v20  }
0x202: {  	[tilespmem:$0x146A0] =	vst v24;
	v22 =	vadd.f32 v29, v26;
	v3 =	vadd.f32 v19, v3;
	v19 =	vld [tilespmem:$0x1FFF0]  }
0x203: {  	[tilespmem:$0x14680] =	vst v28  }
0x204: {  	[tilespmem:$0x146D0] =	vst v22  }
0x205: {  	[tilespmem:$0x146E0] =	vst v3  }
0x206: {  	v3 =	vld.idx.msk [tilespmem:v0+s28+$0x0], $0xffff;
	_ =	sdelay $0x1  }
0x207: {  	v4 =	vld.idx.msk [tilespmem:v4+s28+$0x0], $0xffff;
	_ =	sdelay $0x1  }
0x208: {  	v19 =	vld.idx.msk [tilespmem:v19+s28+$0x0], $0xffff  }
0x209: {  	v3 =	vadd.f32 v3, v9  }
0x20a: {  	v20 =	vld.idx.msk [tilespmem:v5+s28+$0x0], $0xffff  }
0x20b: {  	v3 =	vadd.f32 v4, v3  }
0x20c: {  	v4 =	vld.idx.msk [tilespmem:v6+s28+$0x0], $0xffff  }
0x20d: {  	v3 =	vadd.f32 v19, v3  }
0x20e: {  	v19 =	vld.idx.msk [tilespmem:v7+s28+$0x0], $0xffff  }
0x20f: {  	v3 =	vadd.f32 v20, v3  }
0x210: {  	v20 =	vld.idx.msk [tilespmem:v8+s28+$0x0], $0xffff  }
0x211: {  	v3 =	vadd.f32 v4, v3  }
0x212: {  	v4 =	vld.idx.msk [tilespmem:v10+s28+$0x0], $0xffff  }
0x213: {  	v3 =	vadd.f32 v19, v3  }
0x214: {  	v19 =	vld.idx.msk [tilespmem:v11+s28+$0x0], $0xffff  }
0x215: {  	v3 =	vadd.f32 v20, v3  }
0x216: {  	v20 =	vld.idx.msk [tilespmem:v12+s28+$0x0], $0xffff  }
0x217: {  	v3 =	vadd.f32 v4, v3  }
0x218: {  	v4 =	vld.idx.msk [tilespmem:v13+s28+$0x0], $0xffff  }
0x219: {  	v3 =	vadd.f32 v19, v3  }
0x21a: {  	v19 =	vld.idx.msk [tilespmem:v14+s28+$0x0], $0xffff  }
0x21b: {  	v3 =	vadd.f32 v20, v3;
	v20 =	vld.msk [tilespmem:s5+$0x60], $0xff  }
0x21c: {  	v21 =	vld.idx.msk [tilespmem:v15+s28+$0x0], $0xffff  }
0x21d: {  	v3 =	vadd.f32 v4, v3  }
0x21e: {  	v4 =	vld.idx.msk [tilespmem:v16+s28+$0x0], $0xffff  }
0x21f: {  	v3 =	vadd.f32 v19, v3  }
0x220: {  	v19 =	vld.idx.msk [tilespmem:v17+s28+$0x0], $0xffff;
	v22 =	vshll.u32 v20, $0x3  }
0x221: {  	v20 =	vand.u32 $0x7, v20;
	v3 =	vadd.f32 v21, v3;
	v21 =	vand.u32 $0xFFFFFFC0, v22  }
0x222: {  	v22 =	vld.idx.msk [tilespmem:v18+s28+$0x0], $0xffff;
	v20 =	vor.u32 v20, v21  }
0x223: {  	v3 =	vadd.f32 v4, v3;
	v4 =	vperm.xlane v20, v1;
	_ =	sdelay $0x1  }
0x224: {  	v3 =	vadd.f32 v19, v3;
	v4 =	vadd.s32 v2, v4;
	_ =	sdelay $0x1  }
0x225: {  	v3 =	vadd.f32 v22, v3;
	_ =	sdelay $0x1  }
0x226: {  	s8 =	simm.s32 $0x0;
	s12 =	simm.s32 $0x8400;
	[tilespmem:s5+$0x14720] =	vst v3  }
0x227: {  	[tilespmem:s12], [sflag:$0x5] =	stream.indirect_vreg.gather [hbm4b:s0+s8], $0x80, v4, vm0, $0xb8;
	[tilespmem:$0x14B00] =	vst v63  }
0x228: {  	s16 =	simm.s32 $0x8C00  }
0x229: {  	[tilespmem:s16], [sflag:$0x5] =	stream.indirect_vreg.gather [hbm4b:s9+s8], $0x80, v4, vm0, $0xb8;
	[tilespmem:$0x14B00] =	vst v63  }
0x22a: {  	s17 =	simm.s32 $0x9400  }
0x22b: {  	[tilespmem:s17], [sflag:$0x5] =	stream.indirect_vreg.gather [hbm4b:s10+s8], $0x80, v4, vm0, $0xb8;
	[tilespmem:$0x14B00] =	vst v63  }
0x22c: {  	s18 =	simm.s32 $0x9C00  }
0x22d: {  	[tilespmem:s18], [sflag:$0x5] =	stream.indirect_vreg.gather [hbm4b:s11+s8], $0x80, v4, vm0, $0xb8;
	[tilespmem:$0x14B00] =	vst v63  }
0x22e: {  	v3 =	vld.msk [tilespmem:s5+$0x68], $0xff;
	_ =	sdelay $0x4  }
0x22f: {  	v4 =	vshll.u32 v3, $0x3  }
0x230: {  	v3 =	vand.u32 $0x7, v3;
	v4 =	vand.u32 $0xFFFFFFC0, v4  }
0x231: {  	v3 =	vor.u32 v3, v4  }
0x232: {  	v3 =	vperm.xlane v3, v1;
	_ =	sdelay $0x1  }
0x233: {  	v3 =	vadd.s32 v2, v3;
	_ =	sdelay $0x3  }
0x234: {  	s19 =	simm.s32 $0xA400  }
0x235: {  	[tilespmem:s19], [sflag:$0x6] =	stream.indirect_vreg.gather [hbm4b:s0+s8], $0x80, v3, vm0, $0xb8;
	[tilespmem:$0x14B00] =	vst v63  }
0x236: {  	s13 =	simm.s32 $0xAC00  }
0x237: {  	[tilespmem:s13], [sflag:$0x6] =	stream.indirect_vreg.gather [hbm4b:s9+s8], $0x80, v3, vm0, $0xb8;
	[tilespmem:$0x14B00] =	vst v63  }
0x238: {  	s14 =	simm.s32 $0xB400  }
0x239: {  	[tilespmem:s14], [sflag:$0x6] =	stream.indirect_vreg.gather [hbm4b:s10+s8], $0x80, v3, vm0, $0xb8;
	[tilespmem:$0x14B00] =	vst v63  }
0x23a: {  	s15 =	simm.s32 $0xBC00  }
0x23b: {  	[tilespmem:s15], [sflag:$0x6] =	stream.indirect_vreg.gather [hbm4b:s11+s8], $0x80, v3, vm0, $0xb8;
	[tilespmem:$0x14B00] =	vst v63  }
0x23c: {  	_ =	swait.ge [sflag:s6], $0x2000  }
0x23d: {  	[sflag:s6] =	ssyncset.done $0x0  }
0x23e: {  	[sflag:s6] =	ssyncadd.s32 $0xFFFFE000  }
0x23f: {  	s16 =	simm.s32 $0x0;
	_ =	swait.ge [sflag:s2], $0x2000  }
0x240: {  	s12 =	sand.u32 $0x3FFFFC00, s16;
	s13 =	sand.u32 $0x70, s8;
	[sflag:s2] =	ssyncset.done $0x0  }
0x241: {  	s15 =	sor.u32 s13, s12;
	[sflag:s2] =	ssyncadd.s32 $0xFFFFE000  }
0x242: {  	v3 =	vld [tilespmem:s15+$0xE680]  }
0x243: {  	v4 =	vld [tilespmem:s15+$0xE780]  }
0x244: {  	s8 =	sand.u32 $0x700, s8;
	v28 =	vld [tilespmem:s15+$0xC480]  }
0x245: {  	s8 =	sor.u32 s13, s8;
	v22 =	vld [tilespmem:s15+$0xE480]  }
0x246: {  	v20 =	vld [tilespmem:s8+$0x10C80]  }
0x247: {  	v24 =	vld [tilespmem:s8+$0x10C00]  }
0x248: {  	v31 =	vld [tilespmem:s15+$0xC780]  }
0x249: {  	s17 =	simm.s32 $0x0;
	v25 =	vld [tilespmem:s15+$0xC500]  }
0x24a: {  	v53 =	vimm.f32 $0.0e+00;
	s18 =	sand.u32 $0xFFFFFF00, s17;
	v26 =	vld [tilespmem:s15+$0xC400]  }
0x24b: {  	v43 =	vimm.f32 $0.0e+00;
	v54 =	vimm.f32 $0.0e+00;
	v51 =	vimm.f32 $0.0e+00;
	s8 =	sor.u32 s13, s18;
	v47 =	vld [tilespmem:s15+$0xC600]  }
0x24c: {  	v44 =	vimm.f32 $0.0e+00;
	v39 =	vimm.f32 $0.0e+00;
	v48 =	vimm.f32 $0.0e+00;
	s19 =	sadd.s32 $0x10400, s8;
	v27 =	vld [tilespmem:s8+$0x10400]  }
0x24d: {  	v42 =	vimm.f32 $0.0e+00;
	v37 =	vimm.f32 $0.0e+00;
	v23 =	vld [tilespmem:s19+$0x80];
	v29 =	vmul.f32 v3, v20  }
0x24e: {  	v57 =	vimm.f32 $0.0e+00;
	v46 =	vld [tilespmem:s15+$0xC700];
	v21 =	vmul.f32 v3, v24;
	v30 =	vmul.f32 v4, v20  }
0x24f: {  	v35 =	vimm.f32 $0.0e+00;
	v40 =	vld [tilespmem:s15+$0xE500];
	v45 =	vmul.f32 v31, v24;
	v19 =	vmul.f32 v4, v24  }
0x250: {  	v34 =	vimm.f32 $0.0e+00;
	v52 =	vld [tilespmem:s15+$0xC580];
	v32 =	vmul.f32 v28, v24;
	v38 =	vmul.f32 v22, v24  }
0x251: {  	v33 =	vimm.f32 $0.0e+00;
	v56 =	vld [tilespmem:s15+$0xE600];
	v36 =	vmul.f32 v22, v20;
	v58 =	vmul.f32 v26, v27  }
0x252: {  	v41 =	vimm.f32 $0.0e+00;
	v49 =	vld [tilespmem:s15+$0xE700];
	v50 =	vmul.f32 v25, v27;
	v55 =	vmul.f32 v26, v23  }
0x253: {  	s16 =	simm.s32 $0x20;
	s17 =	simm.s32 $0x10;
	s12 =	simm.s32 $0x1;
	v22 =	vld [tilespmem:s15+$0xE580];
	v59 =	vmul.f32 v25, v23;
	v26 =	vimm.f32 $0.0e+00;
	v25 =	vimm.f32 $0.0e+00  }
.LBB2_11:
0x254: {  	s8 =	sshll.u32 s12, $0x7  }
0x255: {  	s13 =	sand.u32 $0x700, s16;
	v3 =	vadd.f32 v59, v54;
	v4 =	vmul.f32 v47, v27;
	v54 =	vmul.f32 v47, v23;
	s14 =	smov.u32 s12;
	s18 =	sadd.s32 $0x1, s12  }
0x256: {  	v47 =	vmul.f32 v46, v27;
	s14 =	sand.u32 $0x70, s17;
	s19 =	sshra.s32 s8, $0x2;
	s8 =	sand.u32 $0x3FFFFC00, s8;
	v57 =	vadd.f32 v58, v57;
	v58 =	vmul.f32 v52, v20;
	v59 =	vld [tilespmem:s15+$0xE400]  }
0x257: {  	s19 =	sand.u32 $0xFFFFFF00, s19;
	s13 =	sor.u32 s14, s13;
	v60 =	vld [tilespmem:s15+$0xC680];
	s15 =	sor.u32 s14, s8;
	v4 =	vadd.f32 v4, v48;
	v48 =	vmul.f32 v56, v27;
	v56 =	vmul.f32 v56, v23  }
0x258: {  	p0 =	sne.s32 s12, $0x3F;
	v53 =	vadd.f32 v55, v53;
	s8 =	sor.u32 s14, s19;
	v61 =	vld [tilespmem:s15+$0xE680];
	v55 =	vmul.f32 v49, v27;
	v49 =	vmul.f32 v49, v23  }
0x259: {  	v63 =	vmul.f32 v52, v24;
	v39 =	vadd.f32 v47, v39;
	s12 =	sadd.s32 $0x10400, s8;
	v62 =	vld [tilespmem:s15+$0xE780];
	v26 =	vadd.f32 v56, v26  }
0x25a: {  	v46 =	vmul.f32 v46, v23;
	v42 =	vadd.f32 v48, v42;
	v52 =	vld [tilespmem:s15+$0xC480];
	v25 =	vadd.f32 v49, v25  }
0x25b: {  	v39 =	vadd.f32 v45, v39;
	v49 =	vld [tilespmem:s15+$0xE480];
	v45 =	vmul.f32 v59, v27;
	v26 =	vadd.f32 v29, v26  }
0x25c: {  	v50 =	vadd.f32 v50, v51;
	v48 =	vmul.f32 v59, v23;
	v29 =	vld [tilespmem:s15+$0xC780];
	v25 =	vadd.f32 v30, v25  }
0x25d: {  	v51 =	vmul.f32 v31, v20;
	v41 =	vadd.f32 v55, v41;
	v30 =	vld [tilespmem:s15+$0xE580];
	v31 =	vadd.f32 v45, v34  }
0x25e: {  	v43 =	vadd.f32 v54, v43;
	v45 =	vmul.f32 v60, v20;
	v33 =	vadd.f32 v48, v33;
	v47 =	vld [tilespmem:s15+$0xC600]  }
0x25f: {  	v44 =	vadd.f32 v46, v44;
	v48 =	vmul.f32 v60, v24;
	v55 =	vld [tilespmem:s13+$0x10C80];
	v34 =	vadd.f32 v38, v31  }
0x260: {  	v27 =	vmul.f32 v40, v27;
	v33 =	vadd.f32 v36, v33;
	v36 =	vmul.f32 v40, v23;
	v38 =	vld [tilespmem:s13+$0x10C00]  }
0x261: {  	v48 =	vadd.f32 v48, v4;
	v43 =	vadd.f32 v45, v43;
	v4 =	vmul.f32 v22, v24;
	v46 =	vld [tilespmem:s15+$0xC700];
	v31 =	vmovc v29  }
0x262: {  	v54 =	vadd.f32 v58, v3;
	v56 =	vmul.f32 v28, v20;
	v3 =	vadd.f32 v27, v35;
	v28 =	vmovc v52;
	v60 =	vld [tilespmem:s15+$0xC500]  }
0x263: {  	v44 =	vadd.f32 v51, v44;
	v51 =	vmul.f32 v22, v20;
	v42 =	vadd.f32 v21, v42;
	v22 =	vmovc v30;
	v58 =	vld [tilespmem:s15+$0xC400]  }
0x264: {  	v35 =	vadd.f32 v4, v3;
	v3 =	vadd.f32 v36, v37;
	v23 =	vld [tilespmem:s12+$0x80];
	v29 =	vmul.f32 v61, v55;
	v20 =	vmovc v55  }
0x265: {  	v41 =	vadd.f32 v19, v41;
	v27 =	vld [tilespmem:s8+$0x10400];
	v21 =	vmul.f32 v61, v38;
	v30 =	vmul.f32 v62, v20;
	v24 =	vmovc v38  }
.Ltmp4:
0x266: {  	v53 =	vadd.f32 v56, v53;
	v45 =	vmul.f32 v31, v24;
	v40 =	vld [tilespmem:s15+$0xE500];
	v19 =	vmul.f32 v62, v24;
	(pc) =	sbr.rel @p0 .LBB2_11-.Ltmp4, $4  }
0x267: {  	v37 =	vadd.f32 v51, v3;
	v4 =	vmul.f32 v28, v24;
	v38 =	vmul.f32 v49, v24;
	v52 =	vld [tilespmem:s15+$0xC580]  }
0x268: {  	v57 =	vadd.f32 v32, v57;
	v51 =	vadd.f32 v63, v50;
	v36 =	vmul.f32 v49, v20;
	v56 =	vld [tilespmem:s15+$0xE600]  }
0x269: {  	v32 =	vmov v4;
	v55 =	vmul.f32 v58, v23;
	v59 =	vmul.f32 v60, v23;
	v49 =	vld [tilespmem:s15+$0xE700]  }
0x26a: {  	s16 =	sadd.s32 $0x20, s16;
	s17 =	sadd.s32 $0x10, s17;
	s12 =	smov.u32 s18;
	v58 =	vmul.f32 v58, v27;
	v50 =	vmul.f32 v60, v27  }
0x26b: {  	v3 =	vmul.f32 v47, v27;
	v4 =	vadd.f32 v59, v54  }
0x26c: {  	v47 =	vmul.f32 v47, v23;
	v59 =	vmul.f32 v46, v27;
	v53 =	vadd.f32 v55, v53  }
0x26d: {  	v28 =	vmul.f32 v28, v20;
	v54 =	vadd.f32 v58, v57;
	v58 =	vmul.f32 v52, v20  }
0x26e: {  	v63 =	vmul.f32 v52, v24;
	v50 =	vadd.f32 v50, v51;
	v3 =	vadd.f32 v3, v48  }
0x26f: {  	v57 =	vld [tilespmem:s15+$0xC680];
	v60 =	vmul.f32 v56, v27;
	v51 =	vmul.f32 v56, v23;
	v39 =	vadd.f32 v59, v39  }
0x270: {  	v28 =	vadd.f32 v28, v53;
	v56 =	vmul.f32 v46, v23;
	v61 =	vadd.f32 v47, v43  }
0x271: {  	v48 =	vld [tilespmem:s15+$0xE400];
	v32 =	vadd.f32 v32, v54;
	v4 =	vadd.f32 v58, v4  }
0x272: {  	v31 =	vmul.f32 v31, v20;
	v50 =	vadd.f32 v63, v50;
	[tilespmem:$0x14610] =	vst v28;
	v44 =	vadd.f32 v56, v44  }
0x273: {  	v52 =	vmul.f32 v40, v23;
	v56 =	vadd.f32 v60, v42;
	[tilespmem:$0x14630] =	vst v4;
	v4 =	vadd.f32 v45, v39  }
0x274: {  	[tilespmem:$0x14600] =	vst v32;
	v59 =	vmul.f32 v57, v24;
	v62 =	vmul.f32 v57, v20;
	v31 =	vadd.f32 v31, v44  }
0x275: {  	v57 =	vmul.f32 v49, v23;
	[tilespmem:$0x14660] =	vst v4;
	v4 =	vmul.f32 v22, v20;
	v20 =	vadd.f32 v52, v37  }
0x276: {  	[tilespmem:$0x14620] =	vst v50;
	v63 =	vmul.f32 v48, v27;
	v48 =	vmul.f32 v48, v23;
	v3 =	vadd.f32 v59, v3  }
0x277: {  	[tilespmem:$0x14670] =	vst v31;
	v58 =	vadd.f32 v57, v25;
	v4 =	vadd.f32 v4, v20  }
0x278: {  	v50 =	vmul.f32 v40, v27;
	v32 =	vadd.f32 v62, v61;
	[tilespmem:$0x14640] =	vst v3;
	v3 =	vadd.f32 v48, v33  }
0x279: {  	v53 =	vmul.f32 v22, v24;
	v26 =	vadd.f32 v51, v26;
	[tilespmem:$0x146B0] =	vst v4;
	v4 =	vadd.f32 v30, v58  }
0x27a: {  	v55 =	vmul.f32 v49, v27;
	v54 =	vadd.f32 v50, v35;
	[tilespmem:$0x14650] =	vst v32;
	v3 =	vadd.f32 v36, v3  }
0x27b: {  	v59 =	vadd.f32 v29, v26;
	v28 =	vadd.f32 v63, v34;
	[tilespmem:$0x146F0] =	vst v4  }
0x27c: {  	v24 =	vadd.f32 v53, v54;
	v4 =	vld [tilespmem:$0x1FFE0];
	[tilespmem:$0x14690] =	vst v3;
	v3 =	vadd.f32 v55, v41  }
0x27d: {  	v20 =	vadd.f32 v21, v56;
	[tilespmem:$0x146D0] =	vst v59  }
0x27e: {  	v28 =	vadd.f32 v38, v28;
	[tilespmem:$0x146A0] =	vst v24;
	v3 =	vadd.f32 v19, v3;
	v19 =	vld [tilespmem:$0x1FFF0]  }
0x27f: {  	[tilespmem:$0x146C0] =	vst v20  }
0x280: {  	[tilespmem:$0x14680] =	vst v28  }
0x281: {  	[tilespmem:$0x146E0] =	vst v3  }
0x282: {  	v3 =	vld.idx.msk [tilespmem:v0+s28+$0x0], $0xffff;
	_ =	sdelay $0x1  }
0x283: {  	v4 =	vld.idx.msk [tilespmem:v4+s28+$0x0], $0xffff;
	_ =	sdelay $0x1  }
0x284: {  	v19 =	vld.idx.msk [tilespmem:v19+s28+$0x0], $0xffff  }
0x285: {  	v3 =	vadd.f32 v3, v9  }
0x286: {  	v20 =	vld.idx.msk [tilespmem:v5+s28+$0x0], $0xffff  }
0x287: {  	v3 =	vadd.f32 v4, v3  }
0x288: {  	v4 =	vld.idx.msk [tilespmem:v6+s28+$0x0], $0xffff  }
0x289: {  	v3 =	vadd.f32 v19, v3  }
0x28a: {  	v19 =	vld.idx.msk [tilespmem:v7+s28+$0x0], $0xffff  }
0x28b: {  	v3 =	vadd.f32 v20, v3  }
0x28c: {  	v20 =	vld.idx.msk [tilespmem:v8+s28+$0x0], $0xffff  }
0x28d: {  	v3 =	vadd.f32 v4, v3  }
0x28e: {  	v4 =	vld.idx.msk [tilespmem:v10+s28+$0x0], $0xffff  }
0x28f: {  	v3 =	vadd.f32 v19, v3  }
0x290: {  	v19 =	vld.idx.msk [tilespmem:v11+s28+$0x0], $0xffff  }
0x291: {  	v3 =	vadd.f32 v20, v3  }
0x292: {  	v20 =	vld.idx.msk [tilespmem:v12+s28+$0x0], $0xffff  }
0x293: {  	v3 =	vadd.f32 v4, v3  }
0x294: {  	v4 =	vld.idx.msk [tilespmem:v13+s28+$0x0], $0xffff  }
0x295: {  	v3 =	vadd.f32 v19, v3  }
0x296: {  	v19 =	vld.idx.msk [tilespmem:v14+s28+$0x0], $0xffff  }
0x297: {  	v3 =	vadd.f32 v20, v3;
	v20 =	vld.msk [tilespmem:s5+$0x70], $0xff  }
0x298: {  	v60 =	vld.idx.msk [tilespmem:v15+s28+$0x0], $0xffff  }
0x299: {  	v3 =	vadd.f32 v4, v3  }
0x29a: {  	v4 =	vld.idx.msk [tilespmem:v16+s28+$0x0], $0xffff  }
0x29b: {  	v3 =	vadd.f32 v19, v3  }
0x29c: {  	v19 =	vld.idx.msk [tilespmem:v17+s28+$0x0], $0xffff;
	v61 =	vshll.u32 v20, $0x3  }
0x29d: {  	v20 =	vand.u32 $0x7, v20;
	v3 =	vadd.f32 v60, v3;
	v62 =	vand.u32 $0xFFFFFFC0, v61  }
0x29e: {  	v63 =	vld.idx.msk [tilespmem:v18+s28+$0x0], $0xffff;
	v20 =	vor.u32 v20, v62  }
0x29f: {  	v3 =	vadd.f32 v4, v3;
	v4 =	vperm.xlane v20, v1;
	_ =	sdelay $0x1  }
0x2a0: {  	v3 =	vadd.f32 v19, v3;
	v4 =	vadd.s32 v2, v4;
	_ =	sdelay $0x1  }
0x2a1: {  	v3 =	vadd.f32 v63, v3;
	_ =	sdelay $0x1  }
0x2a2: {  	s8 =	simm.s32 $0xC400;
	[tilespmem:s5+$0x14730] =	vst v3  }
0x2a3: {  	[tilespmem:s8], [sflag:$0x7] =	stream.indirect_vreg.gather [hbm4b:s0+s7], $0x80, v4, vm0, $0xb8;
	[tilespmem:$0x14B00] =	vst v63  }
0x2a4: {  	s18 =	simm.s32 $0xCC00  }
0x2a5: {  	[tilespmem:s18], [sflag:$0x7] =	stream.indirect_vreg.gather [hbm4b:s9+s7], $0x80, v4, vm0, $0xb8;
	[tilespmem:$0x14B00] =	vst v63  }
0x2a6: {  	s19 =	simm.s32 $0xD400  }
0x2a7: {  	[tilespmem:s19], [sflag:$0x7] =	stream.indirect_vreg.gather [hbm4b:s10+s7], $0x80, v4, vm0, $0xb8;
	[tilespmem:$0x14B00] =	vst v63  }
0x2a8: {  	_ = 	snop  }
0x2a9: {  	[tilespmem:s20], [sflag:$0x7] =	stream.indirect_vreg.gather [hbm4b:s11+s7], $0x80, v4, vm0, $0xb8;
	[tilespmem:$0x14B00] =	vst v63  }
0x2aa: {  	v3 =	vld.msk [tilespmem:s5+$0x78], $0xff;
	_ =	sdelay $0x4  }
0x2ab: {  	v4 =	vshll.u32 v3, $0x3  }
0x2ac: {  	v3 =	vand.u32 $0x7, v3;
	v4 =	vand.u32 $0xFFFFFFC0, v4  }
0x2ad: {  	v3 =	vor.u32 v3, v4  }
0x2ae: {  	v3 =	vperm.xlane v3, v1;
	_ =	sdelay $0x1  }
0x2af: {  	v3 =	vadd.s32 v2, v3;
	_ =	sdelay $0x3  }
0x2b0: {  	s4 =	sadd.s32 $0x1, s4  }
0x2b1: {  	[tilespmem:s21], [sflag:$0x8] =	stream.indirect_vreg.gather [hbm4b:s0+s7], $0x80, v3, vm0, $0xb8;
	[tilespmem:$0x14B00] =	vst v63  }
0x2b2: {  	p0 =	sne.s32 s4, $0xF  }
0x2b3: {  	[tilespmem:s22], [sflag:$0x8] =	stream.indirect_vreg.gather [hbm4b:s9+s7], $0x80, v3, vm0, $0xb8;
	[tilespmem:$0x14B00] =	vst v63  }
.Ltmp5:
0x2b4: {  	_ = 	snop;
	(pc) =	sbr.rel @p0 .LBB2_4-.Ltmp5, $4  }
0x2b5: {  	_ = 	snop  }
0x2b6: {  	[tilespmem:s23], [sflag:$0x8] =	stream.indirect_vreg.gather [hbm4b:s10+s7], $0x80, v3, vm0, $0xb8;
	[tilespmem:$0x14B00] =	vst v63  }
0x2b7: {  	_ = 	snop  }
0x2b8: {  	[tilespmem:s24], [sflag:$0x8] =	stream.indirect_vreg.gather [hbm4b:s11+s7], $0x80, v3, vm0, $0xb8;
	[tilespmem:$0x14B00] =	vst v63  }
0x2b9: {  	_ =	swait.ge [sflag:s25], $0x2000  }
0x2ba: {  	[sflag:s25] =	ssyncset.done $0x0  }
0x2bb: {  	[sflag:s25] =	ssyncadd.s32 $0xFFFFE000  }
0x2bc: {  	s4 =	simm.s32 $0x0;
	s3 =	simm.s32 $0x0;
	_ =	swait.ge [sflag:s26], $0x2000  }
0x2bd: {  	s5 =	sand.u32 $0x70, s4;
	s3 =	sand.u32 $0x3FFFFC00, s3;
	[sflag:s26] =	ssyncset.done $0x0  }
0x2be: {  	s3 =	sor.u32 s5, s3;
	[sflag:s26] =	ssyncadd.s32 $0xFFFFE000  }
0x2bf: {  	v3 =	vld [tilespmem:s3+$0x2680]  }
0x2c0: {  	v4 =	vld [tilespmem:s3+$0x2780]  }
0x2c1: {  	s4 =	sand.u32 $0x700, s4;
	v28 =	vld [tilespmem:s3+$0x480]  }
0x2c2: {  	s4 =	sor.u32 s5, s4;
	v22 =	vld [tilespmem:s3+$0x2480]  }
0x2c3: {  	v20 =	vld [tilespmem:s4+$0x10C80]  }
0x2c4: {  	v24 =	vld [tilespmem:s4+$0x10C00]  }
0x2c5: {  	v31 =	vld [tilespmem:s3+$0x780]  }
0x2c6: {  	s8 =	simm.s32 $0x0;
	v25 =	vld [tilespmem:s3+$0x500]  }
0x2c7: {  	v54 =	vimm.f32 $0.0e+00;
	s19 =	sand.u32 $0xFFFFFF00, s8;
	v26 =	vld [tilespmem:s3+$0x400]  }
0x2c8: {  	v57 =	vimm.f32 $0.0e+00;
	v48 =	vimm.f32 $0.0e+00;
	v53 =	vimm.f32 $0.0e+00;
	s4 =	sor.u32 s5, s19;
	v47 =	vld [tilespmem:s3+$0x600]  }
0x2c9: {  	v39 =	vimm.f32 $0.0e+00;
	v42 =	vimm.f32 $0.0e+00;
	v51 =	vimm.f32 $0.0e+00;
	s5 =	sadd.s32 $0x10400, s4;
	v27 =	vld [tilespmem:s4+$0x10400]  }
0x2ca: {  	v34 =	vimm.f32 $0.0e+00;
	v41 =	vimm.f32 $0.0e+00;
	v23 =	vld [tilespmem:s5+$0x80];
	v29 =	vmul.f32 v3, v20  }
0x2cb: {  	v43 =	vimm.f32 $0.0e+00;
	v46 =	vld [tilespmem:s3+$0x700];
	v21 =	vmul.f32 v3, v24;
	v30 =	vmul.f32 v4, v20  }
0x2cc: {  	v33 =	vimm.f32 $0.0e+00;
	v40 =	vld [tilespmem:s3+$0x2500];
	v45 =	vmul.f32 v31, v24;
	v19 =	vmul.f32 v4, v24  }
0x2cd: {  	v44 =	vimm.f32 $0.0e+00;
	v52 =	vld [tilespmem:s3+$0x580];
	v32 =	vmul.f32 v28, v24;
	v38 =	vmul.f32 v22, v24  }
0x2ce: {  	v35 =	vimm.f32 $0.0e+00;
	v56 =	vld [tilespmem:s3+$0x2600];
	v36 =	vmul.f32 v22, v20;
	v58 =	vmul.f32 v26, v27  }
0x2cf: {  	v37 =	vimm.f32 $0.0e+00;
	v49 =	vld [tilespmem:s3+$0x2700];
	v50 =	vmul.f32 v25, v27;
	v55 =	vmul.f32 v26, v23  }
0x2d0: {  	s12 =	simm.s32 $0x1;
	s4 =	simm.s32 $0x20;
	s5 =	simm.s32 $0x10;
	v22 =	vld [tilespmem:s3+$0x2580];
	v59 =	vmul.f32 v25, v23;
	v26 =	vimm.f32 $0.0e+00;
	v25 =	vimm.f32 $0.0e+00  }
.LBB2_14:
0x2d1: {  	s8 =	sshll.u32 s12, $0x7  }
0x2d2: {  	s13 =	sand.u32 $0x700, s4;
	v3 =	vadd.f32 v59, v54;
	v4 =	vmul.f32 v47, v27;
	v54 =	vmul.f32 v47, v23;
	s14 =	smov.u32 s12;
	s15 =	sadd.s32 $0x1, s12  }
0x2d3: {  	v47 =	vmul.f32 v46, v27;
	s14 =	sand.u32 $0x70, s5;
	s16 =	sshra.s32 s8, $0x2;
	s8 =	sand.u32 $0x3FFFFC00, s8;
	v57 =	vadd.f32 v58, v57;
	v58 =	vmul.f32 v52, v20;
	v59 =	vld [tilespmem:s3+$0x2400]  }
0x2d4: {  	s16 =	sand.u32 $0xFFFFFF00, s16;
	s13 =	sor.u32 s14, s13;
	v60 =	vld [tilespmem:s3+$0x680];
	s3 =	sor.u32 s14, s8;
	v4 =	vadd.f32 v4, v48;
	v48 =	vmul.f32 v56, v27;
	v56 =	vmul.f32 v56, v23  }
0x2d5: {  	p0 =	sne.s32 s12, $0x3F;
	v53 =	vadd.f32 v55, v53;
	s8 =	sor.u32 s14, s16;
	v61 =	vld [tilespmem:s3+$0x2680];
	v55 =	vmul.f32 v49, v27;
	v49 =	vmul.f32 v49, v23  }
0x2d6: {  	v63 =	vmul.f32 v52, v24;
	v39 =	vadd.f32 v47, v39;
	s12 =	sadd.s32 $0x10400, s8;
	v62 =	vld [tilespmem:s3+$0x2780];
	v26 =	vadd.f32 v56, v26  }
0x2d7: {  	v46 =	vmul.f32 v46, v23;
	v42 =	vadd.f32 v48, v42;
	v52 =	vld [tilespmem:s3+$0x480];
	v25 =	vadd.f32 v49, v25  }
0x2d8: {  	v39 =	vadd.f32 v45, v39;
	v49 =	vld [tilespmem:s3+$0x2480];
	v45 =	vmul.f32 v59, v27;
	v26 =	vadd.f32 v29, v26  }
0x2d9: {  	v50 =	vadd.f32 v50, v51;
	v48 =	vmul.f32 v59, v23;
	v29 =	vld [tilespmem:s3+$0x780];
	v25 =	vadd.f32 v30, v25  }
0x2da: {  	v51 =	vmul.f32 v31, v20;
	v41 =	vadd.f32 v55, v41;
	v30 =	vld [tilespmem:s3+$0x2580];
	v31 =	vadd.f32 v45, v34  }
0x2db: {  	v43 =	vadd.f32 v54, v43;
	v45 =	vmul.f32 v60, v20;
	v33 =	vadd.f32 v48, v33;
	v47 =	vld [tilespmem:s3+$0x600]  }
0x2dc: {  	v44 =	vadd.f32 v46, v44;
	v48 =	vmul.f32 v60, v24;
	v55 =	vld [tilespmem:s13+$0x10C80];
	v34 =	vadd.f32 v38, v31  }
0x2dd: {  	v27 =	vmul.f32 v40, v27;
	v33 =	vadd.f32 v36, v33;
	v36 =	vmul.f32 v40, v23;
	v38 =	vld [tilespmem:s13+$0x10C00]  }
0x2de: {  	v48 =	vadd.f32 v48, v4;
	v43 =	vadd.f32 v45, v43;
	v4 =	vmul.f32 v22, v24;
	v46 =	vld [tilespmem:s3+$0x700];
	v31 =	vmovc v29  }
0x2df: {  	v54 =	vadd.f32 v58, v3;
	v56 =	vmul.f32 v28, v20;
	v3 =	vadd.f32 v27, v35;
	v28 =	vmovc v52;
	v60 =	vld [tilespmem:s3+$0x500]  }
0x2e0: {  	v44 =	vadd.f32 v51, v44;
	v51 =	vmul.f32 v22, v20;
	v42 =	vadd.f32 v21, v42;
	v22 =	vmovc v30;
	v58 =	vld [tilespmem:s3+$0x400]  }
0x2e1: {  	v35 =	vadd.f32 v4, v3;
	v3 =	vadd.f32 v36, v37;
	v23 =	vld [tilespmem:s12+$0x80];
	v29 =	vmul.f32 v61, v55;
	v20 =	vmovc v55  }
0x2e2: {  	v41 =	vadd.f32 v19, v41;
	v27 =	vld [tilespmem:s8+$0x10400];
	v21 =	vmul.f32 v61, v38;
	v30 =	vmul.f32 v62, v20;
	v24 =	vmovc v38  }
.Ltmp6:
0x2e3: {  	v53 =	vadd.f32 v56, v53;
	v45 =	vmul.f32 v31, v24;
	v40 =	vld [tilespmem:s3+$0x2500];
	v19 =	vmul.f32 v62, v24;
	(pc) =	sbr.rel @p0 .LBB2_14-.Ltmp6, $4  }
0x2e4: {  	v37 =	vadd.f32 v51, v3;
	v4 =	vmul.f32 v28, v24;
	v38 =	vmul.f32 v49, v24;
	v52 =	vld [tilespmem:s3+$0x580]  }
0x2e5: {  	v57 =	vadd.f32 v32, v57;
	v51 =	vadd.f32 v63, v50;
	v36 =	vmul.f32 v49, v20;
	v56 =	vld [tilespmem:s3+$0x2600]  }
0x2e6: {  	v32 =	vmov v4;
	v55 =	vmul.f32 v58, v23;
	v59 =	vmul.f32 v60, v23;
	v49 =	vld [tilespmem:s3+$0x2700]  }
0x2e7: {  	s4 =	sadd.s32 $0x20, s4;
	s5 =	sadd.s32 $0x10, s5;
	s12 =	smov.u32 s15;
	v58 =	vmul.f32 v58, v27;
	v50 =	vmul.f32 v60, v27  }
0x2e8: {  	v3 =	vmul.f32 v47, v27;
	v4 =	vadd.f32 v59, v54;
	v47 =	vmul.f32 v47, v23  }
0x2e9: {  	v59 =	vmul.f32 v46, v27;
	v53 =	vadd.f32 v55, v53;
	v28 =	vmul.f32 v28, v20  }
0x2ea: {  	v62 =	vmul.f32 v46, v23;
	v31 =	vmul.f32 v31, v20;
	v54 =	vadd.f32 v58, v57  }
0x2eb: {  	v57 =	vld [tilespmem:s3+$0x680];
	v58 =	vmul.f32 v52, v20;
	v61 =	vmul.f32 v52, v24;
	v50 =	vadd.f32 v50, v51  }
0x2ec: {  	v3 =	vadd.f32 v3, v48;
	v48 =	vld [tilespmem:s3+$0x2400];
	v60 =	vmul.f32 v56, v27;
	v39 =	vadd.f32 v59, v39  }
0x2ed: {  	v51 =	vmul.f32 v56, v23;
	v28 =	vadd.f32 v28, v53;
	v56 =	vadd.f32 v47, v43  }
0x2ee: {  	v44 =	vadd.f32 v62, v44;
	v62 =	vmul.f32 v40, v23;
	v4 =	vadd.f32 v58, v4  }
0x2ef: {  	v32 =	vadd.f32 v32, v54;
	v50 =	vadd.f32 v61, v50;
	v61 =	vmul.f32 v40, v27  }
0x2f0: {  	[tilespmem:$0x14630] =	vst v4;
	v4 =	vadd.f32 v45, v39;
	v63 =	vmul.f32 v57, v24;
	v57 =	vmul.f32 v57, v20  }
0x2f1: {  	[tilespmem:$0x14610] =	vst v28;
	v31 =	vadd.f32 v31, v44;
	v24 =	vmul.f32 v22, v24;
	v28 =	vmul.f32 v48, v27  }
0x2f2: {  	v59 =	vmul.f32 v48, v23;
	[tilespmem:$0x14660] =	vst v4;
	v4 =	vmul.f32 v22, v20;
	v20 =	vadd.f32 v62, v37  }
0x2f3: {  	[tilespmem:$0x14600] =	vst v32;
	v22 =	vmul.f32 v49, v27;
	v27 =	vadd.f32 v60, v42;
	v23 =	vmul.f32 v49, v23  }
0x2f4: {  	[tilespmem:$0x14620] =	vst v50;
	v3 =	vadd.f32 v63, v3;
	v4 =	vadd.f32 v4, v20  }
0x2f5: {  	[tilespmem:$0x14670] =	vst v31;
	v20 =	vadd.f32 v21, v27;
	v21 =	vadd.f32 v23, v25  }
0x2f6: {  	v32 =	vadd.f32 v57, v56;
	[tilespmem:$0x14640] =	vst v3;
	v3 =	vadd.f32 v59, v33  }
0x2f7: {  	[tilespmem:$0x146B0] =	vst v4;
	v4 =	vadd.f32 v30, v21  }
0x2f8: {  	v63 =	vadd.f32 v61, v35;
	[tilespmem:$0x14650] =	vst v32;
	v3 =	vadd.f32 v36, v3  }
0x2f9: {  	v26 =	vadd.f32 v51, v26;
	v28 =	vadd.f32 v28, v34;
	[tilespmem:$0x146F0] =	vst v4  }
0x2fa: {  	v24 =	vadd.f32 v24, v63;
	v4 =	vld [tilespmem:$0x1FFE0];
	[tilespmem:$0x14690] =	vst v3;
	v3 =	vadd.f32 v22, v41  }
0x2fb: {  	v28 =	vadd.f32 v38, v28;
	[tilespmem:$0x146C0] =	vst v20  }
0x2fc: {  	[tilespmem:$0x146A0] =	vst v24;
	v22 =	vadd.f32 v29, v26;
	v3 =	vadd.f32 v19, v3;
	v19 =	vld [tilespmem:$0x1FFF0]  }
0x2fd: {  	[tilespmem:$0x14680] =	vst v28  }
0x2fe: {  	[tilespmem:$0x146D0] =	vst v22  }
0x2ff: {  	[tilespmem:$0x146E0] =	vst v3  }
0x300: {  	v3 =	vld.idx.msk [tilespmem:v0+s28+$0x0], $0xffff;
	_ =	sdelay $0x1  }
0x301: {  	v4 =	vld.idx.msk [tilespmem:v4+s28+$0x0], $0xffff;
	_ =	sdelay $0x1  }
0x302: {  	v19 =	vld.idx.msk [tilespmem:v19+s28+$0x0], $0xffff  }
0x303: {  	v3 =	vadd.f32 v3, v9  }
0x304: {  	v20 =	vld.idx.msk [tilespmem:v5+s28+$0x0], $0xffff  }
0x305: {  	v3 =	vadd.f32 v4, v3  }
0x306: {  	v4 =	vld.idx.msk [tilespmem:v6+s28+$0x0], $0xffff  }
0x307: {  	v3 =	vadd.f32 v19, v3  }
0x308: {  	v19 =	vld.idx.msk [tilespmem:v7+s28+$0x0], $0xffff  }
0x309: {  	v3 =	vadd.f32 v20, v3  }
0x30a: {  	v20 =	vld.idx.msk [tilespmem:v8+s28+$0x0], $0xffff  }
0x30b: {  	v3 =	vadd.f32 v4, v3  }
0x30c: {  	v4 =	vld.idx.msk [tilespmem:v10+s28+$0x0], $0xffff  }
0x30d: {  	v3 =	vadd.f32 v19, v3  }
0x30e: {  	v19 =	vld.idx.msk [tilespmem:v11+s28+$0x0], $0xffff  }
0x30f: {  	v3 =	vadd.f32 v20, v3  }
0x310: {  	v20 =	vld.idx.msk [tilespmem:v12+s28+$0x0], $0xffff  }
0x311: {  	v3 =	vadd.f32 v4, v3  }
0x312: {  	v4 =	vld.idx.msk [tilespmem:v13+s28+$0x0], $0xffff  }
0x313: {  	v3 =	vadd.f32 v19, v3  }
0x314: {  	v19 =	vld.idx.msk [tilespmem:v14+s28+$0x0], $0xffff  }
0x315: {  	v3 =	vadd.f32 v20, v3  }
0x316: {  	v20 =	vld.idx.msk [tilespmem:v15+s28+$0x0], $0xffff  }
0x317: {  	v3 =	vadd.f32 v4, v3  }
0x318: {  	v4 =	vld.idx.msk [tilespmem:v16+s28+$0x0], $0xffff  }
0x319: {  	v3 =	vadd.f32 v19, v3  }
0x31a: {  	v19 =	vld.idx.msk [tilespmem:v17+s28+$0x0], $0xffff  }
0x31b: {  	v3 =	vadd.f32 v20, v3  }
0x31c: {  	v20 =	vld.idx.msk [tilespmem:v18+s28+$0x0], $0xffff  }
0x31d: {  	v3 =	vadd.f32 v4, v3;
	_ =	sdelay $0x1  }
0x31e: {  	v3 =	vadd.f32 v19, v3;
	_ =	sdelay $0x1  }
0x31f: {  	v3 =	vadd.f32 v20, v3;
	_ =	sdelay $0x1  }
0x320: {  	[tilespmem:$0x14AC0] =	vst v3  }
0x321: {  	_ =	swait.ge [sflag:s29], $0x2000  }
0x322: {  	[sflag:s29] =	ssyncset.done $0x0  }
0x323: {  	[sflag:s29] =	ssyncadd.s32 $0xFFFFE000  }
0x324: {  	s4 =	simm.s32 $0x0;
	s18 =	simm.s32 $0x0;
	_ =	swait.ge [sflag:s30], $0x2000  }
0x325: {  	s5 =	sand.u32 $0x70, s4;
	s3 =	sand.u32 $0x3FFFFC00, s18;
	[sflag:s30] =	ssyncset.done $0x0  }
0x326: {  	s3 =	sor.u32 s5, s3;
	[sflag:s30] =	ssyncadd.s32 $0xFFFFE000  }
0x327: {  	v3 =	vld [tilespmem:s3+$0x6680]  }
0x328: {  	v4 =	vld [tilespmem:s3+$0x6780]  }
0x329: {  	s4 =	sand.u32 $0x700, s4;
	v28 =	vld [tilespmem:s3+$0x4480]  }
0x32a: {  	s4 =	sor.u32 s5, s4;
	v22 =	vld [tilespmem:s3+$0x6480]  }
0x32b: {  	v20 =	vld [tilespmem:s4+$0x10C80]  }
0x32c: {  	v24 =	vld [tilespmem:s4+$0x10C00]  }
0x32d: {  	v31 =	vld [tilespmem:s3+$0x4780]  }
0x32e: {  	s8 =	simm.s32 $0x0;
	v25 =	vld [tilespmem:s3+$0x4500]  }
0x32f: {  	s19 =	sand.u32 $0xFFFFFF00, s8;
	v53 =	vimm.f32 $0.0e+00;
	v26 =	vld [tilespmem:s3+$0x4400]  }
0x330: {  	v43 =	vimm.f32 $0.0e+00;
	v54 =	vimm.f32 $0.0e+00;
	v51 =	vimm.f32 $0.0e+00;
	s4 =	sor.u32 s5, s19;
	v47 =	vld [tilespmem:s3+$0x4600]  }
0x331: {  	v44 =	vimm.f32 $0.0e+00;
	v39 =	vimm.f32 $0.0e+00;
	v48 =	vimm.f32 $0.0e+00;
	s5 =	sadd.s32 $0x10400, s4;
	v27 =	vld [tilespmem:s4+$0x10400]  }
0x332: {  	v42 =	vimm.f32 $0.0e+00;
	v37 =	vimm.f32 $0.0e+00;
	v23 =	vld [tilespmem:s5+$0x80];
	v29 =	vmul.f32 v3, v20  }
0x333: {  	v57 =	vimm.f32 $0.0e+00;
	v46 =	vld [tilespmem:s3+$0x4700];
	v21 =	vmul.f32 v3, v24;
	v30 =	vmul.f32 v4, v20  }
0x334: {  	v35 =	vimm.f32 $0.0e+00;
	v40 =	vld [tilespmem:s3+$0x6500];
	v45 =	vmul.f32 v31, v24;
	v19 =	vmul.f32 v4, v24  }
0x335: {  	v34 =	vimm.f32 $0.0e+00;
	v52 =	vld [tilespmem:s3+$0x4580];
	v32 =	vmul.f32 v28, v24;
	v38 =	vmul.f32 v22, v24  }
0x336: {  	v33 =	vimm.f32 $0.0e+00;
	v56 =	vld [tilespmem:s3+$0x6600];
	v36 =	vmul.f32 v22, v20;
	v58 =	vmul.f32 v26, v27  }
0x337: {  	v41 =	vimm.f32 $0.0e+00;
	v49 =	vld [tilespmem:s3+$0x6700];
	v50 =	vmul.f32 v25, v27;
	v55 =	vmul.f32 v26, v23  }
0x338: {  	s12 =	simm.s32 $0x1;
	s4 =	simm.s32 $0x20;
	s5 =	simm.s32 $0x10;
	v22 =	vld [tilespmem:s3+$0x6580];
	v59 =	vmul.f32 v25, v23;
	v26 =	vimm.f32 $0.0e+00;
	v25 =	vimm.f32 $0.0e+00  }
.LBB2_16:
0x339: {  	s8 =	sshll.u32 s12, $0x7  }
0x33a: {  	s13 =	sand.u32 $0x700, s4;
	v3 =	vadd.f32 v59, v54;
	v4 =	vmul.f32 v47, v27;
	v54 =	vmul.f32 v47, v23;
	s14 =	smov.u32 s12;
	s15 =	sadd.s32 $0x1, s12  }
0x33b: {  	v47 =	vmul.f32 v46, v27;
	s14 =	sand.u32 $0x70, s5;
	s16 =	sshra.s32 s8, $0x2;
	s8 =	sand.u32 $0x3FFFFC00, s8;
	v57 =	vadd.f32 v58, v57;
	v58 =	vmul.f32 v52, v20;
	v59 =	vld [tilespmem:s3+$0x6400]  }
0x33c: {  	s16 =	sand.u32 $0xFFFFFF00, s16;
	s13 =	sor.u32 s14, s13;
	v60 =	vld [tilespmem:s3+$0x4680];
	s3 =	sor.u32 s14, s8;
	v4 =	vadd.f32 v4, v48;
	v48 =	vmul.f32 v56, v27;
	v56 =	vmul.f32 v56, v23  }
0x33d: {  	p0 =	sne.s32 s12, $0x3F;
	v53 =	vadd.f32 v55, v53;
	s8 =	sor.u32 s14, s16;
	v61 =	vld [tilespmem:s3+$0x6680];
	v55 =	vmul.f32 v49, v27;
	v49 =	vmul.f32 v49, v23  }
0x33e: {  	v63 =	vmul.f32 v52, v24;
	v39 =	vadd.f32 v47, v39;
	s12 =	sadd.s32 $0x10400, s8;
	v62 =	vld [tilespmem:s3+$0x6780];
	v26 =	vadd.f32 v56, v26  }
0x33f: {  	v46 =	vmul.f32 v46, v23;
	v42 =	vadd.f32 v48, v42;
	v52 =	vld [tilespmem:s3+$0x4480];
	v25 =	vadd.f32 v49, v25  }
0x340: {  	v39 =	vadd.f32 v45, v39;
	v49 =	vld [tilespmem:s3+$0x6480];
	v45 =	vmul.f32 v59, v27;
	v26 =	vadd.f32 v29, v26  }
0x341: {  	v50 =	vadd.f32 v50, v51;
	v48 =	vmul.f32 v59, v23;
	v29 =	vld [tilespmem:s3+$0x4780];
	v25 =	vadd.f32 v30, v25  }
0x342: {  	v51 =	vmul.f32 v31, v20;
	v41 =	vadd.f32 v55, v41;
	v30 =	vld [tilespmem:s3+$0x6580];
	v31 =	vadd.f32 v45, v34  }
0x343: {  	v43 =	vadd.f32 v54, v43;
	v45 =	vmul.f32 v60, v20;
	v33 =	vadd.f32 v48, v33;
	v47 =	vld [tilespmem:s3+$0x4600]  }
0x344: {  	v44 =	vadd.f32 v46, v44;
	v48 =	vmul.f32 v60, v24;
	v55 =	vld [tilespmem:s13+$0x10C80];
	v34 =	vadd.f32 v38, v31  }
0x345: {  	v27 =	vmul.f32 v40, v27;
	v33 =	vadd.f32 v36, v33;
	v36 =	vmul.f32 v40, v23;
	v38 =	vld [tilespmem:s13+$0x10C00]  }
0x346: {  	v48 =	vadd.f32 v48, v4;
	v43 =	vadd.f32 v45, v43;
	v4 =	vmul.f32 v22, v24;
	v46 =	vld [tilespmem:s3+$0x4700];
	v31 =	vmovc v29  }
0x347: {  	v54 =	vadd.f32 v58, v3;
	v56 =	vmul.f32 v28, v20;
	v3 =	vadd.f32 v27, v35;
	v28 =	vmovc v52;
	v60 =	vld [tilespmem:s3+$0x4500]  }
0x348: {  	v44 =	vadd.f32 v51, v44;
	v51 =	vmul.f32 v22, v20;
	v42 =	vadd.f32 v21, v42;
	v22 =	vmovc v30;
	v58 =	vld [tilespmem:s3+$0x4400]  }
0x349: {  	v35 =	vadd.f32 v4, v3;
	v3 =	vadd.f32 v36, v37;
	v23 =	vld [tilespmem:s12+$0x80];
	v29 =	vmul.f32 v61, v55;
	v20 =	vmovc v55  }
0x34a: {  	v41 =	vadd.f32 v19, v41;
	v27 =	vld [tilespmem:s8+$0x10400];
	v21 =	vmul.f32 v61, v38;
	v30 =	vmul.f32 v62, v20;
	v24 =	vmovc v38  }
.Ltmp7:
0x34b: {  	v53 =	vadd.f32 v56, v53;
	v45 =	vmul.f32 v31, v24;
	v40 =	vld [tilespmem:s3+$0x6500];
	v19 =	vmul.f32 v62, v24;
	(pc) =	sbr.rel @p0 .LBB2_16-.Ltmp7, $4  }
0x34c: {  	v37 =	vadd.f32 v51, v3;
	v4 =	vmul.f32 v28, v24;
	v38 =	vmul.f32 v49, v24;
	v52 =	vld [tilespmem:s3+$0x4580]  }
0x34d: {  	v57 =	vadd.f32 v32, v57;
	v51 =	vadd.f32 v63, v50;
	v36 =	vmul.f32 v49, v20;
	v56 =	vld [tilespmem:s3+$0x6600]  }
0x34e: {  	v32 =	vmov v4;
	v55 =	vmul.f32 v58, v23;
	v59 =	vmul.f32 v60, v23;
	v49 =	vld [tilespmem:s3+$0x6700]  }
0x34f: {  	s4 =	sadd.s32 $0x20, s4;
	s5 =	sadd.s32 $0x10, s5;
	s12 =	smov.u32 s15;
	v58 =	vmul.f32 v58, v27;
	v50 =	vmul.f32 v60, v27  }
0x350: {  	v3 =	vmul.f32 v47, v27;
	v4 =	vadd.f32 v59, v54;
	v47 =	vmul.f32 v47, v23  }
0x351: {  	v59 =	vmul.f32 v46, v27;
	v53 =	vadd.f32 v55, v53;
	v28 =	vmul.f32 v28, v20  }
0x352: {  	v62 =	vmul.f32 v46, v23;
	v31 =	vmul.f32 v31, v20;
	v54 =	vadd.f32 v58, v57  }
0x353: {  	v57 =	vld [tilespmem:s3+$0x4680];
	v58 =	vmul.f32 v52, v20;
	v61 =	vmul.f32 v52, v24;
	v50 =	vadd.f32 v50, v51  }
0x354: {  	v3 =	vadd.f32 v3, v48;
	v48 =	vld [tilespmem:s3+$0x6400];
	v60 =	vmul.f32 v56, v27;
	v39 =	vadd.f32 v59, v39  }
0x355: {  	v51 =	vmul.f32 v56, v23;
	v28 =	vadd.f32 v28, v53;
	v56 =	vadd.f32 v47, v43  }
0x356: {  	v44 =	vadd.f32 v62, v44;
	v62 =	vmul.f32 v40, v23;
	v4 =	vadd.f32 v58, v4  }
0x357: {  	v32 =	vadd.f32 v32, v54;
	v50 =	vadd.f32 v61, v50;
	v61 =	vmul.f32 v40, v27  }
0x358: {  	[tilespmem:$0x14630] =	vst v4;
	v4 =	vadd.f32 v45, v39;
	v63 =	vmul.f32 v57, v24;
	v57 =	vmul.f32 v57, v20  }
0x359: {  	[tilespmem:$0x14610] =	vst v28;
	v31 =	vadd.f32 v31, v44;
	v24 =	vmul.f32 v22, v24;
	v28 =	vmul.f32 v48, v27  }
0x35a: {  	v59 =	vmul.f32 v48, v23;
	[tilespmem:$0x14660] =	vst v4;
	v4 =	vmul.f32 v22, v20;
	v20 =	vadd.f32 v62, v37  }
0x35b: {  	[tilespmem:$0x14600] =	vst v32;
	v22 =	vmul.f32 v49, v27;
	v27 =	vadd.f32 v60, v42;
	v23 =	vmul.f32 v49, v23  }
0x35c: {  	[tilespmem:$0x14620] =	vst v50;
	v3 =	vadd.f32 v63, v3;
	v4 =	vadd.f32 v4, v20  }
0x35d: {  	[tilespmem:$0x14670] =	vst v31;
	v20 =	vadd.f32 v21, v27;
	v21 =	vadd.f32 v23, v25  }
0x35e: {  	v32 =	vadd.f32 v57, v56;
	[tilespmem:$0x14640] =	vst v3;
	v3 =	vadd.f32 v59, v33  }
0x35f: {  	[tilespmem:$0x146B0] =	vst v4;
	v4 =	vadd.f32 v30, v21  }
0x360: {  	v63 =	vadd.f32 v61, v35;
	[tilespmem:$0x14650] =	vst v32;
	v3 =	vadd.f32 v36, v3  }
0x361: {  	v26 =	vadd.f32 v51, v26;
	v28 =	vadd.f32 v28, v34;
	[tilespmem:$0x146F0] =	vst v4  }
0x362: {  	v24 =	vadd.f32 v24, v63;
	v4 =	vld [tilespmem:$0x1FFE0];
	[tilespmem:$0x14690] =	vst v3;
	v3 =	vadd.f32 v22, v41  }
0x363: {  	v28 =	vadd.f32 v38, v28;
	[tilespmem:$0x146C0] =	vst v20  }
0x364: {  	[tilespmem:$0x146A0] =	vst v24;
	v22 =	vadd.f32 v29, v26;
	v3 =	vadd.f32 v19, v3;
	v19 =	vld [tilespmem:$0x1FFF0]  }
0x365: {  	[tilespmem:$0x14680] =	vst v28  }
0x366: {  	[tilespmem:$0x146D0] =	vst v22  }
0x367: {  	[tilespmem:$0x146E0] =	vst v3  }
0x368: {  	v3 =	vld.idx.msk [tilespmem:v0+s28+$0x0], $0xffff;
	_ =	sdelay $0x1  }
0x369: {  	v4 =	vld.idx.msk [tilespmem:v4+s28+$0x0], $0xffff;
	_ =	sdelay $0x1  }
0x36a: {  	v19 =	vld.idx.msk [tilespmem:v19+s28+$0x0], $0xffff  }
0x36b: {  	v3 =	vadd.f32 v3, v9  }
0x36c: {  	v20 =	vld.idx.msk [tilespmem:v5+s28+$0x0], $0xffff  }
0x36d: {  	v3 =	vadd.f32 v4, v3  }
0x36e: {  	v4 =	vld.idx.msk [tilespmem:v6+s28+$0x0], $0xffff  }
0x36f: {  	v3 =	vadd.f32 v19, v3  }
0x370: {  	v19 =	vld.idx.msk [tilespmem:v7+s28+$0x0], $0xffff  }
0x371: {  	v3 =	vadd.f32 v20, v3  }
0x372: {  	v20 =	vld.idx.msk [tilespmem:v8+s28+$0x0], $0xffff  }
0x373: {  	v3 =	vadd.f32 v4, v3  }
0x374: {  	v4 =	vld.idx.msk [tilespmem:v10+s28+$0x0], $0xffff  }
0x375: {  	v3 =	vadd.f32 v19, v3  }
0x376: {  	v19 =	vld.idx.msk [tilespmem:v11+s28+$0x0], $0xffff  }
0x377: {  	v3 =	vadd.f32 v20, v3  }
0x378: {  	v20 =	vld.idx.msk [tilespmem:v12+s28+$0x0], $0xffff  }
0x379: {  	v3 =	vadd.f32 v4, v3  }
0x37a: {  	v4 =	vld.idx.msk [tilespmem:v13+s28+$0x0], $0xffff  }
0x37b: {  	v3 =	vadd.f32 v19, v3  }
0x37c: {  	v19 =	vld.idx.msk [tilespmem:v14+s28+$0x0], $0xffff  }
0x37d: {  	v3 =	vadd.f32 v20, v3  }
0x37e: {  	v20 =	vld.idx.msk [tilespmem:v15+s28+$0x0], $0xffff  }
0x37f: {  	v3 =	vadd.f32 v4, v3  }
0x380: {  	v4 =	vld.idx.msk [tilespmem:v16+s28+$0x0], $0xffff  }
0x381: {  	v3 =	vadd.f32 v19, v3  }
0x382: {  	v19 =	vld.idx.msk [tilespmem:v17+s28+$0x0], $0xffff  }
0x383: {  	v3 =	vadd.f32 v20, v3  }
0x384: {  	v20 =	vld.idx.msk [tilespmem:v18+s28+$0x0], $0xffff  }
0x385: {  	v3 =	vadd.f32 v4, v3;
	_ =	sdelay $0x1  }
0x386: {  	v3 =	vadd.f32 v19, v3;
	_ =	sdelay $0x1  }
0x387: {  	v3 =	vadd.f32 v20, v3;
	_ =	sdelay $0x1  }
0x388: {  	[tilespmem:$0x14AD0] =	vst v3  }
0x389: {  	_ =	swait.ge [sflag:s31], $0x2000  }
0x38a: {  	[sflag:s31] =	ssyncset.done $0x0  }
0x38b: {  	[sflag:s31] =	ssyncadd.s32 $0xFFFFE000  }
0x38c: {  	s4 =	simm.s32 $0x0;
	s18 =	simm.s32 $0x0;
	_ =	swait.ge [sflag:s1], $0x2000  }
0x38d: {  	s5 =	sand.u32 $0x70, s4;
	s3 =	sand.u32 $0x3FFFFC00, s18;
	[sflag:s1] =	ssyncset.done $0x0  }
0x38e: {  	s3 =	sor.u32 s5, s3;
	[sflag:s1] =	ssyncadd.s32 $0xFFFFE000  }
0x38f: {  	v3 =	vld [tilespmem:s3+$0xA680]  }
0x390: {  	v4 =	vld [tilespmem:s3+$0xA780]  }
0x391: {  	s4 =	sand.u32 $0x700, s4;
	v28 =	vld [tilespmem:s3+$0x8480]  }
0x392: {  	s4 =	sor.u32 s5, s4;
	v22 =	vld [tilespmem:s3+$0xA480]  }
0x393: {  	v20 =	vld [tilespmem:s4+$0x10C80]  }
0x394: {  	v24 =	vld [tilespmem:s4+$0x10C00]  }
0x395: {  	v31 =	vld [tilespmem:s3+$0x8780]  }
0x396: {  	s8 =	simm.s32 $0x0;
	v25 =	vld [tilespmem:s3+$0x8500]  }
0x397: {  	s19 =	sand.u32 $0xFFFFFF00, s8;
	v53 =	vimm.f32 $0.0e+00;
	v26 =	vld [tilespmem:s3+$0x8400]  }
0x398: {  	v43 =	vimm.f32 $0.0e+00;
	v54 =	vimm.f32 $0.0e+00;
	v51 =	vimm.f32 $0.0e+00;
	s4 =	sor.u32 s5, s19;
	v47 =	vld [tilespmem:s3+$0x8600]  }
0x399: {  	v44 =	vimm.f32 $0.0e+00;
	v39 =	vimm.f32 $0.0e+00;
	v48 =	vimm.f32 $0.0e+00;
	s5 =	sadd.s32 $0x10400, s4;
	v27 =	vld [tilespmem:s4+$0x10400]  }
0x39a: {  	v42 =	vimm.f32 $0.0e+00;
	v37 =	vimm.f32 $0.0e+00;
	v23 =	vld [tilespmem:s5+$0x80];
	v29 =	vmul.f32 v3, v20  }
0x39b: {  	v57 =	vimm.f32 $0.0e+00;
	v46 =	vld [tilespmem:s3+$0x8700];
	v21 =	vmul.f32 v3, v24;
	v30 =	vmul.f32 v4, v20  }
0x39c: {  	v35 =	vimm.f32 $0.0e+00;
	v40 =	vld [tilespmem:s3+$0xA500];
	v45 =	vmul.f32 v31, v24;
	v19 =	vmul.f32 v4, v24  }
0x39d: {  	v34 =	vimm.f32 $0.0e+00;
	v52 =	vld [tilespmem:s3+$0x8580];
	v32 =	vmul.f32 v28, v24;
	v38 =	vmul.f32 v22, v24  }
0x39e: {  	v33 =	vimm.f32 $0.0e+00;
	v56 =	vld [tilespmem:s3+$0xA600];
	v36 =	vmul.f32 v22, v20;
	v58 =	vmul.f32 v26, v27  }
0x39f: {  	v41 =	vimm.f32 $0.0e+00;
	v49 =	vld [tilespmem:s3+$0xA700];
	v50 =	vmul.f32 v25, v27;
	v55 =	vmul.f32 v26, v23  }
0x3a0: {  	s12 =	simm.s32 $0x1;
	s4 =	simm.s32 $0x20;
	s5 =	simm.s32 $0x10;
	v22 =	vld [tilespmem:s3+$0xA580];
	v59 =	vmul.f32 v25, v23;
	v26 =	vimm.f32 $0.0e+00;
	v25 =	vimm.f32 $0.0e+00  }
.LBB2_18:
0x3a1: {  	s8 =	sshll.u32 s12, $0x7  }
0x3a2: {  	s13 =	sand.u32 $0x700, s4;
	v3 =	vadd.f32 v59, v54;
	v4 =	vmul.f32 v47, v27;
	v54 =	vmul.f32 v47, v23;
	s14 =	smov.u32 s12;
	s15 =	sadd.s32 $0x1, s12  }
0x3a3: {  	v47 =	vmul.f32 v46, v27;
	s14 =	sand.u32 $0x70, s5;
	s16 =	sshra.s32 s8, $0x2;
	s8 =	sand.u32 $0x3FFFFC00, s8;
	v57 =	vadd.f32 v58, v57;
	v58 =	vmul.f32 v52, v20;
	v59 =	vld [tilespmem:s3+$0xA400]  }
0x3a4: {  	s16 =	sand.u32 $0xFFFFFF00, s16;
	s13 =	sor.u32 s14, s13;
	v60 =	vld [tilespmem:s3+$0x8680];
	s3 =	sor.u32 s14, s8;
	v4 =	vadd.f32 v4, v48;
	v48 =	vmul.f32 v56, v27;
	v56 =	vmul.f32 v56, v23  }
0x3a5: {  	p0 =	sne.s32 s12, $0x3F;
	v53 =	vadd.f32 v55, v53;
	s8 =	sor.u32 s14, s16;
	v61 =	vld [tilespmem:s3+$0xA680];
	v55 =	vmul.f32 v49, v27;
	v49 =	vmul.f32 v49, v23  }
0x3a6: {  	v63 =	vmul.f32 v52, v24;
	v39 =	vadd.f32 v47, v39;
	s12 =	sadd.s32 $0x10400, s8;
	v62 =	vld [tilespmem:s3+$0xA780];
	v26 =	vadd.f32 v56, v26  }
0x3a7: {  	v46 =	vmul.f32 v46, v23;
	v42 =	vadd.f32 v48, v42;
	v52 =	vld [tilespmem:s3+$0x8480];
	v25 =	vadd.f32 v49, v25  }
0x3a8: {  	v39 =	vadd.f32 v45, v39;
	v49 =	vld [tilespmem:s3+$0xA480];
	v45 =	vmul.f32 v59, v27;
	v26 =	vadd.f32 v29, v26  }
0x3a9: {  	v50 =	vadd.f32 v50, v51;
	v48 =	vmul.f32 v59, v23;
	v29 =	vld [tilespmem:s3+$0x8780];
	v25 =	vadd.f32 v30, v25  }
0x3aa: {  	v51 =	vmul.f32 v31, v20;
	v41 =	vadd.f32 v55, v41;
	v30 =	vld [tilespmem:s3+$0xA580];
	v31 =	vadd.f32 v45, v34  }
0x3ab: {  	v43 =	vadd.f32 v54, v43;
	v45 =	vmul.f32 v60, v20;
	v33 =	vadd.f32 v48, v33;
	v47 =	vld [tilespmem:s3+$0x8600]  }
0x3ac: {  	v44 =	vadd.f32 v46, v44;
	v48 =	vmul.f32 v60, v24;
	v55 =	vld [tilespmem:s13+$0x10C80];
	v34 =	vadd.f32 v38, v31  }
0x3ad: {  	v27 =	vmul.f32 v40, v27;
	v33 =	vadd.f32 v36, v33;
	v36 =	vmul.f32 v40, v23;
	v38 =	vld [tilespmem:s13+$0x10C00]  }
0x3ae: {  	v48 =	vadd.f32 v48, v4;
	v43 =	vadd.f32 v45, v43;
	v4 =	vmul.f32 v22, v24;
	v46 =	vld [tilespmem:s3+$0x8700];
	v31 =	vmovc v29  }
0x3af: {  	v54 =	vadd.f32 v58, v3;
	v56 =	vmul.f32 v28, v20;
	v3 =	vadd.f32 v27, v35;
	v28 =	vmovc v52;
	v60 =	vld [tilespmem:s3+$0x8500]  }
0x3b0: {  	v44 =	vadd.f32 v51, v44;
	v51 =	vmul.f32 v22, v20;
	v42 =	vadd.f32 v21, v42;
	v22 =	vmovc v30;
	v58 =	vld [tilespmem:s3+$0x8400]  }
0x3b1: {  	v35 =	vadd.f32 v4, v3;
	v3 =	vadd.f32 v36, v37;
	v23 =	vld [tilespmem:s12+$0x80];
	v29 =	vmul.f32 v61, v55;
	v20 =	vmovc v55  }
0x3b2: {  	v41 =	vadd.f32 v19, v41;
	v27 =	vld [tilespmem:s8+$0x10400];
	v21 =	vmul.f32 v61, v38;
	v30 =	vmul.f32 v62, v20;
	v24 =	vmovc v38  }
.Ltmp8:
0x3b3: {  	v53 =	vadd.f32 v56, v53;
	v45 =	vmul.f32 v31, v24;
	v40 =	vld [tilespmem:s3+$0xA500];
	v19 =	vmul.f32 v62, v24;
	(pc) =	sbr.rel @p0 .LBB2_18-.Ltmp8, $4  }
0x3b4: {  	v37 =	vadd.f32 v51, v3;
	v4 =	vmul.f32 v28, v24;
	v38 =	vmul.f32 v49, v24;
	v52 =	vld [tilespmem:s3+$0x8580]  }
0x3b5: {  	v57 =	vadd.f32 v32, v57;
	v51 =	vadd.f32 v63, v50;
	v36 =	vmul.f32 v49, v20;
	v56 =	vld [tilespmem:s3+$0xA600]  }
0x3b6: {  	v32 =	vmov v4;
	v55 =	vmul.f32 v58, v23;
	v59 =	vmul.f32 v60, v23;
	v49 =	vld [tilespmem:s3+$0xA700]  }
0x3b7: {  	s4 =	sadd.s32 $0x20, s4;
	s5 =	sadd.s32 $0x10, s5;
	s12 =	smov.u32 s15;
	v58 =	vmul.f32 v58, v27;
	v50 =	vmul.f32 v60, v27  }
0x3b8: {  	v3 =	vmul.f32 v47, v27;
	v4 =	vadd.f32 v59, v54;
	v47 =	vmul.f32 v47, v23  }
0x3b9: {  	v59 =	vmul.f32 v46, v27;
	v53 =	vadd.f32 v55, v53;
	v28 =	vmul.f32 v28, v20  }
0x3ba: {  	v62 =	vmul.f32 v46, v23;
	v31 =	vmul.f32 v31, v20;
	v54 =	vadd.f32 v58, v57  }
0x3bb: {  	v57 =	vld [tilespmem:s3+$0x8680];
	v58 =	vmul.f32 v52, v20;
	v61 =	vmul.f32 v52, v24;
	v50 =	vadd.f32 v50, v51  }
0x3bc: {  	v3 =	vadd.f32 v3, v48;
	v48 =	vld [tilespmem:s3+$0xA400];
	v60 =	vmul.f32 v56, v27;
	v39 =	vadd.f32 v59, v39  }
0x3bd: {  	v51 =	vmul.f32 v56, v23;
	v28 =	vadd.f32 v28, v53;
	v56 =	vadd.f32 v47, v43  }
0x3be: {  	v44 =	vadd.f32 v62, v44;
	v62 =	vmul.f32 v40, v23;
	v4 =	vadd.f32 v58, v4  }
0x3bf: {  	v32 =	vadd.f32 v32, v54;
	v50 =	vadd.f32 v61, v50;
	v61 =	vmul.f32 v40, v27  }
0x3c0: {  	[tilespmem:$0x14630] =	vst v4;
	v4 =	vadd.f32 v45, v39;
	v63 =	vmul.f32 v57, v24;
	v57 =	vmul.f32 v57, v20  }
0x3c1: {  	[tilespmem:$0x14610] =	vst v28;
	v31 =	vadd.f32 v31, v44;
	v24 =	vmul.f32 v22, v24;
	v28 =	vmul.f32 v48, v27  }
0x3c2: {  	v59 =	vmul.f32 v48, v23;
	[tilespmem:$0x14660] =	vst v4;
	v4 =	vmul.f32 v22, v20;
	v20 =	vadd.f32 v62, v37  }
0x3c3: {  	[tilespmem:$0x14600] =	vst v32;
	v22 =	vmul.f32 v49, v27;
	v27 =	vadd.f32 v60, v42;
	v23 =	vmul.f32 v49, v23  }
0x3c4: {  	[tilespmem:$0x14620] =	vst v50;
	v3 =	vadd.f32 v63, v3;
	v4 =	vadd.f32 v4, v20  }
0x3c5: {  	[tilespmem:$0x14670] =	vst v31;
	v20 =	vadd.f32 v21, v27;
	v21 =	vadd.f32 v23, v25  }
0x3c6: {  	v32 =	vadd.f32 v57, v56;
	[tilespmem:$0x14640] =	vst v3;
	v3 =	vadd.f32 v59, v33  }
0x3c7: {  	[tilespmem:$0x146B0] =	vst v4;
	v4 =	vadd.f32 v30, v21  }
0x3c8: {  	v63 =	vadd.f32 v61, v35;
	[tilespmem:$0x14650] =	vst v32;
	v3 =	vadd.f32 v36, v3  }
0x3c9: {  	v26 =	vadd.f32 v51, v26;
	v28 =	vadd.f32 v28, v34;
	[tilespmem:$0x146F0] =	vst v4  }
0x3ca: {  	v24 =	vadd.f32 v24, v63;
	v4 =	vld [tilespmem:$0x1FFE0];
	[tilespmem:$0x14690] =	vst v3;
	v3 =	vadd.f32 v22, v41  }
0x3cb: {  	v28 =	vadd.f32 v38, v28;
	[tilespmem:$0x146C0] =	vst v20  }
0x3cc: {  	[tilespmem:$0x146A0] =	vst v24;
	v22 =	vadd.f32 v29, v26;
	v3 =	vadd.f32 v19, v3;
	v19 =	vld [tilespmem:$0x1FFF0]  }
0x3cd: {  	[tilespmem:$0x14680] =	vst v28  }
0x3ce: {  	[tilespmem:$0x146D0] =	vst v22  }
0x3cf: {  	[tilespmem:$0x146E0] =	vst v3  }
0x3d0: {  	v3 =	vld.idx.msk [tilespmem:v0+s28+$0x0], $0xffff;
	_ =	sdelay $0x1  }
0x3d1: {  	v4 =	vld.idx.msk [tilespmem:v4+s28+$0x0], $0xffff;
	_ =	sdelay $0x1  }
0x3d2: {  	v19 =	vld.idx.msk [tilespmem:v19+s28+$0x0], $0xffff  }
0x3d3: {  	v3 =	vadd.f32 v3, v9  }
0x3d4: {  	v20 =	vld.idx.msk [tilespmem:v5+s28+$0x0], $0xffff  }
0x3d5: {  	v3 =	vadd.f32 v4, v3  }
0x3d6: {  	v4 =	vld.idx.msk [tilespmem:v6+s28+$0x0], $0xffff  }
0x3d7: {  	v3 =	vadd.f32 v19, v3  }
0x3d8: {  	v19 =	vld.idx.msk [tilespmem:v7+s28+$0x0], $0xffff  }
0x3d9: {  	v3 =	vadd.f32 v20, v3  }
0x3da: {  	v20 =	vld.idx.msk [tilespmem:v8+s28+$0x0], $0xffff  }
0x3db: {  	v3 =	vadd.f32 v4, v3  }
0x3dc: {  	v4 =	vld.idx.msk [tilespmem:v10+s28+$0x0], $0xffff  }
0x3dd: {  	v3 =	vadd.f32 v19, v3  }
0x3de: {  	v19 =	vld.idx.msk [tilespmem:v11+s28+$0x0], $0xffff  }
0x3df: {  	v3 =	vadd.f32 v20, v3  }
0x3e0: {  	v20 =	vld.idx.msk [tilespmem:v12+s28+$0x0], $0xffff  }
0x3e1: {  	v3 =	vadd.f32 v4, v3  }
0x3e2: {  	v4 =	vld.idx.msk [tilespmem:v13+s28+$0x0], $0xffff  }
0x3e3: {  	v3 =	vadd.f32 v19, v3  }
0x3e4: {  	v19 =	vld.idx.msk [tilespmem:v14+s28+$0x0], $0xffff  }
0x3e5: {  	v3 =	vadd.f32 v20, v3  }
0x3e6: {  	v20 =	vld.idx.msk [tilespmem:v15+s28+$0x0], $0xffff  }
0x3e7: {  	v3 =	vadd.f32 v4, v3  }
0x3e8: {  	v4 =	vld.idx.msk [tilespmem:v16+s28+$0x0], $0xffff  }
0x3e9: {  	v3 =	vadd.f32 v19, v3  }
0x3ea: {  	v19 =	vld.idx.msk [tilespmem:v17+s28+$0x0], $0xffff  }
0x3eb: {  	v3 =	vadd.f32 v20, v3  }
0x3ec: {  	v20 =	vld.idx.msk [tilespmem:v18+s28+$0x0], $0xffff  }
0x3ed: {  	v3 =	vadd.f32 v4, v3;
	_ =	sdelay $0x1  }
0x3ee: {  	v3 =	vadd.f32 v19, v3;
	_ =	sdelay $0x1  }
0x3ef: {  	v3 =	vadd.f32 v20, v3;
	_ =	sdelay $0x1  }
0x3f0: {  	[tilespmem:$0x14AE0] =	vst v3  }
0x3f1: {  	_ =	swait.ge [sflag:s6], $0x2000  }
0x3f2: {  	[sflag:s6] =	ssyncset.done $0x0  }
0x3f3: {  	[sflag:s6] =	ssyncadd.s32 $0xFFFFE000  }
0x3f4: {  	s4 =	simm.s32 $0x0;
	s18 =	simm.s32 $0x0;
	_ =	swait.ge [sflag:s2], $0x2000  }
0x3f5: {  	s5 =	sand.u32 $0x70, s4;
	s3 =	sand.u32 $0x3FFFFC00, s18;
	[sflag:s2] =	ssyncset.done $0x0  }
0x3f6: {  	s3 =	sor.u32 s5, s3;
	[sflag:s2] =	ssyncadd.s32 $0xFFFFE000  }
0x3f7: {  	v3 =	vld [tilespmem:s3+$0xE680]  }
0x3f8: {  	v4 =	vld [tilespmem:s3+$0xE780]  }
0x3f9: {  	s4 =	sand.u32 $0x700, s4;
	v28 =	vld [tilespmem:s3+$0xC480]  }
0x3fa: {  	s4 =	sor.u32 s5, s4;
	v22 =	vld [tilespmem:s3+$0xE480]  }
0x3fb: {  	v20 =	vld [tilespmem:s4+$0x10C80]  }
0x3fc: {  	v24 =	vld [tilespmem:s4+$0x10C00]  }
0x3fd: {  	v31 =	vld [tilespmem:s3+$0xC780]  }
0x3fe: {  	s8 =	simm.s32 $0x0;
	v25 =	vld [tilespmem:s3+$0xC500]  }
0x3ff: {  	s19 =	sand.u32 $0xFFFFFF00, s8;
	v53 =	vimm.f32 $0.0e+00;
	v26 =	vld [tilespmem:s3+$0xC400]  }
0x400: {  	v43 =	vimm.f32 $0.0e+00;
	v54 =	vimm.f32 $0.0e+00;
	v51 =	vimm.f32 $0.0e+00;
	s4 =	sor.u32 s5, s19;
	v47 =	vld [tilespmem:s3+$0xC600]  }
0x401: {  	v44 =	vimm.f32 $0.0e+00;
	v39 =	vimm.f32 $0.0e+00;
	v48 =	vimm.f32 $0.0e+00;
	s5 =	sadd.s32 $0x10400, s4;
	v27 =	vld [tilespmem:s4+$0x10400]  }
0x402: {  	v42 =	vimm.f32 $0.0e+00;
	v37 =	vimm.f32 $0.0e+00;
	v23 =	vld [tilespmem:s5+$0x80];
	v29 =	vmul.f32 v3, v20  }
0x403: {  	v57 =	vimm.f32 $0.0e+00;
	v46 =	vld [tilespmem:s3+$0xC700];
	v21 =	vmul.f32 v3, v24;
	v30 =	vmul.f32 v4, v20  }
0x404: {  	v35 =	vimm.f32 $0.0e+00;
	v40 =	vld [tilespmem:s3+$0xE500];
	v45 =	vmul.f32 v31, v24;
	v19 =	vmul.f32 v4, v24  }
0x405: {  	v34 =	vimm.f32 $0.0e+00;
	v52 =	vld [tilespmem:s3+$0xC580];
	v32 =	vmul.f32 v28, v24;
	v38 =	vmul.f32 v22, v24  }
0x406: {  	v33 =	vimm.f32 $0.0e+00;
	v56 =	vld [tilespmem:s3+$0xE600];
	v36 =	vmul.f32 v22, v20;
	v58 =	vmul.f32 v26, v27  }
0x407: {  	v41 =	vimm.f32 $0.0e+00;
	v49 =	vld [tilespmem:s3+$0xE700];
	v50 =	vmul.f32 v25, v27;
	v55 =	vmul.f32 v26, v23  }
0x408: {  	s12 =	simm.s32 $0x1;
	s4 =	simm.s32 $0x20;
	s5 =	simm.s32 $0x10;
	v22 =	vld [tilespmem:s3+$0xE580];
	v59 =	vmul.f32 v25, v23;
	v26 =	vimm.f32 $0.0e+00;
	v25 =	vimm.f32 $0.0e+00  }
.LBB2_20:
0x409: {  	s8 =	sshll.u32 s12, $0x7  }
0x40a: {  	s13 =	sand.u32 $0x700, s4;
	v3 =	vadd.f32 v59, v54;
	v4 =	vmul.f32 v47, v27;
	v54 =	vmul.f32 v47, v23;
	s14 =	smov.u32 s12;
	s15 =	sadd.s32 $0x1, s12  }
0x40b: {  	v47 =	vmul.f32 v46, v27;
	s14 =	sand.u32 $0x70, s5;
	s16 =	sshra.s32 s8, $0x2;
	s8 =	sand.u32 $0x3FFFFC00, s8;
	v57 =	vadd.f32 v58, v57;
	v58 =	vmul.f32 v52, v20;
	v59 =	vld [tilespmem:s3+$0xE400]  }
0x40c: {  	s16 =	sand.u32 $0xFFFFFF00, s16;
	s13 =	sor.u32 s14, s13;
	v60 =	vld [tilespmem:s3+$0xC680];
	s3 =	sor.u32 s14, s8;
	v4 =	vadd.f32 v4, v48;
	v48 =	vmul.f32 v56, v27;
	v56 =	vmul.f32 v56, v23  }
0x40d: {  	p0 =	sne.s32 s12, $0x3F;
	v53 =	vadd.f32 v55, v53;
	s8 =	sor.u32 s14, s16;
	v61 =	vld [tilespmem:s3+$0xE680];
	v55 =	vmul.f32 v49, v27;
	v49 =	vmul.f32 v49, v23  }
0x40e: {  	v63 =	vmul.f32 v52, v24;
	v39 =	vadd.f32 v47, v39;
	s12 =	sadd.s32 $0x10400, s8;
	v62 =	vld [tilespmem:s3+$0xE780];
	v26 =	vadd.f32 v56, v26  }
0x40f: {  	v46 =	vmul.f32 v46, v23;
	v42 =	vadd.f32 v48, v42;
	v52 =	vld [tilespmem:s3+$0xC480];
	v25 =	vadd.f32 v49, v25  }
0x410: {  	v39 =	vadd.f32 v45, v39;
	v49 =	vld [tilespmem:s3+$0xE480];
	v45 =	vmul.f32 v59, v27;
	v26 =	vadd.f32 v29, v26  }
0x411: {  	v50 =	vadd.f32 v50, v51;
	v48 =	vmul.f32 v59, v23;
	v29 =	vld [tilespmem:s3+$0xC780];
	v25 =	vadd.f32 v30, v25  }
0x412: {  	v51 =	vmul.f32 v31, v20;
	v41 =	vadd.f32 v55, v41;
	v30 =	vld [tilespmem:s3+$0xE580];
	v31 =	vadd.f32 v45, v34  }
0x413: {  	v43 =	vadd.f32 v54, v43;
	v45 =	vmul.f32 v60, v20;
	v33 =	vadd.f32 v48, v33;
	v47 =	vld [tilespmem:s3+$0xC600]  }
0x414: {  	v44 =	vadd.f32 v46, v44;
	v48 =	vmul.f32 v60, v24;
	v55 =	vld [tilespmem:s13+$0x10C80];
	v34 =	vadd.f32 v38, v31  }
0x415: {  	v27 =	vmul.f32 v40, v27;
	v33 =	vadd.f32 v36, v33;
	v36 =	vmul.f32 v40, v23;
	v38 =	vld [tilespmem:s13+$0x10C00]  }
0x416: {  	v48 =	vadd.f32 v48, v4;
	v43 =	vadd.f32 v45, v43;
	v4 =	vmul.f32 v22, v24;
	v46 =	vld [tilespmem:s3+$0xC700];
	v31 =	vmovc v29  }
0x417: {  	v54 =	vadd.f32 v58, v3;
	v56 =	vmul.f32 v28, v20;
	v3 =	vadd.f32 v27, v35;
	v28 =	vmovc v52;
	v60 =	vld [tilespmem:s3+$0xC500]  }
0x418: {  	v44 =	vadd.f32 v51, v44;
	v51 =	vmul.f32 v22, v20;
	v42 =	vadd.f32 v21, v42;
	v22 =	vmovc v30;
	v58 =	vld [tilespmem:s3+$0xC400]  }
0x419: {  	v35 =	vadd.f32 v4, v3;
	v3 =	vadd.f32 v36, v37;
	v23 =	vld [tilespmem:s12+$0x80];
	v29 =	vmul.f32 v61, v55;
	v20 =	vmovc v55  }
0x41a: {  	v41 =	vadd.f32 v19, v41;
	v27 =	vld [tilespmem:s8+$0x10400];
	v21 =	vmul.f32 v61, v38;
	v30 =	vmul.f32 v62, v20;
	v24 =	vmovc v38  }
.Ltmp9:
0x41b: {  	v53 =	vadd.f32 v56, v53;
	v45 =	vmul.f32 v31, v24;
	v40 =	vld [tilespmem:s3+$0xE500];
	v19 =	vmul.f32 v62, v24;
	(pc) =	sbr.rel @p0 .LBB2_20-.Ltmp9, $4  }
0x41c: {  	v37 =	vadd.f32 v51, v3;
	v4 =	vmul.f32 v28, v24;
	v38 =	vmul.f32 v49, v24;
	v52 =	vld [tilespmem:s3+$0xC580]  }
0x41d: {  	v57 =	vadd.f32 v32, v57;
	v51 =	vadd.f32 v63, v50;
	v36 =	vmul.f32 v49, v20;
	v56 =	vld [tilespmem:s3+$0xE600]  }
0x41e: {  	v32 =	vmov v4;
	v55 =	vmul.f32 v58, v23;
	v59 =	vmul.f32 v60, v23;
	v49 =	vld [tilespmem:s3+$0xE700]  }
0x41f: {  	s4 =	sadd.s32 $0x20, s4;
	s5 =	sadd.s32 $0x10, s5;
	s12 =	smov.u32 s15;
	v58 =	vmul.f32 v58, v27;
	v50 =	vmul.f32 v60, v27  }
0x420: {  	v3 =	vmul.f32 v47, v27;
	v4 =	vadd.f32 v59, v54  }
0x421: {  	v47 =	vmul.f32 v47, v23;
	v59 =	vmul.f32 v46, v27;
	v53 =	vadd.f32 v55, v53  }
0x422: {  	v28 =	vmul.f32 v28, v20;
	v54 =	vadd.f32 v58, v57;
	v58 =	vmul.f32 v52, v20  }
0x423: {  	v57 =	vld [tilespmem:s3+$0xC680];
	v63 =	vmul.f32 v52, v24;
	v50 =	vadd.f32 v50, v51;
	v3 =	vadd.f32 v3, v48  }
0x424: {  	v60 =	vmul.f32 v56, v27;
	v51 =	vmul.f32 v56, v23;
	v28 =	vadd.f32 v28, v53  }
0x425: {  	v39 =	vadd.f32 v59, v39;
	v56 =	vmul.f32 v46, v23;
	v32 =	vadd.f32 v32, v54  }
0x426: {  	v52 =	vmul.f32 v40, v23;
	v48 =	vld [tilespmem:s3+$0xE400];
	v61 =	vadd.f32 v47, v43;
	v4 =	vadd.f32 v58, v4;
	[tilespmem:$0x14610] =	vst v28  }
0x427: {  	v31 =	vmul.f32 v31, v20;
	v50 =	vadd.f32 v63, v50;
	v44 =	vadd.f32 v56, v44;
	[tilespmem:$0x14600] =	vst v32  }
0x428: {  	v55 =	vadd.f32 v52, v37;
	[tilespmem:$0x14630] =	vst v4;
	v4 =	vadd.f32 v45, v39;
	v59 =	vmul.f32 v57, v24  }
0x429: {  	v58 =	vmul.f32 v49, v23;
	[tilespmem:$0x14620] =	vst v50;
	v62 =	vmul.f32 v57, v20;
	v31 =	vadd.f32 v31, v44  }
0x42a: {  	v57 =	vadd.f32 v60, v42;
	[tilespmem:$0x14660] =	vst v4;
	v4 =	vmul.f32 v22, v20;
	v3 =	vadd.f32 v59, v3  }
0x42b: {  	v63 =	vmul.f32 v48, v27;
	v48 =	vmul.f32 v48, v23;
	v32 =	vadd.f32 v62, v61;
	[tilespmem:$0x14670] =	vst v31  }
0x42c: {  	v60 =	vadd.f32 v58, v25;
	v4 =	vadd.f32 v4, v55;
	[tilespmem:$0x14640] =	vst v3  }
0x42d: {  	v50 =	vmul.f32 v40, v27;
	v59 =	vadd.f32 v21, v57;
	v3 =	vadd.f32 v48, v33;
	[tilespmem:$0x14650] =	vst v32  }
0x42e: {  	v53 =	vmul.f32 v22, v24;
	v26 =	vadd.f32 v51, v26;
	[tilespmem:$0x146B0] =	vst v4;
	v4 =	vadd.f32 v30, v60  }
0x42f: {  	v56 =	vmul.f32 v49, v27;
	v54 =	vadd.f32 v50, v35;
	[tilespmem:$0x146C0] =	vst v59;
	v3 =	vadd.f32 v36, v3  }
0x430: {  	v61 =	vadd.f32 v29, v26;
	v28 =	vadd.f32 v63, v34;
	[tilespmem:$0x146F0] =	vst v4;
	v4 =	vld [tilespmem:$0x1FFE0]  }
0x431: {  	v24 =	vadd.f32 v53, v54;
	[tilespmem:$0x14690] =	vst v3;
	v3 =	vadd.f32 v56, v41  }
0x432: {  	v62 =	vld [tilespmem:$0x1FFF0];
	[tilespmem:$0x146D0] =	vst v61;
	v28 =	vadd.f32 v38, v28  }
0x433: {  	[tilespmem:$0x146A0] =	vst v24;
	v3 =	vadd.f32 v19, v3  }
0x434: {  	[tilespmem:$0x14680] =	vst v28  }
0x435: {  	[tilespmem:$0x146E0] =	vst v3  }
0x436: {  	v3 =	vld.idx.msk [tilespmem:v0+s28+$0x0], $0xffff;
	_ =	sdelay $0x1  }
0x437: {  	v4 =	vld.idx.msk [tilespmem:v4+s28+$0x0], $0xffff;
	_ =	sdelay $0x1  }
0x438: {  	v19 =	vld.idx.msk [tilespmem:v62+s28+$0x0], $0xffff  }
0x439: {  	v3 =	vadd.f32 v3, v9  }
0x43a: {  	v9 =	vld.idx.msk [tilespmem:v5+s28+$0x0], $0xffff  }
0x43b: {  	v3 =	vadd.f32 v4, v3  }
0x43c: {  	v4 =	vld.idx.msk [tilespmem:v6+s28+$0x0], $0xffff  }
0x43d: {  	v3 =	vadd.f32 v19, v3  }
0x43e: {  	v63 =	vld.idx.msk [tilespmem:v7+s28+$0x0], $0xffff  }
0x43f: {  	v3 =	vadd.f32 v9, v3  }
0x440: {  	v9 =	vld.idx.msk [tilespmem:v8+s28+$0x0], $0xffff  }
0x441: {  	v3 =	vadd.f32 v4, v3  }
0x442: {  	v4 =	vld.idx.msk [tilespmem:v10+s28+$0x0], $0xffff  }
0x443: {  	v3 =	vadd.f32 v63, v3  }
0x444: {  	v10 =	vld.idx.msk [tilespmem:v11+s28+$0x0], $0xffff  }
0x445: {  	v3 =	vadd.f32 v9, v3  }
0x446: {  	v9 =	vld.idx.msk [tilespmem:v12+s28+$0x0], $0xffff  }
0x447: {  	v3 =	vadd.f32 v4, v3  }
0x448: {  	v4 =	vld.idx.msk [tilespmem:v13+s28+$0x0], $0xffff  }
0x449: {  	v3 =	vadd.f32 v10, v3  }
0x44a: {  	v10 =	vld.idx.msk [tilespmem:v14+s28+$0x0], $0xffff  }
0x44b: {  	v3 =	vadd.f32 v9, v3  }
0x44c: {  	v9 =	vld.idx.msk [tilespmem:v15+s28+$0x0], $0xffff  }
0x44d: {  	v3 =	vadd.f32 v4, v3  }
0x44e: {  	v4 =	vld.idx.msk [tilespmem:v16+s28+$0x0], $0xffff  }
0x44f: {  	v3 =	vadd.f32 v10, v3  }
0x450: {  	v10 =	vld.idx.msk [tilespmem:v17+s28+$0x0], $0xffff  }
0x451: {  	v3 =	vadd.f32 v9, v3  }
0x452: {  	v9 =	vld.idx.msk [tilespmem:v18+s28+$0x0], $0xffff  }
0x453: {  	v3 =	vadd.f32 v4, v3;
	_ =	sdelay $0x1  }
0x454: {  	v3 =	vadd.f32 v10, v3;
	_ =	sdelay $0x1  }
0x455: {  	v3 =	vadd.f32 v9, v3;
	_ =	sdelay $0x1  }
0x456: {  	s17 =	rddreg [dreg:$0x9];
	s4 =	simm.s32 $0x14700;
	s13 =	simm.s32 $0x9;
	[tilespmem:$0x14AF0] =	vst v3  }
0x457: {  	[hbm4b:s17+s7] =	stream.linear.scatter [tilespmem:s4], [sflag:$0x9], $0x400, $0x38;
	[tilespmem:$0x14B00] =	vst v63  }
0x458: {  	_ =	swait.ge [sflag:s13], $0x400  }
0x459: {  	s18 =	rddreg [dreg:$0xb]  }
0x45a: {  	s19 =	rddreg [dreg:$0xa];
	s4 =	sadd.s32 $0x1, s18  }
0x45b: {  	p0 =	sne.s32 s4, s19  }
.Ltmp10:
0x45c: {  	_ = 	snop;
	(pc) =	sbr.rel @p0 .LBB2_1-.Ltmp10, $3  }
0x45d: {  	_ =	sdelay $0x1  }
0x45e: {  	[sflag:s13] =	ssyncset.done $0x0  }
0x45f: {  	[sflag:s13] =	ssyncadd.s32 $0xFFFFFC00  }
0x460: {  	_ =	sfence.sel $0x180000  }
0x461: {  	[bflag:$0x0] =	sbarrier.arrive $0xFFFF  }
0x462: {  	_ =	strace $0x90000047  }
0x463: {  	s0 =	stileid.u32;
	[bflag:$0x2] =	sbarrier.arrive $0xFFFF  }
0x464: {  	p0 =	sne.s32 s0, $0x0;
	s0 =	rddreg [dreg:$0x7]  }
0x465: {  	s0 =	sadd.s32 @!p0 $0x100000, s0  }
0x466: {  	[sflag:s0] =	ssyncadd.tile.s32 @!p0 $0x1;
	_ =	shalt  }
.Lfunc_end2:
_tile_overlayer_lowered:
.L_overlay_start_2:
0x467: {  	(tag) =	ssettag $0x2  }
0x468: {  	s0 =	rddreg [dreg:$0x0];
	s2 =	stileid.u32  }
0x469: {  	s1 =	rddreg [dreg:$0x1];
	p0 =	sne.s32 s2, $0x0  }
0x46a: {  	s3 =	rddreg [dreg:$0x2];
	[bflag:$0x3] =	sbarrier.arrive $0xFFFF;
	s2 =	simm.s32 @!p0 $0x1C09  }
0x46b: {  	[timem:s3], [sflag:s2] =	dma.local @!p0 [hbm:s0], s1  }
0x46c: {  	s0 =	simm.s32 @!p0 $0x9  }
0x46d: {  	_ =	swait.ge @!p0 [sflag:s0], s1  }
0x46e: {  	s1 =	ssub.s32 @!p0 $0x0, s1;
	[sflag:s0] =	ssyncset.done @!p0 $0x0  }
0x46f: {  	[sflag:s0] =	ssyncadd.s32 @!p0 s1  }
0x470: {  	[bflag:$0x3] =	sbarrier.arrive $0xFFFF  }
0x471: {  	_ =	shalt  }

</sc_bundles>
